<compile_context>
chip_gen: v7x
topology: tpu7x:2x2x1
jax: 0.10.2.dev20260603
libtpu: 0.0.44.dev20260713+nightly
codegen_flags: <defaults>
</compile_context>

<pallas_src>
import functools

import jax
import jax.numpy as jnp
from jax import lax
from jax.experimental import pallas as pl
from jax.experimental.pallas import tpu as pltpu
from jax.experimental.pallas import tpu_sc as plsc

MP_ROUNDS = 3
N = 10000
E = 320000
D = 128
H = 64

EB = 4000

_NWORK = 32
_EPW = E // _NWORK
_W = 80
_NWIN = _EPW // _W
_ZR = 624


def _sc_round_body(do_agg, nproj, t, src, dst, *rest):
    if do_agg:
        msg_out, part_out, src_v, dst_v, gs, gd, tb, acc = rest
    else:
        msg_out, src_v, dst_v, gs, gd, tb = rest
        part_out = acc = None
    c = lax.axis_index("c")
    s = lax.axis_index("s")
    wid = s * 2 + c
    base0 = wid * _EPW

    def _zero_gs(r, carry):
        for ch in range(8):
            gs[r, pl.ds(ch * 16, 16)] = jnp.zeros((16,), jnp.float32)
        return carry

    if do_agg:
        lax.fori_loop(0, _W, _zero_gs, 0)
        r0 = s * _ZR
        for k in range(7):
            pltpu.sync_copy(gs, acc.at[pl.ds(r0 + k * _W, _W)])
        pltpu.sync_copy(gs.at[pl.ds(0, 64)], acc.at[pl.ds(r0 + 7 * _W, 64)])

        @pl.when(s == 15)
        def _zero_tail():
            pltpu.sync_copy(gs.at[pl.ds(0, 16)], acc.at[pl.ds(16 * _ZR, 16)])

        plsc.subcore_barrier()

    def _window(w, carry):
        base = base0 + w * _W
        pltpu.sync_copy(src.at[pl.ds(base, _W)], src_v)
        pltpu.sync_copy(dst.at[pl.ds(base, _W)], dst_v)
        pltpu.sync_copy(t.at[pl.ds(base, _W)], tb)
        pltpu.sync_copy(nproj.at[src_v], gs)
        pltpu.sync_copy(nproj.at[dst_v], gd)

        def _rbody(r, inner):
            for ch in range(4):
                sl = pl.ds(ch * 16, 16)
                sr = pl.ds(64 + ch * 16, 16)
                v = jnp.maximum(gs[r, sl] + gd[r, sr] + tb[r, sl], 0.0)
                tb[r, sl] = v
                if do_agg:
                    gs[r, sl] = v
            return inner

        lax.fori_loop(0, _W, _rbody, 0)
        pltpu.sync_copy(tb, msg_out.at[pl.ds(base, _W)])
        if do_agg:
            pltpu.sync_copy(gs, acc.at[dst_v], add=True)
        return carry

    lax.fori_loop(0, _NWIN, _window, 0)

    if do_agg:
        plsc.subcore_barrier()
        r0 = s * _ZR
        pltpu.sync_copy(acc.at[pl.ds(r0, _ZR)], part_out.at[c, pl.ds(r0, _ZR)])

        @pl.when(s == 15)
        def _unload_tail():
            pltpu.sync_copy(acc.at[pl.ds(16 * _ZR, 16)],
                            part_out.at[c, pl.ds(16 * _ZR, 16)])


def _sc_round(nproj, t, src, dst, do_agg):
    out_type = [jax.ShapeDtypeStruct((E, H), jnp.float32)]
    if do_agg:
        out_type.append(jax.ShapeDtypeStruct((2, N, 2 * H), jnp.float32))
    scratch = [
        pltpu.VMEM((_W,), jnp.int32),
        pltpu.VMEM((_W,), jnp.int32),
        pltpu.VMEM((_W, 2 * H), jnp.float32),
        pltpu.VMEM((_W, 2 * H), jnp.float32),
        pltpu.VMEM((_W, H), jnp.float32),
    ]
    if do_agg:
        scratch.append(pltpu.VMEM_SHARED((N, 2 * H), jnp.float32))
    mesh = plsc.VectorSubcoreMesh(core_axis_name="c", subcore_axis_name="s")
    fn = pl.kernel(
        functools.partial(_sc_round_body, do_agg),
        mesh=mesh,
        out_type=out_type,
        scratch_types=scratch,
    )
    return fn(nproj, t, src, dst)


def _enc_proj_body(x_ref, we_ref, be_ref, w3_ref, o_ref):
    h = jnp.maximum(
        jnp.dot(x_ref[...], we_ref[...], preferred_element_type=jnp.float32)
        + be_ref[...], 0.0)
    o_ref[...] = jnp.dot(h, w3_ref[...], preferred_element_type=jnp.float32)


def _edge_encode_project(ea, W_enc, b_enc, W3):
    return pl.pallas_call(
        _enc_proj_body,
        grid=(E // EB,),
        in_specs=[
            pl.BlockSpec((EB, D), lambda i: (i, 0)),
            pl.BlockSpec((D, H), lambda i: (0, 0)),
            pl.BlockSpec((1, H), lambda i: (0, 0)),
            pl.BlockSpec((H, H), lambda i: (0, 0)),
        ],
        out_specs=pl.BlockSpec((EB, H), lambda i: (i, 0)),
        out_shape=jax.ShapeDtypeStruct((E, H), jnp.float32),
    )(ea, W_enc, b_enc.reshape(1, H), W3)


def _proj_body(x_ref, w3_ref, o_ref):
    o_ref[...] = jnp.dot(x_ref[...], w3_ref[...],
                         preferred_element_type=jnp.float32)


def _edge_project(msg, W3):
    return pl.pallas_call(
        _proj_body,
        grid=(E // EB,),
        in_specs=[
            pl.BlockSpec((EB, H), lambda i: (i, 0)),
            pl.BlockSpec((H, H), lambda i: (0, 0)),
        ],
        out_specs=pl.BlockSpec((EB, H), lambda i: (i, 0)),
        out_shape=jax.ShapeDtypeStruct((E, H), jnp.float32),
    )(msg, W3)


def _node_init_body(nf_ref, we_ref, be_ref, w1_ref, w2_ref, bm_ref,
                    nodes_ref, nproj_ref):
    nodes = jnp.maximum(
        jnp.dot(nf_ref[...], we_ref[...], preferred_element_type=jnp.float32)
        + be_ref[...], 0.0)
    nodes_ref[...] = nodes
    a = jnp.dot(nodes, w1_ref[...], preferred_element_type=jnp.float32) \
        + bm_ref[...]
    b = jnp.dot(nodes, w2_ref[...], preferred_element_type=jnp.float32)
    nproj_ref[...] = jnp.concatenate([a, b], axis=1)


def _node_init(nf, W_enc, b_enc, W1, W2, b_msg):
    return pl.pallas_call(
        _node_init_body,
        out_shape=[jax.ShapeDtypeStruct((N, H), jnp.float32),
                   jax.ShapeDtypeStruct((N, 2 * H), jnp.float32)],
    )(nf, W_enc, b_enc.reshape(1, H), W1, W2, b_msg.reshape(1, H))


def _node_upd_body(nodes_ref, part_ref, wu1_ref, wu2_ref, bu_ref,
                   w1_ref, w2_ref, bm_ref, nn_ref, nproj_ref):
    agg = part_ref[0, :, :H] + part_ref[1, :, :H]
    nn = jnp.maximum(
        jnp.dot(nodes_ref[...], wu1_ref[...], preferred_element_type=jnp.float32)
        + jnp.dot(agg, wu2_ref[...], preferred_element_type=jnp.float32)
        + bu_ref[...], 0.0)
    nn_ref[...] = nn
    a = jnp.dot(nn, w1_ref[...], preferred_element_type=jnp.float32) \
        + bm_ref[...]
    b = jnp.dot(nn, w2_ref[...], preferred_element_type=jnp.float32)
    nproj_ref[...] = jnp.concatenate([a, b], axis=1)


def _node_update(nodes, partials, Wu1, Wu2, b_upd, W1, W2, b_msg):
    return pl.pallas_call(
        _node_upd_body,
        out_shape=[jax.ShapeDtypeStruct((N, H), jnp.float32),
                   jax.ShapeDtypeStruct((N, 2 * H), jnp.float32)],
    )(nodes, partials, Wu1, Wu2, b_upd.reshape(1, H), W1, W2,
      b_msg.reshape(1, H))


_PP = 160000
_PPW = _PP // _NWORK
_WP = 128
_NWF = _PPW // _WP
_TAIL = _PPW - _NWF * _WP
_RT = E // _NWORK


def _sc_pair_avg_body(vals, iarr, jarr, a_out, i_v, j_v, vi, vj, sem):
    c = lax.axis_index("c")
    s = lax.axis_index("s")
    wid = s * 2 + c
    base0 = wid * _PPW

    def _win(w, carry):
        base = base0 + w * _WP
        pltpu.sync_copy(iarr.at[pl.ds(base, _WP)], i_v)
        pltpu.sync_copy(jarr.at[pl.ds(base, _WP)], j_v)
        g1 = pltpu.async_copy(vals.at[i_v], vi, sem)
        g2 = pltpu.async_copy(vals.at[j_v], vj, sem)
        g1.wait()
        g2.wait()
        for k in range(_WP // 16):
            sl = pl.ds(k * 16, 16)
            vi[sl] = 0.5 * (vi[sl] + vj[sl])
        pltpu.sync_copy(vi, a_out.at[pl.ds(base, _WP)])
        return carry

    lax.fori_loop(0, _NWF, _win, 0)

    base = base0 + _NWF * _WP
    pltpu.sync_copy(iarr.at[pl.ds(base, _TAIL)], i_v.at[pl.ds(0, _TAIL)])
    pltpu.sync_copy(jarr.at[pl.ds(base, _TAIL)], j_v.at[pl.ds(0, _TAIL)])
    pltpu.sync_copy(vals.at[i_v.at[pl.ds(0, _TAIL)]], vi.at[pl.ds(0, _TAIL)])
    pltpu.sync_copy(vals.at[j_v.at[pl.ds(0, _TAIL)]], vj.at[pl.ds(0, _TAIL)])
    vi[pl.ds(0, 16)] = 0.5 * (vi[pl.ds(0, 16)] + vj[pl.ds(0, 16)])
    pltpu.sync_copy(vi.at[pl.ds(0, _TAIL)], a_out.at[pl.ds(base, _TAIL)])


def _sc_pair_avg(vals, iarr, jarr):
    mesh = plsc.VectorSubcoreMesh(core_axis_name="c", subcore_axis_name="s")
    fn = pl.kernel(
        _sc_pair_avg_body,
        mesh=mesh,
        out_type=jax.ShapeDtypeStruct((_PP,), jnp.float32),
        scratch_types=[
            pltpu.VMEM((_WP,), jnp.int32),
            pltpu.VMEM((_WP,), jnp.int32),
            pltpu.VMEM((_WP,), jnp.float32),
            pltpu.VMEM((_WP,), jnp.float32),
            pltpu.SemaphoreType.DMA,
        ],
    )
    return fn(vals, iarr, jarr)


def _sc_pair_apply_body(vals, ind, wmax, aarr, out, v_l, indl, w_l, q_v, g_v,
                        sem):
    c = lax.axis_index("c")
    s = lax.axis_index("s")
    wid = s * 2 + c
    e0 = wid * _RT
    pltpu.sync_copy(vals.at[pl.ds(e0, _RT)], v_l)
    pltpu.sync_copy(ind.at[pl.ds(e0, _RT)], indl)
    pltpu.sync_copy(wmax.at[pl.ds(e0, _RT)], w_l)

    def _mkidx(k, carry):
        sl = pl.ds(k * 16, 16)
        r = w_l[sl].astype(jnp.int32)
        q = jnp.where(r >= _PP, r - _PP, r)
        q_v[sl] = jnp.where(r < 0, 0, q)
        return carry

    lax.fori_loop(0, _RT // 16, _mkidx, 0)
    handles = []
    for k in range(_RT // 128):
        sl = pl.ds(k * 128, 128)
        handles.append(pltpu.async_copy(aarr.at[q_v.at[sl]], g_v.at[sl], sem))
    tl = pl.ds((_RT // 128) * 128, _RT % 128)
    if _RT % 128:
        handles.append(pltpu.async_copy(aarr.at[q_v.at[tl]], g_v.at[tl], sem))
    for h in handles:
        h.wait()

    def _combine(k, carry):
        sl = pl.ds(k * 16, 16)
        hit = w_l[sl] >= 0.0
        res = jnp.where(hit, g_v[sl], v_l[sl])
        v_l[sl] = jnp.where(indl[sl] > 0.5, res, 0.0)
        return carry

    lax.fori_loop(0, _RT // 16, _combine, 0)
    pltpu.sync_copy(v_l, out.at[pl.ds(e0, _RT)])


def _sc_pair_apply(vals, ind, wmax, aarr):
    mesh = plsc.VectorSubcoreMesh(core_axis_name="c", subcore_axis_name="s")
    fn = pl.kernel(
        _sc_pair_apply_body,
        mesh=mesh,
        out_type=jax.ShapeDtypeStruct((E,), jnp.float32),
        scratch_types=[
            pltpu.VMEM((_RT,), jnp.float32),
            pltpu.VMEM((_RT,), jnp.float32),
            pltpu.VMEM((_RT,), jnp.float32),
            pltpu.VMEM((_RT,), jnp.int32),
            pltpu.VMEM((_RT,), jnp.float32),
            pltpu.SemaphoreType.DMA,
        ],
    )
    return fn(vals, ind, wmax, aarr)


def kernel(node_features, edge_attr, edge_index, bi_edges_indx,
           W_enc, b_enc, W_msg, b_msg, W_upd, b_upd, W_dec, b_dec):
    src = edge_index[0]
    dst = edge_index[1]
    W1, W2, W3 = W_msg[:H], W_msg[H:2 * H], W_msg[2 * H:]
    Wu1, Wu2 = W_upd[:H], W_upd[H:]

    t = _edge_encode_project(edge_attr, W_enc, b_enc, W3)
    nodes, nproj = _node_init(node_features, W_enc, b_enc, W1, W2, b_msg)

    msg = None
    for r in range(MP_ROUNDS):
        if r < MP_ROUNDS - 1:
            msg, partials = _sc_round(nproj, t, src, dst, do_agg=True)
            nodes, nproj = _node_update(nodes, partials, Wu1, Wu2, b_upd,
                                        W1, W2, b_msg)
            t = _edge_project(msg, W3)
        else:
            (msg,) = _sc_round(nproj, t, src, dst, do_agg=False)

    vals = (msg @ W_dec + b_dec)[:, 0]
    ind = (src >= dst).astype(jnp.float32)
    i = bi_edges_indx[0]
    j = bi_edges_indx[1]
    avg = _sc_pair_avg(vals, i, j)
    targets = jnp.concatenate([i, j])
    ranks = jnp.arange(2 * _PP, dtype=jnp.float32)
    wmax = jnp.full((E,), -1.0, jnp.float32).at[targets].max(ranks)
    return _sc_pair_apply(vals, ind, wmax, avg)

# --- scband reference (transcript-rebuilt; emitter-appended) ---
"""Pipeline reference for scband-prec-net-71159018160243 (READ-ONLY COPY).

The authoritative reference and input builder live on the scoring server;
editing this copy changes nothing except your own understanding.
"""

import jax, jax.numpy as jnp
import numpy as np

N = 10000
E = 320000
P = 160000
D = 128
H = 64
MP_ROUNDS = 3


def setup_inputs(seed: int = 0) -> dict:
    key = jax.random.key(seed)
    ks = jax.random.split(key, 12)
    node_features = jax.random.normal(ks[0], (N, D), dtype=jnp.float32)
    edge_attr = jax.random.normal(ks[1], (E, D), dtype=jnp.float32)
    edge_index = jax.random.randint(ks[2], (2, E), 0, N, dtype=jnp.int32)
    bi_edges_indx = jax.random.randint(ks[3], (2, P), 0, E, dtype=jnp.int32)
    # learned parameters: NodeEncoder (shared for nodes AND edges per original forward),
    # MessagePass MLP, node update MLP, EdgeDecoder
    W_enc = jax.random.normal(ks[4], (D, H), dtype=jnp.float32) / np.sqrt(D)
    b_enc = jnp.zeros((H,), dtype=jnp.float32)
    W_msg = jax.random.normal(ks[5], (3 * H, H), dtype=jnp.float32) / np.sqrt(3 * H)
    b_msg = jnp.zeros((H,), dtype=jnp.float32)
    W_upd = jax.random.normal(ks[6], (2 * H, H), dtype=jnp.float32) / np.sqrt(2 * H)
    b_upd = jnp.zeros((H,), dtype=jnp.float32)
    W_dec = jax.random.normal(ks[7], (H, 1), dtype=jnp.float32) / np.sqrt(H)
    b_dec = jnp.zeros((1,), dtype=jnp.float32)
    return {
        "node_features": node_features,
        "edge_attr": edge_attr,
        "edge_index": edge_index,
        "bi_edges_indx": bi_edges_indx,
        "W_enc": W_enc, "b_enc": b_enc,
        "W_msg": W_msg, "b_msg": b_msg,
        "W_upd": W_upd, "b_upd": b_upd,
        "W_dec": W_dec, "b_dec": b_dec,
    }


def reference(node_features, edge_attr, edge_index, bi_edges_indx,
              W_enc, b_enc, W_msg, b_msg, W_upd, b_upd, W_dec, b_dec):
    src = edge_index[0]
    dst = edge_index[1]
    # NodeEncoder applied to nodes and (per original code) to edges too
    nodes = jax.nn.relu(node_features @ W_enc + b_enc)
    edges = jax.nn.relu(edge_attr @ W_enc + b_enc)
    # mp_rounds of message passing: gather endpoint features, message MLP,
    # scatter-add aggregation to destination nodes, node update MLP
    for _ in range(MP_ROUNDS):
        m_in = jnp.concatenate([nodes[src], nodes[dst], edges], axis=1)
        msg = jax.nn.relu(m_in @ W_msg + b_msg)
        agg = jax.ops.segment_sum(msg, dst, num_segments=N)
        nodes = jax.nn.relu(jnp.concatenate([nodes, agg], axis=1) @ W_upd + b_upd)
        edges = msg
    # bi_direc_edge_avg: average features of paired bidirectional edges
    i = bi_edges_indx[0]
    j = bi_edges_indx[1]
    avg = 0.5 * (edges[i] + edges[j])
    edges = edges.at[i].set(avg)
    edges = edges.at[j].set(avg)
    # graph_to_low_tri_mat: decode per-edge scalar, keep only lower-triangular
    # entries (src >= dst); returned as per-edge sparse values
    vals = (edges @ W_dec + b_dec)[:, 0]
    low_tri = jnp.where(src >= dst, vals, jnp.zeros_like(vals))
    return low_tri

if __name__ == "__main__":
    import jax
    _d = setup_inputs()
    print(jax.jit(kernel)(*tuple(_d.values())))

</pallas_src>

<mosaic_0001>
#map = affine_map<(d0, d1) -> (0, 0)>
#map1 = affine_map<(d0, d1) -> (0)>
#map2 = affine_map<(d0, d1) -> (0, 0, 0)>
module attributes {stable_mosaic.version = 14 : i64} {
  func.func @_sc_round_body(%arg0: i32, %arg1: i32, %arg2: memref<10000x128xf32, #tpu.memory_space<hbm>>, %arg3: memref<320000x64xf32, #tpu.memory_space<hbm>>, %arg4: memref<320000xi32, #tpu.memory_space<hbm>>, %arg5: memref<320000xi32, #tpu.memory_space<hbm>>, %arg6: memref<320000x64xf32, #tpu.memory_space<hbm>>, %arg7: memref<2x10000x128xf32, #tpu.memory_space<hbm>>, %arg8: memref<80xi32, #tpu.memory_space<vmem>>, %arg9: memref<80xi32, #tpu.memory_space<vmem>>, %arg10: memref<80x128xf32, #tpu.memory_space<vmem>>, %arg11: memref<80x128xf32, #tpu.memory_space<vmem>>, %arg12: memref<80x64xf32, #tpu.memory_space<vmem>>, %arg13: memref<10000x128xf32, #tpu.memory_space<vmem_shared>>) attributes {dimension_semantics = [#tpu.dimension_semantics<core_parallel>, #tpu.dimension_semantics<subcore_parallel>], iteration_bounds = array<i64: 2, 16>, scalar_prefetch = 0 : i64, scratch_operands = 6 : i64, tpu.core_type = #tpu.core_type<sc_vector_subcore>, window_params = [{transform_indices = #map}, {transform_indices = #map}, {transform_indices = #map1}, {transform_indices = #map1}, {transform_indices = #map}, {transform_indices = #map2}]} {
    %mul3A = arith.constant 2 : i32
    %mul3A_0 = arith.muli %arg1, %mul3A : i32
    %add3A = arith.addi %mul3A_0, %arg0 : i32
    %mul3A_1 = arith.constant 10000 : i32
    %mul3A_2 = arith.muli %add3A, %mul3A_1 : i32
    %scan3A = arith.constant 0 : i32
    %scan3A_3 = arith.constant 0 : i32
    %scan3A_4 = arith.constant 80 : i32
    %scan3A_5 = arith.addi %scan3A_3, %scan3A_4 : i32
    %scan3A_6 = arith.constant 1 : i32
    scf.for %scan3A_42 = %scan3A_3 to %scan3A_5 step %scan3A_6  : i32 {
      %broadcast_in_dim3A = arith.constant 0.000000e+00 : f32
      %broadcast_in_dim3A_43 = vector.broadcast %broadcast_in_dim3A : f32 to vector<16xf32>
      %swap3A = arith.index_cast %scan3A_42 : i32 to index
      %swap3A_44 = arith.constant 0 : index
      %swap3A_45 = tpu.vector_load %arg10[%swap3A, %swap3A_44] {strides = array<i32>} : memref<80x128xf32, #tpu.memory_space<vmem>>, vector<1x16xf32>,
      %swap3A_46 = vector.shape_cast %swap3A_45 : vector<1x16xf32> to vector<16xf32>
      %swap3A_47 = vector.shape_cast %broadcast_in_dim3A_43 : vector<16xf32> to vector<1x16xf32>
      tpu.vector_store %arg10[%swap3A, %swap3A_44], %swap3A_47 {strides = array<i32>} : memref<80x128xf32, #tpu.memory_space<vmem>>, vector<1x16xf32>,
      %broadcast_in_dim3A_48 = arith.constant 0.000000e+00 : f32
      %broadcast_in_dim3A_49 = vector.broadcast %broadcast_in_dim3A_48 : f32 to vector<16xf32>
      %swap3A_50 = arith.index_cast %scan3A_42 : i32 to index
      %swap3A_51 = arith.constant 16 : index
      %swap3A_52 = tpu.vector_load %arg10[%swap3A_50, %swap3A_51] {strides = array<i32>} : memref<80x128xf32, #tpu.memory_space<vmem>>, vector<1x16xf32>,
      %swap3A_53 = vector.shape_cast %swap3A_52 : vector<1x16xf32> to vector<16xf32>
      %swap3A_54 = vector.shape_cast %broadcast_in_dim3A_49 : vector<16xf32> to vector<1x16xf32>
      tpu.vector_store %arg10[%swap3A_50, %swap3A_51], %swap3A_54 {strides = array<i32>} : memref<80x128xf32, #tpu.memory_space<vmem>>, vector<1x16xf32>,
      %broadcast_in_dim3A_55 = arith.constant 0.000000e+00 : f32
      %broadcast_in_dim3A_56 = vector.broadcast %broadcast_in_dim3A_55 : f32 to vector<16xf32>
      %swap3A_57 = arith.index_cast %scan3A_42 : i32 to index
      %swap3A_58 = arith.constant 32 : index
      %swap3A_59 = tpu.vector_load %arg10[%swap3A_57, %swap3A_58] {strides = array<i32>} : memref<80x128xf32, #tpu.memory_space<vmem>>, vector<1x16xf32>,
      %swap3A_60 = vector.shape_cast %swap3A_59 : vector<1x16xf32> to vector<16xf32>
      %swap3A_61 = vector.shape_cast %broadcast_in_dim3A_56 : vector<16xf32> to vector<1x16xf32>
      tpu.vector_store %arg10[%swap3A_57, %swap3A_58], %swap3A_61 {strides = array<i32>} : memref<80x128xf32, #tpu.memory_space<vmem>>, vector<1x16xf32>,
      %broadcast_in_dim3A_62 = arith.constant 0.000000e+00 : f32
      %broadcast_in_dim3A_63 = vector.broadcast %broadcast_in_dim3A_62 : f32 to vector<16xf32>
      %swap3A_64 = arith.index_cast %scan3A_42 : i32 to index
      %swap3A_65 = arith.constant 48 : index
      %swap3A_66 = tpu.vector_load %arg10[%swap3A_64, %swap3A_65] {strides = array<i32>} : memref<80x128xf32, #tpu.memory_space<vmem>>, vector<1x16xf32>,
      %swap3A_67 = vector.shape_cast %swap3A_66 : vector<1x16xf32> to vector<16xf32>
      %swap3A_68 = vector.shape_cast %broadcast_in_dim3A_63 : vector<16xf32> to vector<1x16xf32>
      tpu.vector_store %arg10[%swap3A_64, %swap3A_65], %swap3A_68 {strides = array<i32>} : memref<80x128xf32, #tpu.memory_space<vmem>>, vector<1x16xf32>,
      %broadcast_in_dim3A_69 = arith.constant 0.000000e+00 : f32
      %broadcast_in_dim3A_70 = vector.broadcast %broadcast_in_dim3A_69 : f32 to vector<16xf32>
      %swap3A_71 = arith.index_cast %scan3A_42 : i32 to index
      %swap3A_72 = arith.constant 64 : index
      %swap3A_73 = tpu.vector_load %arg10[%swap3A_71, %swap3A_72] {strides = array<i32>} : memref<80x128xf32, #tpu.memory_space<vmem>>, vector<1x16xf32>,
      %swap3A_74 = vector.shape_cast %swap3A_73 : vector<1x16xf32> to vector<16xf32>
      %swap3A_75 = vector.shape_cast %broadcast_in_dim3A_70 : vector<16xf32> to vector<1x16xf32>
      tpu.vector_store %arg10[%swap3A_71, %swap3A_72], %swap3A_75 {strides = array<i32>} : memref<80x128xf32, #tpu.memory_space<vmem>>, vector<1x16xf32>,
      %broadcast_in_dim3A_76 = arith.constant 0.000000e+00 : f32
      %broadcast_in_dim3A_77 = vector.broadcast %broadcast_in_dim3A_76 : f32 to vector<16xf32>
      %swap3A_78 = arith.index_cast %scan3A_42 : i32 to index
      %swap3A_79 = arith.constant 80 : index
      %swap3A_80 = tpu.vector_load %arg10[%swap3A_78, %swap3A_79] {strides = array<i32>} : memref<80x128xf32, #tpu.memory_space<vmem>>, vector<1x16xf32>,
      %swap3A_81 = vector.shape_cast %swap3A_80 : vector<1x16xf32> to vector<16xf32>
      %swap3A_82 = vector.shape_cast %broadcast_in_dim3A_77 : vector<16xf32> to vector<1x16xf32>
      tpu.vector_store %arg10[%swap3A_78, %swap3A_79], %swap3A_82 {strides = array<i32>} : memref<80x128xf32, #tpu.memory_space<vmem>>, vector<1x16xf32>,
      %broadcast_in_dim3A_83 = arith.constant 0.000000e+00 : f32
      %broadcast_in_dim3A_84 = vector.broadcast %broadcast_in_dim3A_83 : f32 to vector<16xf32>
      %swap3A_85 = arith.index_cast %scan3A_42 : i32 to index
      %swap3A_86 = arith.constant 96 : index
      %swap3A_87 = tpu.vector_load %arg10[%swap3A_85, %swap3A_86] {strides = array<i32>} : memref<80x128xf32, #tpu.memory_space<vmem>>, vector<1x16xf32>,
      %swap3A_88 = vector.shape_cast %swap3A_87 : vector<1x16xf32> to vector<16xf32>
      %swap3A_89 = vector.shape_cast %broadcast_in_dim3A_84 : vector<16xf32> to vector<1x16xf32>
      tpu.vector_store %arg10[%swap3A_85, %swap3A_86], %swap3A_89 {strides = array<i32>} : memref<80x128xf32, #tpu.memory_space<vmem>>, vector<1x16xf32>,
      %broadcast_in_dim3A_90 = arith.constant 0.000000e+00 : f32
      %broadcast_in_dim3A_91 = vector.broadcast %broadcast_in_dim3A_90 : f32 to vector<16xf32>
      %swap3A_92 = arith.index_cast %scan3A_42 : i32 to index
      %swap3A_93 = arith.constant 112 : index
      %swap3A_94 = tpu.vector_load %arg10[%swap3A_92, %swap3A_93] {strides = array<i32>} : memref<80x128xf32, #tpu.memory_space<vmem>>, vector<1x16xf32>,
      %swap3A_95 = vector.shape_cast %swap3A_94 : vector<1x16xf32> to vector<16xf32>
      %swap3A_96 = vector.shape_cast %broadcast_in_dim3A_91 : vector<16xf32> to vector<1x16xf32>
      tpu.vector_store %arg10[%swap3A_92, %swap3A_93], %swap3A_96 {strides = array<i32>} : memref<80x128xf32, #tpu.memory_space<vmem>>, vector<1x16xf32>,
    }
    %scan3A_7 = arith.constant 80 : i32
    %mul3A_8 = arith.constant 624 : i32
    %mul3A_9 = arith.muli %arg1, %mul3A_8 : i32
    %add3A_10 = arith.constant 0 : i32
    %add3A_11 = arith.addi %mul3A_9, %add3A_10 : i32
    "tpu.region"() ({
      %run_scoped3A = tpu.sem_alloc : memref<!tpu.dma_semaphore, #tpu.memory_space<semaphore_mem>>
      %dma_start3A = arith.constant 0 : i32
      %dma_start3A_42 = tpu.memref_slice %arg13[%add3A_11, %dma_start3A] : memref<10000x128xf32, #tpu.memory_space<vmem_shared>> -> memref<80x128xf32, #tpu.memory_space<vmem_shared>>
      %dma_start3A_43 = arith.constant 0 : i32
      %dma_start3A_44 = tpu.memref_slice %arg13[%add3A_11, %dma_start3A_43] : memref<10000x128xf32, #tpu.memory_space<vmem_shared>> -> memref<80x128xf32, #tpu.memory_space<vmem_shared>>
      tpu.enqueue_dma source(%arg10 : memref<80x128xf32, #tpu.memory_space<vmem>>) target(%dma_start3A_44 : memref<80x128xf32, #tpu.memory_space<vmem_shared>>) target_semaphore(%run_scoped3A : memref<!tpu.dma_semaphore, #tpu.memory_space<semaphore_mem>>)
      %dma_wait3A = arith.constant 0 : i32
      %dma_wait3A_45 = tpu.memref_slice %arg13[%add3A_11, %dma_wait3A] : memref<10000x128xf32, #tpu.memory_space<vmem_shared>> -> memref<80x128xf32, #tpu.memory_space<vmem_shared>>
      %dma_wait3A_46 = arith.constant 0 : i32
      %dma_wait3A_47 = tpu.memref_slice %arg13[%add3A_11, %dma_wait3A_46] : memref<10000x128xf32, #tpu.memory_space<vmem_shared>> -> memref<80x128xf32, #tpu.memory_space<vmem_shared>>
      tpu.wait_dma2 semaphore(%run_scoped3A : memref<!tpu.dma_semaphore, #tpu.memory_space<semaphore_mem>>) src(%arg10 : memref<80x128xf32, #tpu.memory_space<vmem>>) dst(%dma_wait3A_47 : memref<80x128xf32, #tpu.memory_space<vmem_shared>>)
      tpu.yield
    }) : () -> ()
    %add3A_12 = arith.constant 80 : i32
    %add3A_13 = arith.addi %mul3A_9, %add3A_12 : i32
    "tpu.region"() ({
      %run_scoped3A = tpu.sem_alloc : memref<!tpu.dma_semaphore, #tpu.memory_space<semaphore_mem>>
      %dma_start3A = arith.constant 0 : i32
      %dma_start3A_42 = tpu.memref_slice %arg13[%add3A_13, %dma_start3A] : memref<10000x128xf32, #tpu.memory_space<vmem_shared>> -> memref<80x128xf32, #tpu.memory_space<vmem_shared>>
      %dma_start3A_43 = arith.constant 0 : i32
      %dma_start3A_44 = tpu.memref_slice %arg13[%add3A_13, %dma_start3A_43] : memref<10000x128xf32, #tpu.memory_space<vmem_shared>> -> memref<80x128xf32, #tpu.memory_space<vmem_shared>>
      tpu.enqueue_dma source(%arg10 : memref<80x128xf32, #tpu.memory_space<vmem>>) target(%dma_start3A_44 : memref<80x128xf32, #tpu.memory_space<vmem_shared>>) target_semaphore(%run_scoped3A : memref<!tpu.dma_semaphore, #tpu.memory_space<semaphore_mem>>)
      %dma_wait3A = arith.constant 0 : i32
      %dma_wait3A_45 = tpu.memref_slice %arg13[%add3A_13, %dma_wait3A] : memref<10000x128xf32, #tpu.memory_space<vmem_shared>> -> memref<80x128xf32, #tpu.memory_space<vmem_shared>>
      %dma_wait3A_46 = arith.constant 0 : i32
      %dma_wait3A_47 = tpu.memref_slice %arg13[%add3A_13, %dma_wait3A_46] : memref<10000x128xf32, #tpu.memory_space<vmem_shared>> -> memref<80x128xf32, #tpu.memory_space<vmem_shared>>
      tpu.wait_dma2 semaphore(%run_scoped3A : memref<!tpu.dma_semaphore, #tpu.memory_space<semaphore_mem>>) src(%arg10 : memref<80x128xf32, #tpu.memory_space<vmem>>) dst(%dma_wait3A_47 : memref<80x128xf32, #tpu.memory_space<vmem_shared>>)
      tpu.yield
    }) : () -> ()
    %add3A_14 = arith.constant 160 : i32
    %add3A_15 = arith.addi %mul3A_9, %add3A_14 : i32
    "tpu.region"() ({
      %run_scoped3A = tpu.sem_alloc : memref<!tpu.dma_semaphore, #tpu.memory_space<semaphore_mem>>
      %dma_start3A = arith.constant 0 : i32
      %dma_start3A_42 = tpu.memref_slice %arg13[%add3A_15, %dma_start3A] : memref<10000x128xf32, #tpu.memory_space<vmem_shared>> -> memref<80x128xf32, #tpu.memory_space<vmem_shared>>
      %dma_start3A_43 = arith.constant 0 : i32
      %dma_start3A_44 = tpu.memref_slice %arg13[%add3A_15, %dma_start3A_43] : memref<10000x128xf32, #tpu.memory_space<vmem_shared>> -> memref<80x128xf32, #tpu.memory_space<vmem_shared>>
      tpu.enqueue_dma source(%arg10 : memref<80x128xf32, #tpu.memory_space<vmem>>) target(%dma_start3A_44 : memref<80x128xf32, #tpu.memory_space<vmem_shared>>) target_semaphore(%run_scoped3A : memref<!tpu.dma_semaphore, #tpu.memory_space<semaphore_mem>>)
      %dma_wait3A = arith.constant 0 : i32
      %dma_wait3A_45 = tpu.memref_slice %arg13[%add3A_15, %dma_wait3A] : memref<10000x128xf32, #tpu.memory_space<vmem_shared>> -> memref<80x128xf32, #tpu.memory_space<vmem_shared>>
      %dma_wait3A_46 = arith.constant 0 : i32
      %dma_wait3A_47 = tpu.memref_slice %arg13[%add3A_15, %dma_wait3A_46] : memref<10000x128xf32, #tpu.memory_space<vmem_shared>> -> memref<80x128xf32, #tpu.memory_space<vmem_shared>>
      tpu.wait_dma2 semaphore(%run_scoped3A : memref<!tpu.dma_semaphore, #tpu.memory_space<semaphore_mem>>) src(%arg10 : memref<80x128xf32, #tpu.memory_space<vmem>>) dst(%dma_wait3A_47 : memref<80x128xf32, #tpu.memory_space<vmem_shared>>)
      tpu.yield
    }) : () -> ()
    %add3A_16 = arith.constant 240 : i32
    %add3A_17 = arith.addi %mul3A_9, %add3A_16 : i32
    "tpu.region"() ({
      %run_scoped3A = tpu.sem_alloc : memref<!tpu.dma_semaphore, #tpu.memory_space<semaphore_mem>>
      %dma_start3A = arith.constant 0 : i32
      %dma_start3A_42 = tpu.memref_slice %arg13[%add3A_17, %dma_start3A] : memref<10000x128xf32, #tpu.memory_space<vmem_shared>> -> memref<80x128xf32, #tpu.memory_space<vmem_shared>>
      %dma_start3A_43 = arith.constant 0 : i32
      %dma_start3A_44 = tpu.memref_slice %arg13[%add3A_17, %dma_start3A_43] : memref<10000x128xf32, #tpu.memory_space<vmem_shared>> -> memref<80x128xf32, #tpu.memory_space<vmem_shared>>
      tpu.enqueue_dma source(%arg10 : memref<80x128xf32, #tpu.memory_space<vmem>>) target(%dma_start3A_44 : memref<80x128xf32, #tpu.memory_space<vmem_shared>>) target_semaphore(%run_scoped3A : memref<!tpu.dma_semaphore, #tpu.memory_space<semaphore_mem>>)
      %dma_wait3A = arith.constant 0 : i32
      %dma_wait3A_45 = tpu.memref_slice %arg13[%add3A_17, %dma_wait3A] : memref<10000x128xf32, #tpu.memory_space<vmem_shared>> -> memref<80x128xf32, #tpu.memory_space<vmem_shared>>
      %dma_wait3A_46 = arith.constant 0 : i32
      %dma_wait3A_47 = tpu.memref_slice %arg13[%add3A_17, %dma_wait3A_46] : memref<10000x128xf32, #tpu.memory_space<vmem_shared>> -> memref<80x128xf32, #tpu.memory_space<vmem_shared>>
      tpu.wait_dma2 semaphore(%run_scoped3A : memref<!tpu.dma_semaphore, #tpu.memory_space<semaphore_mem>>) src(%arg10 : memref<80x128xf32, #tpu.memory_space<vmem>>) dst(%dma_wait3A_47 : memref<80x128xf32, #tpu.memory_space<vmem_shared>>)
      tpu.yield
    }) : () -> ()
    %add3A_18 = arith.constant 320 : i32
    %add3A_19 = arith.addi %mul3A_9, %add3A_18 : i32
    "tpu.region"() ({
      %run_scoped3A = tpu.sem_alloc : memref<!tpu.dma_semaphore, #tpu.memory_space<semaphore_mem>>
      %dma_start3A = arith.constant 0 : i32
      %dma_start3A_42 = tpu.memref_slice %arg13[%add3A_19, %dma_start3A] : memref<10000x128xf32, #tpu.memory_space<vmem_shared>> -> memref<80x128xf32, #tpu.memory_space<vmem_shared>>
      %dma_start3A_43 = arith.constant 0 : i32
      %dma_start3A_44 = tpu.memref_slice %arg13[%add3A_19, %dma_start3A_43] : memref<10000x128xf32, #tpu.memory_space<vmem_shared>> -> memref<80x128xf32, #tpu.memory_space<vmem_shared>>
      tpu.enqueue_dma source(%arg10 : memref<80x128xf32, #tpu.memory_space<vmem>>) target(%dma_start3A_44 : memref<80x128xf32, #tpu.memory_space<vmem_shared>>) target_semaphore(%run_scoped3A : memref<!tpu.dma_semaphore, #tpu.memory_space<semaphore_mem>>)
      %dma_wait3A = arith.constant 0 : i32
      %dma_wait3A_45 = tpu.memref_slice %arg13[%add3A_19, %dma_wait3A] : memref<10000x128xf32, #tpu.memory_space<vmem_shared>> -> memref<80x128xf32, #tpu.memory_space<vmem_shared>>
      %dma_wait3A_46 = arith.constant 0 : i32
      %dma_wait3A_47 = tpu.memref_slice %arg13[%add3A_19, %dma_wait3A_46] : memref<10000x128xf32, #tpu.memory_space<vmem_shared>> -> memref<80x128xf32, #tpu.memory_space<vmem_shared>>
      tpu.wait_dma2 semaphore(%run_scoped3A : memref<!tpu.dma_semaphore, #tpu.memory_space<semaphore_mem>>) src(%arg10 : memref<80x128xf32, #tpu.memory_space<vmem>>) dst(%dma_wait3A_47 : memref<80x128xf32, #tpu.memory_space<vmem_shared>>)
      tpu.yield
    }) : () -> ()
    %add3A_20 = arith.constant 400 : i32
    %add3A_21 = arith.addi %mul3A_9, %add3A_20 : i32
    "tpu.region"() ({
      %run_scoped3A = tpu.sem_alloc : memref<!tpu.dma_semaphore, #tpu.memory_space<semaphore_mem>>
      %dma_start3A = arith.constant 0 : i32
      %dma_start3A_42 = tpu.memref_slice %arg13[%add3A_21, %dma_start3A] : memref<10000x128xf32, #tpu.memory_space<vmem_shared>> -> memref<80x128xf32, #tpu.memory_space<vmem_shared>>
      %dma_start3A_43 = arith.constant 0 : i32
      %dma_start3A_44 = tpu.memref_slice %arg13[%add3A_21, %dma_start3A_43] : memref<10000x128xf32, #tpu.memory_space<vmem_shared>> -> memref<80x128xf32, #tpu.memory_space<vmem_shared>>
      tpu.enqueue_dma source(%arg10 : memref<80x128xf32, #tpu.memory_space<vmem>>) target(%dma_start3A_44 : memref<80x128xf32, #tpu.memory_space<vmem_shared>>) target_semaphore(%run_scoped3A : memref<!tpu.dma_semaphore, #tpu.memory_space<semaphore_mem>>)
      %dma_wait3A = arith.constant 0 : i32
      %dma_wait3A_45 = tpu.memref_slice %arg13[%add3A_21, %dma_wait3A] : memref<10000x128xf32, #tpu.memory_space<vmem_shared>> -> memref<80x128xf32, #tpu.memory_space<vmem_shared>>
      %dma_wait3A_46 = arith.constant 0 : i32
      %dma_wait3A_47 = tpu.memref_slice %arg13[%add3A_21, %dma_wait3A_46] : memref<10000x128xf32, #tpu.memory_space<vmem_shared>> -> memref<80x128xf32, #tpu.memory_space<vmem_shared>>
      tpu.wait_dma2 semaphore(%run_scoped3A : memref<!tpu.dma_semaphore, #tpu.memory_space<semaphore_mem>>) src(%arg10 : memref<80x128xf32, #tpu.memory_space<vmem>>) dst(%dma_wait3A_47 : memref<80x128xf32, #tpu.memory_space<vmem_shared>>)
      tpu.yield
    }) : () -> ()
    %add3A_22 = arith.constant 480 : i32
    %add3A_23 = arith.addi %mul3A_9, %add3A_22 : i32
    "tpu.region"() ({
      %run_scoped3A = tpu.sem_alloc : memref<!tpu.dma_semaphore, #tpu.memory_space<semaphore_mem>>
      %dma_start3A = arith.constant 0 : i32
      %dma_start3A_42 = tpu.memref_slice %arg13[%add3A_23, %dma_start3A] : memref<10000x128xf32, #tpu.memory_space<vmem_shared>> -> memref<80x128xf32, #tpu.memory_space<vmem_shared>>
      %dma_start3A_43 = arith.constant 0 : i32
      %dma_start3A_44 = tpu.memref_slice %arg13[%add3A_23, %dma_start3A_43] : memref<10000x128xf32, #tpu.memory_space<vmem_shared>> -> memref<80x128xf32, #tpu.memory_space<vmem_shared>>
      tpu.enqueue_dma source(%arg10 : memref<80x128xf32, #tpu.memory_space<vmem>>) target(%dma_start3A_44 : memref<80x128xf32, #tpu.memory_space<vmem_shared>>) target_semaphore(%run_scoped3A : memref<!tpu.dma_semaphore, #tpu.memory_space<semaphore_mem>>)
      %dma_wait3A = arith.constant 0 : i32
      %dma_wait3A_45 = tpu.memref_slice %arg13[%add3A_23, %dma_wait3A] : memref<10000x128xf32, #tpu.memory_space<vmem_shared>> -> memref<80x128xf32, #tpu.memory_space<vmem_shared>>
      %dma_wait3A_46 = arith.constant 0 : i32
      %dma_wait3A_47 = tpu.memref_slice %arg13[%add3A_23, %dma_wait3A_46] : memref<10000x128xf32, #tpu.memory_space<vmem_shared>> -> memref<80x128xf32, #tpu.memory_space<vmem_shared>>
      tpu.wait_dma2 semaphore(%run_scoped3A : memref<!tpu.dma_semaphore, #tpu.memory_space<semaphore_mem>>) src(%arg10 : memref<80x128xf32, #tpu.memory_space<vmem>>) dst(%dma_wait3A_47 : memref<80x128xf32, #tpu.memory_space<vmem_shared>>)
      tpu.yield
    }) : () -> ()
    %add3A_24 = arith.constant 560 : i32
    %add3A_25 = arith.addi %mul3A_9, %add3A_24 : i32
    "tpu.region"() ({
      %run_scoped3A = tpu.sem_alloc : memref<!tpu.dma_semaphore, #tpu.memory_space<semaphore_mem>>
      %dma_start3A = arith.constant 0 : i32
      %dma_start3A_42 = arith.constant 0 : i32
      %dma_start3A_43 = tpu.memref_slice %arg10[%dma_start3A, %dma_start3A_42] : memref<80x128xf32, #tpu.memory_space<vmem>> -> memref<64x128xf32, #tpu.memory_space<vmem>>
      %dma_start3A_44 = arith.constant 0 : i32
      %dma_start3A_45 = tpu.memref_slice %arg13[%add3A_25, %dma_start3A_44] : memref<10000x128xf32, #tpu.memory_space<vmem_shared>> -> memref<64x128xf32, #tpu.memory_space<vmem_shared>>
      %dma_start3A_46 = arith.constant 0 : i32
      %dma_start3A_47 = tpu.memref_slice %arg13[%add3A_25, %dma_start3A_46] : memref<10000x128xf32, #tpu.memory_space<vmem_shared>> -> memref<64x128xf32, #tpu.memory_space<vmem_shared>>
      %dma_start3A_48 = arith.constant 0 : i32
      %dma_start3A_49 = arith.constant 0 : i32
      %dma_start3A_50 = tpu.memref_slice %arg10[%dma_start3A_48, %dma_start3A_49] : memref<80x128xf32, #tpu.memory_space<vmem>> -> memref<64x128xf32, #tpu.memory_space<vmem>>
      tpu.enqueue_dma source(%dma_start3A_50 : memref<64x128xf32, #tpu.memory_space<vmem>>) target(%dma_start3A_47 : memref<64x128xf32, #tpu.memory_space<vmem_shared>>) target_semaphore(%run_scoped3A : memref<!tpu.dma_semaphore, #tpu.memory_space<semaphore_mem>>)
      %dma_wait3A = arith.constant 0 : i32
      %dma_wait3A_51 = arith.constant 0 : i32
      %dma_wait3A_52 = tpu.memref_slice %arg10[%dma_wait3A, %dma_wait3A_51] : memref<80x128xf32, #tpu.memory_space<vmem>> -> memref<64x128xf32, #tpu.memory_space<vmem>>
      %dma_wait3A_53 = arith.constant 0 : i32
      %dma_wait3A_54 = tpu.memref_slice %arg13[%add3A_25, %dma_wait3A_53] : memref<10000x128xf32, #tpu.memory_space<vmem_shared>> -> memref<64x128xf32, #tpu.memory_space<vmem_shared>>
      %dma_wait3A_55 = arith.constant 0 : i32
      %dma_wait3A_56 = tpu.memref_slice %arg13[%add3A_25, %dma_wait3A_55] : memref<10000x128xf32, #tpu.memory_space<vmem_shared>> -> memref<64x128xf32, #tpu.memory_space<vmem_shared>>
      %dma_wait3A_57 = arith.constant 0 : i32
      %dma_wait3A_58 = arith.constant 0 : i32
      %dma_wait3A_59 = tpu.memref_slice %arg10[%dma_wait3A_57, %dma_wait3A_58] : memref<80x128xf32, #tpu.memory_space<vmem>> -> memref<64x128xf32, #tpu.memory_space<vmem>>
      tpu.wait_dma2 semaphore(%run_scoped3A : memref<!tpu.dma_semaphore, #tpu.memory_space<semaphore_mem>>) src(%dma_wait3A_59 : memref<64x128xf32, #tpu.memory_space<vmem>>) dst(%dma_wait3A_56 : memref<64x128xf32, #tpu.memory_space<vmem_shared>>)
      tpu.yield
    }) : () -> ()
    %eq3A = arith.constant 15 : i32
    %eq3A_26 = arith.cmpi eq, %arg1, %eq3A : i32
    %convert_element_type3A = arith.extui %eq3A_26 : i1 to i32
    %cond3A = arith.constant 0 : i32
    %cond3A_27 = arith.cmpi ne, %convert_element_type3A, %cond3A : i32
    scf.if %cond3A_27 {
      "tpu.region"() ({
        %run_scoped3A = tpu.sem_alloc : memref<!tpu.dma_semaphore, #tpu.memory_space<semaphore_mem>>
        %dma_start3A = arith.constant 0 : i32
        %dma_start3A_42 = arith.constant 0 : i32
        %dma_start3A_43 = tpu.memref_slice %arg10[%dma_start3A, %dma_start3A_42] : memref<80x128xf32, #tpu.memory_space<vmem>> -> memref<16x128xf32, #tpu.memory_space<vmem>>
        %dma_start3A_44 = arith.constant 9984 : i32
        %dma_start3A_45 = arith.constant 0 : i32
        %dma_start3A_46 = tpu.memref_slice %arg13[%dma_start3A_44, %dma_start3A_45] : memref<10000x128xf32, #tpu.memory_space<vmem_shared>> -> memref<16x128xf32, #tpu.memory_space<vmem_shared>>
        %dma_start3A_47 = arith.constant 9984 : i32
        %dma_start3A_48 = arith.constant 0 : i32
        %dma_start3A_49 = tpu.memref_slice %arg13[%dma_start3A_47, %dma_start3A_48] : memref<10000x128xf32, #tpu.memory_space<vmem_shared>> -> memref<16x128xf32, #tpu.memory_space<vmem_shared>>
        %dma_start3A_50 = arith.constant 0 : i32
        %dma_start3A_51 = arith.constant 0 : i32
        %dma_start3A_52 = tpu.memref_slice %arg10[%dma_start3A_50, %dma_start3A_51] : memref<80x128xf32, #tpu.memory_space<vmem>> -> memref<16x128xf32, #tpu.memory_space<vmem>>
        tpu.enqueue_dma source(%dma_start3A_52 : memref<16x128xf32, #tpu.memory_space<vmem>>) target(%dma_start3A_49 : memref<16x128xf32, #tpu.memory_space<vmem_shared>>) target_semaphore(%run_scoped3A : memref<!tpu.dma_semaphore, #tpu.memory_space<semaphore_mem>>)
        %dma_wait3A = arith.constant 0 : i32
        %dma_wait3A_53 = arith.constant 0 : i32
        %dma_wait3A_54 = tpu.memref_slice %arg10[%dma_wait3A, %dma_wait3A_53] : memref<80x128xf32, #tpu.memory_space<vmem>> -> memref<16x128xf32, #tpu.memory_space<vmem>>
        %dma_wait3A_55 = arith.constant 9984 : i32
        %dma_wait3A_56 = arith.constant 0 : i32
        %dma_wait3A_57 = tpu.memref_slice %arg13[%dma_wait3A_55, %dma_wait3A_56] : memref<10000x128xf32, #tpu.memory_space<vmem_shared>> -> memref<16x128xf32, #tpu.memory_space<vmem_shared>>
        %dma_wait3A_58 = arith.constant 9984 : i32
        %dma_wait3A_59 = arith.constant 0 : i32
        %dma_wait3A_60 = tpu.memref_slice %arg13[%dma_wait3A_58, %dma_wait3A_59] : memref<10000x128xf32, #tpu.memory_space<vmem_shared>> -> memref<16x128xf32, #tpu.memory_space<vmem_shared>>
        %dma_wait3A_61 = arith.constant 0 : i32
        %dma_wait3A_62 = arith.constant 0 : i32
        %dma_wait3A_63 = tpu.memref_slice %arg10[%dma_wait3A_61, %dma_wait3A_62] : memref<80x128xf32, #tpu.memory_space<vmem>> -> memref<16x128xf32, #tpu.memory_space<vmem>>
        tpu.wait_dma2 semaphore(%run_scoped3A : memref<!tpu.dma_semaphore, #tpu.memory_space<semaphore_mem>>) src(%dma_wait3A_63 : memref<16x128xf32, #tpu.memory_space<vmem>>) dst(%dma_wait3A_60 : memref<16x128xf32, #tpu.memory_space<vmem_shared>>)
        tpu.yield
      }) : () -> ()
    } else {
    }
    %barrier3A = arith.constant 0 : index
    tpu.barrier barrier_id(%barrier3A)
    %scan3A_28 = arith.constant 0 : i32
    %scan3A_29 = arith.constant 0 : i32
    %scan3A_30 = arith.constant 125 : i32
    %scan3A_31 = arith.addi %scan3A_29, %scan3A_30 : i32
    %scan3A_32 = arith.constant 1 : i32
    scf.for %scan3A_42 = %scan3A_29 to %scan3A_31 step %scan3A_32  : i32 {
      %mul3A_43 = arith.constant 80 : i32
      %mul3A_44 = arith.muli %scan3A_42, %mul3A_43 : i32
      %add3A_45 = arith.addi %mul3A_2, %mul3A_44 : i32
      "tpu.region"() ({
        %run_scoped3A = tpu.sem_alloc : memref<!tpu.dma_semaphore, #tpu.memory_space<semaphore_mem>>
        %dma_start3A = tpu.memref_slice %arg4[%add3A_45] : memref<320000xi32, #tpu.memory_space<hbm>> -> memref<80xi32, #tpu.memory_space<hbm>>
        %dma_start3A_52 = tpu.memref_slice %arg4[%add3A_45] : memref<320000xi32, #tpu.memory_space<hbm>> -> memref<80xi32, #tpu.memory_space<hbm>>
        tpu.enqueue_dma source(%dma_start3A_52 : memref<80xi32, #tpu.memory_space<hbm>>) target(%arg8 : memref<80xi32, #tpu.memory_space<vmem>>) target_semaphore(%run_scoped3A : memref<!tpu.dma_semaphore, #tpu.memory_space<semaphore_mem>>)
        %dma_wait3A = tpu.memref_slice %arg4[%add3A_45] : memref<320000xi32, #tpu.memory_space<hbm>> -> memref<80xi32, #tpu.memory_space<hbm>>
        %dma_wait3A_53 = tpu.memref_slice %arg4[%add3A_45] : memref<320000xi32, #tpu.memory_space<hbm>> -> memref<80xi32, #tpu.memory_space<hbm>>
        tpu.wait_dma2 semaphore(%run_scoped3A : memref<!tpu.dma_semaphore, #tpu.memory_space<semaphore_mem>>) src(%dma_wait3A_53 : memref<80xi32, #tpu.memory_space<hbm>>) dst(%arg8 : memref<80xi32, #tpu.memory_space<vmem>>)
        tpu.yield
      }) : () -> ()
      "tpu.region"() ({
        %run_scoped3A = tpu.sem_alloc : memref<!tpu.dma_semaphore, #tpu.memory_space<semaphore_mem>>
        %dma_start3A = tpu.memref_slice %arg5[%add3A_45] : memref<320000xi32, #tpu.memory_space<hbm>> -> memref<80xi32, #tpu.memory_space<hbm>>
        %dma_start3A_52 = tpu.memref_slice %arg5[%add3A_45] : memref<320000xi32, #tpu.memory_space<hbm>> -> memref<80xi32, #tpu.memory_space<hbm>>
        tpu.enqueue_dma source(%dma_start3A_52 : memref<80xi32, #tpu.memory_space<hbm>>) target(%arg9 : memref<80xi32, #tpu.memory_space<vmem>>) target_semaphore(%run_scoped3A : memref<!tpu.dma_semaphore, #tpu.memory_space<semaphore_mem>>)
        %dma_wait3A = tpu.memref_slice %arg5[%add3A_45] : memref<320000xi32, #tpu.memory_space<hbm>> -> memref<80xi32, #tpu.memory_space<hbm>>
        %dma_wait3A_53 = tpu.memref_slice %arg5[%add3A_45] : memref<320000xi32, #tpu.memory_space<hbm>> -> memref<80xi32, #tpu.memory_space<hbm>>
        tpu.wait_dma2 semaphore(%run_scoped3A : memref<!tpu.dma_semaphore, #tpu.memory_space<semaphore_mem>>) src(%dma_wait3A_53 : memref<80xi32, #tpu.memory_space<hbm>>) dst(%arg9 : memref<80xi32, #tpu.memory_space<vmem>>)
        tpu.yield
      }) : () -> ()
      "tpu.region"() ({
        %run_scoped3A = tpu.sem_alloc : memref<!tpu.dma_semaphore, #tpu.memory_space<semaphore_mem>>
        %dma_start3A = arith.constant 0 : i32
        %dma_start3A_52 = tpu.memref_slice %arg3[%add3A_45, %dma_start3A] : memref<320000x64xf32, #tpu.memory_space<hbm>> -> memref<80x64xf32, #tpu.memory_space<hbm>>
        %dma_start3A_53 = arith.constant 0 : i32
        %dma_start3A_54 = tpu.memref_slice %arg3[%add3A_45, %dma_start3A_53] : memref<320000x64xf32, #tpu.memory_space<hbm>> -> memref<80x64xf32, #tpu.memory_space<hbm>>
        tpu.enqueue_dma source(%dma_start3A_54 : memref<80x64xf32, #tpu.memory_space<hbm>>) target(%arg12 : memref<80x64xf32, #tpu.memory_space<vmem>>) target_semaphore(%run_scoped3A : memref<!tpu.dma_semaphore, #tpu.memory_space<semaphore_mem>>)
        %dma_wait3A = arith.constant 0 : i32
        %dma_wait3A_55 = tpu.memref_slice %arg3[%add3A_45, %dma_wait3A] : memref<320000x64xf32, #tpu.memory_space<hbm>> -> memref<80x64xf32, #tpu.memory_space<hbm>>
        %dma_wait3A_56 = arith.constant 0 : i32
        %dma_wait3A_57 = tpu.memref_slice %arg3[%add3A_45, %dma_wait3A_56] : memref<320000x64xf32, #tpu.memory_space<hbm>> -> memref<80x64xf32, #tpu.memory_space<hbm>>
        tpu.wait_dma2 semaphore(%run_scoped3A : memref<!tpu.dma_semaphore, #tpu.memory_space<semaphore_mem>>) src(%dma_wait3A_57 : memref<80x64xf32, #tpu.memory_space<hbm>>) dst(%arg12 : memref<80x64xf32, #tpu.memory_space<vmem>>)
        tpu.yield
      }) : () -> ()
      "tpu.region"() ({
        %run_scoped3A = tpu.sem_alloc : memref<!tpu.dma_semaphore, #tpu.memory_space<semaphore_mem>>
        %dma_start3A = arith.constant 0 : i32
        %dma_start3A_52 = arith.constant 0 : i32
        %dma_start3A_53 = tpu.memref_slice %arg2[%dma_start3A, %dma_start3A_52] : memref<10000x128xf32, #tpu.memory_space<hbm>> -> memref<10000x128xf32, #tpu.memory_space<hbm>>
        tpu.enqueue_indirect_dma source(%dma_start3A_53 : memref<10000x128xf32, #tpu.memory_space<hbm>>) target(%arg10 : memref<80x128xf32, #tpu.memory_space<vmem>>) offsets(%arg8 : memref<80xi32, #tpu.memory_space<vmem>>) semaphore(%run_scoped3A : memref<!tpu.dma_semaphore, #tpu.memory_space<semaphore_mem>>)
        %dma_wait3A = arith.constant 0 : i32
        %dma_wait3A_54 = arith.constant 0 : i32
        %dma_wait3A_55 = tpu.memref_slice %arg2[%dma_wait3A, %dma_wait3A_54] : memref<10000x128xf32, #tpu.memory_space<hbm>> -> memref<10000x128xf32, #tpu.memory_space<hbm>>
        tpu.wait_indirect_dma semaphore(%run_scoped3A : memref<!tpu.dma_semaphore, #tpu.memory_space<semaphore_mem>>) src(%dma_wait3A_55 : memref<10000x128xf32, #tpu.memory_space<hbm>>) dst(%arg10 : memref<80x128xf32, #tpu.memory_space<vmem>>)
        tpu.yield
      }) : () -> ()
      "tpu.region"() ({
        %run_scoped3A = tpu.sem_alloc : memref<!tpu.dma_semaphore, #tpu.memory_space<semaphore_mem>>
        %dma_start3A = arith.constant 0 : i32
        %dma_start3A_52 = arith.constant 0 : i32
        %dma_start3A_53 = tpu.memref_slice %arg2[%dma_start3A, %dma_start3A_52] : memref<10000x128xf32, #tpu.memory_space<hbm>> -> memref<10000x128xf32, #tpu.memory_space<hbm>>
        tpu.enqueue_indirect_dma source(%dma_start3A_53 : memref<10000x128xf32, #tpu.memory_space<hbm>>) target(%arg11 : memref<80x128xf32, #tpu.memory_space<vmem>>) offsets(%arg9 : memref<80xi32, #tpu.memory_space<vmem>>) semaphore(%run_scoped3A : memref<!tpu.dma_semaphore, #tpu.memory_space<semaphore_mem>>)
        %dma_wait3A = arith.constant 0 : i32
        %dma_wait3A_54 = arith.constant 0 : i32
        %dma_wait3A_55 = tpu.memref_slice %arg2[%dma_wait3A, %dma_wait3A_54] : memref<10000x128xf32, #tpu.memory_space<hbm>> -> memref<10000x128xf32, #tpu.memory_space<hbm>>
        tpu.wait_indirect_dma semaphore(%run_scoped3A : memref<!tpu.dma_semaphore, #tpu.memory_space<semaphore_mem>>) src(%dma_wait3A_55 : memref<10000x128xf32, #tpu.memory_space<hbm>>) dst(%arg11 : memref<80x128xf32, #tpu.memory_space<vmem>>)
        tpu.yield
      }) : () -> ()
      %scan3A_46 = arith.constant 0 : i32
      %scan3A_47 = arith.constant 0 : i32
      %scan3A_48 = arith.constant 80 : i32
      %scan3A_49 = arith.addi %scan3A_47, %scan3A_48 : i32
      %scan3A_50 = arith.constant 1 : i32
      scf.for %scan3A_52 = %scan3A_47 to %scan3A_49 step %scan3A_50  : i32 {
        %get3A = arith.index_cast %scan3A_52 : i32 to index
        %get3A_53 = arith.constant 0 : index
        %get3A_54 = tpu.vector_load %arg10[%get3A, %get3A_53] {strides = array<i32>} : memref<80x128xf32, #tpu.memory_space<vmem>>, vector<1x16xf32>,
        %get3A_55 = vector.shape_cast %get3A_54 : vector<1x16xf32> to vector<16xf32>
        %get3A_56 = arith.index_cast %scan3A_52 : i32 to index
        %get3A_57 = arith.constant 64 : index
        %get3A_58 = tpu.vector_load %arg11[%get3A_56, %get3A_57] {strides = array<i32>} : memref<80x128xf32, #tpu.memory_space<vmem>>, vector<1x16xf32>,
        %get3A_59 = vector.shape_cast %get3A_58 : vector<1x16xf32> to vector<16xf32>
        %add3A_60 = arith.addf %get3A_55, %get3A_59 : vector<16xf32>
        %get3A_61 = arith.index_cast %scan3A_52 : i32 to index
        %get3A_62 = arith.constant 0 : index
        %get3A_63 = tpu.vector_load %arg12[%get3A_61, %get3A_62] {strides = array<i32>} : memref<80x64xf32, #tpu.memory_space<vmem>>, vector<1x16xf32>,
        %get3A_64 = vector.shape_cast %get3A_63 : vector<1x16xf32> to vector<16xf32>
        %add3A_65 = arith.addf %add3A_60, %get3A_64 : vector<16xf32>
        %max3A = arith.constant 0.000000e+00 : f32
        %max3A_66 = vector.broadcast %max3A : f32 to vector<16xf32>
        %max3A_67 = arith.maximumf %add3A_65, %max3A_66 : vector<16xf32>
        %swap3A = arith.index_cast %scan3A_52 : i32 to index
        %swap3A_68 = arith.constant 0 : index
        %swap3A_69 = tpu.vector_load %arg12[%swap3A, %swap3A_68] {strides = array<i32>} : memref<80x64xf32, #tpu.memory_space<vmem>>, vector<1x16xf32>,
        %swap3A_70 = vector.shape_cast %swap3A_69 : vector<1x16xf32> to vector<16xf32>
        %swap3A_71 = vector.shape_cast %max3A_67 : vector<16xf32> to vector<1x16xf32>
        tpu.vector_store %arg12[%swap3A, %swap3A_68], %swap3A_71 {strides = array<i32>} : memref<80x64xf32, #tpu.memory_space<vmem>>, vector<1x16xf32>,
        %swap3A_72 = arith.index_cast %scan3A_52 : i32 to index
        %swap3A_73 = arith.constant 0 : index
        %swap3A_74 = tpu.vector_load %arg10[%swap3A_72, %swap3A_73] {strides = array<i32>} : memref<80x128xf32, #tpu.memory_space<vmem>>, vector<1x16xf32>,
        %swap3A_75 = vector.shape_cast %swap3A_74 : vector<1x16xf32> to vector<16xf32>
        %swap3A_76 = vector.shape_cast %max3A_67 : vector<16xf32> to vector<1x16xf32>
        tpu.vector_store %arg10[%swap3A_72, %swap3A_73], %swap3A_76 {strides = array<i32>} : memref<80x128xf32, #tpu.memory_space<vmem>>, vector<1x16xf32>,
        %get3A_77 = arith.index_cast %scan3A_52 : i32 to index
        %get3A_78 = arith.constant 16 : index
        %get3A_79 = tpu.vector_load %arg10[%get3A_77, %get3A_78] {strides = array<i32>} : memref<80x128xf32, #tpu.memory_space<vmem>>, vector<1x16xf32>,
        %get3A_80 = vector.shape_cast %get3A_79 : vector<1x16xf32> to vector<16xf32>
        %get3A_81 = arith.index_cast %scan3A_52 : i32 to index
        %get3A_82 = arith.constant 80 : index
        %get3A_83 = tpu.vector_load %arg11[%get3A_81, %get3A_82] {strides = array<i32>} : memref<80x128xf32, #tpu.memory_space<vmem>>, vector<1x16xf32>,
        %get3A_84 = vector.shape_cast %get3A_83 : vector<1x16xf32> to vector<16xf32>
        %add3A_85 = arith.addf %get3A_80, %get3A_84 : vector<16xf32>
        %get3A_86 = arith.index_cast %scan3A_52 : i32 to index
        %get3A_87 = arith.constant 16 : index
        %get3A_88 = tpu.vector_load %arg12[%get3A_86, %get3A_87] {strides = array<i32>} : memref<80x64xf32, #tpu.memory_space<vmem>>, vector<1x16xf32>,
        %get3A_89 = vector.shape_cast %get3A_88 : vector<1x16xf32> to vector<16xf32>
        %add3A_90 = arith.addf %add3A_85, %get3A_89 : vector<16xf32>
        %max3A_91 = arith.constant 0.000000e+00 : f32
        %max3A_92 = vector.broadcast %max3A_91 : f32 to vector<16xf32>
        %max3A_93 = arith.maximumf %add3A_90, %max3A_92 : vector<16xf32>
        %swap3A_94 = arith.index_cast %scan3A_52 : i32 to index
        %swap3A_95 = arith.constant 16 : index
        %swap3A_96 = tpu.vector_load %arg12[%swap3A_94, %swap3A_95] {strides = array<i32>} : memref<80x64xf32, #tpu.memory_space<vmem>>, vector<1x16xf32>,
        %swap3A_97 = vector.shape_cast %swap3A_96 : vector<1x16xf32> to vector<16xf32>
        %swap3A_98 = vector.shape_cast %max3A_93 : vector<16xf32> to vector<1x16xf32>
        tpu.vector_store %arg12[%swap3A_94, %swap3A_95], %swap3A_98 {strides = array<i32>} : memref<80x64xf32, #tpu.memory_space<vmem>>, vector<1x16xf32>,
        %swap3A_99 = arith.index_cast %scan3A_52 : i32 to index
        %swap3A_100 = arith.constant 16 : index
        %swap3A_101 = tpu.vector_load %arg10[%swap3A_99, %swap3A_100] {strides = array<i32>} : memref<80x128xf32, #tpu.memory_space<vmem>>, vector<1x16xf32>,
        %swap3A_102 = vector.shape_cast %swap3A_101 : vector<1x16xf32> to vector<16xf32>
        %swap3A_103 = vector.shape_cast %max3A_93 : vector<16xf32> to vector<1x16xf32>
        tpu.vector_store %arg10[%swap3A_99, %swap3A_100], %swap3A_103 {strides = array<i32>} : memref<80x128xf32, #tpu.memory_space<vmem>>, vector<1x16xf32>,
        %get3A_104 = arith.index_cast %scan3A_52 : i32 to index
        %get3A_105 = arith.constant 32 : index
        %get3A_106 = tpu.vector_load %arg10[%get3A_104, %get3A_105] {strides = array<i32>} : memref<80x128xf32, #tpu.memory_space<vmem>>, vector<1x16xf32>,
        %get3A_107 = vector.shape_cast %get3A_106 : vector<1x16xf32> to vector<16xf32>
        %get3A_108 = arith.index_cast %scan3A_52 : i32 to index
        %get3A_109 = arith.constant 96 : index
        %get3A_110 = tpu.vector_load %arg11[%get3A_108, %get3A_109] {strides = array<i32>} : memref<80x128xf32, #tpu.memory_space<vmem>>, vector<1x16xf32>,
        %get3A_111 = vector.shape_cast %get3A_110 : vector<1x16xf32> to vector<16xf32>
        %add3A_112 = arith.addf %get3A_107, %get3A_111 : vector<16xf32>
        %get3A_113 = arith.index_cast %scan3A_52 : i32 to index
        %get3A_114 = arith.constant 32 : index
        %get3A_115 = tpu.vector_load %arg12[%get3A_113, %get3A_114] {strides = array<i32>} : memref<80x64xf32, #tpu.memory_space<vmem>>, vector<1x16xf32>,
        %get3A_116 = vector.shape_cast %get3A_115 : vector<1x16xf32> to vector<16xf32>
        %add3A_117 = arith.addf %add3A_112, %get3A_116 : vector<16xf32>
        %max3A_118 = arith.constant 0.000000e+00 : f32
        %max3A_119 = vector.broadcast %max3A_118 : f32 to vector<16xf32>
        %max3A_120 = arith.maximumf %add3A_117, %max3A_119 : vector<16xf32>
        %swap3A_121 = arith.index_cast %scan3A_52 : i32 to index
        %swap3A_122 = arith.constant 32 : index
        %swap3A_123 = tpu.vector_load %arg12[%swap3A_121, %swap3A_122] {strides = array<i32>} : memref<80x64xf32, #tpu.memory_space<vmem>>, vector<1x16xf32>,
        %swap3A_124 = vector.shape_cast %swap3A_123 : vector<1x16xf32> to vector<16xf32>
        %swap3A_125 = vector.shape_cast %max3A_120 : vector<16xf32> to vector<1x16xf32>
        tpu.vector_store %arg12[%swap3A_121, %swap3A_122], %swap3A_125 {strides = array<i32>} : memref<80x64xf32, #tpu.memory_space<vmem>>, vector<1x16xf32>,
        %swap3A_126 = arith.index_cast %scan3A_52 : i32 to index
        %swap3A_127 = arith.constant 32 : index
        %swap3A_128 = tpu.vector_load %arg10[%swap3A_126, %swap3A_127] {strides = array<i32>} : memref<80x128xf32, #tpu.memory_space<vmem>>, vector<1x16xf32>,
        %swap3A_129 = vector.shape_cast %swap3A_128 : vector<1x16xf32> to vector<16xf32>
        %swap3A_130 = vector.shape_cast %max3A_120 : vector<16xf32> to vector<1x16xf32>
        tpu.vector_store %arg10[%swap3A_126, %swap3A_127], %swap3A_130 {strides = array<i32>} : memref<80x128xf32, #tpu.memory_space<vmem>>, vector<1x16xf32>,
        %get3A_131 = arith.index_cast %scan3A_52 : i32 to index
        %get3A_132 = arith.constant 48 : index
        %get3A_133 = tpu.vector_load %arg10[%get3A_131, %get3A_132] {strides = array<i32>} : memref<80x128xf32, #tpu.memory_space<vmem>>, vector<1x16xf32>,
        %get3A_134 = vector.shape_cast %get3A_133 : vector<1x16xf32> to vector<16xf32>
        %get3A_135 = arith.index_cast %scan3A_52 : i32 to index
        %get3A_136 = arith.constant 112 : index
        %get3A_137 = tpu.vector_load %arg11[%get3A_135, %get3A_136] {strides = array<i32>} : memref<80x128xf32, #tpu.memory_space<vmem>>, vector<1x16xf32>,
        %get3A_138 = vector.shape_cast %get3A_137 : vector<1x16xf32> to vector<16xf32>
        %add3A_139 = arith.addf %get3A_134, %get3A_138 : vector<16xf32>
        %get3A_140 = arith.index_cast %scan3A_52 : i32 to index
        %get3A_141 = arith.constant 48 : index
        %get3A_142 = tpu.vector_load %arg12[%get3A_140, %get3A_141] {strides = array<i32>} : memref<80x64xf32, #tpu.memory_space<vmem>>, vector<1x16xf32>,
        %get3A_143 = vector.shape_cast %get3A_142 : vector<1x16xf32> to vector<16xf32>
        %add3A_144 = arith.addf %add3A_139, %get3A_143 : vector<16xf32>
        %max3A_145 = arith.constant 0.000000e+00 : f32
        %max3A_146 = vector.broadcast %max3A_145 : f32 to vector<16xf32>
        %max3A_147 = arith.maximumf %add3A_144, %max3A_146 : vector<16xf32>
        %swap3A_148 = arith.index_cast %scan3A_52 : i32 to index
        %swap3A_149 = arith.constant 48 : index
        %swap3A_150 = tpu.vector_load %arg12[%swap3A_148, %swap3A_149] {strides = array<i32>} : memref<80x64xf32, #tpu.memory_space<vmem>>, vector<1x16xf32>,
        %swap3A_151 = vector.shape_cast %swap3A_150 : vector<1x16xf32> to vector<16xf32>
        %swap3A_152 = vector.shape_cast %max3A_147 : vector<16xf32> to vector<1x16xf32>
        tpu.vector_store %arg12[%swap3A_148, %swap3A_149], %swap3A_152 {strides = array<i32>} : memref<80x64xf32, #tpu.memory_space<vmem>>, vector<1x16xf32>,
        %swap3A_153 = arith.index_cast %scan3A_52 : i32 to index
        %swap3A_154 = arith.constant 48 : index
        %swap3A_155 = tpu.vector_load %arg10[%swap3A_153, %swap3A_154] {strides = array<i32>} : memref<80x128xf32, #tpu.memory_space<vmem>>, vector<1x16xf32>,
        %swap3A_156 = vector.shape_cast %swap3A_155 : vector<1x16xf32> to vector<16xf32>
        %swap3A_157 = vector.shape_cast %max3A_147 : vector<16xf32> to vector<1x16xf32>
        tpu.vector_store %arg10[%swap3A_153, %swap3A_154], %swap3A_157 {strides = array<i32>} : memref<80x128xf32, #tpu.memory_space<vmem>>, vector<1x16xf32>,
      }
      %scan3A_51 = arith.constant 80 : i32
      "tpu.region"() ({
        %run_scoped3A = tpu.sem_alloc : memref<!tpu.dma_semaphore, #tpu.memory_space<semaphore_mem>>
        %dma_start3A = arith.constant 0 : i32
        %dma_start3A_52 = tpu.memref_slice %arg6[%add3A_45, %dma_start3A] : memref<320000x64xf32, #tpu.memory_space<hbm>> -> memref<80x64xf32, #tpu.memory_space<hbm>>
        %dma_start3A_53 = arith.constant 0 : i32
        %dma_start3A_54 = tpu.memref_slice %arg6[%add3A_45, %dma_start3A_53] : memref<320000x64xf32, #tpu.memory_space<hbm>> -> memref<80x64xf32, #tpu.memory_space<hbm>>
        tpu.enqueue_dma source(%arg12 : memref<80x64xf32, #tpu.memory_space<vmem>>) target(%dma_start3A_54 : memref<80x64xf32, #tpu.memory_space<hbm>>) target_semaphore(%run_scoped3A : memref<!tpu.dma_semaphore, #tpu.memory_space<semaphore_mem>>)
        %dma_wait3A = arith.constant 0 : i32
        %dma_wait3A_55 = tpu.memref_slice %arg6[%add3A_45, %dma_wait3A] : memref<320000x64xf32, #tpu.memory_space<hbm>> -> memref<80x64xf32, #tpu.memory_space<hbm>>
        %dma_wait3A_56 = arith.constant 0 : i32
        %dma_wait3A_57 = tpu.memref_slice %arg6[%add3A_45, %dma_wait3A_56] : memref<320000x64xf32, #tpu.memory_space<hbm>> -> memref<80x64xf32, #tpu.memory_space<hbm>>
        tpu.wait_dma2 semaphore(%run_scoped3A : memref<!tpu.dma_semaphore, #tpu.memory_space<semaphore_mem>>) src(%arg12 : memref<80x64xf32, #tpu.memory_space<vmem>>) dst(%dma_wait3A_57 : memref<80x64xf32, #tpu.memory_space<hbm>>)
        tpu.yield
      }) : () -> ()
      "tpu.region"() ({
        %run_scoped3A = tpu.sem_alloc : memref<!tpu.dma_semaphore, #tpu.memory_space<semaphore_mem>>
        %dma_start3A = arith.constant 0 : i32
        %dma_start3A_52 = arith.constant 0 : i32
        %dma_start3A_53 = tpu.memref_slice %arg13[%dma_start3A, %dma_start3A_52] : memref<10000x128xf32, #tpu.memory_space<vmem_shared>> -> memref<10000x128xf32, #tpu.memory_space<vmem_shared>>
        tpu.enqueue_indirect_dma source(%arg10 : memref<80x128xf32, #tpu.memory_space<vmem>>) target(%dma_start3A_53 : memref<10000x128xf32, #tpu.memory_space<vmem_shared>>) offsets(%arg9 : memref<80xi32, #tpu.memory_space<vmem>>) semaphore(%run_scoped3A : memref<!tpu.dma_semaphore, #tpu.memory_space<semaphore_mem>>) {add = true}
        %dma_wait3A = arith.constant 0 : i32
        %dma_wait3A_54 = arith.constant 0 : i32
        %dma_wait3A_55 = tpu.memref_slice %arg13[%dma_wait3A, %dma_wait3A_54] : memref<10000x128xf32, #tpu.memory_space<vmem_shared>> -> memref<10000x128xf32, #tpu.memory_space<vmem_shared>>
        tpu.wait_indirect_dma semaphore(%run_scoped3A : memref<!tpu.dma_semaphore, #tpu.memory_space<semaphore_mem>>) src(%arg10 : memref<80x128xf32, #tpu.memory_space<vmem>>) dst(%dma_wait3A_55 : memref<10000x128xf32, #tpu.memory_space<vmem_shared>>)
        tpu.yield
      }) : () -> ()
    }
    %scan3A_33 = arith.constant 125 : i32
    %barrier3A_34 = arith.constant 0 : index
    tpu.barrier barrier_id(%barrier3A_34)
    %mul3A_35 = arith.constant 624 : i32
    %mul3A_36 = arith.muli %arg1, %mul3A_35 : i32
    "tpu.region"() ({
      %run_scoped3A = tpu.sem_alloc : memref<!tpu.dma_semaphore, #tpu.memory_space<semaphore_mem>>
      %dma_start3A = arith.constant 0 : i32
      %dma_start3A_42 = tpu.memref_slice %arg7[%arg0, %mul3A_36, %dma_start3A] : memref<2x10000x128xf32, #tpu.memory_space<hbm>> -> memref<1x624x128xf32, #tpu.memory_space<hbm>>
      %dma_start3A_43 = tpu.memref_squeeze %dma_start3A_42 : memref<1x624x128xf32, #tpu.memory_space<hbm>> -> memref<624x128xf32, #tpu.memory_space<hbm>>
      %dma_start3A_44 = arith.constant 0 : i32
      %dma_start3A_45 = tpu.memref_slice %arg13[%mul3A_36, %dma_start3A_44] : memref<10000x128xf32, #tpu.memory_space<vmem_shared>> -> memref<624x128xf32, #tpu.memory_space<vmem_shared>>
      tpu.enqueue_dma source(%dma_start3A_45 : memref<624x128xf32, #tpu.memory_space<vmem_shared>>) target(%dma_start3A_43 : memref<624x128xf32, #tpu.memory_space<hbm>>) target_semaphore(%run_scoped3A : memref<!tpu.dma_semaphore, #tpu.memory_space<semaphore_mem>>)
      %dma_wait3A = arith.constant 0 : i32
      %dma_wait3A_46 = tpu.memref_slice %arg7[%arg0, %mul3A_36, %dma_wait3A] : memref<2x10000x128xf32, #tpu.memory_space<hbm>> -> memref<1x624x128xf32, #tpu.memory_space<hbm>>
      %dma_wait3A_47 = tpu.memref_squeeze %dma_wait3A_46 : memref<1x624x128xf32, #tpu.memory_space<hbm>> -> memref<624x128xf32, #tpu.memory_space<hbm>>
      %dma_wait3A_48 = arith.constant 0 : i32
      %dma_wait3A_49 = tpu.memref_slice %arg13[%mul3A_36, %dma_wait3A_48] : memref<10000x128xf32, #tpu.memory_space<vmem_shared>> -> memref<624x128xf32, #tpu.memory_space<vmem_shared>>
      tpu.wait_dma2 semaphore(%run_scoped3A : memref<!tpu.dma_semaphore, #tpu.memory_space<semaphore_mem>>) src(%dma_wait3A_49 : memref<624x128xf32, #tpu.memory_space<vmem_shared>>) dst(%dma_wait3A_47 : memref<624x128xf32, #tpu.memory_space<hbm>>)
      tpu.yield
    }) : () -> ()
    %eq3A_37 = arith.constant 15 : i32
    %eq3A_38 = arith.cmpi eq, %arg1, %eq3A_37 : i32
    %convert_element_type3A_39 = arith.extui %eq3A_38 : i1 to i32
    %cond3A_40 = arith.constant 0 : i32
    %cond3A_41 = arith.cmpi ne, %convert_element_type3A_39, %cond3A_40 : i32
    scf.if %cond3A_41 {
      "tpu.region"() ({
        %run_scoped3A = tpu.sem_alloc : memref<!tpu.dma_semaphore, #tpu.memory_space<semaphore_mem>>
        %dma_start3A = arith.constant 9984 : i32
        %dma_start3A_42 = arith.constant 0 : i32
        %dma_start3A_43 = tpu.memref_slice %arg7[%arg0, %dma_start3A, %dma_start3A_42] : memref<2x10000x128xf32, #tpu.memory_space<hbm>> -> memref<1x16x128xf32, #tpu.memory_space<hbm>>
        %dma_start3A_44 = tpu.memref_squeeze %dma_start3A_43 : memref<1x16x128xf32, #tpu.memory_space<hbm>> -> memref<16x128xf32, #tpu.memory_space<hbm>>
        %dma_start3A_45 = arith.constant 9984 : i32
        %dma_start3A_46 = arith.constant 0 : i32
        %dma_start3A_47 = tpu.memref_slice %arg13[%dma_start3A_45, %dma_start3A_46] : memref<10000x128xf32, #tpu.memory_space<vmem_shared>> -> memref<16x128xf32, #tpu.memory_space<vmem_shared>>
        tpu.enqueue_dma source(%dma_start3A_47 : memref<16x128xf32, #tpu.memory_space<vmem_shared>>) target(%dma_start3A_44 : memref<16x128xf32, #tpu.memory_space<hbm>>) target_semaphore(%run_scoped3A : memref<!tpu.dma_semaphore, #tpu.memory_space<semaphore_mem>>)
        %dma_wait3A = arith.constant 9984 : i32
        %dma_wait3A_48 = arith.constant 0 : i32
        %dma_wait3A_49 = tpu.memref_slice %arg7[%arg0, %dma_wait3A, %dma_wait3A_48] : memref<2x10000x128xf32, #tpu.memory_space<hbm>> -> memref<1x16x128xf32, #tpu.memory_space<hbm>>
        %dma_wait3A_50 = tpu.memref_squeeze %dma_wait3A_49 : memref<1x16x128xf32, #tpu.memory_space<hbm>> -> memref<16x128xf32, #tpu.memory_space<hbm>>
        %dma_wait3A_51 = arith.constant 9984 : i32
        %dma_wait3A_52 = arith.constant 0 : i32
        %dma_wait3A_53 = tpu.memref_slice %arg13[%dma_wait3A_51, %dma_wait3A_52] : memref<10000x128xf32, #tpu.memory_space<vmem_shared>> -> memref<16x128xf32, #tpu.memory_space<vmem_shared>>
        tpu.wait_dma2 semaphore(%run_scoped3A : memref<!tpu.dma_semaphore, #tpu.memory_space<semaphore_mem>>) src(%dma_wait3A_53 : memref<16x128xf32, #tpu.memory_space<vmem_shared>>) dst(%dma_wait3A_50 : memref<16x128xf32, #tpu.memory_space<hbm>>)
        tpu.yield
      }) : () -> ()
    } else {
    }
    return
  }
}

#map = affine_map<(d0, d1) -> (0, 0)>
#map1 = affine_map<(d0, d1) -> (0)>
module attributes {stable_mosaic.version = 14 : i64} {
  func.func @_sc_round_body(%arg0: i32, %arg1: i32, %arg2: memref<10000x128xf32, #tpu.memory_space<hbm>>, %arg3: memref<320000x64xf32, #tpu.memory_space<hbm>>, %arg4: memref<320000xi32, #tpu.memory_space<hbm>>, %arg5: memref<320000xi32, #tpu.memory_space<hbm>>, %arg6: memref<320000x64xf32, #tpu.memory_space<hbm>>, %arg7: memref<80xi32, #tpu.memory_space<vmem>>, %arg8: memref<80xi32, #tpu.memory_space<vmem>>, %arg9: memref<80x128xf32, #tpu.memory_space<vmem>>, %arg10: memref<80x128xf32, #tpu.memory_space<vmem>>, %arg11: memref<80x64xf32, #tpu.memory_space<vmem>>) attributes {dimension_semantics = [#tpu.dimension_semantics<core_parallel>, #tpu.dimension_semantics<subcore_parallel>], iteration_bounds = array<i64: 2, 16>, scalar_prefetch = 0 : i64, scratch_operands = 5 : i64, tpu.core_type = #tpu.core_type<sc_vector_subcore>, window_params = [{transform_indices = #map}, {transform_indices = #map}, {transform_indices = #map1}, {transform_indices = #map1}, {transform_indices = #map}]} {
    %mul3A = arith.constant 2 : i32
    %mul3A_0 = arith.muli %arg1, %mul3A : i32
    %add3A = arith.addi %mul3A_0, %arg0 : i32
    %mul3A_1 = arith.constant 10000 : i32
    %mul3A_2 = arith.muli %add3A, %mul3A_1 : i32
    %scan3A = arith.constant 0 : i32
    %scan3A_3 = arith.constant 0 : i32
    %scan3A_4 = arith.constant 125 : i32
    %scan3A_5 = arith.addi %scan3A_3, %scan3A_4 : i32
    %scan3A_6 = arith.constant 1 : i32
    scf.for %scan3A_8 = %scan3A_3 to %scan3A_5 step %scan3A_6  : i32 {
      %mul3A_9 = arith.constant 80 : i32
      %mul3A_10 = arith.muli %scan3A_8, %mul3A_9 : i32
      %add3A_11 = arith.addi %mul3A_2, %mul3A_10 : i32
      "tpu.region"() ({
        %run_scoped3A = tpu.sem_alloc : memref<!tpu.dma_semaphore, #tpu.memory_space<semaphore_mem>>
        %dma_start3A = tpu.memref_slice %arg4[%add3A_11] : memref<320000xi32, #tpu.memory_space<hbm>> -> memref<80xi32, #tpu.memory_space<hbm>>
        %dma_start3A_18 = tpu.memref_slice %arg4[%add3A_11] : memref<320000xi32, #tpu.memory_space<hbm>> -> memref<80xi32, #tpu.memory_space<hbm>>
        tpu.enqueue_dma source(%dma_start3A_18 : memref<80xi32, #tpu.memory_space<hbm>>) target(%arg7 : memref<80xi32, #tpu.memory_space<vmem>>) target_semaphore(%run_scoped3A : memref<!tpu.dma_semaphore, #tpu.memory_space<semaphore_mem>>)
        %dma_wait3A = tpu.memref_slice %arg4[%add3A_11] : memref<320000xi32, #tpu.memory_space<hbm>> -> memref<80xi32, #tpu.memory_space<hbm>>
        %dma_wait3A_19 = tpu.memref_slice %arg4[%add3A_11] : memref<320000xi32, #tpu.memory_space<hbm>> -> memref<80xi32, #tpu.memory_space<hbm>>
        tpu.wait_dma2 semaphore(%run_scoped3A : memref<!tpu.dma_semaphore, #tpu.memory_space<semaphore_mem>>) src(%dma_wait3A_19 : memref<80xi32, #tpu.memory_space<hbm>>) dst(%arg7 : memref<80xi32, #tpu.memory_space<vmem>>)
        tpu.yield
      }) : () -> ()
      "tpu.region"() ({
        %run_scoped3A = tpu.sem_alloc : memref<!tpu.dma_semaphore, #tpu.memory_space<semaphore_mem>>
        %dma_start3A = tpu.memref_slice %arg5[%add3A_11] : memref<320000xi32, #tpu.memory_space<hbm>> -> memref<80xi32, #tpu.memory_space<hbm>>
        %dma_start3A_18 = tpu.memref_slice %arg5[%add3A_11] : memref<320000xi32, #tpu.memory_space<hbm>> -> memref<80xi32, #tpu.memory_space<hbm>>
        tpu.enqueue_dma source(%dma_start3A_18 : memref<80xi32, #tpu.memory_space<hbm>>) target(%arg8 : memref<80xi32, #tpu.memory_space<vmem>>) target_semaphore(%run_scoped3A : memref<!tpu.dma_semaphore, #tpu.memory_space<semaphore_mem>>)
        %dma_wait3A = tpu.memref_slice %arg5[%add3A_11] : memref<320000xi32, #tpu.memory_space<hbm>> -> memref<80xi32, #tpu.memory_space<hbm>>
        %dma_wait3A_19 = tpu.memref_slice %arg5[%add3A_11] : memref<320000xi32, #tpu.memory_space<hbm>> -> memref<80xi32, #tpu.memory_space<hbm>>
        tpu.wait_dma2 semaphore(%run_scoped3A : memref<!tpu.dma_semaphore, #tpu.memory_space<semaphore_mem>>) src(%dma_wait3A_19 : memref<80xi32, #tpu.memory_space<hbm>>) dst(%arg8 : memref<80xi32, #tpu.memory_space<vmem>>)
        tpu.yield
      }) : () -> ()
      "tpu.region"() ({
        %run_scoped3A = tpu.sem_alloc : memref<!tpu.dma_semaphore, #tpu.memory_space<semaphore_mem>>
        %dma_start3A = arith.constant 0 : i32
        %dma_start3A_18 = tpu.memref_slice %arg3[%add3A_11, %dma_start3A] : memref<320000x64xf32, #tpu.memory_space<hbm>> -> memref<80x64xf32, #tpu.memory_space<hbm>>
        %dma_start3A_19 = arith.constant 0 : i32
        %dma_start3A_20 = tpu.memref_slice %arg3[%add3A_11, %dma_start3A_19] : memref<320000x64xf32, #tpu.memory_space<hbm>> -> memref<80x64xf32, #tpu.memory_space<hbm>>
        tpu.enqueue_dma source(%dma_start3A_20 : memref<80x64xf32, #tpu.memory_space<hbm>>) target(%arg11 : memref<80x64xf32, #tpu.memory_space<vmem>>) target_semaphore(%run_scoped3A : memref<!tpu.dma_semaphore, #tpu.memory_space<semaphore_mem>>)
        %dma_wait3A = arith.constant 0 : i32
        %dma_wait3A_21 = tpu.memref_slice %arg3[%add3A_11, %dma_wait3A] : memref<320000x64xf32, #tpu.memory_space<hbm>> -> memref<80x64xf32, #tpu.memory_space<hbm>>
        %dma_wait3A_22 = arith.constant 0 : i32
        %dma_wait3A_23 = tpu.memref_slice %arg3[%add3A_11, %dma_wait3A_22] : memref<320000x64xf32, #tpu.memory_space<hbm>> -> memref<80x64xf32, #tpu.memory_space<hbm>>
        tpu.wait_dma2 semaphore(%run_scoped3A : memref<!tpu.dma_semaphore, #tpu.memory_space<semaphore_mem>>) src(%dma_wait3A_23 : memref<80x64xf32, #tpu.memory_space<hbm>>) dst(%arg11 : memref<80x64xf32, #tpu.memory_space<vmem>>)
        tpu.yield
      }) : () -> ()
      "tpu.region"() ({
        %run_scoped3A = tpu.sem_alloc : memref<!tpu.dma_semaphore, #tpu.memory_space<semaphore_mem>>
        %dma_start3A = arith.constant 0 : i32
        %dma_start3A_18 = arith.constant 0 : i32
        %dma_start3A_19 = tpu.memref_slice %arg2[%dma_start3A, %dma_start3A_18] : memref<10000x128xf32, #tpu.memory_space<hbm>> -> memref<10000x128xf32, #tpu.memory_space<hbm>>
        tpu.enqueue_indirect_dma source(%dma_start3A_19 : memref<10000x128xf32, #tpu.memory_space<hbm>>) target(%arg9 : memref<80x128xf32, #tpu.memory_space<vmem>>) offsets(%arg7 : memref<80xi32, #tpu.memory_space<vmem>>) semaphore(%run_scoped3A : memref<!tpu.dma_semaphore, #tpu.memory_space<semaphore_mem>>)
        %dma_wait3A = arith.constant 0 : i32
        %dma_wait3A_20 = arith.constant 0 : i32
        %dma_wait3A_21 = tpu.memref_slice %arg2[%dma_wait3A, %dma_wait3A_20] : memref<10000x128xf32, #tpu.memory_space<hbm>> -> memref<10000x128xf32, #tpu.memory_space<hbm>>
        tpu.wait_indirect_dma semaphore(%run_scoped3A : memref<!tpu.dma_semaphore, #tpu.memory_space<semaphore_mem>>) src(%dma_wait3A_21 : memref<10000x128xf32, #tpu.memory_space<hbm>>) dst(%arg9 : memref<80x128xf32, #tpu.memory_space<vmem>>)
        tpu.yield
      }) : () -> ()
      "tpu.region"() ({
        %run_scoped3A = tpu.sem_alloc : memref<!tpu.dma_semaphore, #tpu.memory_space<semaphore_mem>>
        %dma_start3A = arith.constant 0 : i32
        %dma_start3A_18 = arith.constant 0 : i32
        %dma_start3A_19 = tpu.memref_slice %arg2[%dma_start3A, %dma_start3A_18] : memref<10000x128xf32, #tpu.memory_space<hbm>> -> memref<10000x128xf32, #tpu.memory_space<hbm>>
        tpu.enqueue_indirect_dma source(%dma_start3A_19 : memref<10000x128xf32, #tpu.memory_space<hbm>>) target(%arg10 : memref<80x128xf32, #tpu.memory_space<vmem>>) offsets(%arg8 : memref<80xi32, #tpu.memory_space<vmem>>) semaphore(%run_scoped3A : memref<!tpu.dma_semaphore, #tpu.memory_space<semaphore_mem>>)
        %dma_wait3A = arith.constant 0 : i32
        %dma_wait3A_20 = arith.constant 0 : i32
        %dma_wait3A_21 = tpu.memref_slice %arg2[%dma_wait3A, %dma_wait3A_20] : memref<10000x128xf32, #tpu.memory_space<hbm>> -> memref<10000x128xf32, #tpu.memory_space<hbm>>
        tpu.wait_indirect_dma semaphore(%run_scoped3A : memref<!tpu.dma_semaphore, #tpu.memory_space<semaphore_mem>>) src(%dma_wait3A_21 : memref<10000x128xf32, #tpu.memory_space<hbm>>) dst(%arg10 : memref<80x128xf32, #tpu.memory_space<vmem>>)
        tpu.yield
      }) : () -> ()
      %scan3A_12 = arith.constant 0 : i32
      %scan3A_13 = arith.constant 0 : i32
      %scan3A_14 = arith.constant 80 : i32
      %scan3A_15 = arith.addi %scan3A_13, %scan3A_14 : i32
      %scan3A_16 = arith.constant 1 : i32
      scf.for %scan3A_18 = %scan3A_13 to %scan3A_15 step %scan3A_16  : i32 {
        %get3A = arith.index_cast %scan3A_18 : i32 to index
        %get3A_19 = arith.constant 0 : index
        %get3A_20 = tpu.vector_load %arg9[%get3A, %get3A_19] {strides = array<i32>} : memref<80x128xf32, #tpu.memory_space<vmem>>, vector<1x16xf32>,
        %get3A_21 = vector.shape_cast %get3A_20 : vector<1x16xf32> to vector<16xf32>
        %get3A_22 = arith.index_cast %scan3A_18 : i32 to index
        %get3A_23 = arith.constant 64 : index
        %get3A_24 = tpu.vector_load %arg10[%get3A_22, %get3A_23] {strides = array<i32>} : memref<80x128xf32, #tpu.memory_space<vmem>>, vector<1x16xf32>,
        %get3A_25 = vector.shape_cast %get3A_24 : vector<1x16xf32> to vector<16xf32>
        %add3A_26 = arith.addf %get3A_21, %get3A_25 : vector<16xf32>
        %get3A_27 = arith.index_cast %scan3A_18 : i32 to index
        %get3A_28 = arith.constant 0 : index
        %get3A_29 = tpu.vector_load %arg11[%get3A_27, %get3A_28] {strides = array<i32>} : memref<80x64xf32, #tpu.memory_space<vmem>>, vector<1x16xf32>,
        %get3A_30 = vector.shape_cast %get3A_29 : vector<1x16xf32> to vector<16xf32>
        %add3A_31 = arith.addf %add3A_26, %get3A_30 : vector<16xf32>
        %max3A = arith.constant 0.000000e+00 : f32
        %max3A_32 = vector.broadcast %max3A : f32 to vector<16xf32>
        %max3A_33 = arith.maximumf %add3A_31, %max3A_32 : vector<16xf32>
        %swap3A = arith.index_cast %scan3A_18 : i32 to index
        %swap3A_34 = arith.constant 0 : index
        %swap3A_35 = tpu.vector_load %arg11[%swap3A, %swap3A_34] {strides = array<i32>} : memref<80x64xf32, #tpu.memory_space<vmem>>, vector<1x16xf32>,
        %swap3A_36 = vector.shape_cast %swap3A_35 : vector<1x16xf32> to vector<16xf32>
        %swap3A_37 = vector.shape_cast %max3A_33 : vector<16xf32> to vector<1x16xf32>
        tpu.vector_store %arg11[%swap3A, %swap3A_34], %swap3A_37 {strides = array<i32>} : memref<80x64xf32, #tpu.memory_space<vmem>>, vector<1x16xf32>,
        %get3A_38 = arith.index_cast %scan3A_18 : i32 to index
        %get3A_39 = arith.constant 16 : index
        %get3A_40 = tpu.vector_load %arg9[%get3A_38, %get3A_39] {strides = array<i32>} : memref<80x128xf32, #tpu.memory_space<vmem>>, vector<1x16xf32>,
        %get3A_41 = vector.shape_cast %get3A_40 : vector<1x16xf32> to vector<16xf32>
        %get3A_42 = arith.index_cast %scan3A_18 : i32 to index
        %get3A_43 = arith.constant 80 : index
        %get3A_44 = tpu.vector_load %arg10[%get3A_42, %get3A_43] {strides = array<i32>} : memref<80x128xf32, #tpu.memory_space<vmem>>, vector<1x16xf32>,
        %get3A_45 = vector.shape_cast %get3A_44 : vector<1x16xf32> to vector<16xf32>
        %add3A_46 = arith.addf %get3A_41, %get3A_45 : vector<16xf32>
        %get3A_47 = arith.index_cast %scan3A_18 : i32 to index
        %get3A_48 = arith.constant 16 : index
        %get3A_49 = tpu.vector_load %arg11[%get3A_47, %get3A_48] {strides = array<i32>} : memref<80x64xf32, #tpu.memory_space<vmem>>, vector<1x16xf32>,
        %get3A_50 = vector.shape_cast %get3A_49 : vector<1x16xf32> to vector<16xf32>
        %add3A_51 = arith.addf %add3A_46, %get3A_50 : vector<16xf32>
        %max3A_52 = arith.constant 0.000000e+00 : f32
        %max3A_53 = vector.broadcast %max3A_52 : f32 to vector<16xf32>
        %max3A_54 = arith.maximumf %add3A_51, %max3A_53 : vector<16xf32>
        %swap3A_55 = arith.index_cast %scan3A_18 : i32 to index
        %swap3A_56 = arith.constant 16 : index
        %swap3A_57 = tpu.vector_load %arg11[%swap3A_55, %swap3A_56] {strides = array<i32>} : memref<80x64xf32, #tpu.memory_space<vmem>>, vector<1x16xf32>,
        %swap3A_58 = vector.shape_cast %swap3A_57 : vector<1x16xf32> to vector<16xf32>
        %swap3A_59 = vector.shape_cast %max3A_54 : vector<16xf32> to vector<1x16xf32>
        tpu.vector_store %arg11[%swap3A_55, %swap3A_56], %swap3A_59 {strides = array<i32>} : memref<80x64xf32, #tpu.memory_space<vmem>>, vector<1x16xf32>,
        %get3A_60 = arith.index_cast %scan3A_18 : i32 to index
        %get3A_61 = arith.constant 32 : index
        %get3A_62 = tpu.vector_load %arg9[%get3A_60, %get3A_61] {strides = array<i32>} : memref<80x128xf32, #tpu.memory_space<vmem>>, vector<1x16xf32>,
        %get3A_63 = vector.shape_cast %get3A_62 : vector<1x16xf32> to vector<16xf32>
        %get3A_64 = arith.index_cast %scan3A_18 : i32 to index
        %get3A_65 = arith.constant 96 : index
        %get3A_66 = tpu.vector_load %arg10[%get3A_64, %get3A_65] {strides = array<i32>} : memref<80x128xf32, #tpu.memory_space<vmem>>, vector<1x16xf32>,
        %get3A_67 = vector.shape_cast %get3A_66 : vector<1x16xf32> to vector<16xf32>
        %add3A_68 = arith.addf %get3A_63, %get3A_67 : vector<16xf32>
        %get3A_69 = arith.index_cast %scan3A_18 : i32 to index
        %get3A_70 = arith.constant 32 : index
        %get3A_71 = tpu.vector_load %arg11[%get3A_69, %get3A_70] {strides = array<i32>} : memref<80x64xf32, #tpu.memory_space<vmem>>, vector<1x16xf32>,
        %get3A_72 = vector.shape_cast %get3A_71 : vector<1x16xf32> to vector<16xf32>
        %add3A_73 = arith.addf %add3A_68, %get3A_72 : vector<16xf32>
        %max3A_74 = arith.constant 0.000000e+00 : f32
        %max3A_75 = vector.broadcast %max3A_74 : f32 to vector<16xf32>
        %max3A_76 = arith.maximumf %add3A_73, %max3A_75 : vector<16xf32>
        %swap3A_77 = arith.index_cast %scan3A_18 : i32 to index
        %swap3A_78 = arith.constant 32 : index
        %swap3A_79 = tpu.vector_load %arg11[%swap3A_77, %swap3A_78] {strides = array<i32>} : memref<80x64xf32, #tpu.memory_space<vmem>>, vector<1x16xf32>,
        %swap3A_80 = vector.shape_cast %swap3A_79 : vector<1x16xf32> to vector<16xf32>
        %swap3A_81 = vector.shape_cast %max3A_76 : vector<16xf32> to vector<1x16xf32>
        tpu.vector_store %arg11[%swap3A_77, %swap3A_78], %swap3A_81 {strides = array<i32>} : memref<80x64xf32, #tpu.memory_space<vmem>>, vector<1x16xf32>,
        %get3A_82 = arith.index_cast %scan3A_18 : i32 to index
        %get3A_83 = arith.constant 48 : index
        %get3A_84 = tpu.vector_load %arg9[%get3A_82, %get3A_83] {strides = array<i32>} : memref<80x128xf32, #tpu.memory_space<vmem>>, vector<1x16xf32>,
        %get3A_85 = vector.shape_cast %get3A_84 : vector<1x16xf32> to vector<16xf32>
        %get3A_86 = arith.index_cast %scan3A_18 : i32 to index
        %get3A_87 = arith.constant 112 : index
        %get3A_88 = tpu.vector_load %arg10[%get3A_86, %get3A_87] {strides = array<i32>} : memref<80x128xf32, #tpu.memory_space<vmem>>, vector<1x16xf32>,
        %get3A_89 = vector.shape_cast %get3A_88 : vector<1x16xf32> to vector<16xf32>
        %add3A_90 = arith.addf %get3A_85, %get3A_89 : vector<16xf32>
        %get3A_91 = arith.index_cast %scan3A_18 : i32 to index
        %get3A_92 = arith.constant 48 : index
        %get3A_93 = tpu.vector_load %arg11[%get3A_91, %get3A_92] {strides = array<i32>} : memref<80x64xf32, #tpu.memory_space<vmem>>, vector<1x16xf32>,
        %get3A_94 = vector.shape_cast %get3A_93 : vector<1x16xf32> to vector<16xf32>
        %add3A_95 = arith.addf %add3A_90, %get3A_94 : vector<16xf32>
        %max3A_96 = arith.constant 0.000000e+00 : f32
        %max3A_97 = vector.broadcast %max3A_96 : f32 to vector<16xf32>
        %max3A_98 = arith.maximumf %add3A_95, %max3A_97 : vector<16xf32>
        %swap3A_99 = arith.index_cast %scan3A_18 : i32 to index
        %swap3A_100 = arith.constant 48 : index
        %swap3A_101 = tpu.vector_load %arg11[%swap3A_99, %swap3A_100] {strides = array<i32>} : memref<80x64xf32, #tpu.memory_space<vmem>>, vector<1x16xf32>,
        %swap3A_102 = vector.shape_cast %swap3A_101 : vector<1x16xf32> to vector<16xf32>
        %swap3A_103 = vector.shape_cast %max3A_98 : vector<16xf32> to vector<1x16xf32>
        tpu.vector_store %arg11[%swap3A_99, %swap3A_100], %swap3A_103 {strides = array<i32>} : memref<80x64xf32, #tpu.memory_space<vmem>>, vector<1x16xf32>,
      }
      %scan3A_17 = arith.constant 80 : i32
      "tpu.region"() ({
        %run_scoped3A = tpu.sem_alloc : memref<!tpu.dma_semaphore, #tpu.memory_space<semaphore_mem>>
        %dma_start3A = arith.constant 0 : i32
        %dma_start3A_18 = tpu.memref_slice %arg6[%add3A_11, %dma_start3A] : memref<320000x64xf32, #tpu.memory_space<hbm>> -> memref<80x64xf32, #tpu.memory_space<hbm>>
        %dma_start3A_19 = arith.constant 0 : i32
        %dma_start3A_20 = tpu.memref_slice %arg6[%add3A_11, %dma_start3A_19] : memref<320000x64xf32, #tpu.memory_space<hbm>> -> memref<80x64xf32, #tpu.memory_space<hbm>>
        tpu.enqueue_dma source(%arg11 : memref<80x64xf32, #tpu.memory_space<vmem>>) target(%dma_start3A_20 : memref<80x64xf32, #tpu.memory_space<hbm>>) target_semaphore(%run_scoped3A : memref<!tpu.dma_semaphore, #tpu.memory_space<semaphore_mem>>)
        %dma_wait3A = arith.constant 0 : i32
        %dma_wait3A_21 = tpu.memref_slice %arg6[%add3A_11, %dma_wait3A] : memref<320000x64xf32, #tpu.memory_space<hbm>> -> memref<80x64xf32, #tpu.memory_space<hbm>>
        %dma_wait3A_22 = arith.constant 0 : i32
        %dma_wait3A_23 = tpu.memref_slice %arg6[%add3A_11, %dma_wait3A_22] : memref<320000x64xf32, #tpu.memory_space<hbm>> -> memref<80x64xf32, #tpu.memory_space<hbm>>
        tpu.wait_dma2 semaphore(%run_scoped3A : memref<!tpu.dma_semaphore, #tpu.memory_space<semaphore_mem>>) src(%arg11 : memref<80x64xf32, #tpu.memory_space<vmem>>) dst(%dma_wait3A_23 : memref<80x64xf32, #tpu.memory_space<hbm>>)
        tpu.yield
      }) : () -> ()
    }
    %scan3A_7 = arith.constant 125 : i32
    return
  }
}

#map = affine_map<(d0, d1) -> (0, 0)>
#map1 = affine_map<(d0, d1) -> (0)>
#map2 = affine_map<(d0, d1) -> (0, 0, 0)>
module attributes {stable_mosaic.version = 14 : i64} {
  func.func @_sc_round_body(%arg0: i32, %arg1: i32, %arg2: memref<10000x128xf32, #tpu.memory_space<hbm>>, %arg3: memref<320000x64xf32, #tpu.memory_space<hbm>>, %arg4: memref<320000xi32, #tpu.memory_space<hbm>>, %arg5: memref<320000xi32, #tpu.memory_space<hbm>>, %arg6: memref<320000x64xf32, #tpu.memory_space<hbm>>, %arg7: memref<2x10000x128xf32, #tpu.memory_space<hbm>>, %arg8: memref<80xi32, #tpu.memory_space<vmem>>, %arg9: memref<80xi32, #tpu.memory_space<vmem>>, %arg10: memref<80x128xf32, #tpu.memory_space<vmem>>, %arg11: memref<80x128xf32, #tpu.memory_space<vmem>>, %arg12: memref<80x64xf32, #tpu.memory_space<vmem>>, %arg13: memref<10000x128xf32, #tpu.memory_space<vmem_shared>>) attributes {dimension_semantics = [#tpu.dimension_semantics<core_parallel>, #tpu.dimension_semantics<subcore_parallel>], iteration_bounds = array<i64: 2, 16>, scalar_prefetch = 0 : i64, scratch_operands = 6 : i64, tpu.core_type = #tpu.core_type<sc_vector_subcore>, window_params = [{transform_indices = #map}, {transform_indices = #map}, {transform_indices = #map1}, {transform_indices = #map1}, {transform_indices = #map}, {transform_indices = #map2}]} {
    %mul3A = arith.constant 2 : i32
    %mul3A_0 = arith.muli %arg1, %mul3A : i32
    %add3A = arith.addi %mul3A_0, %arg0 : i32
    %mul3A_1 = arith.constant 10000 : i32
    %mul3A_2 = arith.muli %add3A, %mul3A_1 : i32
    %scan3A = arith.constant 0 : i32
    %scan3A_3 = arith.constant 0 : i32
    %scan3A_4 = arith.constant 80 : i32
    %scan3A_5 = arith.addi %scan3A_3, %scan3A_4 : i32
    %scan3A_6 = arith.constant 1 : i32
    scf.for %scan3A_42 = %scan3A_3 to %scan3A_5 step %scan3A_6  : i32 {
      %broadcast_in_dim3A = arith.constant 0.000000e+00 : f32
      %broadcast_in_dim3A_43 = vector.broadcast %broadcast_in_dim3A : f32 to vector<16xf32>
      %swap3A = arith.index_cast %scan3A_42 : i32 to index
      %swap3A_44 = arith.constant 0 : index
      %swap3A_45 = tpu.vector_load %arg10[%swap3A, %swap3A_44] {strides = array<i32>} : memref<80x128xf32, #tpu.memory_space<vmem>>, vector<1x16xf32>,
      %swap3A_46 = vector.shape_cast %swap3A_45 : vector<1x16xf32> to vector<16xf32>
      %swap3A_47 = vector.shape_cast %broadcast_in_dim3A_43 : vector<16xf32> to vector<1x16xf32>
      tpu.vector_store %arg10[%swap3A, %swap3A_44], %swap3A_47 {strides = array<i32>} : memref<80x128xf32, #tpu.memory_space<vmem>>, vector<1x16xf32>,
      %broadcast_in_dim3A_48 = arith.constant 0.000000e+00 : f32
      %broadcast_in_dim3A_49 = vector.broadcast %broadcast_in_dim3A_48 : f32 to vector<16xf32>
      %swap3A_50 = arith.index_cast %scan3A_42 : i32 to index
      %swap3A_51 = arith.constant 16 : index
      %swap3A_52 = tpu.vector_load %arg10[%swap3A_50, %swap3A_51] {strides = array<i32>} : memref<80x128xf32, #tpu.memory_space<vmem>>, vector<1x16xf32>,
      %swap3A_53 = vector.shape_cast %swap3A_52 : vector<1x16xf32> to vector<16xf32>
      %swap3A_54 = vector.shape_cast %broadcast_in_dim3A_49 : vector<16xf32> to vector<1x16xf32>
      tpu.vector_store %arg10[%swap3A_50, %swap3A_51], %swap3A_54 {strides = array<i32>} : memref<80x128xf32, #tpu.memory_space<vmem>>, vector<1x16xf32>,
      %broadcast_in_dim3A_55 = arith.constant 0.000000e+00 : f32
      %broadcast_in_dim3A_56 = vector.broadcast %broadcast_in_dim3A_55 : f32 to vector<16xf32>
      %swap3A_57 = arith.index_cast %scan3A_42 : i32 to index
      %swap3A_58 = arith.constant 32 : index
      %swap3A_59 = tpu.vector_load %arg10[%swap3A_57, %swap3A_58] {strides = array<i32>} : memref<80x128xf32, #tpu.memory_space<vmem>>, vector<1x16xf32>,
      %swap3A_60 = vector.shape_cast %swap3A_59 : vector<1x16xf32> to vector<16xf32>
      %swap3A_61 = vector.shape_cast %broadcast_in_dim3A_56 : vector<16xf32> to vector<1x16xf32>
      tpu.vector_store %arg10[%swap3A_57, %swap3A_58], %swap3A_61 {strides = array<i32>} : memref<80x128xf32, #tpu.memory_space<vmem>>, vector<1x16xf32>,
      %broadcast_in_dim3A_62 = arith.constant 0.000000e+00 : f32
      %broadcast_in_dim3A_63 = vector.broadcast %broadcast_in_dim3A_62 : f32 to vector<16xf32>
      %swap3A_64 = arith.index_cast %scan3A_42 : i32 to index
      %swap3A_65 = arith.constant 48 : index
      %swap3A_66 = tpu.vector_load %arg10[%swap3A_64, %swap3A_65] {strides = array<i32>} : memref<80x128xf32, #tpu.memory_space<vmem>>, vector<1x16xf32>,
      %swap3A_67 = vector.shape_cast %swap3A_66 : vector<1x16xf32> to vector<16xf32>
      %swap3A_68 = vector.shape_cast %broadcast_in_dim3A_63 : vector<16xf32> to vector<1x16xf32>
      tpu.vector_store %arg10[%swap3A_64, %swap3A_65], %swap3A_68 {strides = array<i32>} : memref<80x128xf32, #tpu.memory_space<vmem>>, vector<1x16xf32>,
      %broadcast_in_dim3A_69 = arith.constant 0.000000e+00 : f32
      %broadcast_in_dim3A_70 = vector.broadcast %broadcast_in_dim3A_69 : f32 to vector<16xf32>
      %swap3A_71 = arith.index_cast %scan3A_42 : i32 to index
      %swap3A_72 = arith.constant 64 : index
      %swap3A_73 = tpu.vector_load %arg10[%swap3A_71, %swap3A_72] {strides = array<i32>} : memref<80x128xf32, #tpu.memory_space<vmem>>, vector<1x16xf32>,
      %swap3A_74 = vector.shape_cast %swap3A_73 : vector<1x16xf32> to vector<16xf32>
      %swap3A_75 = vector.shape_cast %broadcast_in_dim3A_70 : vector<16xf32> to vector<1x16xf32>
      tpu.vector_store %arg10[%swap3A_71, %swap3A_72], %swap3A_75 {strides = array<i32>} : memref<80x128xf32, #tpu.memory_space<vmem>>, vector<1x16xf32>,
      %broadcast_in_dim3A_76 = arith.constant 0.000000e+00 : f32
      %broadcast_in_dim3A_77 = vector.broadcast %broadcast_in_dim3A_76 : f32 to vector<16xf32>
      %swap3A_78 = arith.index_cast %scan3A_42 : i32 to index
      %swap3A_79 = arith.constant 80 : index
      %swap3A_80 = tpu.vector_load %arg10[%swap3A_78, %swap3A_79] {strides = array<i32>} : memref<80x128xf32, #tpu.memory_space<vmem>>, vector<1x16xf32>,
      %swap3A_81 = vector.shape_cast %swap3A_80 : vector<1x16xf32> to vector<16xf32>
      %swap3A_82 = vector.shape_cast %broadcast_in_dim3A_77 : vector<16xf32> to vector<1x16xf32>
      tpu.vector_store %arg10[%swap3A_78, %swap3A_79], %swap3A_82 {strides = array<i32>} : memref<80x128xf32, #tpu.memory_space<vmem>>, vector<1x16xf32>,
      %broadcast_in_dim3A_83 = arith.constant 0.000000e+00 : f32
      %broadcast_in_dim3A_84 = vector.broadcast %broadcast_in_dim3A_83 : f32 to vector<16xf32>
      %swap3A_85 = arith.index_cast %scan3A_42 : i32 to index
      %swap3A_86 = arith.constant 96 : index
      %swap3A_87 = tpu.vector_load %arg10[%swap3A_85, %swap3A_86] {strides = array<i32>} : memref<80x128xf32, #tpu.memory_space<vmem>>, vector<1x16xf32>,
      %swap3A_88 = vector.shape_cast %swap3A_87 : vector<1x16xf32> to vector<16xf32>
      %swap3A_89 = vector.shape_cast %broadcast_in_dim3A_84 : vector<16xf32> to vector<1x16xf32>
      tpu.vector_store %arg10[%swap3A_85, %swap3A_86], %swap3A_89 {strides = array<i32>} : memref<80x128xf32, #tpu.memory_space<vmem>>, vector<1x16xf32>,
      %broadcast_in_dim3A_90 = arith.constant 0.000000e+00 : f32
      %broadcast_in_dim3A_91 = vector.broadcast %broadcast_in_dim3A_90 : f32 to vector<16xf32>
      %swap3A_92 = arith.index_cast %scan3A_42 : i32 to index
      %swap3A_93 = arith.constant 112 : index
      %swap3A_94 = tpu.vector_load %arg10[%swap3A_92, %swap3A_93] {strides = array<i32>} : memref<80x128xf32, #tpu.memory_space<vmem>>, vector<1x16xf32>,
      %swap3A_95 = vector.shape_cast %swap3A_94 : vector<1x16xf32> to vector<16xf32>
      %swap3A_96 = vector.shape_cast %broadcast_in_dim3A_91 : vector<16xf32> to vector<1x16xf32>
      tpu.vector_store %arg10[%swap3A_92, %swap3A_93], %swap3A_96 {strides = array<i32>} : memref<80x128xf32, #tpu.memory_space<vmem>>, vector<1x16xf32>,
    }
    %scan3A_7 = arith.constant 80 : i32
    %mul3A_8 = arith.constant 624 : i32
    %mul3A_9 = arith.muli %arg1, %mul3A_8 : i32
    %add3A_10 = arith.constant 0 : i32
    %add3A_11 = arith.addi %mul3A_9, %add3A_10 : i32
    "tpu.region"() ({
      %run_scoped3A = tpu.sem_alloc : memref<!tpu.dma_semaphore, #tpu.memory_space<semaphore_mem>>
      %dma_start3A = arith.constant 0 : i32
      %dma_start3A_42 = tpu.memref_slice %arg13[%add3A_11, %dma_start3A] : memref<10000x128xf32, #tpu.memory_space<vmem_shared>> -> memref<80x128xf32, #tpu.memory_space<vmem_shared>>
      %dma_start3A_43 = arith.constant 0 : i32
      %dma_start3A_44 = tpu.memref_slice %arg13[%add3A_11, %dma_start3A_43] : memref<10000x128xf32, #tpu.memory_space<vmem_shared>> -> memref<80x128xf32, #tpu.memory_space<vmem_shared>>
      tpu.enqueue_dma source(%arg10 : memref<80x128xf32, #tpu.memory_space<vmem>>) target(%dma_start3A_44 : memref<80x128xf32, #tpu.memory_space<vmem_shared>>) target_semaphore(%run_scoped3A : memref<!tpu.dma_semaphore, #tpu.memory_space<semaphore_mem>>)
      %dma_wait3A = arith.constant 0 : i32
      %dma_wait3A_45 = tpu.memref_slice %arg13[%add3A_11, %dma_wait3A] : memref<10000x128xf32, #tpu.memory_space<vmem_shared>> -> memref<80x128xf32, #tpu.memory_space<vmem_shared>>
      %dma_wait3A_46 = arith.constant 0 : i32
      %dma_wait3A_47 = tpu.memref_slice %arg13[%add3A_11, %dma_wait3A_46] : memref<10000x128xf32, #tpu.memory_space<vmem_shared>> -> memref<80x128xf32, #tpu.memory_space<vmem_shared>>
      tpu.wait_dma2 semaphore(%run_scoped3A : memref<!tpu.dma_semaphore, #tpu.memory_space<semaphore_mem>>) src(%arg10 : memref<80x128xf32, #tpu.memory_space<vmem>>) dst(%dma_wait3A_47 : memref<80x128xf32, #tpu.memory_space<vmem_shared>>)
      tpu.yield
    }) : () -> ()
    %add3A_12 = arith.constant 80 : i32
    %add3A_13 = arith.addi %mul3A_9, %add3A_12 : i32
    "tpu.region"() ({
      %run_scoped3A = tpu.sem_alloc : memref<!tpu.dma_semaphore, #tpu.memory_space<semaphore_mem>>
      %dma_start3A = arith.constant 0 : i32
      %dma_start3A_42 = tpu.memref_slice %arg13[%add3A_13, %dma_start3A] : memref<10000x128xf32, #tpu.memory_space<vmem_shared>> -> memref<80x128xf32, #tpu.memory_space<vmem_shared>>
      %dma_start3A_43 = arith.constant 0 : i32
      %dma_start3A_44 = tpu.memref_slice %arg13[%add3A_13, %dma_start3A_43] : memref<10000x128xf32, #tpu.memory_space<vmem_shared>> -> memref<80x128xf32, #tpu.memory_space<vmem_shared>>
      tpu.enqueue_dma source(%arg10 : memref<80x128xf32, #tpu.memory_space<vmem>>) target(%dma_start3A_44 : memref<80x128xf32, #tpu.memory_space<vmem_shared>>) target_semaphore(%run_scoped3A : memref<!tpu.dma_semaphore, #tpu.memory_space<semaphore_mem>>)
      %dma_wait3A = arith.constant 0 : i32
      %dma_wait3A_45 = tpu.memref_slice %arg13[%add3A_13, %dma_wait3A] : memref<10000x128xf32, #tpu.memory_space<vmem_shared>> -> memref<80x128xf32, #tpu.memory_space<vmem_shared>>
      %dma_wait3A_46 = arith.constant 0 : i32
      %dma_wait3A_47 = tpu.memref_slice %arg13[%add3A_13, %dma_wait3A_46] : memref<10000x128xf32, #tpu.memory_space<vmem_shared>> -> memref<80x128xf32, #tpu.memory_space<vmem_shared>>
      tpu.wait_dma2 semaphore(%run_scoped3A : memref<!tpu.dma_semaphore, #tpu.memory_space<semaphore_mem>>) src(%arg10 : memref<80x128xf32, #tpu.memory_space<vmem>>) dst(%dma_wait3A_47 : memref<80x128xf32, #tpu.memory_space<vmem_shared>>)
      tpu.yield
    }) : () -> ()
    %add3A_14 = arith.constant 160 : i32
    %add3A_15 = arith.addi %mul3A_9, %add3A_14 : i32
    "tpu.region"() ({
      %run_scoped3A = tpu.sem_alloc : memref<!tpu.dma_semaphore, #tpu.memory_space<semaphore_mem>>
      %dma_start3A = arith.constant 0 : i32
      %dma_start3A_42 = tpu.memref_slice %arg13[%add3A_15, %dma_start3A] : memref<10000x128xf32, #tpu.memory_space<vmem_shared>> -> memref<80x128xf32, #tpu.memory_space<vmem_shared>>
      %dma_start3A_43 = arith.constant 0 : i32
      %dma_start3A_44 = tpu.memref_slice %arg13[%add3A_15, %dma_start3A_43] : memref<10000x128xf32, #tpu.memory_space<vmem_shared>> -> memref<80x128xf32, #tpu.memory_space<vmem_shared>>
      tpu.enqueue_dma source(%arg10 : memref<80x128xf32, #tpu.memory_space<vmem>>) target(%dma_start3A_44 : memref<80x128xf32, #tpu.memory_space<vmem_shared>>) target_semaphore(%run_scoped3A : memref<!tpu.dma_semaphore, #tpu.memory_space<semaphore_mem>>)
      %dma_wait3A = arith.constant 0 : i32
      %dma_wait3A_45 = tpu.memref_slice %arg13[%add3A_15, %dma_wait3A] : memref<10000x128xf32, #tpu.memory_space<vmem_shared>> -> memref<80x128xf32, #tpu.memory_space<vmem_shared>>
      %dma_wait3A_46 = arith.constant 0 : i32
      %dma_wait3A_47 = tpu.memref_slice %arg13[%add3A_15, %dma_wait3A_46] : memref<10000x128xf32, #tpu.memory_space<vmem_shared>> -> memref<80x128xf32, #tpu.memory_space<vmem_shared>>
      tpu.wait_dma2 semaphore(%run_scoped3A : memref<!tpu.dma_semaphore, #tpu.memory_space<semaphore_mem>>) src(%arg10 : memref<80x128xf32, #tpu.memory_space<vmem>>) dst(%dma_wait3A_47 : memref<80x128xf32, #tpu.memory_space<vmem_shared>>)
      tpu.yield
    }) : () -> ()
    %add3A_16 = arith.constant 240 : i32
    %add3A_17 = arith.addi %mul3A_9, %add3A_16 : i32
    "tpu.region"() ({
      %run_scoped3A = tpu.sem_alloc : memref<!tpu.dma_semaphore, #tpu.memory_space<semaphore_mem>>
      %dma_start3A = arith.constant 0 : i32
      %dma_start3A_42 = tpu.memref_slice %arg13[%add3A_17, %dma_start3A] : memref<10000x128xf32, #tpu.memory_space<vmem_shared>> -> memref<80x128xf32, #tpu.memory_space<vmem_shared>>
      %dma_start3A_43 = arith.constant 0 : i32
      %dma_start3A_44 = tpu.memref_slice %arg13[%add3A_17, %dma_start3A_43] : memref<10000x128xf32, #tpu.memory_space<vmem_shared>> -> memref<80x128xf32, #tpu.memory_space<vmem_shared>>
      tpu.enqueue_dma source(%arg10 : memref<80x128xf32, #tpu.memory_space<vmem>>) target(%dma_start3A_44 : memref<80x128xf32, #tpu.memory_space<vmem_shared>>) target_semaphore(%run_scoped3A : memref<!tpu.dma_semaphore, #tpu.memory_space<semaphore_mem>>)
      %dma_wait3A = arith.constant 0 : i32
      %dma_wait3A_45 = tpu.memref_slice %arg13[%add3A_17, %dma_wait3A] : memref<10000x128xf32, #tpu.memory_space<vmem_shared>> -> memref<80x128xf32, #tpu.memory_space<vmem_shared>>
      %dma_wait3A_46 = arith.constant 0 : i32
      %dma_wait3A_47 = tpu.memref_slice %arg13[%add3A_17, %dma_wait3A_46] : memref<10000x128xf32, #tpu.memory_space<vmem_shared>> -> memref<80x128xf32, #tpu.memory_space<vmem_shared>>
      tpu.wait_dma2 semaphore(%run_scoped3A : memref<!tpu.dma_semaphore, #tpu.memory_space<semaphore_mem>>) src(%arg10 : memref<80x128xf32, #tpu.memory_space<vmem>>) dst(%dma_wait3A_47 : memref<80x128xf32, #tpu.memory_space<vmem_shared>>)
      tpu.yield
    }) : () -> ()
    %add3A_18 = arith.constant 320 : i32
    %add3A_19 = arith.addi %mul3A_9, %add3A_18 : i32
    "tpu.region"() ({
      %run_scoped3A = tpu.sem_alloc : memref<!tpu.dma_semaphore, #tpu.memory_space<semaphore_mem>>
      %dma_start3A = arith.constant 0 : i32
      %dma_start3A_42 = tpu.memref_slice %arg13[%add3A_19, %dma_start3A] : memref<10000x128xf32, #tpu.memory_space<vmem_shared>> -> memref<80x128xf32, #tpu.memory_space<vmem_shared>>
      %dma_start3A_43 = arith.constant 0 : i32
      %dma_start3A_44 = tpu.memref_slice %arg13[%add3A_19, %dma_start3A_43] : memref<10000x128xf32, #tpu.memory_space<vmem_shared>> -> memref<80x128xf32, #tpu.memory_space<vmem_shared>>
      tpu.enqueue_dma source(%arg10 : memref<80x128xf32, #tpu.memory_space<vmem>>) target(%dma_start3A_44 : memref<80x128xf32, #tpu.memory_space<vmem_shared>>) target_semaphore(%run_scoped3A : memref<!tpu.dma_semaphore, #tpu.memory_space<semaphore_mem>>)
      %dma_wait3A = arith.constant 0 : i32
      %dma_wait3A_45 = tpu.memref_slice %arg13[%add3A_19, %dma_wait3A] : memref<10000x128xf32, #tpu.memory_space<vmem_shared>> -> memref<80x128xf32, #tpu.memory_space<vmem_shared>>
      %dma_wait3A_46 = arith.constant 0 : i32
      %dma_wait3A_47 = tpu.memref_slice %arg13[%add3A_19, %dma_wait3A_46] : memref<10000x128xf32, #tpu.memory_space<vmem_shared>> -> memref<80x128xf32, #tpu.memory_space<vmem_shared>>
      tpu.wait_dma2 semaphore(%run_scoped3A : memref<!tpu.dma_semaphore, #tpu.memory_space<semaphore_mem>>) src(%arg10 : memref<80x128xf32, #tpu.memory_space<vmem>>) dst(%dma_wait3A_47 : memref<80x128xf32, #tpu.memory_space<vmem_shared>>)
      tpu.yield
    }) : () -> ()
    %add3A_20 = arith.constant 400 : i32
    %add3A_21 = arith.addi %mul3A_9, %add3A_20 : i32
    "tpu.region"() ({
      %run_scoped3A = tpu.sem_alloc : memref<!tpu.dma_semaphore, #tpu.memory_space<semaphore_mem>>
      %dma_start3A = arith.constant 0 : i32
      %dma_start3A_42 = tpu.memref_slice %arg13[%add3A_21, %dma_start3A] : memref<10000x128xf32, #tpu.memory_space<vmem_shared>> -> memref<80x128xf32, #tpu.memory_space<vmem_shared>>
      %dma_start3A_43 = arith.constant 0 : i32
      %dma_start3A_44 = tpu.memref_slice %arg13[%add3A_21, %dma_start3A_43] : memref<10000x128xf32, #tpu.memory_space<vmem_shared>> -> memref<80x128xf32, #tpu.memory_space<vmem_shared>>
      tpu.enqueue_dma source(%arg10 : memref<80x128xf32, #tpu.memory_space<vmem>>) target(%dma_start3A_44 : memref<80x128xf32, #tpu.memory_space<vmem_shared>>) target_semaphore(%run_scoped3A : memref<!tpu.dma_semaphore, #tpu.memory_space<semaphore_mem>>)
      %dma_wait3A = arith.constant 0 : i32
      %dma_wait3A_45 = tpu.memref_slice %arg13[%add3A_21, %dma_wait3A] : memref<10000x128xf32, #tpu.memory_space<vmem_shared>> -> memref<80x128xf32, #tpu.memory_space<vmem_shared>>
      %dma_wait3A_46 = arith.constant 0 : i32
      %dma_wait3A_47 = tpu.memref_slice %arg13[%add3A_21, %dma_wait3A_46] : memref<10000x128xf32, #tpu.memory_space<vmem_shared>> -> memref<80x128xf32, #tpu.memory_space<vmem_shared>>
      tpu.wait_dma2 semaphore(%run_scoped3A : memref<!tpu.dma_semaphore, #tpu.memory_space<semaphore_mem>>) src(%arg10 : memref<80x128xf32, #tpu.memory_space<vmem>>) dst(%dma_wait3A_47 : memref<80x128xf32, #tpu.memory_space<vmem_shared>>)
      tpu.yield
    }) : () -> ()
    %add3A_22 = arith.constant 480 : i32
    %add3A_23 = arith.addi %mul3A_9, %add3A_22 : i32
    "tpu.region"() ({
      %run_scoped3A = tpu.sem_alloc : memref<!tpu.dma_semaphore, #tpu.memory_space<semaphore_mem>>
      %dma_start3A = arith.constant 0 : i32
      %dma_start3A_42 = tpu.memref_slice %arg13[%add3A_23, %dma_start3A] : memref<10000x128xf32, #tpu.memory_space<vmem_shared>> -> memref<80x128xf32, #tpu.memory_space<vmem_shared>>
      %dma_start3A_43 = arith.constant 0 : i32
      %dma_start3A_44 = tpu.memref_slice %arg13[%add3A_23, %dma_start3A_43] : memref<10000x128xf32, #tpu.memory_space<vmem_shared>> -> memref<80x128xf32, #tpu.memory_space<vmem_shared>>
      tpu.enqueue_dma source(%arg10 : memref<80x128xf32, #tpu.memory_space<vmem>>) target(%dma_start3A_44 : memref<80x128xf32, #tpu.memory_space<vmem_shared>>) target_semaphore(%run_scoped3A : memref<!tpu.dma_semaphore, #tpu.memory_space<semaphore_mem>>)
      %dma_wait3A = arith.constant 0 : i32
      %dma_wait3A_45 = tpu.memref_slice %arg13[%add3A_23, %dma_wait3A] : memref<10000x128xf32, #tpu.memory_space<vmem_shared>> -> memref<80x128xf32, #tpu.memory_space<vmem_shared>>
      %dma_wait3A_46 = arith.constant 0 : i32
      %dma_wait3A_47 = tpu.memref_slice %arg13[%add3A_23, %dma_wait3A_46] : memref<10000x128xf32, #tpu.memory_space<vmem_shared>> -> memref<80x128xf32, #tpu.memory_space<vmem_shared>>
      tpu.wait_dma2 semaphore(%run_scoped3A : memref<!tpu.dma_semaphore, #tpu.memory_space<semaphore_mem>>) src(%arg10 : memref<80x128xf32, #tpu.memory_space<vmem>>) dst(%dma_wait3A_47 : memref<80x128xf32, #tpu.memory_space<vmem_shared>>)
      tpu.yield
    }) : () -> ()
    %add3A_24 = arith.constant 560 : i32
    %add3A_25 = arith.addi %mul3A_9, %add3A_24 : i32
    "tpu.region"() ({
      %run_scoped3A = tpu.sem_alloc : memref<!tpu.dma_semaphore, #tpu.memory_space<semaphore_mem>>
      %dma_start3A = arith.constant 0 : i32
      %dma_start3A_42 = arith.constant 0 : i32
      %dma_start3A_43 = tpu.memref_slice %arg10[%dma_start3A, %dma_start3A_42] : memref<80x128xf32, #tpu.memory_space<vmem>> -> memref<64x128xf32, #tpu.memory_space<vmem>>
      %dma_start3A_44 = arith.constant 0 : i32
      %dma_start3A_45 = tpu.memref_slice %arg13[%add3A_25, %dma_start3A_44] : memref<10000x128xf32, #tpu.memory_space<vmem_shared>> -> memref<64x128xf32, #tpu.memory_space<vmem_shared>>
      %dma_start3A_46 = arith.constant 0 : i32
      %dma_start3A_47 = tpu.memref_slice %arg13[%add3A_25, %dma_start3A_46] : memref<10000x128xf32, #tpu.memory_space<vmem_shared>> -> memref<64x128xf32, #tpu.memory_space<vmem_shared>>
      %dma_start3A_48 = arith.constant 0 : i32
      %dma_start3A_49 = arith.constant 0 : i32
      %dma_start3A_50 = tpu.memref_slice %arg10[%dma_start3A_48, %dma_start3A_49] : memref<80x128xf32, #tpu.memory_space<vmem>> -> memref<64x128xf32, #tpu.memory_space<vmem>>
      tpu.enqueue_dma source(%dma_start3A_50 : memref<64x128xf32, #tpu.memory_space<vmem>>) target(%dma_start3A_47 : memref<64x128xf32, #tpu.memory_space<vmem_shared>>) target_semaphore(%run_scoped3A : memref<!tpu.dma_semaphore, #tpu.memory_space<semaphore_mem>>)
      %dma_wait3A = arith.constant 0 : i32
      %dma_wait3A_51 = arith.constant 0 : i32
      %dma_wait3A_52 = tpu.memref_slice %arg10[%dma_wait3A, %dma_wait3A_51] : memref<80x128xf32, #tpu.memory_space<vmem>> -> memref<64x128xf32, #tpu.memory_space<vmem>>
      %dma_wait3A_53 = arith.constant 0 : i32
      %dma_wait3A_54 = tpu.memref_slice %arg13[%add3A_25, %dma_wait3A_53] : memref<10000x128xf32, #tpu.memory_space<vmem_shared>> -> memref<64x128xf32, #tpu.memory_space<vmem_shared>>
      %dma_wait3A_55 = arith.constant 0 : i32
      %dma_wait3A_56 = tpu.memref_slice %arg13[%add3A_25, %dma_wait3A_55] : memref<10000x128xf32, #tpu.memory_space<vmem_shared>> -> memref<64x128xf32, #tpu.memory_space<vmem_shared>>
      %dma_wait3A_57 = arith.constant 0 : i32
      %dma_wait3A_58 = arith.constant 0 : i32
      %dma_wait3A_59 = tpu.memref_slice %arg10[%dma_wait3A_57, %dma_wait3A_58] : memref<80x128xf32, #tpu.memory_space<vmem>> -> memref<64x128xf32, #tpu.memory_space<vmem>>
      tpu.wait_dma2 semaphore(%run_scoped3A : memref<!tpu.dma_semaphore, #tpu.memory_space<semaphore_mem>>) src(%dma_wait3A_59 : memref<64x128xf32, #tpu.memory_space<vmem>>) dst(%dma_wait3A_56 : memref<64x128xf32, #tpu.memory_space<vmem_shared>>)
      tpu.yield
    }) : () -> ()
    %eq3A = arith.constant 15 : i32
    %eq3A_26 = arith.cmpi eq, %arg1, %eq3A : i32
    %convert_element_type3A = arith.extui %eq3A_26 : i1 to i32
    %cond3A = arith.constant 0 : i32
    %cond3A_27 = arith.cmpi ne, %convert_element_type3A, %cond3A : i32
    scf.if %cond3A_27 {
      "tpu.region"() ({
        %run_scoped3A = tpu.sem_alloc : memref<!tpu.dma_semaphore, #tpu.memory_space<semaphore_mem>>
        %dma_start3A = arith.constant 0 : i32
        %dma_start3A_42 = arith.constant 0 : i32
        %dma_start3A_43 = tpu.memref_slice %arg10[%dma_start3A, %dma_start3A_42] : memref<80x128xf32, #tpu.memory_space<vmem>> -> memref<16x128xf32, #tpu.memory_space<vmem>>
        %dma_start3A_44 = arith.constant 9984 : i32
        %dma_start3A_45 = arith.constant 0 : i32
        %dma_start3A_46 = tpu.memref_slice %arg13[%dma_start3A_44, %dma_start3A_45] : memref<10000x128xf32, #tpu.memory_space<vmem_shared>> -> memref<16x128xf32, #tpu.memory_space<vmem_shared>>
        %dma_start3A_47 = arith.constant 9984 : i32
        %dma_start3A_48 = arith.constant 0 : i32
        %dma_start3A_49 = tpu.memref_slice %arg13[%dma_start3A_47, %dma_start3A_48] : memref<10000x128xf32, #tpu.memory_space<vmem_shared>> -> memref<16x128xf32, #tpu.memory_space<vmem_shared>>
        %dma_start3A_50 = arith.constant 0 : i32
        %dma_start3A_51 = arith.constant 0 : i32
        %dma_start3A_52 = tpu.memref_slice %arg10[%dma_start3A_50, %dma_start3A_51] : memref<80x128xf32, #tpu.memory_space<vmem>> -> memref<16x128xf32, #tpu.memory_space<vmem>>
        tpu.enqueue_dma source(%dma_start3A_52 : memref<16x128xf32, #tpu.memory_space<vmem>>) target(%dma_start3A_49 : memref<16x128xf32, #tpu.memory_space<vmem_shared>>) target_semaphore(%run_scoped3A : memref<!tpu.dma_semaphore, #tpu.memory_space<semaphore_mem>>)
        %dma_wait3A = arith.constant 0 : i32
        %dma_wait3A_53 = arith.constant 0 : i32
        %dma_wait3A_54 = tpu.memref_slice %arg10[%dma_wait3A, %dma_wait3A_53] : memref<80x128xf32, #tpu.memory_space<vmem>> -> memref<16x128xf32, #tpu.memory_space<vmem>>
        %dma_wait3A_55 = arith.constant 9984 : i32
        %dma_wait3A_56 = arith.constant 0 : i32
        %dma_wait3A_57 = tpu.memref_slice %arg13[%dma_wait3A_55, %dma_wait3A_56] : memref<10000x128xf32, #tpu.memory_space<vmem_shared>> -> memref<16x128xf32, #tpu.memory_space<vmem_shared>>
        %dma_wait3A_58 = arith.constant 9984 : i32
        %dma_wait3A_59 = arith.constant 0 : i32
        %dma_wait3A_60 = tpu.memref_slice %arg13[%dma_wait3A_58, %dma_wait3A_59] : memref<10000x128xf32, #tpu.memory_space<vmem_shared>> -> memref<16x128xf32, #tpu.memory_space<vmem_shared>>
        %dma_wait3A_61 = arith.constant 0 : i32
        %dma_wait3A_62 = arith.constant 0 : i32
        %dma_wait3A_63 = tpu.memref_slice %arg10[%dma_wait3A_61, %dma_wait3A_62] : memref<80x128xf32, #tpu.memory_space<vmem>> -> memref<16x128xf32, #tpu.memory_space<vmem>>
        tpu.wait_dma2 semaphore(%run_scoped3A : memref<!tpu.dma_semaphore, #tpu.memory_space<semaphore_mem>>) src(%dma_wait3A_63 : memref<16x128xf32, #tpu.memory_space<vmem>>) dst(%dma_wait3A_60 : memref<16x128xf32, #tpu.memory_space<vmem_shared>>)
        tpu.yield
      }) : () -> ()
    } else {
    }
    %barrier3A = arith.constant 0 : index
    tpu.barrier barrier_id(%barrier3A)
    %scan3A_28 = arith.constant 0 : i32
    %scan3A_29 = arith.constant 0 : i32
    %scan3A_30 = arith.constant 125 : i32
    %scan3A_31 = arith.addi %scan3A_29, %scan3A_30 : i32
    %scan3A_32 = arith.constant 1 : i32
    scf.for %scan3A_42 = %scan3A_29 to %scan3A_31 step %scan3A_32  : i32 {
      %mul3A_43 = arith.constant 80 : i32
      %mul3A_44 = arith.muli %scan3A_42, %mul3A_43 : i32
      %add3A_45 = arith.addi %mul3A_2, %mul3A_44 : i32
      "tpu.region"() ({
        %run_scoped3A = tpu.sem_alloc : memref<!tpu.dma_semaphore, #tpu.memory_space<semaphore_mem>>
        %dma_start3A = tpu.memref_slice %arg4[%add3A_45] : memref<320000xi32, #tpu.memory_space<hbm>> -> memref<80xi32, #tpu.memory_space<hbm>>
        %dma_start3A_52 = tpu.memref_slice %arg4[%add3A_45] : memref<320000xi32, #tpu.memory_space<hbm>> -> memref<80xi32, #tpu.memory_space<hbm>>
        tpu.enqueue_dma source(%dma_start3A_52 : memref<80xi32, #tpu.memory_space<hbm>>) target(%arg8 : memref<80xi32, #tpu.memory_space<vmem>>) target_semaphore(%run_scoped3A : memref<!tpu.dma_semaphore, #tpu.memory_space<semaphore_mem>>)
        %dma_wait3A = tpu.memref_slice %arg4[%add3A_45] : memref<320000xi32, #tpu.memory_space<hbm>> -> memref<80xi32, #tpu.memory_space<hbm>>
        %dma_wait3A_53 = tpu.memref_slice %arg4[%add3A_45] : memref<320000xi32, #tpu.memory_space<hbm>> -> memref<80xi32, #tpu.memory_space<hbm>>
        tpu.wait_dma2 semaphore(%run_scoped3A : memref<!tpu.dma_semaphore, #tpu.memory_space<semaphore_mem>>) src(%dma_wait3A_53 : memref<80xi32, #tpu.memory_space<hbm>>) dst(%arg8 : memref<80xi32, #tpu.memory_space<vmem>>)
        tpu.yield
      }) : () -> ()
      "tpu.region"() ({
        %run_scoped3A = tpu.sem_alloc : memref<!tpu.dma_semaphore, #tpu.memory_space<semaphore_mem>>
        %dma_start3A = tpu.memref_slice %arg5[%add3A_45] : memref<320000xi32, #tpu.memory_space<hbm>> -> memref<80xi32, #tpu.memory_space<hbm>>
        %dma_start3A_52 = tpu.memref_slice %arg5[%add3A_45] : memref<320000xi32, #tpu.memory_space<hbm>> -> memref<80xi32, #tpu.memory_space<hbm>>
        tpu.enqueue_dma source(%dma_start3A_52 : memref<80xi32, #tpu.memory_space<hbm>>) target(%arg9 : memref<80xi32, #tpu.memory_space<vmem>>) target_semaphore(%run_scoped3A : memref<!tpu.dma_semaphore, #tpu.memory_space<semaphore_mem>>)
        %dma_wait3A = tpu.memref_slice %arg5[%add3A_45] : memref<320000xi32, #tpu.memory_space<hbm>> -> memref<80xi32, #tpu.memory_space<hbm>>
        %dma_wait3A_53 = tpu.memref_slice %arg5[%add3A_45] : memref<320000xi32, #tpu.memory_space<hbm>> -> memref<80xi32, #tpu.memory_space<hbm>>
        tpu.wait_dma2 semaphore(%run_scoped3A : memref<!tpu.dma_semaphore, #tpu.memory_space<semaphore_mem>>) src(%dma_wait3A_53 : memref<80xi32, #tpu.memory_space<hbm>>) dst(%arg9 : memref<80xi32, #tpu.memory_space<vmem>>)
        tpu.yield
      }) : () -> ()
      "tpu.region"() ({
        %run_scoped3A = tpu.sem_alloc : memref<!tpu.dma_semaphore, #tpu.memory_space<semaphore_mem>>
        %dma_start3A = arith.constant 0 : i32
        %dma_start3A_52 = tpu.memref_slice %arg3[%add3A_45, %dma_start3A] : memref<320000x64xf32, #tpu.memory_space<hbm>> -> memref<80x64xf32, #tpu.memory_space<hbm>>
        %dma_start3A_53 = arith.constant 0 : i32
        %dma_start3A_54 = tpu.memref_slice %arg3[%add3A_45, %dma_start3A_53] : memref<320000x64xf32, #tpu.memory_space<hbm>> -> memref<80x64xf32, #tpu.memory_space<hbm>>
        tpu.enqueue_dma source(%dma_start3A_54 : memref<80x64xf32, #tpu.memory_space<hbm>>) target(%arg12 : memref<80x64xf32, #tpu.memory_space<vmem>>) target_semaphore(%run_scoped3A : memref<!tpu.dma_semaphore, #tpu.memory_space<semaphore_mem>>)
        %dma_wait3A = arith.constant 0 : i32
        %dma_wait3A_55 = tpu.memref_slice %arg3[%add3A_45, %dma_wait3A] : memref<320000x64xf32, #tpu.memory_space<hbm>> -> memref<80x64xf32, #tpu.memory_space<hbm>>
        %dma_wait3A_56 = arith.constant 0 : i32
        %dma_wait3A_57 = tpu.memref_slice %arg3[%add3A_45, %dma_wait3A_56] : memref<320000x64xf32, #tpu.memory_space<hbm>> -> memref<80x64xf32, #tpu.memory_space<hbm>>
        tpu.wait_dma2 semaphore(%run_scoped3A : memref<!tpu.dma_semaphore, #tpu.memory_space<semaphore_mem>>) src(%dma_wait3A_57 : memref<80x64xf32, #tpu.memory_space<hbm>>) dst(%arg12 : memref<80x64xf32, #tpu.memory_space<vmem>>)
        tpu.yield
      }) : () -> ()
      "tpu.region"() ({
        %run_scoped3A = tpu.sem_alloc : memref<!tpu.dma_semaphore, #tpu.memory_space<semaphore_mem>>
        %dma_start3A = arith.constant 0 : i32
        %dma_start3A_52 = arith.constant 0 : i32
        %dma_start3A_53 = tpu.memref_slice %arg2[%dma_start3A, %dma_start3A_52] : memref<10000x128xf32, #tpu.memory_space<hbm>> -> memref<10000x128xf32, #tpu.memory_space<hbm>>
        tpu.enqueue_indirect_dma source(%dma_start3A_53 : memref<10000x128xf32, #tpu.memory_space<hbm>>) target(%arg10 : memref<80x128xf32, #tpu.memory_space<vmem>>) offsets(%arg8 : memref<80xi32, #tpu.memory_space<vmem>>) semaphore(%run_scoped3A : memref<!tpu.dma_semaphore, #tpu.memory_space<semaphore_mem>>)
        %dma_wait3A = arith.constant 0 : i32
        %dma_wait3A_54 = arith.constant 0 : i32
        %dma_wait3A_55 = tpu.memref_slice %arg2[%dma_wait3A, %dma_wait3A_54] : memref<10000x128xf32, #tpu.memory_space<hbm>> -> memref<10000x128xf32, #tpu.memory_space<hbm>>
        tpu.wait_indirect_dma semaphore(%run_scoped3A : memref<!tpu.dma_semaphore, #tpu.memory_space<semaphore_mem>>) src(%dma_wait3A_55 : memref<10000x128xf32, #tpu.memory_space<hbm>>) dst(%arg10 : memref<80x128xf32, #tpu.memory_space<vmem>>)
        tpu.yield
      }) : () -> ()
      "tpu.region"() ({
        %run_scoped3A = tpu.sem_alloc : memref<!tpu.dma_semaphore, #tpu.memory_space<semaphore_mem>>
        %dma_start3A = arith.constant 0 : i32
        %dma_start3A_52 = arith.constant 0 : i32
        %dma_start3A_53 = tpu.memref_slice %arg2[%dma_start3A, %dma_start3A_52] : memref<10000x128xf32, #tpu.memory_space<hbm>> -> memref<10000x128xf32, #tpu.memory_space<hbm>>
        tpu.enqueue_indirect_dma source(%dma_start3A_53 : memref<10000x128xf32, #tpu.memory_space<hbm>>) target(%arg11 : memref<80x128xf32, #tpu.memory_space<vmem>>) offsets(%arg9 : memref<80xi32, #tpu.memory_space<vmem>>) semaphore(%run_scoped3A : memref<!tpu.dma_semaphore, #tpu.memory_space<semaphore_mem>>)
        %dma_wait3A = arith.constant 0 : i32
        %dma_wait3A_54 = arith.constant 0 : i32
        %dma_wait3A_55 = tpu.memref_slice %arg2[%dma_wait3A, %dma_wait3A_54] : memref<10000x128xf32, #tpu.memory_space<hbm>> -> memref<10000x128xf32, #tpu.memory_space<hbm>>
        tpu.wait_indirect_dma semaphore(%run_scoped3A : memref<!tpu.dma_semaphore, #tpu.memory_space<semaphore_mem>>) src(%dma_wait3A_55 : memref<10000x128xf32, #tpu.memory_space<hbm>>) dst(%arg11 : memref<80x128xf32, #tpu.memory_space<vmem>>)
        tpu.yield
      }) : () -> ()
      %scan3A_46 = arith.constant 0 : i32
      %scan3A_47 = arith.constant 0 : i32
      %scan3A_48 = arith.constant 80 : i32
      %scan3A_49 = arith.addi %scan3A_47, %scan3A_48 : i32
      %scan3A_50 = arith.constant 1 : i32
      scf.for %scan3A_52 = %scan3A_47 to %scan3A_49 step %scan3A_50  : i32 {
        %get3A = arith.index_cast %scan3A_52 : i32 to index
        %get3A_53 = arith.constant 0 : index
        %get3A_54 = tpu.vector_load %arg10[%get3A, %get3A_53] {strides = array<i32>} : memref<80x128xf32, #tpu.memory_space<vmem>>, vector<1x16xf32>,
        %get3A_55 = vector.shape_cast %get3A_54 : vector<1x16xf32> to vector<16xf32>
        %get3A_56 = arith.index_cast %scan3A_52 : i32 to index
        %get3A_57 = arith.constant 64 : index
        %get3A_58 = tpu.vector_load %arg11[%get3A_56, %get3A_57] {strides = array<i32>} : memref<80x128xf32, #tpu.memory_space<vmem>>, vector<1x16xf32>,
        %get3A_59 = vector.shape_cast %get3A_58 : vector<1x16xf32> to vector<16xf32>
        %add3A_60 = arith.addf %get3A_55, %get3A_59 : vector<16xf32>
        %get3A_61 = arith.index_cast %scan3A_52 : i32 to index
        %get3A_62 = arith.constant 0 : index
        %get3A_63 = tpu.vector_load %arg12[%get3A_61, %get3A_62] {strides = array<i32>} : memref<80x64xf32, #tpu.memory_space<vmem>>, vector<1x16xf32>,
        %get3A_64 = vector.shape_cast %get3A_63 : vector<1x16xf32> to vector<16xf32>
        %add3A_65 = arith.addf %add3A_60, %get3A_64 : vector<16xf32>
        %max3A = arith.constant 0.000000e+00 : f32
        %max3A_66 = vector.broadcast %max3A : f32 to vector<16xf32>
        %max3A_67 = arith.maximumf %add3A_65, %max3A_66 : vector<16xf32>
        %swap3A = arith.index_cast %scan3A_52 : i32 to index
        %swap3A_68 = arith.constant 0 : index
        %swap3A_69 = tpu.vector_load %arg12[%swap3A, %swap3A_68] {strides = array<i32>} : memref<80x64xf32, #tpu.memory_space<vmem>>, vector<1x16xf32>,
        %swap3A_70 = vector.shape_cast %swap3A_69 : vector<1x16xf32> to vector<16xf32>
        %swap3A_71 = vector.shape_cast %max3A_67 : vector<16xf32> to vector<1x16xf32>
        tpu.vector_store %arg12[%swap3A, %swap3A_68], %swap3A_71 {strides = array<i32>} : memref<80x64xf32, #tpu.memory_space<vmem>>, vector<1x16xf32>,
        %swap3A_72 = arith.index_cast %scan3A_52 : i32 to index
        %swap3A_73 = arith.constant 0 : index
        %swap3A_74 = tpu.vector_load %arg10[%swap3A_72, %swap3A_73] {strides = array<i32>} : memref<80x128xf32, #tpu.memory_space<vmem>>, vector<1x16xf32>,
        %swap3A_75 = vector.shape_cast %swap3A_74 : vector<1x16xf32> to vector<16xf32>
        %swap3A_76 = vector.shape_cast %max3A_67 : vector<16xf32> to vector<1x16xf32>
        tpu.vector_store %arg10[%swap3A_72, %swap3A_73], %swap3A_76 {strides = array<i32>} : memref<80x128xf32, #tpu.memory_space<vmem>>, vector<1x16xf32>,
        %get3A_77 = arith.index_cast %scan3A_52 : i32 to index
        %get3A_78 = arith.constant 16 : index
        %get3A_79 = tpu.vector_load %arg10[%get3A_77, %get3A_78] {strides = array<i32>} : memref<80x128xf32, #tpu.memory_space<vmem>>, vector<1x16xf32>,
        %get3A_80 = vector.shape_cast %get3A_79 : vector<1x16xf32> to vector<16xf32>
        %get3A_81 = arith.index_cast %scan3A_52 : i32 to index
        %get3A_82 = arith.constant 80 : index
        %get3A_83 = tpu.vector_load %arg11[%get3A_81, %get3A_82] {strides = array<i32>} : memref<80x128xf32, #tpu.memory_space<vmem>>, vector<1x16xf32>,
        %get3A_84 = vector.shape_cast %get3A_83 : vector<1x16xf32> to vector<16xf32>
        %add3A_85 = arith.addf %get3A_80, %get3A_84 : vector<16xf32>
        %get3A_86 = arith.index_cast %scan3A_52 : i32 to index
        %get3A_87 = arith.constant 16 : index
        %get3A_88 = tpu.vector_load %arg12[%get3A_86, %get3A_87] {strides = array<i32>} : memref<80x64xf32, #tpu.memory_space<vmem>>, vector<1x16xf32>,
        %get3A_89 = vector.shape_cast %get3A_88 : vector<1x16xf32> to vector<16xf32>
        %add3A_90 = arith.addf %add3A_85, %get3A_89 : vector<16xf32>
        %max3A_91 = arith.constant 0.000000e+00 : f32
        %max3A_92 = vector.broadcast %max3A_91 : f32 to vector<16xf32>
        %max3A_93 = arith.maximumf %add3A_90, %max3A_92 : vector<16xf32>
        %swap3A_94 = arith.index_cast %scan3A_52 : i32 to index
        %swap3A_95 = arith.constant 16 : index
        %swap3A_96 = tpu.vector_load %arg12[%swap3A_94, %swap3A_95] {strides = array<i32>} : memref<80x64xf32, #tpu.memory_space<vmem>>, vector<1x16xf32>,
        %swap3A_97 = vector.shape_cast %swap3A_96 : vector<1x16xf32> to vector<16xf32>
        %swap3A_98 = vector.shape_cast %max3A_93 : vector<16xf32> to vector<1x16xf32>
        tpu.vector_store %arg12[%swap3A_94, %swap3A_95], %swap3A_98 {strides = array<i32>} : memref<80x64xf32, #tpu.memory_space<vmem>>, vector<1x16xf32>,
        %swap3A_99 = arith.index_cast %scan3A_52 : i32 to index
        %swap3A_100 = arith.constant 16 : index
        %swap3A_101 = tpu.vector_load %arg10[%swap3A_99, %swap3A_100] {strides = array<i32>} : memref<80x128xf32, #tpu.memory_space<vmem>>, vector<1x16xf32>,
        %swap3A_102 = vector.shape_cast %swap3A_101 : vector<1x16xf32> to vector<16xf32>
        %swap3A_103 = vector.shape_cast %max3A_93 : vector<16xf32> to vector<1x16xf32>
        tpu.vector_store %arg10[%swap3A_99, %swap3A_100], %swap3A_103 {strides = array<i32>} : memref<80x128xf32, #tpu.memory_space<vmem>>, vector<1x16xf32>,
        %get3A_104 = arith.index_cast %scan3A_52 : i32 to index
        %get3A_105 = arith.constant 32 : index
        %get3A_106 = tpu.vector_load %arg10[%get3A_104, %get3A_105] {strides = array<i32>} : memref<80x128xf32, #tpu.memory_space<vmem>>, vector<1x16xf32>,
        %get3A_107 = vector.shape_cast %get3A_106 : vector<1x16xf32> to vector<16xf32>
        %get3A_108 = arith.index_cast %scan3A_52 : i32 to index
        %get3A_109 = arith.constant 96 : index
        %get3A_110 = tpu.vector_load %arg11[%get3A_108, %get3A_109] {strides = array<i32>} : memref<80x128xf32, #tpu.memory_space<vmem>>, vector<1x16xf32>,
        %get3A_111 = vector.shape_cast %get3A_110 : vector<1x16xf32> to vector<16xf32>
        %add3A_112 = arith.addf %get3A_107, %get3A_111 : vector<16xf32>
        %get3A_113 = arith.index_cast %scan3A_52 : i32 to index
        %get3A_114 = arith.constant 32 : index
        %get3A_115 = tpu.vector_load %arg12[%get3A_113, %get3A_114] {strides = array<i32>} : memref<80x64xf32, #tpu.memory_space<vmem>>, vector<1x16xf32>,
        %get3A_116 = vector.shape_cast %get3A_115 : vector<1x16xf32> to vector<16xf32>
        %add3A_117 = arith.addf %add3A_112, %get3A_116 : vector<16xf32>
        %max3A_118 = arith.constant 0.000000e+00 : f32
        %max3A_119 = vector.broadcast %max3A_118 : f32 to vector<16xf32>
        %max3A_120 = arith.maximumf %add3A_117, %max3A_119 : vector<16xf32>
        %swap3A_121 = arith.index_cast %scan3A_52 : i32 to index
        %swap3A_122 = arith.constant 32 : index
        %swap3A_123 = tpu.vector_load %arg12[%swap3A_121, %swap3A_122] {strides = array<i32>} : memref<80x64xf32, #tpu.memory_space<vmem>>, vector<1x16xf32>,
        %swap3A_124 = vector.shape_cast %swap3A_123 : vector<1x16xf32> to vector<16xf32>
        %swap3A_125 = vector.shape_cast %max3A_120 : vector<16xf32> to vector<1x16xf32>
        tpu.vector_store %arg12[%swap3A_121, %swap3A_122], %swap3A_125 {strides = array<i32>} : memref<80x64xf32, #tpu.memory_space<vmem>>, vector<1x16xf32>,
        %swap3A_126 = arith.index_cast %scan3A_52 : i32 to index
        %swap3A_127 = arith.constant 32 : index
        %swap3A_128 = tpu.vector_load %arg10[%swap3A_126, %swap3A_127] {strides = array<i32>} : memref<80x128xf32, #tpu.memory_space<vmem>>, vector<1x16xf32>,
        %swap3A_129 = vector.shape_cast %swap3A_128 : vector<1x16xf32> to vector<16xf32>
        %swap3A_130 = vector.shape_cast %max3A_120 : vector<16xf32> to vector<1x16xf32>
        tpu.vector_store %arg10[%swap3A_126, %swap3A_127], %swap3A_130 {strides = array<i32>} : memref<80x128xf32, #tpu.memory_space<vmem>>, vector<1x16xf32>,
        %get3A_131 = arith.index_cast %scan3A_52 : i32 to index
        %get3A_132 = arith.constant 48 : index
        %get3A_133 = tpu.vector_load %arg10[%get3A_131, %get3A_132] {strides = array<i32>} : memref<80x128xf32, #tpu.memory_space<vmem>>, vector<1x16xf32>,
        %get3A_134 = vector.shape_cast %get3A_133 : vector<1x16xf32> to vector<16xf32>
        %get3A_135 = arith.index_cast %scan3A_52 : i32 to index
        %get3A_136 = arith.constant 112 : index
        %get3A_137 = tpu.vector_load %arg11[%get3A_135, %get3A_136] {strides = array<i32>} : memref<80x128xf32, #tpu.memory_space<vmem>>, vector<1x16xf32>,
        %get3A_138 = vector.shape_cast %get3A_137 : vector<1x16xf32> to vector<16xf32>
        %add3A_139 = arith.addf %get3A_134, %get3A_138 : vector<16xf32>
        %get3A_140 = arith.index_cast %scan3A_52 : i32 to index
        %get3A_141 = arith.constant 48 : index
        %get3A_142 = tpu.vector_load %arg12[%get3A_140, %get3A_141] {strides = array<i32>} : memref<80x64xf32, #tpu.memory_space<vmem>>, vector<1x16xf32>,
        %get3A_143 = vector.shape_cast %get3A_142 : vector<1x16xf32> to vector<16xf32>
        %add3A_144 = arith.addf %add3A_139, %get3A_143 : vector<16xf32>
        %max3A_145 = arith.constant 0.000000e+00 : f32
        %max3A_146 = vector.broadcast %max3A_145 : f32 to vector<16xf32>
        %max3A_147 = arith.maximumf %add3A_144, %max3A_146 : vector<16xf32>
        %swap3A_148 = arith.index_cast %scan3A_52 : i32 to index
        %swap3A_149 = arith.constant 48 : index
        %swap3A_150 = tpu.vector_load %arg12[%swap3A_148, %swap3A_149] {strides = array<i32>} : memref<80x64xf32, #tpu.memory_space<vmem>>, vector<1x16xf32>,
        %swap3A_151 = vector.shape_cast %swap3A_150 : vector<1x16xf32> to vector<16xf32>
        %swap3A_152 = vector.shape_cast %max3A_147 : vector<16xf32> to vector<1x16xf32>
        tpu.vector_store %arg12[%swap3A_148, %swap3A_149], %swap3A_152 {strides = array<i32>} : memref<80x64xf32, #tpu.memory_space<vmem>>, vector<1x16xf32>,
        %swap3A_153 = arith.index_cast %scan3A_52 : i32 to index
        %swap3A_154 = arith.constant 48 : index
        %swap3A_155 = tpu.vector_load %arg10[%swap3A_153, %swap3A_154] {strides = array<i32>} : memref<80x128xf32, #tpu.memory_space<vmem>>, vector<1x16xf32>,
        %swap3A_156 = vector.shape_cast %swap3A_155 : vector<1x16xf32> to vector<16xf32>
        %swap3A_157 = vector.shape_cast %max3A_147 : vector<16xf32> to vector<1x16xf32>
        tpu.vector_store %arg10[%swap3A_153, %swap3A_154], %swap3A_157 {strides = array<i32>} : memref<80x128xf32, #tpu.memory_space<vmem>>, vector<1x16xf32>,
      }
      %scan3A_51 = arith.constant 80 : i32
      "tpu.region"() ({
        %run_scoped3A = tpu.sem_alloc : memref<!tpu.dma_semaphore, #tpu.memory_space<semaphore_mem>>
        %dma_start3A = arith.constant 0 : i32
        %dma_start3A_52 = tpu.memref_slice %arg6[%add3A_45, %dma_start3A] : memref<320000x64xf32, #tpu.memory_space<hbm>> -> memref<80x64xf32, #tpu.memory_space<hbm>>
        %dma_start3A_53 = arith.constant 0 : i32
        %dma_start3A_54 = tpu.memref_slice %arg6[%add3A_45, %dma_start3A_53] : memref<320000x64xf32, #tpu.memory_space<hbm>> -> memref<80x64xf32, #tpu.memory_space<hbm>>
        tpu.enqueue_dma source(%arg12 : memref<80x64xf32, #tpu.memory_space<vmem>>) target(%dma_start3A_54 : memref<80x64xf32, #tpu.memory_space<hbm>>) target_semaphore(%run_scoped3A : memref<!tpu.dma_semaphore, #tpu.memory_space<semaphore_mem>>)
        %dma_wait3A = arith.constant 0 : i32
        %dma_wait3A_55 = tpu.memref_slice %arg6[%add3A_45, %dma_wait3A] : memref<320000x64xf32, #tpu.memory_space<hbm>> -> memref<80x64xf32, #tpu.memory_space<hbm>>
        %dma_wait3A_56 = arith.constant 0 : i32
        %dma_wait3A_57 = tpu.memref_slice %arg6[%add3A_45, %dma_wait3A_56] : memref<320000x64xf32, #tpu.memory_space<hbm>> -> memref<80x64xf32, #tpu.memory_space<hbm>>
        tpu.wait_dma2 semaphore(%run_scoped3A : memref<!tpu.dma_semaphore, #tpu.memory_space<semaphore_mem>>) src(%arg12 : memref<80x64xf32, #tpu.memory_space<vmem>>) dst(%dma_wait3A_57 : memref<80x64xf32, #tpu.memory_space<hbm>>)
        tpu.yield
      }) : () -> ()
      "tpu.region"() ({
        %run_scoped3A = tpu.sem_alloc : memref<!tpu.dma_semaphore, #tpu.memory_space<semaphore_mem>>
        %dma_start3A = arith.constant 0 : i32
        %dma_start3A_52 = arith.constant 0 : i32
        %dma_start3A_53 = tpu.memref_slice %arg13[%dma_start3A, %dma_start3A_52] : memref<10000x128xf32, #tpu.memory_space<vmem_shared>> -> memref<10000x128xf32, #tpu.memory_space<vmem_shared>>
        tpu.enqueue_indirect_dma source(%arg10 : memref<80x128xf32, #tpu.memory_space<vmem>>) target(%dma_start3A_53 : memref<10000x128xf32, #tpu.memory_space<vmem_shared>>) offsets(%arg9 : memref<80xi32, #tpu.memory_space<vmem>>) semaphore(%run_scoped3A : memref<!tpu.dma_semaphore, #tpu.memory_space<semaphore_mem>>) {add = true}
        %dma_wait3A = arith.constant 0 : i32
        %dma_wait3A_54 = arith.constant 0 : i32
        %dma_wait3A_55 = tpu.memref_slice %arg13[%dma_wait3A, %dma_wait3A_54] : memref<10000x128xf32, #tpu.memory_space<vmem_shared>> -> memref<10000x128xf32, #tpu.memory_space<vmem_shared>>
        tpu.wait_indirect_dma semaphore(%run_scoped3A : memref<!tpu.dma_semaphore, #tpu.memory_space<semaphore_mem>>) src(%arg10 : memref<80x128xf32, #tpu.memory_space<vmem>>) dst(%dma_wait3A_55 : memref<10000x128xf32, #tpu.memory_space<vmem_shared>>)
        tpu.yield
      }) : () -> ()
    }
    %scan3A_33 = arith.constant 125 : i32
    %barrier3A_34 = arith.constant 0 : index
    tpu.barrier barrier_id(%barrier3A_34)
    %mul3A_35 = arith.constant 624 : i32
    %mul3A_36 = arith.muli %arg1, %mul3A_35 : i32
    "tpu.region"() ({
      %run_scoped3A = tpu.sem_alloc : memref<!tpu.dma_semaphore, #tpu.memory_space<semaphore_mem>>
      %dma_start3A = arith.constant 0 : i32
      %dma_start3A_42 = tpu.memref_slice %arg7[%arg0, %mul3A_36, %dma_start3A] : memref<2x10000x128xf32, #tpu.memory_space<hbm>> -> memref<1x624x128xf32, #tpu.memory_space<hbm>>
      %dma_start3A_43 = tpu.memref_squeeze %dma_start3A_42 : memref<1x624x128xf32, #tpu.memory_space<hbm>> -> memref<624x128xf32, #tpu.memory_space<hbm>>
      %dma_start3A_44 = arith.constant 0 : i32
      %dma_start3A_45 = tpu.memref_slice %arg13[%mul3A_36, %dma_start3A_44] : memref<10000x128xf32, #tpu.memory_space<vmem_shared>> -> memref<624x128xf32, #tpu.memory_space<vmem_shared>>
      tpu.enqueue_dma source(%dma_start3A_45 : memref<624x128xf32, #tpu.memory_space<vmem_shared>>) target(%dma_start3A_43 : memref<624x128xf32, #tpu.memory_space<hbm>>) target_semaphore(%run_scoped3A : memref<!tpu.dma_semaphore, #tpu.memory_space<semaphore_mem>>)
      %dma_wait3A = arith.constant 0 : i32
      %dma_wait3A_46 = tpu.memref_slice %arg7[%arg0, %mul3A_36, %dma_wait3A] : memref<2x10000x128xf32, #tpu.memory_space<hbm>> -> memref<1x624x128xf32, #tpu.memory_space<hbm>>
      %dma_wait3A_47 = tpu.memref_squeeze %dma_wait3A_46 : memref<1x624x128xf32, #tpu.memory_space<hbm>> -> memref<624x128xf32, #tpu.memory_space<hbm>>
      %dma_wait3A_48 = arith.constant 0 : i32
      %dma_wait3A_49 = tpu.memref_slice %arg13[%mul3A_36, %dma_wait3A_48] : memref<10000x128xf32, #tpu.memory_space<vmem_shared>> -> memref<624x128xf32, #tpu.memory_space<vmem_shared>>
      tpu.wait_dma2 semaphore(%run_scoped3A : memref<!tpu.dma_semaphore, #tpu.memory_space<semaphore_mem>>) src(%dma_wait3A_49 : memref<624x128xf32, #tpu.memory_space<vmem_shared>>) dst(%dma_wait3A_47 : memref<624x128xf32, #tpu.memory_space<hbm>>)
      tpu.yield
    }) : () -> ()
    %eq3A_37 = arith.constant 15 : i32
    %eq3A_38 = arith.cmpi eq, %arg1, %eq3A_37 : i32
    %convert_element_type3A_39 = arith.extui %eq3A_38 : i1 to i32
    %cond3A_40 = arith.constant 0 : i32
    %cond3A_41 = arith.cmpi ne, %convert_element_type3A_39, %cond3A_40 : i32
    scf.if %cond3A_41 {
      "tpu.region"() ({
        %run_scoped3A = tpu.sem_alloc : memref<!tpu.dma_semaphore, #tpu.memory_space<semaphore_mem>>
        %dma_start3A = arith.constant 9984 : i32
        %dma_start3A_42 = arith.constant 0 : i32
        %dma_start3A_43 = tpu.memref_slice %arg7[%arg0, %dma_start3A, %dma_start3A_42] : memref<2x10000x128xf32, #tpu.memory_space<hbm>> -> memref<1x16x128xf32, #tpu.memory_space<hbm>>
        %dma_start3A_44 = tpu.memref_squeeze %dma_start3A_43 : memref<1x16x128xf32, #tpu.memory_space<hbm>> -> memref<16x128xf32, #tpu.memory_space<hbm>>
        %dma_start3A_45 = arith.constant 9984 : i32
        %dma_start3A_46 = arith.constant 0 : i32
        %dma_start3A_47 = tpu.memref_slice %arg13[%dma_start3A_45, %dma_start3A_46] : memref<10000x128xf32, #tpu.memory_space<vmem_shared>> -> memref<16x128xf32, #tpu.memory_space<vmem_shared>>
        tpu.enqueue_dma source(%dma_start3A_47 : memref<16x128xf32, #tpu.memory_space<vmem_shared>>) target(%dma_start3A_44 : memref<16x128xf32, #tpu.memory_space<hbm>>) target_semaphore(%run_scoped3A : memref<!tpu.dma_semaphore, #tpu.memory_space<semaphore_mem>>)
        %dma_wait3A = arith.constant 9984 : i32
        %dma_wait3A_48 = arith.constant 0 : i32
        %dma_wait3A_49 = tpu.memref_slice %arg7[%arg0, %dma_wait3A, %dma_wait3A_48] : memref<2x10000x128xf32, #tpu.memory_space<hbm>> -> memref<1x16x128xf32, #tpu.memory_space<hbm>>
        %dma_wait3A_50 = tpu.memref_squeeze %dma_wait3A_49 : memref<1x16x128xf32, #tpu.memory_space<hbm>> -> memref<16x128xf32, #tpu.memory_space<hbm>>
        %dma_wait3A_51 = arith.constant 9984 : i32
        %dma_wait3A_52 = arith.constant 0 : i32
        %dma_wait3A_53 = tpu.memref_slice %arg13[%dma_wait3A_51, %dma_wait3A_52] : memref<10000x128xf32, #tpu.memory_space<vmem_shared>> -> memref<16x128xf32, #tpu.memory_space<vmem_shared>>
        tpu.wait_dma2 semaphore(%run_scoped3A : memref<!tpu.dma_semaphore, #tpu.memory_space<semaphore_mem>>) src(%dma_wait3A_53 : memref<16x128xf32, #tpu.memory_space<vmem_shared>>) dst(%dma_wait3A_50 : memref<16x128xf32, #tpu.memory_space<hbm>>)
        tpu.yield
      }) : () -> ()
    } else {
    }
    return
  }
}

#map = affine_map<(d0, d1) -> (0)>
module attributes {stable_mosaic.version = 14 : i64} {
  func.func @_sc_pair_avg_body(%arg0: i32, %arg1: i32, %arg2: memref<320000xf32, #tpu.memory_space<hbm>>, %arg3: memref<160000xi32, #tpu.memory_space<hbm>>, %arg4: memref<160000xi32, #tpu.memory_space<hbm>>, %arg5: memref<160000xf32, #tpu.memory_space<hbm>>, %arg6: memref<128xi32, #tpu.memory_space<vmem>>, %arg7: memref<128xi32, #tpu.memory_space<vmem>>, %arg8: memref<128xf32, #tpu.memory_space<vmem>>, %arg9: memref<128xf32, #tpu.memory_space<vmem>>, %arg10: memref<!tpu.dma_semaphore, #tpu.memory_space<semaphore_mem>>) attributes {dimension_semantics = [#tpu.dimension_semantics<core_parallel>, #tpu.dimension_semantics<subcore_parallel>], iteration_bounds = array<i64: 2, 16>, scalar_prefetch = 0 : i64, scratch_operands = 5 : i64, tpu.core_type = #tpu.core_type<sc_vector_subcore>, window_params = [{transform_indices = #map}, {transform_indices = #map}, {transform_indices = #map}, {transform_indices = #map}]} {
    %mul3A = arith.constant 2 : i32
    %mul3A_0 = arith.muli %arg1, %mul3A : i32
    %add3A = arith.addi %mul3A_0, %arg0 : i32
    %mul3A_1 = arith.constant 5000 : i32
    %mul3A_2 = arith.muli %add3A, %mul3A_1 : i32
    %scan3A = arith.constant 0 : i32
    %scan3A_3 = arith.constant 0 : i32
    %scan3A_4 = arith.constant 39 : i32
    %scan3A_5 = arith.addi %scan3A_3, %scan3A_4 : i32
    %scan3A_6 = arith.constant 1 : i32
    scf.for %scan3A_22 = %scan3A_3 to %scan3A_5 step %scan3A_6  : i32 {
      %mul3A_23 = arith.constant 128 : i32
      %mul3A_24 = arith.muli %scan3A_22, %mul3A_23 : i32
      %add3A_25 = arith.addi %mul3A_2, %mul3A_24 : i32
      "tpu.region"() ({
        %run_scoped3A = tpu.sem_alloc : memref<!tpu.dma_semaphore, #tpu.memory_space<semaphore_mem>>
        %dma_start3A_144 = tpu.memref_slice %arg3[%add3A_25] : memref<160000xi32, #tpu.memory_space<hbm>> -> memref<128xi32, #tpu.memory_space<hbm>>
        %dma_start3A_145 = tpu.memref_slice %arg3[%add3A_25] : memref<160000xi32, #tpu.memory_space<hbm>> -> memref<128xi32, #tpu.memory_space<hbm>>
        tpu.enqueue_dma source(%dma_start3A_145 : memref<128xi32, #tpu.memory_space<hbm>>) target(%arg6 : memref<128xi32, #tpu.memory_space<vmem>>) target_semaphore(%run_scoped3A : memref<!tpu.dma_semaphore, #tpu.memory_space<semaphore_mem>>)
        %dma_wait3A_146 = tpu.memref_slice %arg3[%add3A_25] : memref<160000xi32, #tpu.memory_space<hbm>> -> memref<128xi32, #tpu.memory_space<hbm>>
        %dma_wait3A_147 = tpu.memref_slice %arg3[%add3A_25] : memref<160000xi32, #tpu.memory_space<hbm>> -> memref<128xi32, #tpu.memory_space<hbm>>
        tpu.wait_dma2 semaphore(%run_scoped3A : memref<!tpu.dma_semaphore, #tpu.memory_space<semaphore_mem>>) src(%dma_wait3A_147 : memref<128xi32, #tpu.memory_space<hbm>>) dst(%arg6 : memref<128xi32, #tpu.memory_space<vmem>>)
        tpu.yield
      }) : () -> ()
      "tpu.region"() ({
        %run_scoped3A = tpu.sem_alloc : memref<!tpu.dma_semaphore, #tpu.memory_space<semaphore_mem>>
        %dma_start3A_144 = tpu.memref_slice %arg4[%add3A_25] : memref<160000xi32, #tpu.memory_space<hbm>> -> memref<128xi32, #tpu.memory_space<hbm>>
        %dma_start3A_145 = tpu.memref_slice %arg4[%add3A_25] : memref<160000xi32, #tpu.memory_space<hbm>> -> memref<128xi32, #tpu.memory_space<hbm>>
        tpu.enqueue_dma source(%dma_start3A_145 : memref<128xi32, #tpu.memory_space<hbm>>) target(%arg7 : memref<128xi32, #tpu.memory_space<vmem>>) target_semaphore(%run_scoped3A : memref<!tpu.dma_semaphore, #tpu.memory_space<semaphore_mem>>)
        %dma_wait3A_146 = tpu.memref_slice %arg4[%add3A_25] : memref<160000xi32, #tpu.memory_space<hbm>> -> memref<128xi32, #tpu.memory_space<hbm>>
        %dma_wait3A_147 = tpu.memref_slice %arg4[%add3A_25] : memref<160000xi32, #tpu.memory_space<hbm>> -> memref<128xi32, #tpu.memory_space<hbm>>
        tpu.wait_dma2 semaphore(%run_scoped3A : memref<!tpu.dma_semaphore, #tpu.memory_space<semaphore_mem>>) src(%dma_wait3A_147 : memref<128xi32, #tpu.memory_space<hbm>>) dst(%arg7 : memref<128xi32, #tpu.memory_space<vmem>>)
        tpu.yield
      }) : () -> ()
      %dma_start3A = arith.constant 0 : i32
      %dma_start3A_26 = tpu.memref_slice %arg2[%dma_start3A] : memref<320000xf32, #tpu.memory_space<hbm>> -> memref<320000xf32, #tpu.memory_space<hbm>>
      tpu.enqueue_indirect_dma source(%dma_start3A_26 : memref<320000xf32, #tpu.memory_space<hbm>>) target(%arg8 : memref<128xf32, #tpu.memory_space<vmem>>) offsets(%arg6 : memref<128xi32, #tpu.memory_space<vmem>>) semaphore(%arg10 : memref<!tpu.dma_semaphore, #tpu.memory_space<semaphore_mem>>)
      %dma_start3A_27 = arith.constant 0 : i32
      %dma_start3A_28 = tpu.memref_slice %arg2[%dma_start3A_27] : memref<320000xf32, #tpu.memory_space<hbm>> -> memref<320000xf32, #tpu.memory_space<hbm>>
      tpu.enqueue_indirect_dma source(%dma_start3A_28 : memref<320000xf32, #tpu.memory_space<hbm>>) target(%arg9 : memref<128xf32, #tpu.memory_space<vmem>>) offsets(%arg7 : memref<128xi32, #tpu.memory_space<vmem>>) semaphore(%arg10 : memref<!tpu.dma_semaphore, #tpu.memory_space<semaphore_mem>>)
      %dma_wait3A = arith.constant 0 : i32
      %dma_wait3A_29 = tpu.memref_slice %arg2[%dma_wait3A] : memref<320000xf32, #tpu.memory_space<hbm>> -> memref<320000xf32, #tpu.memory_space<hbm>>
      tpu.wait_indirect_dma semaphore(%arg10 : memref<!tpu.dma_semaphore, #tpu.memory_space<semaphore_mem>>) src(%dma_wait3A_29 : memref<320000xf32, #tpu.memory_space<hbm>>) dst(%arg8 : memref<128xf32, #tpu.memory_space<vmem>>)
      %dma_wait3A_30 = arith.constant 0 : i32
      %dma_wait3A_31 = tpu.memref_slice %arg2[%dma_wait3A_30] : memref<320000xf32, #tpu.memory_space<hbm>> -> memref<320000xf32, #tpu.memory_space<hbm>>
      tpu.wait_indirect_dma semaphore(%arg10 : memref<!tpu.dma_semaphore, #tpu.memory_space<semaphore_mem>>) src(%dma_wait3A_31 : memref<320000xf32, #tpu.memory_space<hbm>>) dst(%arg9 : memref<128xf32, #tpu.memory_space<vmem>>)
      %get3A_32 = arith.constant 0 : index
      %get3A_33 = tpu.vector_load %arg8[%get3A_32] {strides = array<i32>} : memref<128xf32, #tpu.memory_space<vmem>>, vector<16xf32>,
      %get3A_34 = vector.shape_cast %get3A_33 : vector<16xf32> to vector<16xf32>
      %get3A_35 = arith.constant 0 : index
      %get3A_36 = tpu.vector_load %arg9[%get3A_35] {strides = array<i32>} : memref<128xf32, #tpu.memory_space<vmem>>, vector<16xf32>,
      %get3A_37 = vector.shape_cast %get3A_36 : vector<16xf32> to vector<16xf32>
      %add3A_38 = arith.addf %get3A_34, %get3A_37 : vector<16xf32>
      %mul3A_39 = arith.constant 5.000000e-01 : f32
      %mul3A_40 = vector.broadcast %mul3A_39 : f32 to vector<16xf32>
      %mul3A_41 = arith.mulf %mul3A_40, %add3A_38 : vector<16xf32>
      %swap3A_42 = arith.constant 0 : index
      %swap3A_43 = tpu.vector_load %arg8[%swap3A_42] {strides = array<i32>} : memref<128xf32, #tpu.memory_space<vmem>>, vector<16xf32>,
      %swap3A_44 = vector.shape_cast %swap3A_43 : vector<16xf32> to vector<16xf32>
      %swap3A_45 = vector.shape_cast %mul3A_41 : vector<16xf32> to vector<16xf32>
      tpu.vector_store %arg8[%swap3A_42], %swap3A_45 {strides = array<i32>} : memref<128xf32, #tpu.memory_space<vmem>>, vector<16xf32>,
      %get3A_46 = arith.constant 16 : index
      %get3A_47 = tpu.vector_load %arg8[%get3A_46] {strides = array<i32>} : memref<128xf32, #tpu.memory_space<vmem>>, vector<16xf32>,
      %get3A_48 = vector.shape_cast %get3A_47 : vector<16xf32> to vector<16xf32>
      %get3A_49 = arith.constant 16 : index
      %get3A_50 = tpu.vector_load %arg9[%get3A_49] {strides = array<i32>} : memref<128xf32, #tpu.memory_space<vmem>>, vector<16xf32>,
      %get3A_51 = vector.shape_cast %get3A_50 : vector<16xf32> to vector<16xf32>
      %add3A_52 = arith.addf %get3A_48, %get3A_51 : vector<16xf32>
      %mul3A_53 = arith.constant 5.000000e-01 : f32
      %mul3A_54 = vector.broadcast %mul3A_53 : f32 to vector<16xf32>
      %mul3A_55 = arith.mulf %mul3A_54, %add3A_52 : vector<16xf32>
      %swap3A_56 = arith.constant 16 : index
      %swap3A_57 = tpu.vector_load %arg8[%swap3A_56] {strides = array<i32>} : memref<128xf32, #tpu.memory_space<vmem>>, vector<16xf32>,
      %swap3A_58 = vector.shape_cast %swap3A_57 : vector<16xf32> to vector<16xf32>
      %swap3A_59 = vector.shape_cast %mul3A_55 : vector<16xf32> to vector<16xf32>
      tpu.vector_store %arg8[%swap3A_56], %swap3A_59 {strides = array<i32>} : memref<128xf32, #tpu.memory_space<vmem>>, vector<16xf32>,
      %get3A_60 = arith.constant 32 : index
      %get3A_61 = tpu.vector_load %arg8[%get3A_60] {strides = array<i32>} : memref<128xf32, #tpu.memory_space<vmem>>, vector<16xf32>,
      %get3A_62 = vector.shape_cast %get3A_61 : vector<16xf32> to vector<16xf32>
      %get3A_63 = arith.constant 32 : index
      %get3A_64 = tpu.vector_load %arg9[%get3A_63] {strides = array<i32>} : memref<128xf32, #tpu.memory_space<vmem>>, vector<16xf32>,
      %get3A_65 = vector.shape_cast %get3A_64 : vector<16xf32> to vector<16xf32>
      %add3A_66 = arith.addf %get3A_62, %get3A_65 : vector<16xf32>
      %mul3A_67 = arith.constant 5.000000e-01 : f32
      %mul3A_68 = vector.broadcast %mul3A_67 : f32 to vector<16xf32>
      %mul3A_69 = arith.mulf %mul3A_68, %add3A_66 : vector<16xf32>
      %swap3A_70 = arith.constant 32 : index
      %swap3A_71 = tpu.vector_load %arg8[%swap3A_70] {strides = array<i32>} : memref<128xf32, #tpu.memory_space<vmem>>, vector<16xf32>,
      %swap3A_72 = vector.shape_cast %swap3A_71 : vector<16xf32> to vector<16xf32>
      %swap3A_73 = vector.shape_cast %mul3A_69 : vector<16xf32> to vector<16xf32>
      tpu.vector_store %arg8[%swap3A_70], %swap3A_73 {strides = array<i32>} : memref<128xf32, #tpu.memory_space<vmem>>, vector<16xf32>,
      %get3A_74 = arith.constant 48 : index
      %get3A_75 = tpu.vector_load %arg8[%get3A_74] {strides = array<i32>} : memref<128xf32, #tpu.memory_space<vmem>>, vector<16xf32>,
      %get3A_76 = vector.shape_cast %get3A_75 : vector<16xf32> to vector<16xf32>
      %get3A_77 = arith.constant 48 : index
      %get3A_78 = tpu.vector_load %arg9[%get3A_77] {strides = array<i32>} : memref<128xf32, #tpu.memory_space<vmem>>, vector<16xf32>,
      %get3A_79 = vector.shape_cast %get3A_78 : vector<16xf32> to vector<16xf32>
      %add3A_80 = arith.addf %get3A_76, %get3A_79 : vector<16xf32>
      %mul3A_81 = arith.constant 5.000000e-01 : f32
      %mul3A_82 = vector.broadcast %mul3A_81 : f32 to vector<16xf32>
      %mul3A_83 = arith.mulf %mul3A_82, %add3A_80 : vector<16xf32>
      %swap3A_84 = arith.constant 48 : index
      %swap3A_85 = tpu.vector_load %arg8[%swap3A_84] {strides = array<i32>} : memref<128xf32, #tpu.memory_space<vmem>>, vector<16xf32>,
      %swap3A_86 = vector.shape_cast %swap3A_85 : vector<16xf32> to vector<16xf32>
      %swap3A_87 = vector.shape_cast %mul3A_83 : vector<16xf32> to vector<16xf32>
      tpu.vector_store %arg8[%swap3A_84], %swap3A_87 {strides = array<i32>} : memref<128xf32, #tpu.memory_space<vmem>>, vector<16xf32>,
      %get3A_88 = arith.constant 64 : index
      %get3A_89 = tpu.vector_load %arg8[%get3A_88] {strides = array<i32>} : memref<128xf32, #tpu.memory_space<vmem>>, vector<16xf32>,
      %get3A_90 = vector.shape_cast %get3A_89 : vector<16xf32> to vector<16xf32>
      %get3A_91 = arith.constant 64 : index
      %get3A_92 = tpu.vector_load %arg9[%get3A_91] {strides = array<i32>} : memref<128xf32, #tpu.memory_space<vmem>>, vector<16xf32>,
      %get3A_93 = vector.shape_cast %get3A_92 : vector<16xf32> to vector<16xf32>
      %add3A_94 = arith.addf %get3A_90, %get3A_93 : vector<16xf32>
      %mul3A_95 = arith.constant 5.000000e-01 : f32
      %mul3A_96 = vector.broadcast %mul3A_95 : f32 to vector<16xf32>
      %mul3A_97 = arith.mulf %mul3A_96, %add3A_94 : vector<16xf32>
      %swap3A_98 = arith.constant 64 : index
      %swap3A_99 = tpu.vector_load %arg8[%swap3A_98] {strides = array<i32>} : memref<128xf32, #tpu.memory_space<vmem>>, vector<16xf32>,
      %swap3A_100 = vector.shape_cast %swap3A_99 : vector<16xf32> to vector<16xf32>
      %swap3A_101 = vector.shape_cast %mul3A_97 : vector<16xf32> to vector<16xf32>
      tpu.vector_store %arg8[%swap3A_98], %swap3A_101 {strides = array<i32>} : memref<128xf32, #tpu.memory_space<vmem>>, vector<16xf32>,
      %get3A_102 = arith.constant 80 : index
      %get3A_103 = tpu.vector_load %arg8[%get3A_102] {strides = array<i32>} : memref<128xf32, #tpu.memory_space<vmem>>, vector<16xf32>,
      %get3A_104 = vector.shape_cast %get3A_103 : vector<16xf32> to vector<16xf32>
      %get3A_105 = arith.constant 80 : index
      %get3A_106 = tpu.vector_load %arg9[%get3A_105] {strides = array<i32>} : memref<128xf32, #tpu.memory_space<vmem>>, vector<16xf32>,
      %get3A_107 = vector.shape_cast %get3A_106 : vector<16xf32> to vector<16xf32>
      %add3A_108 = arith.addf %get3A_104, %get3A_107 : vector<16xf32>
      %mul3A_109 = arith.constant 5.000000e-01 : f32
      %mul3A_110 = vector.broadcast %mul3A_109 : f32 to vector<16xf32>
      %mul3A_111 = arith.mulf %mul3A_110, %add3A_108 : vector<16xf32>
      %swap3A_112 = arith.constant 80 : index
      %swap3A_113 = tpu.vector_load %arg8[%swap3A_112] {strides = array<i32>} : memref<128xf32, #tpu.memory_space<vmem>>, vector<16xf32>,
      %swap3A_114 = vector.shape_cast %swap3A_113 : vector<16xf32> to vector<16xf32>
      %swap3A_115 = vector.shape_cast %mul3A_111 : vector<16xf32> to vector<16xf32>
      tpu.vector_store %arg8[%swap3A_112], %swap3A_115 {strides = array<i32>} : memref<128xf32, #tpu.memory_space<vmem>>, vector<16xf32>,
      %get3A_116 = arith.constant 96 : index
      %get3A_117 = tpu.vector_load %arg8[%get3A_116] {strides = array<i32>} : memref<128xf32, #tpu.memory_space<vmem>>, vector<16xf32>,
      %get3A_118 = vector.shape_cast %get3A_117 : vector<16xf32> to vector<16xf32>
      %get3A_119 = arith.constant 96 : index
      %get3A_120 = tpu.vector_load %arg9[%get3A_119] {strides = array<i32>} : memref<128xf32, #tpu.memory_space<vmem>>, vector<16xf32>,
      %get3A_121 = vector.shape_cast %get3A_120 : vector<16xf32> to vector<16xf32>
      %add3A_122 = arith.addf %get3A_118, %get3A_121 : vector<16xf32>
      %mul3A_123 = arith.constant 5.000000e-01 : f32
      %mul3A_124 = vector.broadcast %mul3A_123 : f32 to vector<16xf32>
      %mul3A_125 = arith.mulf %mul3A_124, %add3A_122 : vector<16xf32>
      %swap3A_126 = arith.constant 96 : index
      %swap3A_127 = tpu.vector_load %arg8[%swap3A_126] {strides = array<i32>} : memref<128xf32, #tpu.memory_space<vmem>>, vector<16xf32>,
      %swap3A_128 = vector.shape_cast %swap3A_127 : vector<16xf32> to vector<16xf32>
      %swap3A_129 = vector.shape_cast %mul3A_125 : vector<16xf32> to vector<16xf32>
      tpu.vector_store %arg8[%swap3A_126], %swap3A_129 {strides = array<i32>} : memref<128xf32, #tpu.memory_space<vmem>>, vector<16xf32>,
      %get3A_130 = arith.constant 112 : index
      %get3A_131 = tpu.vector_load %arg8[%get3A_130] {strides = array<i32>} : memref<128xf32, #tpu.memory_space<vmem>>, vector<16xf32>,
      %get3A_132 = vector.shape_cast %get3A_131 : vector<16xf32> to vector<16xf32>
      %get3A_133 = arith.constant 112 : index
      %get3A_134 = tpu.vector_load %arg9[%get3A_133] {strides = array<i32>} : memref<128xf32, #tpu.memory_space<vmem>>, vector<16xf32>,
      %get3A_135 = vector.shape_cast %get3A_134 : vector<16xf32> to vector<16xf32>
      %add3A_136 = arith.addf %get3A_132, %get3A_135 : vector<16xf32>
      %mul3A_137 = arith.constant 5.000000e-01 : f32
      %mul3A_138 = vector.broadcast %mul3A_137 : f32 to vector<16xf32>
      %mul3A_139 = arith.mulf %mul3A_138, %add3A_136 : vector<16xf32>
      %swap3A_140 = arith.constant 112 : index
      %swap3A_141 = tpu.vector_load %arg8[%swap3A_140] {strides = array<i32>} : memref<128xf32, #tpu.memory_space<vmem>>, vector<16xf32>,
      %swap3A_142 = vector.shape_cast %swap3A_141 : vector<16xf32> to vector<16xf32>
      %swap3A_143 = vector.shape_cast %mul3A_139 : vector<16xf32> to vector<16xf32>
      tpu.vector_store %arg8[%swap3A_140], %swap3A_143 {strides = array<i32>} : memref<128xf32, #tpu.memory_space<vmem>>, vector<16xf32>,
      "tpu.region"() ({
        %run_scoped3A = tpu.sem_alloc : memref<!tpu.dma_semaphore, #tpu.memory_space<semaphore_mem>>
        %dma_start3A_144 = tpu.memref_slice %arg5[%add3A_25] : memref<160000xf32, #tpu.memory_space<hbm>> -> memref<128xf32, #tpu.memory_space<hbm>>
        %dma_start3A_145 = tpu.memref_slice %arg5[%add3A_25] : memref<160000xf32, #tpu.memory_space<hbm>> -> memref<128xf32, #tpu.memory_space<hbm>>
        tpu.enqueue_dma source(%arg8 : memref<128xf32, #tpu.memory_space<vmem>>) target(%dma_start3A_145 : memref<128xf32, #tpu.memory_space<hbm>>) target_semaphore(%run_scoped3A : memref<!tpu.dma_semaphore, #tpu.memory_space<semaphore_mem>>)
        %dma_wait3A_146 = tpu.memref_slice %arg5[%add3A_25] : memref<160000xf32, #tpu.memory_space<hbm>> -> memref<128xf32, #tpu.memory_space<hbm>>
        %dma_wait3A_147 = tpu.memref_slice %arg5[%add3A_25] : memref<160000xf32, #tpu.memory_space<hbm>> -> memref<128xf32, #tpu.memory_space<hbm>>
        tpu.wait_dma2 semaphore(%run_scoped3A : memref<!tpu.dma_semaphore, #tpu.memory_space<semaphore_mem>>) src(%arg8 : memref<128xf32, #tpu.memory_space<vmem>>) dst(%dma_wait3A_147 : memref<128xf32, #tpu.memory_space<hbm>>)
        tpu.yield
      }) : () -> ()
    }
    %scan3A_7 = arith.constant 39 : i32
    %add3A_8 = arith.constant 4992 : i32
    %add3A_9 = arith.addi %mul3A_2, %add3A_8 : i32
    "tpu.region"() ({
      %run_scoped3A = tpu.sem_alloc : memref<!tpu.dma_semaphore, #tpu.memory_space<semaphore_mem>>
      %dma_start3A = arith.constant 0 : i32
      %dma_start3A_22 = tpu.memref_slice %arg6[%dma_start3A] : memref<128xi32, #tpu.memory_space<vmem>> -> memref<8xi32, #tpu.memory_space<vmem>>
      %dma_start3A_23 = tpu.memref_slice %arg3[%add3A_9] : memref<160000xi32, #tpu.memory_space<hbm>> -> memref<8xi32, #tpu.memory_space<hbm>>
      %dma_start3A_24 = arith.constant 0 : i32
      %dma_start3A_25 = tpu.memref_slice %arg6[%dma_start3A_24] : memref<128xi32, #tpu.memory_space<vmem>> -> memref<8xi32, #tpu.memory_space<vmem>>
      %dma_start3A_26 = tpu.memref_slice %arg3[%add3A_9] : memref<160000xi32, #tpu.memory_space<hbm>> -> memref<8xi32, #tpu.memory_space<hbm>>
      tpu.enqueue_dma source(%dma_start3A_26 : memref<8xi32, #tpu.memory_space<hbm>>) target(%dma_start3A_25 : memref<8xi32, #tpu.memory_space<vmem>>) target_semaphore(%run_scoped3A : memref<!tpu.dma_semaphore, #tpu.memory_space<semaphore_mem>>)
      %dma_wait3A = arith.constant 0 : i32
      %dma_wait3A_27 = tpu.memref_slice %arg6[%dma_wait3A] : memref<128xi32, #tpu.memory_space<vmem>> -> memref<8xi32, #tpu.memory_space<vmem>>
      %dma_wait3A_28 = tpu.memref_slice %arg3[%add3A_9] : memref<160000xi32, #tpu.memory_space<hbm>> -> memref<8xi32, #tpu.memory_space<hbm>>
      %dma_wait3A_29 = arith.constant 0 : i32
      %dma_wait3A_30 = tpu.memref_slice %arg6[%dma_wait3A_29] : memref<128xi32, #tpu.memory_space<vmem>> -> memref<8xi32, #tpu.memory_space<vmem>>
      %dma_wait3A_31 = tpu.memref_slice %arg3[%add3A_9] : memref<160000xi32, #tpu.memory_space<hbm>> -> memref<8xi32, #tpu.memory_space<hbm>>
      tpu.wait_dma2 semaphore(%run_scoped3A : memref<!tpu.dma_semaphore, #tpu.memory_space<semaphore_mem>>) src(%dma_wait3A_31 : memref<8xi32, #tpu.memory_space<hbm>>) dst(%dma_wait3A_30 : memref<8xi32, #tpu.memory_space<vmem>>)
      tpu.yield
    }) : () -> ()
    "tpu.region"() ({
      %run_scoped3A = tpu.sem_alloc : memref<!tpu.dma_semaphore, #tpu.memory_space<semaphore_mem>>
      %dma_start3A = arith.constant 0 : i32
      %dma_start3A_22 = tpu.memref_slice %arg7[%dma_start3A] : memref<128xi32, #tpu.memory_space<vmem>> -> memref<8xi32, #tpu.memory_space<vmem>>
      %dma_start3A_23 = tpu.memref_slice %arg4[%add3A_9] : memref<160000xi32, #tpu.memory_space<hbm>> -> memref<8xi32, #tpu.memory_space<hbm>>
      %dma_start3A_24 = arith.constant 0 : i32
      %dma_start3A_25 = tpu.memref_slice %arg7[%dma_start3A_24] : memref<128xi32, #tpu.memory_space<vmem>> -> memref<8xi32, #tpu.memory_space<vmem>>
      %dma_start3A_26 = tpu.memref_slice %arg4[%add3A_9] : memref<160000xi32, #tpu.memory_space<hbm>> -> memref<8xi32, #tpu.memory_space<hbm>>
      tpu.enqueue_dma source(%dma_start3A_26 : memref<8xi32, #tpu.memory_space<hbm>>) target(%dma_start3A_25 : memref<8xi32, #tpu.memory_space<vmem>>) target_semaphore(%run_scoped3A : memref<!tpu.dma_semaphore, #tpu.memory_space<semaphore_mem>>)
      %dma_wait3A = arith.constant 0 : i32
      %dma_wait3A_27 = tpu.memref_slice %arg7[%dma_wait3A] : memref<128xi32, #tpu.memory_space<vmem>> -> memref<8xi32, #tpu.memory_space<vmem>>
      %dma_wait3A_28 = tpu.memref_slice %arg4[%add3A_9] : memref<160000xi32, #tpu.memory_space<hbm>> -> memref<8xi32, #tpu.memory_space<hbm>>
      %dma_wait3A_29 = arith.constant 0 : i32
      %dma_wait3A_30 = tpu.memref_slice %arg7[%dma_wait3A_29] : memref<128xi32, #tpu.memory_space<vmem>> -> memref<8xi32, #tpu.memory_space<vmem>>
      %dma_wait3A_31 = tpu.memref_slice %arg4[%add3A_9] : memref<160000xi32, #tpu.memory_space<hbm>> -> memref<8xi32, #tpu.memory_space<hbm>>
      tpu.wait_dma2 semaphore(%run_scoped3A : memref<!tpu.dma_semaphore, #tpu.memory_space<semaphore_mem>>) src(%dma_wait3A_31 : memref<8xi32, #tpu.memory_space<hbm>>) dst(%dma_wait3A_30 : memref<8xi32, #tpu.memory_space<vmem>>)
      tpu.yield
    }) : () -> ()
    "tpu.region"() ({
      %run_scoped3A = tpu.sem_alloc : memref<!tpu.dma_semaphore, #tpu.memory_space<semaphore_mem>>
      %dma_start3A = arith.constant 0 : i32
      %dma_start3A_22 = tpu.memref_slice %arg8[%dma_start3A] : memref<128xf32, #tpu.memory_space<vmem>> -> memref<8xf32, #tpu.memory_space<vmem>>
      %dma_start3A_23 = arith.constant 0 : i32
      %dma_start3A_24 = tpu.memref_slice %arg6[%dma_start3A_23] : memref<128xi32, #tpu.memory_space<vmem>> -> memref<8xi32, #tpu.memory_space<vmem>>
      %dma_start3A_25 = arith.constant 0 : i32
      %dma_start3A_26 = tpu.memref_slice %arg2[%dma_start3A_25] : memref<320000xf32, #tpu.memory_space<hbm>> -> memref<320000xf32, #tpu.memory_space<hbm>>
      tpu.enqueue_indirect_dma source(%dma_start3A_26 : memref<320000xf32, #tpu.memory_space<hbm>>) target(%dma_start3A_22 : memref<8xf32, #tpu.memory_space<vmem>>) offsets(%dma_start3A_24 : memref<8xi32, #tpu.memory_space<vmem>>) semaphore(%run_scoped3A : memref<!tpu.dma_semaphore, #tpu.memory_space<semaphore_mem>>)
      %dma_wait3A = arith.constant 0 : i32
      %dma_wait3A_27 = tpu.memref_slice %arg8[%dma_wait3A] : memref<128xf32, #tpu.memory_space<vmem>> -> memref<8xf32, #tpu.memory_space<vmem>>
      %dma_wait3A_28 = arith.constant 0 : i32
      %dma_wait3A_29 = tpu.memref_slice %arg6[%dma_wait3A_28] : memref<128xi32, #tpu.memory_space<vmem>> -> memref<8xi32, #tpu.memory_space<vmem>>
      %dma_wait3A_30 = arith.constant 0 : i32
      %dma_wait3A_31 = tpu.memref_slice %arg2[%dma_wait3A_30] : memref<320000xf32, #tpu.memory_space<hbm>> -> memref<320000xf32, #tpu.memory_space<hbm>>
      tpu.wait_indirect_dma semaphore(%run_scoped3A : memref<!tpu.dma_semaphore, #tpu.memory_space<semaphore_mem>>) src(%dma_wait3A_31 : memref<320000xf32, #tpu.memory_space<hbm>>) dst(%dma_wait3A_27 : memref<8xf32, #tpu.memory_space<vmem>>)
      tpu.yield
    }) : () -> ()
    "tpu.region"() ({
      %run_scoped3A = tpu.sem_alloc : memref<!tpu.dma_semaphore, #tpu.memory_space<semaphore_mem>>
      %dma_start3A = arith.constant 0 : i32
      %dma_start3A_22 = tpu.memref_slice %arg9[%dma_start3A] : memref<128xf32, #tpu.memory_space<vmem>> -> memref<8xf32, #tpu.memory_space<vmem>>
      %dma_start3A_23 = arith.constant 0 : i32
      %dma_start3A_24 = tpu.memref_slice %arg7[%dma_start3A_23] : memref<128xi32, #tpu.memory_space<vmem>> -> memref<8xi32, #tpu.memory_space<vmem>>
      %dma_start3A_25 = arith.constant 0 : i32
      %dma_start3A_26 = tpu.memref_slice %arg2[%dma_start3A_25] : memref<320000xf32, #tpu.memory_space<hbm>> -> memref<320000xf32, #tpu.memory_space<hbm>>
      tpu.enqueue_indirect_dma source(%dma_start3A_26 : memref<320000xf32, #tpu.memory_space<hbm>>) target(%dma_start3A_22 : memref<8xf32, #tpu.memory_space<vmem>>) offsets(%dma_start3A_24 : memref<8xi32, #tpu.memory_space<vmem>>) semaphore(%run_scoped3A : memref<!tpu.dma_semaphore, #tpu.memory_space<semaphore_mem>>)
      %dma_wait3A = arith.constant 0 : i32
      %dma_wait3A_27 = tpu.memref_slice %arg9[%dma_wait3A] : memref<128xf32, #tpu.memory_space<vmem>> -> memref<8xf32, #tpu.memory_space<vmem>>
      %dma_wait3A_28 = arith.constant 0 : i32
      %dma_wait3A_29 = tpu.memref_slice %arg7[%dma_wait3A_28] : memref<128xi32, #tpu.memory_space<vmem>> -> memref<8xi32, #tpu.memory_space<vmem>>
      %dma_wait3A_30 = arith.constant 0 : i32
      %dma_wait3A_31 = tpu.memref_slice %arg2[%dma_wait3A_30] : memref<320000xf32, #tpu.memory_space<hbm>> -> memref<320000xf32, #tpu.memory_space<hbm>>
      tpu.wait_indirect_dma semaphore(%run_scoped3A : memref<!tpu.dma_semaphore, #tpu.memory_space<semaphore_mem>>) src(%dma_wait3A_31 : memref<320000xf32, #tpu.memory_space<hbm>>) dst(%dma_wait3A_27 : memref<8xf32, #tpu.memory_space<vmem>>)
      tpu.yield
    }) : () -> ()
    %get3A = arith.constant 0 : index
    %get3A_10 = tpu.vector_load %arg8[%get3A] {strides = array<i32>} : memref<128xf32, #tpu.memory_space<vmem>>, vector<16xf32>,
    %get3A_11 = vector.shape_cast %get3A_10 : vector<16xf32> to vector<16xf32>
    %get3A_12 = arith.constant 0 : index
    %get3A_13 = tpu.vector_load %arg9[%get3A_12] {strides = array<i32>} : memref<128xf32, #tpu.memory_space<vmem>>, vector<16xf32>,
    %get3A_14 = vector.shape_cast %get3A_13 : vector<16xf32> to vector<16xf32>
    %add3A_15 = arith.addf %get3A_11, %get3A_14 : vector<16xf32>
    %mul3A_16 = arith.constant 5.000000e-01 : f32
    %mul3A_17 = vector.broadcast %mul3A_16 : f32 to vector<16xf32>
    %mul3A_18 = arith.mulf %mul3A_17, %add3A_15 : vector<16xf32>
    %swap3A = arith.constant 0 : index
    %swap3A_19 = tpu.vector_load %arg8[%swap3A] {strides = array<i32>} : memref<128xf32, #tpu.memory_space<vmem>>, vector<16xf32>,
    %swap3A_20 = vector.shape_cast %swap3A_19 : vector<16xf32> to vector<16xf32>
    %swap3A_21 = vector.shape_cast %mul3A_18 : vector<16xf32> to vector<16xf32>
    tpu.vector_store %arg8[%swap3A], %swap3A_21 {strides = array<i32>} : memref<128xf32, #tpu.memory_space<vmem>>, vector<16xf32>,
    "tpu.region"() ({
      %run_scoped3A = tpu.sem_alloc : memref<!tpu.dma_semaphore, #tpu.memory_space<semaphore_mem>>
      %dma_start3A = arith.constant 0 : i32
      %dma_start3A_22 = tpu.memref_slice %arg8[%dma_start3A] : memref<128xf32, #tpu.memory_space<vmem>> -> memref<8xf32, #tpu.memory_space<vmem>>
      %dma_start3A_23 = tpu.memref_slice %arg5[%add3A_9] : memref<160000xf32, #tpu.memory_space<hbm>> -> memref<8xf32, #tpu.memory_space<hbm>>
      %dma_start3A_24 = tpu.memref_slice %arg5[%add3A_9] : memref<160000xf32, #tpu.memory_space<hbm>> -> memref<8xf32, #tpu.memory_space<hbm>>
      %dma_start3A_25 = arith.constant 0 : i32
      %dma_start3A_26 = tpu.memref_slice %arg8[%dma_start3A_25] : memref<128xf32, #tpu.memory_space<vmem>> -> memref<8xf32, #tpu.memory_space<vmem>>
      tpu.enqueue_dma source(%dma_start3A_26 : memref<8xf32, #tpu.memory_space<vmem>>) target(%dma_start3A_24 : memref<8xf32, #tpu.memory_space<hbm>>) target_semaphore(%run_scoped3A : memref<!tpu.dma_semaphore, #tpu.memory_space<semaphore_mem>>)
      %dma_wait3A = arith.constant 0 : i32
      %dma_wait3A_27 = tpu.memref_slice %arg8[%dma_wait3A] : memref<128xf32, #tpu.memory_space<vmem>> -> memref<8xf32, #tpu.memory_space<vmem>>
      %dma_wait3A_28 = tpu.memref_slice %arg5[%add3A_9] : memref<160000xf32, #tpu.memory_space<hbm>> -> memref<8xf32, #tpu.memory_space<hbm>>
      %dma_wait3A_29 = tpu.memref_slice %arg5[%add3A_9] : memref<160000xf32, #tpu.memory_space<hbm>> -> memref<8xf32, #tpu.memory_space<hbm>>
      %dma_wait3A_30 = arith.constant 0 : i32
      %dma_wait3A_31 = tpu.memref_slice %arg8[%dma_wait3A_30] : memref<128xf32, #tpu.memory_space<vmem>> -> memref<8xf32, #tpu.memory_space<vmem>>
      tpu.wait_dma2 semaphore(%run_scoped3A : memref<!tpu.dma_semaphore, #tpu.memory_space<semaphore_mem>>) src(%dma_wait3A_31 : memref<8xf32, #tpu.memory_space<vmem>>) dst(%dma_wait3A_29 : memref<8xf32, #tpu.memory_space<hbm>>)
      tpu.yield
    }) : () -> ()
    return
  }
}

#map = affine_map<(d0, d1) -> (0)>
module attributes {stable_mosaic.version = 14 : i64} {
  func.func @_sc_pair_apply_body(%arg0: i32, %arg1: i32, %arg2: memref<320000xf32, #tpu.memory_space<hbm>>, %arg3: memref<320000xf32, #tpu.memory_space<hbm>>, %arg4: memref<320000xf32, #tpu.memory_space<hbm>>, %arg5: memref<160000xf32, #tpu.memory_space<hbm>>, %arg6: memref<320000xf32, #tpu.memory_space<hbm>>, %arg7: memref<10000xf32, #tpu.memory_space<vmem>>, %arg8: memref<10000xf32, #tpu.memory_space<vmem>>, %arg9: memref<10000xf32, #tpu.memory_space<vmem>>, %arg10: memref<10000xi32, #tpu.memory_space<vmem>>, %arg11: memref<10000xf32, #tpu.memory_space<vmem>>, %arg12: memref<!tpu.dma_semaphore, #tpu.memory_space<semaphore_mem>>) attributes {dimension_semantics = [#tpu.dimension_semantics<core_parallel>, #tpu.dimension_semantics<subcore_parallel>], iteration_bounds = array<i64: 2, 16>, scalar_prefetch = 0 : i64, scratch_operands = 6 : i64, tpu.core_type = #tpu.core_type<sc_vector_subcore>, window_params = [{transform_indices = #map}, {transform_indices = #map}, {transform_indices = #map}, {transform_indices = #map}, {transform_indices = #map}]} {
    %mul3A = arith.constant 2 : i32
    %mul3A_0 = arith.muli %arg1, %mul3A : i32
    %add3A = arith.addi %mul3A_0, %arg0 : i32
    %mul3A_1 = arith.constant 10000 : i32
    %mul3A_2 = arith.muli %add3A, %mul3A_1 : i32
    "tpu.region"() ({
      %run_scoped3A = tpu.sem_alloc : memref<!tpu.dma_semaphore, #tpu.memory_space<semaphore_mem>>
      %dma_start3A_960 = tpu.memref_slice %arg2[%mul3A_2] : memref<320000xf32, #tpu.memory_space<hbm>> -> memref<10000xf32, #tpu.memory_space<hbm>>
      %dma_start3A_961 = tpu.memref_slice %arg2[%mul3A_2] : memref<320000xf32, #tpu.memory_space<hbm>> -> memref<10000xf32, #tpu.memory_space<hbm>>
      tpu.enqueue_dma source(%dma_start3A_961 : memref<10000xf32, #tpu.memory_space<hbm>>) target(%arg7 : memref<10000xf32, #tpu.memory_space<vmem>>) target_semaphore(%run_scoped3A : memref<!tpu.dma_semaphore, #tpu.memory_space<semaphore_mem>>)
      %dma_wait3A_962 = tpu.memref_slice %arg2[%mul3A_2] : memref<320000xf32, #tpu.memory_space<hbm>> -> memref<10000xf32, #tpu.memory_space<hbm>>
      %dma_wait3A_963 = tpu.memref_slice %arg2[%mul3A_2] : memref<320000xf32, #tpu.memory_space<hbm>> -> memref<10000xf32, #tpu.memory_space<hbm>>
      tpu.wait_dma2 semaphore(%run_scoped3A : memref<!tpu.dma_semaphore, #tpu.memory_space<semaphore_mem>>) src(%dma_wait3A_963 : memref<10000xf32, #tpu.memory_space<hbm>>) dst(%arg7 : memref<10000xf32, #tpu.memory_space<vmem>>)
      tpu.yield
    }) : () -> ()
    "tpu.region"() ({
      %run_scoped3A = tpu.sem_alloc : memref<!tpu.dma_semaphore, #tpu.memory_space<semaphore_mem>>
      %dma_start3A_960 = tpu.memref_slice %arg3[%mul3A_2] : memref<320000xf32, #tpu.memory_space<hbm>> -> memref<10000xf32, #tpu.memory_space<hbm>>
      %dma_start3A_961 = tpu.memref_slice %arg3[%mul3A_2] : memref<320000xf32, #tpu.memory_space<hbm>> -> memref<10000xf32, #tpu.memory_space<hbm>>
      tpu.enqueue_dma source(%dma_start3A_961 : memref<10000xf32, #tpu.memory_space<hbm>>) target(%arg8 : memref<10000xf32, #tpu.memory_space<vmem>>) target_semaphore(%run_scoped3A : memref<!tpu.dma_semaphore, #tpu.memory_space<semaphore_mem>>)
      %dma_wait3A_962 = tpu.memref_slice %arg3[%mul3A_2] : memref<320000xf32, #tpu.memory_space<hbm>> -> memref<10000xf32, #tpu.memory_space<hbm>>
      %dma_wait3A_963 = tpu.memref_slice %arg3[%mul3A_2] : memref<320000xf32, #tpu.memory_space<hbm>> -> memref<10000xf32, #tpu.memory_space<hbm>>
      tpu.wait_dma2 semaphore(%run_scoped3A : memref<!tpu.dma_semaphore, #tpu.memory_space<semaphore_mem>>) src(%dma_wait3A_963 : memref<10000xf32, #tpu.memory_space<hbm>>) dst(%arg8 : memref<10000xf32, #tpu.memory_space<vmem>>)
      tpu.yield
    }) : () -> ()
    "tpu.region"() ({
      %run_scoped3A = tpu.sem_alloc : memref<!tpu.dma_semaphore, #tpu.memory_space<semaphore_mem>>
      %dma_start3A_960 = tpu.memref_slice %arg4[%mul3A_2] : memref<320000xf32, #tpu.memory_space<hbm>> -> memref<10000xf32, #tpu.memory_space<hbm>>
      %dma_start3A_961 = tpu.memref_slice %arg4[%mul3A_2] : memref<320000xf32, #tpu.memory_space<hbm>> -> memref<10000xf32, #tpu.memory_space<hbm>>
      tpu.enqueue_dma source(%dma_start3A_961 : memref<10000xf32, #tpu.memory_space<hbm>>) target(%arg9 : memref<10000xf32, #tpu.memory_space<vmem>>) target_semaphore(%run_scoped3A : memref<!tpu.dma_semaphore, #tpu.memory_space<semaphore_mem>>)
      %dma_wait3A_962 = tpu.memref_slice %arg4[%mul3A_2] : memref<320000xf32, #tpu.memory_space<hbm>> -> memref<10000xf32, #tpu.memory_space<hbm>>
      %dma_wait3A_963 = tpu.memref_slice %arg4[%mul3A_2] : memref<320000xf32, #tpu.memory_space<hbm>> -> memref<10000xf32, #tpu.memory_space<hbm>>
      tpu.wait_dma2 semaphore(%run_scoped3A : memref<!tpu.dma_semaphore, #tpu.memory_space<semaphore_mem>>) src(%dma_wait3A_963 : memref<10000xf32, #tpu.memory_space<hbm>>) dst(%arg9 : memref<10000xf32, #tpu.memory_space<vmem>>)
      tpu.yield
    }) : () -> ()
    %scan3A = arith.constant 0 : i32
    %scan3A_3 = arith.constant 0 : i32
    %scan3A_4 = arith.constant 625 : i32
    %scan3A_5 = arith.addi %scan3A_3, %scan3A_4 : i32
    %scan3A_6 = arith.constant 1 : i32
    scf.for %scan3A_960 = %scan3A_3 to %scan3A_5 step %scan3A_6  : i32 {
      %mul3A_961 = arith.constant 16 : i32
      %mul3A_962 = arith.muli %scan3A_960, %mul3A_961 : i32
      %get3A = arith.index_cast %mul3A_962 : i32 to index
      %get3A_963 = tpu.vector_load %arg9[%get3A] {strides = array<i32>} : memref<10000xf32, #tpu.memory_space<vmem>>, vector<16xf32>,
      %get3A_964 = vector.shape_cast %get3A_963 : vector<16xf32> to vector<16xf32>
      %convert_element_type3A = arith.fptosi %get3A_964 : vector<16xf32> to vector<16xi32>
      %ge3A = arith.constant 160000 : i32
      %ge3A_965 = vector.broadcast %ge3A : i32 to vector<16xi32>
      %ge3A_966 = arith.cmpi sge, %convert_element_type3A, %ge3A_965 : vector<16xi32>
      %sub3A = arith.constant 160000 : i32
      %sub3A_967 = vector.broadcast %sub3A : i32 to vector<16xi32>
      %sub3A_968 = arith.subi %convert_element_type3A, %sub3A_967 : vector<16xi32>
      %select_n3A = arith.select %ge3A_966, %sub3A_968, %convert_element_type3A : vector<16xi1>, vector<16xi32>
      %lt3A = arith.constant 0 : i32
      %lt3A_969 = vector.broadcast %lt3A : i32 to vector<16xi32>
      %lt3A_970 = arith.cmpi slt, %convert_element_type3A, %lt3A_969 : vector<16xi32>
      %jit3A = arith.constant 0 : i32
      %broadcast_in_dim3A = vector.broadcast %jit3A : i32 to vector<16xi32>
      %select_n3A_971 = arith.select %lt3A_970, %broadcast_in_dim3A, %select_n3A : vector<16xi1>, vector<16xi32>
      %swap3A = arith.index_cast %mul3A_962 : i32 to index
      %swap3A_972 = tpu.vector_load %arg10[%swap3A] {strides = array<i32>} : memref<10000xi32, #tpu.memory_space<vmem>>, vector<16xi32>,
      %swap3A_973 = vector.shape_cast %swap3A_972 : vector<16xi32> to vector<16xi32>
      %swap3A_974 = vector.shape_cast %select_n3A_971 : vector<16xi32> to vector<16xi32>
      tpu.vector_store %arg10[%swap3A], %swap3A_974 {strides = array<i32>} : memref<10000xi32, #tpu.memory_space<vmem>>, vector<16xi32>,
    }
    %scan3A_7 = arith.constant 625 : i32
    %dma_start3A = arith.constant 0 : i32
    %dma_start3A_8 = tpu.memref_slice %arg11[%dma_start3A] : memref<10000xf32, #tpu.memory_space<vmem>> -> memref<128xf32, #tpu.memory_space<vmem>>
    %dma_start3A_9 = arith.constant 0 : i32
    %dma_start3A_10 = tpu.memref_slice %arg10[%dma_start3A_9] : memref<10000xi32, #tpu.memory_space<vmem>> -> memref<128xi32, #tpu.memory_space<vmem>>
    %dma_start3A_11 = arith.constant 0 : i32
    %dma_start3A_12 = tpu.memref_slice %arg5[%dma_start3A_11] : memref<160000xf32, #tpu.memory_space<hbm>> -> memref<160000xf32, #tpu.memory_space<hbm>>
    tpu.enqueue_indirect_dma source(%dma_start3A_12 : memref<160000xf32, #tpu.memory_space<hbm>>) target(%dma_start3A_8 : memref<128xf32, #tpu.memory_space<vmem>>) offsets(%dma_start3A_10 : memref<128xi32, #tpu.memory_space<vmem>>) semaphore(%arg12 : memref<!tpu.dma_semaphore, #tpu.memory_space<semaphore_mem>>)
    %dma_start3A_13 = arith.constant 128 : i32
    %dma_start3A_14 = tpu.memref_slice %arg11[%dma_start3A_13] : memref<10000xf32, #tpu.memory_space<vmem>> -> memref<128xf32, #tpu.memory_space<vmem>>
    %dma_start3A_15 = arith.constant 128 : i32
    %dma_start3A_16 = tpu.memref_slice %arg10[%dma_start3A_15] : memref<10000xi32, #tpu.memory_space<vmem>> -> memref<128xi32, #tpu.memory_space<vmem>>
    %dma_start3A_17 = arith.constant 0 : i32
    %dma_start3A_18 = tpu.memref_slice %arg5[%dma_start3A_17] : memref<160000xf32, #tpu.memory_space<hbm>> -> memref<160000xf32, #tpu.memory_space<hbm>>
    tpu.enqueue_indirect_dma source(%dma_start3A_18 : memref<160000xf32, #tpu.memory_space<hbm>>) target(%dma_start3A_14 : memref<128xf32, #tpu.memory_space<vmem>>) offsets(%dma_start3A_16 : memref<128xi32, #tpu.memory_space<vmem>>) semaphore(%arg12 : memref<!tpu.dma_semaphore, #tpu.memory_space<semaphore_mem>>)
    %dma_start3A_19 = arith.constant 256 : i32
    %dma_start3A_20 = tpu.memref_slice %arg11[%dma_start3A_19] : memref<10000xf32, #tpu.memory_space<vmem>> -> memref<128xf32, #tpu.memory_space<vmem>>
    %dma_start3A_21 = arith.constant 256 : i32
    %dma_start3A_22 = tpu.memref_slice %arg10[%dma_start3A_21] : memref<10000xi32, #tpu.memory_space<vmem>> -> memref<128xi32, #tpu.memory_space<vmem>>
    %dma_start3A_23 = arith.constant 0 : i32
    %dma_start3A_24 = tpu.memref_slice %arg5[%dma_start3A_23] : memref<160000xf32, #tpu.memory_space<hbm>> -> memref<160000xf32, #tpu.memory_space<hbm>>
    tpu.enqueue_indirect_dma source(%dma_start3A_24 : memref<160000xf32, #tpu.memory_space<hbm>>) target(%dma_start3A_20 : memref<128xf32, #tpu.memory_space<vmem>>) offsets(%dma_start3A_22 : memref<128xi32, #tpu.memory_space<vmem>>) semaphore(%arg12 : memref<!tpu.dma_semaphore, #tpu.memory_space<semaphore_mem>>)
    %dma_start3A_25 = arith.constant 384 : i32
    %dma_start3A_26 = tpu.memref_slice %arg11[%dma_start3A_25] : memref<10000xf32, #tpu.memory_space<vmem>> -> memref<128xf32, #tpu.memory_space<vmem>>
    %dma_start3A_27 = arith.constant 384 : i32
    %dma_start3A_28 = tpu.memref_slice %arg10[%dma_start3A_27] : memref<10000xi32, #tpu.memory_space<vmem>> -> memref<128xi32, #tpu.memory_space<vmem>>
    %dma_start3A_29 = arith.constant 0 : i32
    %dma_start3A_30 = tpu.memref_slice %arg5[%dma_start3A_29] : memref<160000xf32, #tpu.memory_space<hbm>> -> memref<160000xf32, #tpu.memory_space<hbm>>
    tpu.enqueue_indirect_dma source(%dma_start3A_30 : memref<160000xf32, #tpu.memory_space<hbm>>) target(%dma_start3A_26 : memref<128xf32, #tpu.memory_space<vmem>>) offsets(%dma_start3A_28 : memref<128xi32, #tpu.memory_space<vmem>>) semaphore(%arg12 : memref<!tpu.dma_semaphore, #tpu.memory_space<semaphore_mem>>)
    %dma_start3A_31 = arith.constant 512 : i32
    %dma_start3A_32 = tpu.memref_slice %arg11[%dma_start3A_31] : memref<10000xf32, #tpu.memory_space<vmem>> -> memref<128xf32, #tpu.memory_space<vmem>>
    %dma_start3A_33 = arith.constant 512 : i32
    %dma_start3A_34 = tpu.memref_slice %arg10[%dma_start3A_33] : memref<10000xi32, #tpu.memory_space<vmem>> -> memref<128xi32, #tpu.memory_space<vmem>>
    %dma_start3A_35 = arith.constant 0 : i32
    %dma_start3A_36 = tpu.memref_slice %arg5[%dma_start3A_35] : memref<160000xf32, #tpu.memory_space<hbm>> -> memref<160000xf32, #tpu.memory_space<hbm>>
    tpu.enqueue_indirect_dma source(%dma_start3A_36 : memref<160000xf32, #tpu.memory_space<hbm>>) target(%dma_start3A_32 : memref<128xf32, #tpu.memory_space<vmem>>) offsets(%dma_start3A_34 : memref<128xi32, #tpu.memory_space<vmem>>) semaphore(%arg12 : memref<!tpu.dma_semaphore, #tpu.memory_space<semaphore_mem>>)
    %dma_start3A_37 = arith.constant 640 : i32
    %dma_start3A_38 = tpu.memref_slice %arg11[%dma_start3A_37] : memref<10000xf32, #tpu.memory_space<vmem>> -> memref<128xf32, #tpu.memory_space<vmem>>
    %dma_start3A_39 = arith.constant 640 : i32
    %dma_start3A_40 = tpu.memref_slice %arg10[%dma_start3A_39] : memref<10000xi32, #tpu.memory_space<vmem>> -> memref<128xi32, #tpu.memory_space<vmem>>
    %dma_start3A_41 = arith.constant 0 : i32
    %dma_start3A_42 = tpu.memref_slice %arg5[%dma_start3A_41] : memref<160000xf32, #tpu.memory_space<hbm>> -> memref<160000xf32, #tpu.memory_space<hbm>>
    tpu.enqueue_indirect_dma source(%dma_start3A_42 : memref<160000xf32, #tpu.memory_space<hbm>>) target(%dma_start3A_38 : memref<128xf32, #tpu.memory_space<vmem>>) offsets(%dma_start3A_40 : memref<128xi32, #tpu.memory_space<vmem>>) semaphore(%arg12 : memref<!tpu.dma_semaphore, #tpu.memory_space<semaphore_mem>>)
    %dma_start3A_43 = arith.constant 768 : i32
    %dma_start3A_44 = tpu.memref_slice %arg11[%dma_start3A_43] : memref<10000xf32, #tpu.memory_space<vmem>> -> memref<128xf32, #tpu.memory_space<vmem>>
    %dma_start3A_45 = arith.constant 768 : i32
    %dma_start3A_46 = tpu.memref_slice %arg10[%dma_start3A_45] : memref<10000xi32, #tpu.memory_space<vmem>> -> memref<128xi32, #tpu.memory_space<vmem>>
    %dma_start3A_47 = arith.constant 0 : i32
    %dma_start3A_48 = tpu.memref_slice %arg5[%dma_start3A_47] : memref<160000xf32, #tpu.memory_space<hbm>> -> memref<160000xf32, #tpu.memory_space<hbm>>
    tpu.enqueue_indirect_dma source(%dma_start3A_48 : memref<160000xf32, #tpu.memory_space<hbm>>) target(%dma_start3A_44 : memref<128xf32, #tpu.memory_space<vmem>>) offsets(%dma_start3A_46 : memref<128xi32, #tpu.memory_space<vmem>>) semaphore(%arg12 : memref<!tpu.dma_semaphore, #tpu.memory_space<semaphore_mem>>)
    %dma_start3A_49 = arith.constant 896 : i32
    %dma_start3A_50 = tpu.memref_slice %arg11[%dma_start3A_49] : memref<10000xf32, #tpu.memory_space<vmem>> -> memref<128xf32, #tpu.memory_space<vmem>>
    %dma_start3A_51 = arith.constant 896 : i32
    %dma_start3A_52 = tpu.memref_slice %arg10[%dma_start3A_51] : memref<10000xi32, #tpu.memory_space<vmem>> -> memref<128xi32, #tpu.memory_space<vmem>>
    %dma_start3A_53 = arith.constant 0 : i32
    %dma_start3A_54 = tpu.memref_slice %arg5[%dma_start3A_53] : memref<160000xf32, #tpu.memory_space<hbm>> -> memref<160000xf32, #tpu.memory_space<hbm>>
    tpu.enqueue_indirect_dma source(%dma_start3A_54 : memref<160000xf32, #tpu.memory_space<hbm>>) target(%dma_start3A_50 : memref<128xf32, #tpu.memory_space<vmem>>) offsets(%dma_start3A_52 : memref<128xi32, #tpu.memory_space<vmem>>) semaphore(%arg12 : memref<!tpu.dma_semaphore, #tpu.memory_space<semaphore_mem>>)
    %dma_start3A_55 = arith.constant 1024 : i32
    %dma_start3A_56 = tpu.memref_slice %arg11[%dma_start3A_55] : memref<10000xf32, #tpu.memory_space<vmem>> -> memref<128xf32, #tpu.memory_space<vmem>>
    %dma_start3A_57 = arith.constant 1024 : i32
    %dma_start3A_58 = tpu.memref_slice %arg10[%dma_start3A_57] : memref<10000xi32, #tpu.memory_space<vmem>> -> memref<128xi32, #tpu.memory_space<vmem>>
    %dma_start3A_59 = arith.constant 0 : i32
    %dma_start3A_60 = tpu.memref_slice %arg5[%dma_start3A_59] : memref<160000xf32, #tpu.memory_space<hbm>> -> memref<160000xf32, #tpu.memory_space<hbm>>
    tpu.enqueue_indirect_dma source(%dma_start3A_60 : memref<160000xf32, #tpu.memory_space<hbm>>) target(%dma_start3A_56 : memref<128xf32, #tpu.memory_space<vmem>>) offsets(%dma_start3A_58 : memref<128xi32, #tpu.memory_space<vmem>>) semaphore(%arg12 : memref<!tpu.dma_semaphore, #tpu.memory_space<semaphore_mem>>)
    %dma_start3A_61 = arith.constant 1152 : i32
    %dma_start3A_62 = tpu.memref_slice %arg11[%dma_start3A_61] : memref<10000xf32, #tpu.memory_space<vmem>> -> memref<128xf32, #tpu.memory_space<vmem>>
    %dma_start3A_63 = arith.constant 1152 : i32
    %dma_start3A_64 = tpu.memref_slice %arg10[%dma_start3A_63] : memref<10000xi32, #tpu.memory_space<vmem>> -> memref<128xi32, #tpu.memory_space<vmem>>
    %dma_start3A_65 = arith.constant 0 : i32
    %dma_start3A_66 = tpu.memref_slice %arg5[%dma_start3A_65] : memref<160000xf32, #tpu.memory_space<hbm>> -> memref<160000xf32, #tpu.memory_space<hbm>>
    tpu.enqueue_indirect_dma source(%dma_start3A_66 : memref<160000xf32, #tpu.memory_space<hbm>>) target(%dma_start3A_62 : memref<128xf32, #tpu.memory_space<vmem>>) offsets(%dma_start3A_64 : memref<128xi32, #tpu.memory_space<vmem>>) semaphore(%arg12 : memref<!tpu.dma_semaphore, #tpu.memory_space<semaphore_mem>>)
    %dma_start3A_67 = arith.constant 1280 : i32
    %dma_start3A_68 = tpu.memref_slice %arg11[%dma_start3A_67] : memref<10000xf32, #tpu.memory_space<vmem>> -> memref<128xf32, #tpu.memory_space<vmem>>
    %dma_start3A_69 = arith.constant 1280 : i32
    %dma_start3A_70 = tpu.memref_slice %arg10[%dma_start3A_69] : memref<10000xi32, #tpu.memory_space<vmem>> -> memref<128xi32, #tpu.memory_space<vmem>>
    %dma_start3A_71 = arith.constant 0 : i32
    %dma_start3A_72 = tpu.memref_slice %arg5[%dma_start3A_71] : memref<160000xf32, #tpu.memory_space<hbm>> -> memref<160000xf32, #tpu.memory_space<hbm>>
    tpu.enqueue_indirect_dma source(%dma_start3A_72 : memref<160000xf32, #tpu.memory_space<hbm>>) target(%dma_start3A_68 : memref<128xf32, #tpu.memory_space<vmem>>) offsets(%dma_start3A_70 : memref<128xi32, #tpu.memory_space<vmem>>) semaphore(%arg12 : memref<!tpu.dma_semaphore, #tpu.memory_space<semaphore_mem>>)
    %dma_start3A_73 = arith.constant 1408 : i32
    %dma_start3A_74 = tpu.memref_slice %arg11[%dma_start3A_73] : memref<10000xf32, #tpu.memory_space<vmem>> -> memref<128xf32, #tpu.memory_space<vmem>>
    %dma_start3A_75 = arith.constant 1408 : i32
    %dma_start3A_76 = tpu.memref_slice %arg10[%dma_start3A_75] : memref<10000xi32, #tpu.memory_space<vmem>> -> memref<128xi32, #tpu.memory_space<vmem>>
    %dma_start3A_77 = arith.constant 0 : i32
    %dma_start3A_78 = tpu.memref_slice %arg5[%dma_start3A_77] : memref<160000xf32, #tpu.memory_space<hbm>> -> memref<160000xf32, #tpu.memory_space<hbm>>
    tpu.enqueue_indirect_dma source(%dma_start3A_78 : memref<160000xf32, #tpu.memory_space<hbm>>) target(%dma_start3A_74 : memref<128xf32, #tpu.memory_space<vmem>>) offsets(%dma_start3A_76 : memref<128xi32, #tpu.memory_space<vmem>>) semaphore(%arg12 : memref<!tpu.dma_semaphore, #tpu.memory_space<semaphore_mem>>)
    %dma_start3A_79 = arith.constant 1536 : i32
    %dma_start3A_80 = tpu.memref_slice %arg11[%dma_start3A_79] : memref<10000xf32, #tpu.memory_space<vmem>> -> memref<128xf32, #tpu.memory_space<vmem>>
    %dma_start3A_81 = arith.constant 1536 : i32
    %dma_start3A_82 = tpu.memref_slice %arg10[%dma_start3A_81] : memref<10000xi32, #tpu.memory_space<vmem>> -> memref<128xi32, #tpu.memory_space<vmem>>
    %dma_start3A_83 = arith.constant 0 : i32
    %dma_start3A_84 = tpu.memref_slice %arg5[%dma_start3A_83] : memref<160000xf32, #tpu.memory_space<hbm>> -> memref<160000xf32, #tpu.memory_space<hbm>>
    tpu.enqueue_indirect_dma source(%dma_start3A_84 : memref<160000xf32, #tpu.memory_space<hbm>>) target(%dma_start3A_80 : memref<128xf32, #tpu.memory_space<vmem>>) offsets(%dma_start3A_82 : memref<128xi32, #tpu.memory_space<vmem>>) semaphore(%arg12 : memref<!tpu.dma_semaphore, #tpu.memory_space<semaphore_mem>>)
    %dma_start3A_85 = arith.constant 1664 : i32
    %dma_start3A_86 = tpu.memref_slice %arg11[%dma_start3A_85] : memref<10000xf32, #tpu.memory_space<vmem>> -> memref<128xf32, #tpu.memory_space<vmem>>
    %dma_start3A_87 = arith.constant 1664 : i32
    %dma_start3A_88 = tpu.memref_slice %arg10[%dma_start3A_87] : memref<10000xi32, #tpu.memory_space<vmem>> -> memref<128xi32, #tpu.memory_space<vmem>>
    %dma_start3A_89 = arith.constant 0 : i32
    %dma_start3A_90 = tpu.memref_slice %arg5[%dma_start3A_89] : memref<160000xf32, #tpu.memory_space<hbm>> -> memref<160000xf32, #tpu.memory_space<hbm>>
    tpu.enqueue_indirect_dma source(%dma_start3A_90 : memref<160000xf32, #tpu.memory_space<hbm>>) target(%dma_start3A_86 : memref<128xf32, #tpu.memory_space<vmem>>) offsets(%dma_start3A_88 : memref<128xi32, #tpu.memory_space<vmem>>) semaphore(%arg12 : memref<!tpu.dma_semaphore, #tpu.memory_space<semaphore_mem>>)
    %dma_start3A_91 = arith.constant 1792 : i32
    %dma_start3A_92 = tpu.memref_slice %arg11[%dma_start3A_91] : memref<10000xf32, #tpu.memory_space<vmem>> -> memref<128xf32, #tpu.memory_space<vmem>>
    %dma_start3A_93 = arith.constant 1792 : i32
    %dma_start3A_94 = tpu.memref_slice %arg10[%dma_start3A_93] : memref<10000xi32, #tpu.memory_space<vmem>> -> memref<128xi32, #tpu.memory_space<vmem>>
    %dma_start3A_95 = arith.constant 0 : i32
    %dma_start3A_96 = tpu.memref_slice %arg5[%dma_start3A_95] : memref<160000xf32, #tpu.memory_space<hbm>> -> memref<160000xf32, #tpu.memory_space<hbm>>
    tpu.enqueue_indirect_dma source(%dma_start3A_96 : memref<160000xf32, #tpu.memory_space<hbm>>) target(%dma_start3A_92 : memref<128xf32, #tpu.memory_space<vmem>>) offsets(%dma_start3A_94 : memref<128xi32, #tpu.memory_space<vmem>>) semaphore(%arg12 : memref<!tpu.dma_semaphore, #tpu.memory_space<semaphore_mem>>)
    %dma_start3A_97 = arith.constant 1920 : i32
    %dma_start3A_98 = tpu.memref_slice %arg11[%dma_start3A_97] : memref<10000xf32, #tpu.memory_space<vmem>> -> memref<128xf32, #tpu.memory_space<vmem>>
    %dma_start3A_99 = arith.constant 1920 : i32
    %dma_start3A_100 = tpu.memref_slice %arg10[%dma_start3A_99] : memref<10000xi32, #tpu.memory_space<vmem>> -> memref<128xi32, #tpu.memory_space<vmem>>
    %dma_start3A_101 = arith.constant 0 : i32
    %dma_start3A_102 = tpu.memref_slice %arg5[%dma_start3A_101] : memref<160000xf32, #tpu.memory_space<hbm>> -> memref<160000xf32, #tpu.memory_space<hbm>>
    tpu.enqueue_indirect_dma source(%dma_start3A_102 : memref<160000xf32, #tpu.memory_space<hbm>>) target(%dma_start3A_98 : memref<128xf32, #tpu.memory_space<vmem>>) offsets(%dma_start3A_100 : memref<128xi32, #tpu.memory_space<vmem>>) semaphore(%arg12 : memref<!tpu.dma_semaphore, #tpu.memory_space<semaphore_mem>>)
    %dma_start3A_103 = arith.constant 2048 : i32
    %dma_start3A_104 = tpu.memref_slice %arg11[%dma_start3A_103] : memref<10000xf32, #tpu.memory_space<vmem>> -> memref<128xf32, #tpu.memory_space<vmem>>
    %dma_start3A_105 = arith.constant 2048 : i32
    %dma_start3A_106 = tpu.memref_slice %arg10[%dma_start3A_105] : memref<10000xi32, #tpu.memory_space<vmem>> -> memref<128xi32, #tpu.memory_space<vmem>>
    %dma_start3A_107 = arith.constant 0 : i32
    %dma_start3A_108 = tpu.memref_slice %arg5[%dma_start3A_107] : memref<160000xf32, #tpu.memory_space<hbm>> -> memref<160000xf32, #tpu.memory_space<hbm>>
    tpu.enqueue_indirect_dma source(%dma_start3A_108 : memref<160000xf32, #tpu.memory_space<hbm>>) target(%dma_start3A_104 : memref<128xf32, #tpu.memory_space<vmem>>) offsets(%dma_start3A_106 : memref<128xi32, #tpu.memory_space<vmem>>) semaphore(%arg12 : memref<!tpu.dma_semaphore, #tpu.memory_space<semaphore_mem>>)
    %dma_start3A_109 = arith.constant 2176 : i32
    %dma_start3A_110 = tpu.memref_slice %arg11[%dma_start3A_109] : memref<10000xf32, #tpu.memory_space<vmem>> -> memref<128xf32, #tpu.memory_space<vmem>>
    %dma_start3A_111 = arith.constant 2176 : i32
    %dma_start3A_112 = tpu.memref_slice %arg10[%dma_start3A_111] : memref<10000xi32, #tpu.memory_space<vmem>> -> memref<128xi32, #tpu.memory_space<vmem>>
    %dma_start3A_113 = arith.constant 0 : i32
    %dma_start3A_114 = tpu.memref_slice %arg5[%dma_start3A_113] : memref<160000xf32, #tpu.memory_space<hbm>> -> memref<160000xf32, #tpu.memory_space<hbm>>
    tpu.enqueue_indirect_dma source(%dma_start3A_114 : memref<160000xf32, #tpu.memory_space<hbm>>) target(%dma_start3A_110 : memref<128xf32, #tpu.memory_space<vmem>>) offsets(%dma_start3A_112 : memref<128xi32, #tpu.memory_space<vmem>>) semaphore(%arg12 : memref<!tpu.dma_semaphore, #tpu.memory_space<semaphore_mem>>)
    %dma_start3A_115 = arith.constant 2304 : i32
    %dma_start3A_116 = tpu.memref_slice %arg11[%dma_start3A_115] : memref<10000xf32, #tpu.memory_space<vmem>> -> memref<128xf32, #tpu.memory_space<vmem>>
    %dma_start3A_117 = arith.constant 2304 : i32
    %dma_start3A_118 = tpu.memref_slice %arg10[%dma_start3A_117] : memref<10000xi32, #tpu.memory_space<vmem>> -> memref<128xi32, #tpu.memory_space<vmem>>
    %dma_start3A_119 = arith.constant 0 : i32
    %dma_start3A_120 = tpu.memref_slice %arg5[%dma_start3A_119] : memref<160000xf32, #tpu.memory_space<hbm>> -> memref<160000xf32, #tpu.memory_space<hbm>>
    tpu.enqueue_indirect_dma source(%dma_start3A_120 : memref<160000xf32, #tpu.memory_space<hbm>>) target(%dma_start3A_116 : memref<128xf32, #tpu.memory_space<vmem>>) offsets(%dma_start3A_118 : memref<128xi32, #tpu.memory_space<vmem>>) semaphore(%arg12 : memref<!tpu.dma_semaphore, #tpu.memory_space<semaphore_mem>>)
    %dma_start3A_121 = arith.constant 2432 : i32
    %dma_start3A_122 = tpu.memref_slice %arg11[%dma_start3A_121] : memref<10000xf32, #tpu.memory_space<vmem>> -> memref<128xf32, #tpu.memory_space<vmem>>
    %dma_start3A_123 = arith.constant 2432 : i32
    %dma_start3A_124 = tpu.memref_slice %arg10[%dma_start3A_123] : memref<10000xi32, #tpu.memory_space<vmem>> -> memref<128xi32, #tpu.memory_space<vmem>>
    %dma_start3A_125 = arith.constant 0 : i32
    %dma_start3A_126 = tpu.memref_slice %arg5[%dma_start3A_125] : memref<160000xf32, #tpu.memory_space<hbm>> -> memref<160000xf32, #tpu.memory_space<hbm>>
    tpu.enqueue_indirect_dma source(%dma_start3A_126 : memref<160000xf32, #tpu.memory_space<hbm>>) target(%dma_start3A_122 : memref<128xf32, #tpu.memory_space<vmem>>) offsets(%dma_start3A_124 : memref<128xi32, #tpu.memory_space<vmem>>) semaphore(%arg12 : memref<!tpu.dma_semaphore, #tpu.memory_space<semaphore_mem>>)
    %dma_start3A_127 = arith.constant 2560 : i32
    %dma_start3A_128 = tpu.memref_slice %arg11[%dma_start3A_127] : memref<10000xf32, #tpu.memory_space<vmem>> -> memref<128xf32, #tpu.memory_space<vmem>>
    %dma_start3A_129 = arith.constant 2560 : i32
    %dma_start3A_130 = tpu.memref_slice %arg10[%dma_start3A_129] : memref<10000xi32, #tpu.memory_space<vmem>> -> memref<128xi32, #tpu.memory_space<vmem>>
    %dma_start3A_131 = arith.constant 0 : i32
    %dma_start3A_132 = tpu.memref_slice %arg5[%dma_start3A_131] : memref<160000xf32, #tpu.memory_space<hbm>> -> memref<160000xf32, #tpu.memory_space<hbm>>
    tpu.enqueue_indirect_dma source(%dma_start3A_132 : memref<160000xf32, #tpu.memory_space<hbm>>) target(%dma_start3A_128 : memref<128xf32, #tpu.memory_space<vmem>>) offsets(%dma_start3A_130 : memref<128xi32, #tpu.memory_space<vmem>>) semaphore(%arg12 : memref<!tpu.dma_semaphore, #tpu.memory_space<semaphore_mem>>)
    %dma_start3A_133 = arith.constant 2688 : i32
    %dma_start3A_134 = tpu.memref_slice %arg11[%dma_start3A_133] : memref<10000xf32, #tpu.memory_space<vmem>> -> memref<128xf32, #tpu.memory_space<vmem>>
    %dma_start3A_135 = arith.constant 2688 : i32
    %dma_start3A_136 = tpu.memref_slice %arg10[%dma_start3A_135] : memref<10000xi32, #tpu.memory_space<vmem>> -> memref<128xi32, #tpu.memory_space<vmem>>
    %dma_start3A_137 = arith.constant 0 : i32
    %dma_start3A_138 = tpu.memref_slice %arg5[%dma_start3A_137] : memref<160000xf32, #tpu.memory_space<hbm>> -> memref<160000xf32, #tpu.memory_space<hbm>>
    tpu.enqueue_indirect_dma source(%dma_start3A_138 : memref<160000xf32, #tpu.memory_space<hbm>>) target(%dma_start3A_134 : memref<128xf32, #tpu.memory_space<vmem>>) offsets(%dma_start3A_136 : memref<128xi32, #tpu.memory_space<vmem>>) semaphore(%arg12 : memref<!tpu.dma_semaphore, #tpu.memory_space<semaphore_mem>>)
    %dma_start3A_139 = arith.constant 2816 : i32
    %dma_start3A_140 = tpu.memref_slice %arg11[%dma_start3A_139] : memref<10000xf32, #tpu.memory_space<vmem>> -> memref<128xf32, #tpu.memory_space<vmem>>
    %dma_start3A_141 = arith.constant 2816 : i32
    %dma_start3A_142 = tpu.memref_slice %arg10[%dma_start3A_141] : memref<10000xi32, #tpu.memory_space<vmem>> -> memref<128xi32, #tpu.memory_space<vmem>>
    %dma_start3A_143 = arith.constant 0 : i32
    %dma_start3A_144 = tpu.memref_slice %arg5[%dma_start3A_143] : memref<160000xf32, #tpu.memory_space<hbm>> -> memref<160000xf32, #tpu.memory_space<hbm>>
    tpu.enqueue_indirect_dma source(%dma_start3A_144 : memref<160000xf32, #tpu.memory_space<hbm>>) target(%dma_start3A_140 : memref<128xf32, #tpu.memory_space<vmem>>) offsets(%dma_start3A_142 : memref<128xi32, #tpu.memory_space<vmem>>) semaphore(%arg12 : memref<!tpu.dma_semaphore, #tpu.memory_space<semaphore_mem>>)
    %dma_start3A_145 = arith.constant 2944 : i32
    %dma_start3A_146 = tpu.memref_slice %arg11[%dma_start3A_145] : memref<10000xf32, #tpu.memory_space<vmem>> -> memref<128xf32, #tpu.memory_space<vmem>>
    %dma_start3A_147 = arith.constant 2944 : i32
    %dma_start3A_148 = tpu.memref_slice %arg10[%dma_start3A_147] : memref<10000xi32, #tpu.memory_space<vmem>> -> memref<128xi32, #tpu.memory_space<vmem>>
    %dma_start3A_149 = arith.constant 0 : i32
    %dma_start3A_150 = tpu.memref_slice %arg5[%dma_start3A_149] : memref<160000xf32, #tpu.memory_space<hbm>> -> memref<160000xf32, #tpu.memory_space<hbm>>
    tpu.enqueue_indirect_dma source(%dma_start3A_150 : memref<160000xf32, #tpu.memory_space<hbm>>) target(%dma_start3A_146 : memref<128xf32, #tpu.memory_space<vmem>>) offsets(%dma_start3A_148 : memref<128xi32, #tpu.memory_space<vmem>>) semaphore(%arg12 : memref<!tpu.dma_semaphore, #tpu.memory_space<semaphore_mem>>)
    %dma_start3A_151 = arith.constant 3072 : i32
    %dma_start3A_152 = tpu.memref_slice %arg11[%dma_start3A_151] : memref<10000xf32, #tpu.memory_space<vmem>> -> memref<128xf32, #tpu.memory_space<vmem>>
    %dma_start3A_153 = arith.constant 3072 : i32
    %dma_start3A_154 = tpu.memref_slice %arg10[%dma_start3A_153] : memref<10000xi32, #tpu.memory_space<vmem>> -> memref<128xi32, #tpu.memory_space<vmem>>
    %dma_start3A_155 = arith.constant 0 : i32
    %dma_start3A_156 = tpu.memref_slice %arg5[%dma_start3A_155] : memref<160000xf32, #tpu.memory_space<hbm>> -> memref<160000xf32, #tpu.memory_space<hbm>>
    tpu.enqueue_indirect_dma source(%dma_start3A_156 : memref<160000xf32, #tpu.memory_space<hbm>>) target(%dma_start3A_152 : memref<128xf32, #tpu.memory_space<vmem>>) offsets(%dma_start3A_154 : memref<128xi32, #tpu.memory_space<vmem>>) semaphore(%arg12 : memref<!tpu.dma_semaphore, #tpu.memory_space<semaphore_mem>>)
    %dma_start3A_157 = arith.constant 3200 : i32
    %dma_start3A_158 = tpu.memref_slice %arg11[%dma_start3A_157] : memref<10000xf32, #tpu.memory_space<vmem>> -> memref<128xf32, #tpu.memory_space<vmem>>
    %dma_start3A_159 = arith.constant 3200 : i32
    %dma_start3A_160 = tpu.memref_slice %arg10[%dma_start3A_159] : memref<10000xi32, #tpu.memory_space<vmem>> -> memref<128xi32, #tpu.memory_space<vmem>>
    %dma_start3A_161 = arith.constant 0 : i32
    %dma_start3A_162 = tpu.memref_slice %arg5[%dma_start3A_161] : memref<160000xf32, #tpu.memory_space<hbm>> -> memref<160000xf32, #tpu.memory_space<hbm>>
    tpu.enqueue_indirect_dma source(%dma_start3A_162 : memref<160000xf32, #tpu.memory_space<hbm>>) target(%dma_start3A_158 : memref<128xf32, #tpu.memory_space<vmem>>) offsets(%dma_start3A_160 : memref<128xi32, #tpu.memory_space<vmem>>) semaphore(%arg12 : memref<!tpu.dma_semaphore, #tpu.memory_space<semaphore_mem>>)
    %dma_start3A_163 = arith.constant 3328 : i32
    %dma_start3A_164 = tpu.memref_slice %arg11[%dma_start3A_163] : memref<10000xf32, #tpu.memory_space<vmem>> -> memref<128xf32, #tpu.memory_space<vmem>>
    %dma_start3A_165 = arith.constant 3328 : i32
    %dma_start3A_166 = tpu.memref_slice %arg10[%dma_start3A_165] : memref<10000xi32, #tpu.memory_space<vmem>> -> memref<128xi32, #tpu.memory_space<vmem>>
    %dma_start3A_167 = arith.constant 0 : i32
    %dma_start3A_168 = tpu.memref_slice %arg5[%dma_start3A_167] : memref<160000xf32, #tpu.memory_space<hbm>> -> memref<160000xf32, #tpu.memory_space<hbm>>
    tpu.enqueue_indirect_dma source(%dma_start3A_168 : memref<160000xf32, #tpu.memory_space<hbm>>) target(%dma_start3A_164 : memref<128xf32, #tpu.memory_space<vmem>>) offsets(%dma_start3A_166 : memref<128xi32, #tpu.memory_space<vmem>>) semaphore(%arg12 : memref<!tpu.dma_semaphore, #tpu.memory_space<semaphore_mem>>)
    %dma_start3A_169 = arith.constant 3456 : i32
    %dma_start3A_170 = tpu.memref_slice %arg11[%dma_start3A_169] : memref<10000xf32, #tpu.memory_space<vmem>> -> memref<128xf32, #tpu.memory_space<vmem>>
    %dma_start3A_171 = arith.constant 3456 : i32
    %dma_start3A_172 = tpu.memref_slice %arg10[%dma_start3A_171] : memref<10000xi32, #tpu.memory_space<vmem>> -> memref<128xi32, #tpu.memory_space<vmem>>
    %dma_start3A_173 = arith.constant 0 : i32
    %dma_start3A_174 = tpu.memref_slice %arg5[%dma_start3A_173] : memref<160000xf32, #tpu.memory_space<hbm>> -> memref<160000xf32, #tpu.memory_space<hbm>>
    tpu.enqueue_indirect_dma source(%dma_start3A_174 : memref<160000xf32, #tpu.memory_space<hbm>>) target(%dma_start3A_170 : memref<128xf32, #tpu.memory_space<vmem>>) offsets(%dma_start3A_172 : memref<128xi32, #tpu.memory_space<vmem>>) semaphore(%arg12 : memref<!tpu.dma_semaphore, #tpu.memory_space<semaphore_mem>>)
    %dma_start3A_175 = arith.constant 3584 : i32
    %dma_start3A_176 = tpu.memref_slice %arg11[%dma_start3A_175] : memref<10000xf32, #tpu.memory_space<vmem>> -> memref<128xf32, #tpu.memory_space<vmem>>
    %dma_start3A_177 = arith.constant 3584 : i32
    %dma_start3A_178 = tpu.memref_slice %arg10[%dma_start3A_177] : memref<10000xi32, #tpu.memory_space<vmem>> -> memref<128xi32, #tpu.memory_space<vmem>>
    %dma_start3A_179 = arith.constant 0 : i32
    %dma_start3A_180 = tpu.memref_slice %arg5[%dma_start3A_179] : memref<160000xf32, #tpu.memory_space<hbm>> -> memref<160000xf32, #tpu.memory_space<hbm>>
    tpu.enqueue_indirect_dma source(%dma_start3A_180 : memref<160000xf32, #tpu.memory_space<hbm>>) target(%dma_start3A_176 : memref<128xf32, #tpu.memory_space<vmem>>) offsets(%dma_start3A_178 : memref<128xi32, #tpu.memory_space<vmem>>) semaphore(%arg12 : memref<!tpu.dma_semaphore, #tpu.memory_space<semaphore_mem>>)
    %dma_start3A_181 = arith.constant 3712 : i32
    %dma_start3A_182 = tpu.memref_slice %arg11[%dma_start3A_181] : memref<10000xf32, #tpu.memory_space<vmem>> -> memref<128xf32, #tpu.memory_space<vmem>>
    %dma_start3A_183 = arith.constant 3712 : i32
    %dma_start3A_184 = tpu.memref_slice %arg10[%dma_start3A_183] : memref<10000xi32, #tpu.memory_space<vmem>> -> memref<128xi32, #tpu.memory_space<vmem>>
    %dma_start3A_185 = arith.constant 0 : i32
    %dma_start3A_186 = tpu.memref_slice %arg5[%dma_start3A_185] : memref<160000xf32, #tpu.memory_space<hbm>> -> memref<160000xf32, #tpu.memory_space<hbm>>
    tpu.enqueue_indirect_dma source(%dma_start3A_186 : memref<160000xf32, #tpu.memory_space<hbm>>) target(%dma_start3A_182 : memref<128xf32, #tpu.memory_space<vmem>>) offsets(%dma_start3A_184 : memref<128xi32, #tpu.memory_space<vmem>>) semaphore(%arg12 : memref<!tpu.dma_semaphore, #tpu.memory_space<semaphore_mem>>)
    %dma_start3A_187 = arith.constant 3840 : i32
    %dma_start3A_188 = tpu.memref_slice %arg11[%dma_start3A_187] : memref<10000xf32, #tpu.memory_space<vmem>> -> memref<128xf32, #tpu.memory_space<vmem>>
    %dma_start3A_189 = arith.constant 3840 : i32
    %dma_start3A_190 = tpu.memref_slice %arg10[%dma_start3A_189] : memref<10000xi32, #tpu.memory_space<vmem>> -> memref<128xi32, #tpu.memory_space<vmem>>
    %dma_start3A_191 = arith.constant 0 : i32
    %dma_start3A_192 = tpu.memref_slice %arg5[%dma_start3A_191] : memref<160000xf32, #tpu.memory_space<hbm>> -> memref<160000xf32, #tpu.memory_space<hbm>>
    tpu.enqueue_indirect_dma source(%dma_start3A_192 : memref<160000xf32, #tpu.memory_space<hbm>>) target(%dma_start3A_188 : memref<128xf32, #tpu.memory_space<vmem>>) offsets(%dma_start3A_190 : memref<128xi32, #tpu.memory_space<vmem>>) semaphore(%arg12 : memref<!tpu.dma_semaphore, #tpu.memory_space<semaphore_mem>>)
    %dma_start3A_193 = arith.constant 3968 : i32
    %dma_start3A_194 = tpu.memref_slice %arg11[%dma_start3A_193] : memref<10000xf32, #tpu.memory_space<vmem>> -> memref<128xf32, #tpu.memory_space<vmem>>
    %dma_start3A_195 = arith.constant 3968 : i32
    %dma_start3A_196 = tpu.memref_slice %arg10[%dma_start3A_195] : memref<10000xi32, #tpu.memory_space<vmem>> -> memref<128xi32, #tpu.memory_space<vmem>>
    %dma_start3A_197 = arith.constant 0 : i32
    %dma_start3A_198 = tpu.memref_slice %arg5[%dma_start3A_197] : memref<160000xf32, #tpu.memory_space<hbm>> -> memref<160000xf32, #tpu.memory_space<hbm>>
    tpu.enqueue_indirect_dma source(%dma_start3A_198 : memref<160000xf32, #tpu.memory_space<hbm>>) target(%dma_start3A_194 : memref<128xf32, #tpu.memory_space<vmem>>) offsets(%dma_start3A_196 : memref<128xi32, #tpu.memory_space<vmem>>) semaphore(%arg12 : memref<!tpu.dma_semaphore, #tpu.memory_space<semaphore_mem>>)
    %dma_start3A_199 = arith.constant 4096 : i32
    %dma_start3A_200 = tpu.memref_slice %arg11[%dma_start3A_199] : memref<10000xf32, #tpu.memory_space<vmem>> -> memref<128xf32, #tpu.memory_space<vmem>>
    %dma_start3A_201 = arith.constant 4096 : i32
    %dma_start3A_202 = tpu.memref_slice %arg10[%dma_start3A_201] : memref<10000xi32, #tpu.memory_space<vmem>> -> memref<128xi32, #tpu.memory_space<vmem>>
    %dma_start3A_203 = arith.constant 0 : i32
    %dma_start3A_204 = tpu.memref_slice %arg5[%dma_start3A_203] : memref<160000xf32, #tpu.memory_space<hbm>> -> memref<160000xf32, #tpu.memory_space<hbm>>
    tpu.enqueue_indirect_dma source(%dma_start3A_204 : memref<160000xf32, #tpu.memory_space<hbm>>) target(%dma_start3A_200 : memref<128xf32, #tpu.memory_space<vmem>>) offsets(%dma_start3A_202 : memref<128xi32, #tpu.memory_space<vmem>>) semaphore(%arg12 : memref<!tpu.dma_semaphore, #tpu.memory_space<semaphore_mem>>)
    %dma_start3A_205 = arith.constant 4224 : i32
    %dma_start3A_206 = tpu.memref_slice %arg11[%dma_start3A_205] : memref<10000xf32, #tpu.memory_space<vmem>> -> memref<128xf32, #tpu.memory_space<vmem>>
    %dma_start3A_207 = arith.constant 4224 : i32
    %dma_start3A_208 = tpu.memref_slice %arg10[%dma_start3A_207] : memref<10000xi32, #tpu.memory_space<vmem>> -> memref<128xi32, #tpu.memory_space<vmem>>
    %dma_start3A_209 = arith.constant 0 : i32
    %dma_start3A_210 = tpu.memref_slice %arg5[%dma_start3A_209] : memref<160000xf32, #tpu.memory_space<hbm>> -> memref<160000xf32, #tpu.memory_space<hbm>>
    tpu.enqueue_indirect_dma source(%dma_start3A_210 : memref<160000xf32, #tpu.memory_space<hbm>>) target(%dma_start3A_206 : memref<128xf32, #tpu.memory_space<vmem>>) offsets(%dma_start3A_208 : memref<128xi32, #tpu.memory_space<vmem>>) semaphore(%arg12 : memref<!tpu.dma_semaphore, #tpu.memory_space<semaphore_mem>>)
    %dma_start3A_211 = arith.constant 4352 : i32
    %dma_start3A_212 = tpu.memref_slice %arg11[%dma_start3A_211] : memref<10000xf32, #tpu.memory_space<vmem>> -> memref<128xf32, #tpu.memory_space<vmem>>
    %dma_start3A_213 = arith.constant 4352 : i32
    %dma_start3A_214 = tpu.memref_slice %arg10[%dma_start3A_213] : memref<10000xi32, #tpu.memory_space<vmem>> -> memref<128xi32, #tpu.memory_space<vmem>>
    %dma_start3A_215 = arith.constant 0 : i32
    %dma_start3A_216 = tpu.memref_slice %arg5[%dma_start3A_215] : memref<160000xf32, #tpu.memory_space<hbm>> -> memref<160000xf32, #tpu.memory_space<hbm>>
    tpu.enqueue_indirect_dma source(%dma_start3A_216 : memref<160000xf32, #tpu.memory_space<hbm>>) target(%dma_start3A_212 : memref<128xf32, #tpu.memory_space<vmem>>) offsets(%dma_start3A_214 : memref<128xi32, #tpu.memory_space<vmem>>) semaphore(%arg12 : memref<!tpu.dma_semaphore, #tpu.memory_space<semaphore_mem>>)
    %dma_start3A_217 = arith.constant 4480 : i32
    %dma_start3A_218 = tpu.memref_slice %arg11[%dma_start3A_217] : memref<10000xf32, #tpu.memory_space<vmem>> -> memref<128xf32, #tpu.memory_space<vmem>>
    %dma_start3A_219 = arith.constant 4480 : i32
    %dma_start3A_220 = tpu.memref_slice %arg10[%dma_start3A_219] : memref<10000xi32, #tpu.memory_space<vmem>> -> memref<128xi32, #tpu.memory_space<vmem>>
    %dma_start3A_221 = arith.constant 0 : i32
    %dma_start3A_222 = tpu.memref_slice %arg5[%dma_start3A_221] : memref<160000xf32, #tpu.memory_space<hbm>> -> memref<160000xf32, #tpu.memory_space<hbm>>
    tpu.enqueue_indirect_dma source(%dma_start3A_222 : memref<160000xf32, #tpu.memory_space<hbm>>) target(%dma_start3A_218 : memref<128xf32, #tpu.memory_space<vmem>>) offsets(%dma_start3A_220 : memref<128xi32, #tpu.memory_space<vmem>>) semaphore(%arg12 : memref<!tpu.dma_semaphore, #tpu.memory_space<semaphore_mem>>)
    %dma_start3A_223 = arith.constant 4608 : i32
    %dma_start3A_224 = tpu.memref_slice %arg11[%dma_start3A_223] : memref<10000xf32, #tpu.memory_space<vmem>> -> memref<128xf32, #tpu.memory_space<vmem>>
    %dma_start3A_225 = arith.constant 4608 : i32
    %dma_start3A_226 = tpu.memref_slice %arg10[%dma_start3A_225] : memref<10000xi32, #tpu.memory_space<vmem>> -> memref<128xi32, #tpu.memory_space<vmem>>
    %dma_start3A_227 = arith.constant 0 : i32
    %dma_start3A_228 = tpu.memref_slice %arg5[%dma_start3A_227] : memref<160000xf32, #tpu.memory_space<hbm>> -> memref<160000xf32, #tpu.memory_space<hbm>>
    tpu.enqueue_indirect_dma source(%dma_start3A_228 : memref<160000xf32, #tpu.memory_space<hbm>>) target(%dma_start3A_224 : memref<128xf32, #tpu.memory_space<vmem>>) offsets(%dma_start3A_226 : memref<128xi32, #tpu.memory_space<vmem>>) semaphore(%arg12 : memref<!tpu.dma_semaphore, #tpu.memory_space<semaphore_mem>>)
    %dma_start3A_229 = arith.constant 4736 : i32
    %dma_start3A_230 = tpu.memref_slice %arg11[%dma_start3A_229] : memref<10000xf32, #tpu.memory_space<vmem>> -> memref<128xf32, #tpu.memory_space<vmem>>
    %dma_start3A_231 = arith.constant 4736 : i32
    %dma_start3A_232 = tpu.memref_slice %arg10[%dma_start3A_231] : memref<10000xi32, #tpu.memory_space<vmem>> -> memref<128xi32, #tpu.memory_space<vmem>>
    %dma_start3A_233 = arith.constant 0 : i32
    %dma_start3A_234 = tpu.memref_slice %arg5[%dma_start3A_233] : memref<160000xf32, #tpu.memory_space<hbm>> -> memref<160000xf32, #tpu.memory_space<hbm>>
    tpu.enqueue_indirect_dma source(%dma_start3A_234 : memref<160000xf32, #tpu.memory_space<hbm>>) target(%dma_start3A_230 : memref<128xf32, #tpu.memory_space<vmem>>) offsets(%dma_start3A_232 : memref<128xi32, #tpu.memory_space<vmem>>) semaphore(%arg12 : memref<!tpu.dma_semaphore, #tpu.memory_space<semaphore_mem>>)
    %dma_start3A_235 = arith.constant 4864 : i32
    %dma_start3A_236 = tpu.memref_slice %arg11[%dma_start3A_235] : memref<10000xf32, #tpu.memory_space<vmem>> -> memref<128xf32, #tpu.memory_space<vmem>>
    %dma_start3A_237 = arith.constant 4864 : i32
    %dma_start3A_238 = tpu.memref_slice %arg10[%dma_start3A_237] : memref<10000xi32, #tpu.memory_space<vmem>> -> memref<128xi32, #tpu.memory_space<vmem>>
    %dma_start3A_239 = arith.constant 0 : i32
    %dma_start3A_240 = tpu.memref_slice %arg5[%dma_start3A_239] : memref<160000xf32, #tpu.memory_space<hbm>> -> memref<160000xf32, #tpu.memory_space<hbm>>
    tpu.enqueue_indirect_dma source(%dma_start3A_240 : memref<160000xf32, #tpu.memory_space<hbm>>) target(%dma_start3A_236 : memref<128xf32, #tpu.memory_space<vmem>>) offsets(%dma_start3A_238 : memref<128xi32, #tpu.memory_space<vmem>>) semaphore(%arg12 : memref<!tpu.dma_semaphore, #tpu.memory_space<semaphore_mem>>)
    %dma_start3A_241 = arith.constant 4992 : i32
    %dma_start3A_242 = tpu.memref_slice %arg11[%dma_start3A_241] : memref<10000xf32, #tpu.memory_space<vmem>> -> memref<128xf32, #tpu.memory_space<vmem>>
    %dma_start3A_243 = arith.constant 4992 : i32
    %dma_start3A_244 = tpu.memref_slice %arg10[%dma_start3A_243] : memref<10000xi32, #tpu.memory_space<vmem>> -> memref<128xi32, #tpu.memory_space<vmem>>
    %dma_start3A_245 = arith.constant 0 : i32
    %dma_start3A_246 = tpu.memref_slice %arg5[%dma_start3A_245] : memref<160000xf32, #tpu.memory_space<hbm>> -> memref<160000xf32, #tpu.memory_space<hbm>>
    tpu.enqueue_indirect_dma source(%dma_start3A_246 : memref<160000xf32, #tpu.memory_space<hbm>>) target(%dma_start3A_242 : memref<128xf32, #tpu.memory_space<vmem>>) offsets(%dma_start3A_244 : memref<128xi32, #tpu.memory_space<vmem>>) semaphore(%arg12 : memref<!tpu.dma_semaphore, #tpu.memory_space<semaphore_mem>>)
    %dma_start3A_247 = arith.constant 5120 : i32
    %dma_start3A_248 = tpu.memref_slice %arg11[%dma_start3A_247] : memref<10000xf32, #tpu.memory_space<vmem>> -> memref<128xf32, #tpu.memory_space<vmem>>
    %dma_start3A_249 = arith.constant 5120 : i32
    %dma_start3A_250 = tpu.memref_slice %arg10[%dma_start3A_249] : memref<10000xi32, #tpu.memory_space<vmem>> -> memref<128xi32, #tpu.memory_space<vmem>>
    %dma_start3A_251 = arith.constant 0 : i32
    %dma_start3A_252 = tpu.memref_slice %arg5[%dma_start3A_251] : memref<160000xf32, #tpu.memory_space<hbm>> -> memref<160000xf32, #tpu.memory_space<hbm>>
    tpu.enqueue_indirect_dma source(%dma_start3A_252 : memref<160000xf32, #tpu.memory_space<hbm>>) target(%dma_start3A_248 : memref<128xf32, #tpu.memory_space<vmem>>) offsets(%dma_start3A_250 : memref<128xi32, #tpu.memory_space<vmem>>) semaphore(%arg12 : memref<!tpu.dma_semaphore, #tpu.memory_space<semaphore_mem>>)
    %dma_start3A_253 = arith.constant 5248 : i32
    %dma_start3A_254 = tpu.memref_slice %arg11[%dma_start3A_253] : memref<10000xf32, #tpu.memory_space<vmem>> -> memref<128xf32, #tpu.memory_space<vmem>>
    %dma_start3A_255 = arith.constant 5248 : i32
    %dma_start3A_256 = tpu.memref_slice %arg10[%dma_start3A_255] : memref<10000xi32, #tpu.memory_space<vmem>> -> memref<128xi32, #tpu.memory_space<vmem>>
    %dma_start3A_257 = arith.constant 0 : i32
    %dma_start3A_258 = tpu.memref_slice %arg5[%dma_start3A_257] : memref<160000xf32, #tpu.memory_space<hbm>> -> memref<160000xf32, #tpu.memory_space<hbm>>
    tpu.enqueue_indirect_dma source(%dma_start3A_258 : memref<160000xf32, #tpu.memory_space<hbm>>) target(%dma_start3A_254 : memref<128xf32, #tpu.memory_space<vmem>>) offsets(%dma_start3A_256 : memref<128xi32, #tpu.memory_space<vmem>>) semaphore(%arg12 : memref<!tpu.dma_semaphore, #tpu.memory_space<semaphore_mem>>)
    %dma_start3A_259 = arith.constant 5376 : i32
    %dma_start3A_260 = tpu.memref_slice %arg11[%dma_start3A_259] : memref<10000xf32, #tpu.memory_space<vmem>> -> memref<128xf32, #tpu.memory_space<vmem>>
    %dma_start3A_261 = arith.constant 5376 : i32
    %dma_start3A_262 = tpu.memref_slice %arg10[%dma_start3A_261] : memref<10000xi32, #tpu.memory_space<vmem>> -> memref<128xi32, #tpu.memory_space<vmem>>
    %dma_start3A_263 = arith.constant 0 : i32
    %dma_start3A_264 = tpu.memref_slice %arg5[%dma_start3A_263] : memref<160000xf32, #tpu.memory_space<hbm>> -> memref<160000xf32, #tpu.memory_space<hbm>>
    tpu.enqueue_indirect_dma source(%dma_start3A_264 : memref<160000xf32, #tpu.memory_space<hbm>>) target(%dma_start3A_260 : memref<128xf32, #tpu.memory_space<vmem>>) offsets(%dma_start3A_262 : memref<128xi32, #tpu.memory_space<vmem>>) semaphore(%arg12 : memref<!tpu.dma_semaphore, #tpu.memory_space<semaphore_mem>>)
    %dma_start3A_265 = arith.constant 5504 : i32
    %dma_start3A_266 = tpu.memref_slice %arg11[%dma_start3A_265] : memref<10000xf32, #tpu.memory_space<vmem>> -> memref<128xf32, #tpu.memory_space<vmem>>
    %dma_start3A_267 = arith.constant 5504 : i32
    %dma_start3A_268 = tpu.memref_slice %arg10[%dma_start3A_267] : memref<10000xi32, #tpu.memory_space<vmem>> -> memref<128xi32, #tpu.memory_space<vmem>>
    %dma_start3A_269 = arith.constant 0 : i32
    %dma_start3A_270 = tpu.memref_slice %arg5[%dma_start3A_269] : memref<160000xf32, #tpu.memory_space<hbm>> -> memref<160000xf32, #tpu.memory_space<hbm>>
    tpu.enqueue_indirect_dma source(%dma_start3A_270 : memref<160000xf32, #tpu.memory_space<hbm>>) target(%dma_start3A_266 : memref<128xf32, #tpu.memory_space<vmem>>) offsets(%dma_start3A_268 : memref<128xi32, #tpu.memory_space<vmem>>) semaphore(%arg12 : memref<!tpu.dma_semaphore, #tpu.memory_space<semaphore_mem>>)
    %dma_start3A_271 = arith.constant 5632 : i32
    %dma_start3A_272 = tpu.memref_slice %arg11[%dma_start3A_271] : memref<10000xf32, #tpu.memory_space<vmem>> -> memref<128xf32, #tpu.memory_space<vmem>>
    %dma_start3A_273 = arith.constant 5632 : i32
    %dma_start3A_274 = tpu.memref_slice %arg10[%dma_start3A_273] : memref<10000xi32, #tpu.memory_space<vmem>> -> memref<128xi32, #tpu.memory_space<vmem>>
    %dma_start3A_275 = arith.constant 0 : i32
    %dma_start3A_276 = tpu.memref_slice %arg5[%dma_start3A_275] : memref<160000xf32, #tpu.memory_space<hbm>> -> memref<160000xf32, #tpu.memory_space<hbm>>
    tpu.enqueue_indirect_dma source(%dma_start3A_276 : memref<160000xf32, #tpu.memory_space<hbm>>) target(%dma_start3A_272 : memref<128xf32, #tpu.memory_space<vmem>>) offsets(%dma_start3A_274 : memref<128xi32, #tpu.memory_space<vmem>>) semaphore(%arg12 : memref<!tpu.dma_semaphore, #tpu.memory_space<semaphore_mem>>)
    %dma_start3A_277 = arith.constant 5760 : i32
    %dma_start3A_278 = tpu.memref_slice %arg11[%dma_start3A_277] : memref<10000xf32, #tpu.memory_space<vmem>> -> memref<128xf32, #tpu.memory_space<vmem>>
    %dma_start3A_279 = arith.constant 5760 : i32
    %dma_start3A_280 = tpu.memref_slice %arg10[%dma_start3A_279] : memref<10000xi32, #tpu.memory_space<vmem>> -> memref<128xi32, #tpu.memory_space<vmem>>
    %dma_start3A_281 = arith.constant 0 : i32
    %dma_start3A_282 = tpu.memref_slice %arg5[%dma_start3A_281] : memref<160000xf32, #tpu.memory_space<hbm>> -> memref<160000xf32, #tpu.memory_space<hbm>>
    tpu.enqueue_indirect_dma source(%dma_start3A_282 : memref<160000xf32, #tpu.memory_space<hbm>>) target(%dma_start3A_278 : memref<128xf32, #tpu.memory_space<vmem>>) offsets(%dma_start3A_280 : memref<128xi32, #tpu.memory_space<vmem>>) semaphore(%arg12 : memref<!tpu.dma_semaphore, #tpu.memory_space<semaphore_mem>>)
    %dma_start3A_283 = arith.constant 5888 : i32
    %dma_start3A_284 = tpu.memref_slice %arg11[%dma_start3A_283] : memref<10000xf32, #tpu.memory_space<vmem>> -> memref<128xf32, #tpu.memory_space<vmem>>
    %dma_start3A_285 = arith.constant 5888 : i32
    %dma_start3A_286 = tpu.memref_slice %arg10[%dma_start3A_285] : memref<10000xi32, #tpu.memory_space<vmem>> -> memref<128xi32, #tpu.memory_space<vmem>>
    %dma_start3A_287 = arith.constant 0 : i32
    %dma_start3A_288 = tpu.memref_slice %arg5[%dma_start3A_287] : memref<160000xf32, #tpu.memory_space<hbm>> -> memref<160000xf32, #tpu.memory_space<hbm>>
    tpu.enqueue_indirect_dma source(%dma_start3A_288 : memref<160000xf32, #tpu.memory_space<hbm>>) target(%dma_start3A_284 : memref<128xf32, #tpu.memory_space<vmem>>) offsets(%dma_start3A_286 : memref<128xi32, #tpu.memory_space<vmem>>) semaphore(%arg12 : memref<!tpu.dma_semaphore, #tpu.memory_space<semaphore_mem>>)
    %dma_start3A_289 = arith.constant 6016 : i32
    %dma_start3A_290 = tpu.memref_slice %arg11[%dma_start3A_289] : memref<10000xf32, #tpu.memory_space<vmem>> -> memref<128xf32, #tpu.memory_space<vmem>>
    %dma_start3A_291 = arith.constant 6016 : i32
    %dma_start3A_292 = tpu.memref_slice %arg10[%dma_start3A_291] : memref<10000xi32, #tpu.memory_space<vmem>> -> memref<128xi32, #tpu.memory_space<vmem>>
    %dma_start3A_293 = arith.constant 0 : i32
    %dma_start3A_294 = tpu.memref_slice %arg5[%dma_start3A_293] : memref<160000xf32, #tpu.memory_space<hbm>> -> memref<160000xf32, #tpu.memory_space<hbm>>
    tpu.enqueue_indirect_dma source(%dma_start3A_294 : memref<160000xf32, #tpu.memory_space<hbm>>) target(%dma_start3A_290 : memref<128xf32, #tpu.memory_space<vmem>>) offsets(%dma_start3A_292 : memref<128xi32, #tpu.memory_space<vmem>>) semaphore(%arg12 : memref<!tpu.dma_semaphore, #tpu.memory_space<semaphore_mem>>)
    %dma_start3A_295 = arith.constant 6144 : i32
    %dma_start3A_296 = tpu.memref_slice %arg11[%dma_start3A_295] : memref<10000xf32, #tpu.memory_space<vmem>> -> memref<128xf32, #tpu.memory_space<vmem>>
    %dma_start3A_297 = arith.constant 6144 : i32
    %dma_start3A_298 = tpu.memref_slice %arg10[%dma_start3A_297] : memref<10000xi32, #tpu.memory_space<vmem>> -> memref<128xi32, #tpu.memory_space<vmem>>
    %dma_start3A_299 = arith.constant 0 : i32
    %dma_start3A_300 = tpu.memref_slice %arg5[%dma_start3A_299] : memref<160000xf32, #tpu.memory_space<hbm>> -> memref<160000xf32, #tpu.memory_space<hbm>>
    tpu.enqueue_indirect_dma source(%dma_start3A_300 : memref<160000xf32, #tpu.memory_space<hbm>>) target(%dma_start3A_296 : memref<128xf32, #tpu.memory_space<vmem>>) offsets(%dma_start3A_298 : memref<128xi32, #tpu.memory_space<vmem>>) semaphore(%arg12 : memref<!tpu.dma_semaphore, #tpu.memory_space<semaphore_mem>>)
    %dma_start3A_301 = arith.constant 6272 : i32
    %dma_start3A_302 = tpu.memref_slice %arg11[%dma_start3A_301] : memref<10000xf32, #tpu.memory_space<vmem>> -> memref<128xf32, #tpu.memory_space<vmem>>
    %dma_start3A_303 = arith.constant 6272 : i32
    %dma_start3A_304 = tpu.memref_slice %arg10[%dma_start3A_303] : memref<10000xi32, #tpu.memory_space<vmem>> -> memref<128xi32, #tpu.memory_space<vmem>>
    %dma_start3A_305 = arith.constant 0 : i32
    %dma_start3A_306 = tpu.memref_slice %arg5[%dma_start3A_305] : memref<160000xf32, #tpu.memory_space<hbm>> -> memref<160000xf32, #tpu.memory_space<hbm>>
    tpu.enqueue_indirect_dma source(%dma_start3A_306 : memref<160000xf32, #tpu.memory_space<hbm>>) target(%dma_start3A_302 : memref<128xf32, #tpu.memory_space<vmem>>) offsets(%dma_start3A_304 : memref<128xi32, #tpu.memory_space<vmem>>) semaphore(%arg12 : memref<!tpu.dma_semaphore, #tpu.memory_space<semaphore_mem>>)
    %dma_start3A_307 = arith.constant 6400 : i32
    %dma_start3A_308 = tpu.memref_slice %arg11[%dma_start3A_307] : memref<10000xf32, #tpu.memory_space<vmem>> -> memref<128xf32, #tpu.memory_space<vmem>>
    %dma_start3A_309 = arith.constant 6400 : i32
    %dma_start3A_310 = tpu.memref_slice %arg10[%dma_start3A_309] : memref<10000xi32, #tpu.memory_space<vmem>> -> memref<128xi32, #tpu.memory_space<vmem>>
    %dma_start3A_311 = arith.constant 0 : i32
    %dma_start3A_312 = tpu.memref_slice %arg5[%dma_start3A_311] : memref<160000xf32, #tpu.memory_space<hbm>> -> memref<160000xf32, #tpu.memory_space<hbm>>
    tpu.enqueue_indirect_dma source(%dma_start3A_312 : memref<160000xf32, #tpu.memory_space<hbm>>) target(%dma_start3A_308 : memref<128xf32, #tpu.memory_space<vmem>>) offsets(%dma_start3A_310 : memref<128xi32, #tpu.memory_space<vmem>>) semaphore(%arg12 : memref<!tpu.dma_semaphore, #tpu.memory_space<semaphore_mem>>)
    %dma_start3A_313 = arith.constant 6528 : i32
    %dma_start3A_314 = tpu.memref_slice %arg11[%dma_start3A_313] : memref<10000xf32, #tpu.memory_space<vmem>> -> memref<128xf32, #tpu.memory_space<vmem>>
    %dma_start3A_315 = arith.constant 6528 : i32
    %dma_start3A_316 = tpu.memref_slice %arg10[%dma_start3A_315] : memref<10000xi32, #tpu.memory_space<vmem>> -> memref<128xi32, #tpu.memory_space<vmem>>
    %dma_start3A_317 = arith.constant 0 : i32
    %dma_start3A_318 = tpu.memref_slice %arg5[%dma_start3A_317] : memref<160000xf32, #tpu.memory_space<hbm>> -> memref<160000xf32, #tpu.memory_space<hbm>>
    tpu.enqueue_indirect_dma source(%dma_start3A_318 : memref<160000xf32, #tpu.memory_space<hbm>>) target(%dma_start3A_314 : memref<128xf32, #tpu.memory_space<vmem>>) offsets(%dma_start3A_316 : memref<128xi32, #tpu.memory_space<vmem>>) semaphore(%arg12 : memref<!tpu.dma_semaphore, #tpu.memory_space<semaphore_mem>>)
    %dma_start3A_319 = arith.constant 6656 : i32
    %dma_start3A_320 = tpu.memref_slice %arg11[%dma_start3A_319] : memref<10000xf32, #tpu.memory_space<vmem>> -> memref<128xf32, #tpu.memory_space<vmem>>
    %dma_start3A_321 = arith.constant 6656 : i32
    %dma_start3A_322 = tpu.memref_slice %arg10[%dma_start3A_321] : memref<10000xi32, #tpu.memory_space<vmem>> -> memref<128xi32, #tpu.memory_space<vmem>>
    %dma_start3A_323 = arith.constant 0 : i32
    %dma_start3A_324 = tpu.memref_slice %arg5[%dma_start3A_323] : memref<160000xf32, #tpu.memory_space<hbm>> -> memref<160000xf32, #tpu.memory_space<hbm>>
    tpu.enqueue_indirect_dma source(%dma_start3A_324 : memref<160000xf32, #tpu.memory_space<hbm>>) target(%dma_start3A_320 : memref<128xf32, #tpu.memory_space<vmem>>) offsets(%dma_start3A_322 : memref<128xi32, #tpu.memory_space<vmem>>) semaphore(%arg12 : memref<!tpu.dma_semaphore, #tpu.memory_space<semaphore_mem>>)
    %dma_start3A_325 = arith.constant 6784 : i32
    %dma_start3A_326 = tpu.memref_slice %arg11[%dma_start3A_325] : memref<10000xf32, #tpu.memory_space<vmem>> -> memref<128xf32, #tpu.memory_space<vmem>>
    %dma_start3A_327 = arith.constant 6784 : i32
    %dma_start3A_328 = tpu.memref_slice %arg10[%dma_start3A_327] : memref<10000xi32, #tpu.memory_space<vmem>> -> memref<128xi32, #tpu.memory_space<vmem>>
    %dma_start3A_329 = arith.constant 0 : i32
    %dma_start3A_330 = tpu.memref_slice %arg5[%dma_start3A_329] : memref<160000xf32, #tpu.memory_space<hbm>> -> memref<160000xf32, #tpu.memory_space<hbm>>
    tpu.enqueue_indirect_dma source(%dma_start3A_330 : memref<160000xf32, #tpu.memory_space<hbm>>) target(%dma_start3A_326 : memref<128xf32, #tpu.memory_space<vmem>>) offsets(%dma_start3A_328 : memref<128xi32, #tpu.memory_space<vmem>>) semaphore(%arg12 : memref<!tpu.dma_semaphore, #tpu.memory_space<semaphore_mem>>)
    %dma_start3A_331 = arith.constant 6912 : i32
    %dma_start3A_332 = tpu.memref_slice %arg11[%dma_start3A_331] : memref<10000xf32, #tpu.memory_space<vmem>> -> memref<128xf32, #tpu.memory_space<vmem>>
    %dma_start3A_333 = arith.constant 6912 : i32
    %dma_start3A_334 = tpu.memref_slice %arg10[%dma_start3A_333] : memref<10000xi32, #tpu.memory_space<vmem>> -> memref<128xi32, #tpu.memory_space<vmem>>
    %dma_start3A_335 = arith.constant 0 : i32
    %dma_start3A_336 = tpu.memref_slice %arg5[%dma_start3A_335] : memref<160000xf32, #tpu.memory_space<hbm>> -> memref<160000xf32, #tpu.memory_space<hbm>>
    tpu.enqueue_indirect_dma source(%dma_start3A_336 : memref<160000xf32, #tpu.memory_space<hbm>>) target(%dma_start3A_332 : memref<128xf32, #tpu.memory_space<vmem>>) offsets(%dma_start3A_334 : memref<128xi32, #tpu.memory_space<vmem>>) semaphore(%arg12 : memref<!tpu.dma_semaphore, #tpu.memory_space<semaphore_mem>>)
    %dma_start3A_337 = arith.constant 7040 : i32
    %dma_start3A_338 = tpu.memref_slice %arg11[%dma_start3A_337] : memref<10000xf32, #tpu.memory_space<vmem>> -> memref<128xf32, #tpu.memory_space<vmem>>
    %dma_start3A_339 = arith.constant 7040 : i32
    %dma_start3A_340 = tpu.memref_slice %arg10[%dma_start3A_339] : memref<10000xi32, #tpu.memory_space<vmem>> -> memref<128xi32, #tpu.memory_space<vmem>>
    %dma_start3A_341 = arith.constant 0 : i32
    %dma_start3A_342 = tpu.memref_slice %arg5[%dma_start3A_341] : memref<160000xf32, #tpu.memory_space<hbm>> -> memref<160000xf32, #tpu.memory_space<hbm>>
    tpu.enqueue_indirect_dma source(%dma_start3A_342 : memref<160000xf32, #tpu.memory_space<hbm>>) target(%dma_start3A_338 : memref<128xf32, #tpu.memory_space<vmem>>) offsets(%dma_start3A_340 : memref<128xi32, #tpu.memory_space<vmem>>) semaphore(%arg12 : memref<!tpu.dma_semaphore, #tpu.memory_space<semaphore_mem>>)
    %dma_start3A_343 = arith.constant 7168 : i32
    %dma_start3A_344 = tpu.memref_slice %arg11[%dma_start3A_343] : memref<10000xf32, #tpu.memory_space<vmem>> -> memref<128xf32, #tpu.memory_space<vmem>>
    %dma_start3A_345 = arith.constant 7168 : i32
    %dma_start3A_346 = tpu.memref_slice %arg10[%dma_start3A_345] : memref<10000xi32, #tpu.memory_space<vmem>> -> memref<128xi32, #tpu.memory_space<vmem>>
    %dma_start3A_347 = arith.constant 0 : i32
    %dma_start3A_348 = tpu.memref_slice %arg5[%dma_start3A_347] : memref<160000xf32, #tpu.memory_space<hbm>> -> memref<160000xf32, #tpu.memory_space<hbm>>
    tpu.enqueue_indirect_dma source(%dma_start3A_348 : memref<160000xf32, #tpu.memory_space<hbm>>) target(%dma_start3A_344 : memref<128xf32, #tpu.memory_space<vmem>>) offsets(%dma_start3A_346 : memref<128xi32, #tpu.memory_space<vmem>>) semaphore(%arg12 : memref<!tpu.dma_semaphore, #tpu.memory_space<semaphore_mem>>)
    %dma_start3A_349 = arith.constant 7296 : i32
    %dma_start3A_350 = tpu.memref_slice %arg11[%dma_start3A_349] : memref<10000xf32, #tpu.memory_space<vmem>> -> memref<128xf32, #tpu.memory_space<vmem>>
    %dma_start3A_351 = arith.constant 7296 : i32
    %dma_start3A_352 = tpu.memref_slice %arg10[%dma_start3A_351] : memref<10000xi32, #tpu.memory_space<vmem>> -> memref<128xi32, #tpu.memory_space<vmem>>
    %dma_start3A_353 = arith.constant 0 : i32
    %dma_start3A_354 = tpu.memref_slice %arg5[%dma_start3A_353] : memref<160000xf32, #tpu.memory_space<hbm>> -> memref<160000xf32, #tpu.memory_space<hbm>>
    tpu.enqueue_indirect_dma source(%dma_start3A_354 : memref<160000xf32, #tpu.memory_space<hbm>>) target(%dma_start3A_350 : memref<128xf32, #tpu.memory_space<vmem>>) offsets(%dma_start3A_352 : memref<128xi32, #tpu.memory_space<vmem>>) semaphore(%arg12 : memref<!tpu.dma_semaphore, #tpu.memory_space<semaphore_mem>>)
    %dma_start3A_355 = arith.constant 7424 : i32
    %dma_start3A_356 = tpu.memref_slice %arg11[%dma_start3A_355] : memref<10000xf32, #tpu.memory_space<vmem>> -> memref<128xf32, #tpu.memory_space<vmem>>
    %dma_start3A_357 = arith.constant 7424 : i32
    %dma_start3A_358 = tpu.memref_slice %arg10[%dma_start3A_357] : memref<10000xi32, #tpu.memory_space<vmem>> -> memref<128xi32, #tpu.memory_space<vmem>>
    %dma_start3A_359 = arith.constant 0 : i32
    %dma_start3A_360 = tpu.memref_slice %arg5[%dma_start3A_359] : memref<160000xf32, #tpu.memory_space<hbm>> -> memref<160000xf32, #tpu.memory_space<hbm>>
    tpu.enqueue_indirect_dma source(%dma_start3A_360 : memref<160000xf32, #tpu.memory_space<hbm>>) target(%dma_start3A_356 : memref<128xf32, #tpu.memory_space<vmem>>) offsets(%dma_start3A_358 : memref<128xi32, #tpu.memory_space<vmem>>) semaphore(%arg12 : memref<!tpu.dma_semaphore, #tpu.memory_space<semaphore_mem>>)
    %dma_start3A_361 = arith.constant 7552 : i32
    %dma_start3A_362 = tpu.memref_slice %arg11[%dma_start3A_361] : memref<10000xf32, #tpu.memory_space<vmem>> -> memref<128xf32, #tpu.memory_space<vmem>>
    %dma_start3A_363 = arith.constant 7552 : i32
    %dma_start3A_364 = tpu.memref_slice %arg10[%dma_start3A_363] : memref<10000xi32, #tpu.memory_space<vmem>> -> memref<128xi32, #tpu.memory_space<vmem>>
    %dma_start3A_365 = arith.constant 0 : i32
    %dma_start3A_366 = tpu.memref_slice %arg5[%dma_start3A_365] : memref<160000xf32, #tpu.memory_space<hbm>> -> memref<160000xf32, #tpu.memory_space<hbm>>
    tpu.enqueue_indirect_dma source(%dma_start3A_366 : memref<160000xf32, #tpu.memory_space<hbm>>) target(%dma_start3A_362 : memref<128xf32, #tpu.memory_space<vmem>>) offsets(%dma_start3A_364 : memref<128xi32, #tpu.memory_space<vmem>>) semaphore(%arg12 : memref<!tpu.dma_semaphore, #tpu.memory_space<semaphore_mem>>)
    %dma_start3A_367 = arith.constant 7680 : i32
    %dma_start3A_368 = tpu.memref_slice %arg11[%dma_start3A_367] : memref<10000xf32, #tpu.memory_space<vmem>> -> memref<128xf32, #tpu.memory_space<vmem>>
    %dma_start3A_369 = arith.constant 7680 : i32
    %dma_start3A_370 = tpu.memref_slice %arg10[%dma_start3A_369] : memref<10000xi32, #tpu.memory_space<vmem>> -> memref<128xi32, #tpu.memory_space<vmem>>
    %dma_start3A_371 = arith.constant 0 : i32
    %dma_start3A_372 = tpu.memref_slice %arg5[%dma_start3A_371] : memref<160000xf32, #tpu.memory_space<hbm>> -> memref<160000xf32, #tpu.memory_space<hbm>>
    tpu.enqueue_indirect_dma source(%dma_start3A_372 : memref<160000xf32, #tpu.memory_space<hbm>>) target(%dma_start3A_368 : memref<128xf32, #tpu.memory_space<vmem>>) offsets(%dma_start3A_370 : memref<128xi32, #tpu.memory_space<vmem>>) semaphore(%arg12 : memref<!tpu.dma_semaphore, #tpu.memory_space<semaphore_mem>>)
    %dma_start3A_373 = arith.constant 7808 : i32
    %dma_start3A_374 = tpu.memref_slice %arg11[%dma_start3A_373] : memref<10000xf32, #tpu.memory_space<vmem>> -> memref<128xf32, #tpu.memory_space<vmem>>
    %dma_start3A_375 = arith.constant 7808 : i32
    %dma_start3A_376 = tpu.memref_slice %arg10[%dma_start3A_375] : memref<10000xi32, #tpu.memory_space<vmem>> -> memref<128xi32, #tpu.memory_space<vmem>>
    %dma_start3A_377 = arith.constant 0 : i32
    %dma_start3A_378 = tpu.memref_slice %arg5[%dma_start3A_377] : memref<160000xf32, #tpu.memory_space<hbm>> -> memref<160000xf32, #tpu.memory_space<hbm>>
    tpu.enqueue_indirect_dma source(%dma_start3A_378 : memref<160000xf32, #tpu.memory_space<hbm>>) target(%dma_start3A_374 : memref<128xf32, #tpu.memory_space<vmem>>) offsets(%dma_start3A_376 : memref<128xi32, #tpu.memory_space<vmem>>) semaphore(%arg12 : memref<!tpu.dma_semaphore, #tpu.memory_space<semaphore_mem>>)
    %dma_start3A_379 = arith.constant 7936 : i32
    %dma_start3A_380 = tpu.memref_slice %arg11[%dma_start3A_379] : memref<10000xf32, #tpu.memory_space<vmem>> -> memref<128xf32, #tpu.memory_space<vmem>>
    %dma_start3A_381 = arith.constant 7936 : i32
    %dma_start3A_382 = tpu.memref_slice %arg10[%dma_start3A_381] : memref<10000xi32, #tpu.memory_space<vmem>> -> memref<128xi32, #tpu.memory_space<vmem>>
    %dma_start3A_383 = arith.constant 0 : i32
    %dma_start3A_384 = tpu.memref_slice %arg5[%dma_start3A_383] : memref<160000xf32, #tpu.memory_space<hbm>> -> memref<160000xf32, #tpu.memory_space<hbm>>
    tpu.enqueue_indirect_dma source(%dma_start3A_384 : memref<160000xf32, #tpu.memory_space<hbm>>) target(%dma_start3A_380 : memref<128xf32, #tpu.memory_space<vmem>>) offsets(%dma_start3A_382 : memref<128xi32, #tpu.memory_space<vmem>>) semaphore(%arg12 : memref<!tpu.dma_semaphore, #tpu.memory_space<semaphore_mem>>)
    %dma_start3A_385 = arith.constant 8064 : i32
    %dma_start3A_386 = tpu.memref_slice %arg11[%dma_start3A_385] : memref<10000xf32, #tpu.memory_space<vmem>> -> memref<128xf32, #tpu.memory_space<vmem>>
    %dma_start3A_387 = arith.constant 8064 : i32
    %dma_start3A_388 = tpu.memref_slice %arg10[%dma_start3A_387] : memref<10000xi32, #tpu.memory_space<vmem>> -> memref<128xi32, #tpu.memory_space<vmem>>
    %dma_start3A_389 = arith.constant 0 : i32
    %dma_start3A_390 = tpu.memref_slice %arg5[%dma_start3A_389] : memref<160000xf32, #tpu.memory_space<hbm>> -> memref<160000xf32, #tpu.memory_space<hbm>>
    tpu.enqueue_indirect_dma source(%dma_start3A_390 : memref<160000xf32, #tpu.memory_space<hbm>>) target(%dma_start3A_386 : memref<128xf32, #tpu.memory_space<vmem>>) offsets(%dma_start3A_388 : memref<128xi32, #tpu.memory_space<vmem>>) semaphore(%arg12 : memref<!tpu.dma_semaphore, #tpu.memory_space<semaphore_mem>>)
    %dma_start3A_391 = arith.constant 8192 : i32
    %dma_start3A_392 = tpu.memref_slice %arg11[%dma_start3A_391] : memref<10000xf32, #tpu.memory_space<vmem>> -> memref<128xf32, #tpu.memory_space<vmem>>
    %dma_start3A_393 = arith.constant 8192 : i32
    %dma_start3A_394 = tpu.memref_slice %arg10[%dma_start3A_393] : memref<10000xi32, #tpu.memory_space<vmem>> -> memref<128xi32, #tpu.memory_space<vmem>>
    %dma_start3A_395 = arith.constant 0 : i32
    %dma_start3A_396 = tpu.memref_slice %arg5[%dma_start3A_395] : memref<160000xf32, #tpu.memory_space<hbm>> -> memref<160000xf32, #tpu.memory_space<hbm>>
    tpu.enqueue_indirect_dma source(%dma_start3A_396 : memref<160000xf32, #tpu.memory_space<hbm>>) target(%dma_start3A_392 : memref<128xf32, #tpu.memory_space<vmem>>) offsets(%dma_start3A_394 : memref<128xi32, #tpu.memory_space<vmem>>) semaphore(%arg12 : memref<!tpu.dma_semaphore, #tpu.memory_space<semaphore_mem>>)
    %dma_start3A_397 = arith.constant 8320 : i32
    %dma_start3A_398 = tpu.memref_slice %arg11[%dma_start3A_397] : memref<10000xf32, #tpu.memory_space<vmem>> -> memref<128xf32, #tpu.memory_space<vmem>>
    %dma_start3A_399 = arith.constant 8320 : i32
    %dma_start3A_400 = tpu.memref_slice %arg10[%dma_start3A_399] : memref<10000xi32, #tpu.memory_space<vmem>> -> memref<128xi32, #tpu.memory_space<vmem>>
    %dma_start3A_401 = arith.constant 0 : i32
    %dma_start3A_402 = tpu.memref_slice %arg5[%dma_start3A_401] : memref<160000xf32, #tpu.memory_space<hbm>> -> memref<160000xf32, #tpu.memory_space<hbm>>
    tpu.enqueue_indirect_dma source(%dma_start3A_402 : memref<160000xf32, #tpu.memory_space<hbm>>) target(%dma_start3A_398 : memref<128xf32, #tpu.memory_space<vmem>>) offsets(%dma_start3A_400 : memref<128xi32, #tpu.memory_space<vmem>>) semaphore(%arg12 : memref<!tpu.dma_semaphore, #tpu.memory_space<semaphore_mem>>)
    %dma_start3A_403 = arith.constant 8448 : i32
    %dma_start3A_404 = tpu.memref_slice %arg11[%dma_start3A_403] : memref<10000xf32, #tpu.memory_space<vmem>> -> memref<128xf32, #tpu.memory_space<vmem>>
    %dma_start3A_405 = arith.constant 8448 : i32
    %dma_start3A_406 = tpu.memref_slice %arg10[%dma_start3A_405] : memref<10000xi32, #tpu.memory_space<vmem>> -> memref<128xi32, #tpu.memory_space<vmem>>
    %dma_start3A_407 = arith.constant 0 : i32
    %dma_start3A_408 = tpu.memref_slice %arg5[%dma_start3A_407] : memref<160000xf32, #tpu.memory_space<hbm>> -> memref<160000xf32, #tpu.memory_space<hbm>>
    tpu.enqueue_indirect_dma source(%dma_start3A_408 : memref<160000xf32, #tpu.memory_space<hbm>>) target(%dma_start3A_404 : memref<128xf32, #tpu.memory_space<vmem>>) offsets(%dma_start3A_406 : memref<128xi32, #tpu.memory_space<vmem>>) semaphore(%arg12 : memref<!tpu.dma_semaphore, #tpu.memory_space<semaphore_mem>>)
    %dma_start3A_409 = arith.constant 8576 : i32
    %dma_start3A_410 = tpu.memref_slice %arg11[%dma_start3A_409] : memref<10000xf32, #tpu.memory_space<vmem>> -> memref<128xf32, #tpu.memory_space<vmem>>
    %dma_start3A_411 = arith.constant 8576 : i32
    %dma_start3A_412 = tpu.memref_slice %arg10[%dma_start3A_411] : memref<10000xi32, #tpu.memory_space<vmem>> -> memref<128xi32, #tpu.memory_space<vmem>>
    %dma_start3A_413 = arith.constant 0 : i32
    %dma_start3A_414 = tpu.memref_slice %arg5[%dma_start3A_413] : memref<160000xf32, #tpu.memory_space<hbm>> -> memref<160000xf32, #tpu.memory_space<hbm>>
    tpu.enqueue_indirect_dma source(%dma_start3A_414 : memref<160000xf32, #tpu.memory_space<hbm>>) target(%dma_start3A_410 : memref<128xf32, #tpu.memory_space<vmem>>) offsets(%dma_start3A_412 : memref<128xi32, #tpu.memory_space<vmem>>) semaphore(%arg12 : memref<!tpu.dma_semaphore, #tpu.memory_space<semaphore_mem>>)
    %dma_start3A_415 = arith.constant 8704 : i32
    %dma_start3A_416 = tpu.memref_slice %arg11[%dma_start3A_415] : memref<10000xf32, #tpu.memory_space<vmem>> -> memref<128xf32, #tpu.memory_space<vmem>>
    %dma_start3A_417 = arith.constant 8704 : i32
    %dma_start3A_418 = tpu.memref_slice %arg10[%dma_start3A_417] : memref<10000xi32, #tpu.memory_space<vmem>> -> memref<128xi32, #tpu.memory_space<vmem>>
    %dma_start3A_419 = arith.constant 0 : i32
    %dma_start3A_420 = tpu.memref_slice %arg5[%dma_start3A_419] : memref<160000xf32, #tpu.memory_space<hbm>> -> memref<160000xf32, #tpu.memory_space<hbm>>
    tpu.enqueue_indirect_dma source(%dma_start3A_420 : memref<160000xf32, #tpu.memory_space<hbm>>) target(%dma_start3A_416 : memref<128xf32, #tpu.memory_space<vmem>>) offsets(%dma_start3A_418 : memref<128xi32, #tpu.memory_space<vmem>>) semaphore(%arg12 : memref<!tpu.dma_semaphore, #tpu.memory_space<semaphore_mem>>)
    %dma_start3A_421 = arith.constant 8832 : i32
    %dma_start3A_422 = tpu.memref_slice %arg11[%dma_start3A_421] : memref<10000xf32, #tpu.memory_space<vmem>> -> memref<128xf32, #tpu.memory_space<vmem>>
    %dma_start3A_423 = arith.constant 8832 : i32
    %dma_start3A_424 = tpu.memref_slice %arg10[%dma_start3A_423] : memref<10000xi32, #tpu.memory_space<vmem>> -> memref<128xi32, #tpu.memory_space<vmem>>
    %dma_start3A_425 = arith.constant 0 : i32
    %dma_start3A_426 = tpu.memref_slice %arg5[%dma_start3A_425] : memref<160000xf32, #tpu.memory_space<hbm>> -> memref<160000xf32, #tpu.memory_space<hbm>>
    tpu.enqueue_indirect_dma source(%dma_start3A_426 : memref<160000xf32, #tpu.memory_space<hbm>>) target(%dma_start3A_422 : memref<128xf32, #tpu.memory_space<vmem>>) offsets(%dma_start3A_424 : memref<128xi32, #tpu.memory_space<vmem>>) semaphore(%arg12 : memref<!tpu.dma_semaphore, #tpu.memory_space<semaphore_mem>>)
    %dma_start3A_427 = arith.constant 8960 : i32
    %dma_start3A_428 = tpu.memref_slice %arg11[%dma_start3A_427] : memref<10000xf32, #tpu.memory_space<vmem>> -> memref<128xf32, #tpu.memory_space<vmem>>
    %dma_start3A_429 = arith.constant 8960 : i32
    %dma_start3A_430 = tpu.memref_slice %arg10[%dma_start3A_429] : memref<10000xi32, #tpu.memory_space<vmem>> -> memref<128xi32, #tpu.memory_space<vmem>>
    %dma_start3A_431 = arith.constant 0 : i32
    %dma_start3A_432 = tpu.memref_slice %arg5[%dma_start3A_431] : memref<160000xf32, #tpu.memory_space<hbm>> -> memref<160000xf32, #tpu.memory_space<hbm>>
    tpu.enqueue_indirect_dma source(%dma_start3A_432 : memref<160000xf32, #tpu.memory_space<hbm>>) target(%dma_start3A_428 : memref<128xf32, #tpu.memory_space<vmem>>) offsets(%dma_start3A_430 : memref<128xi32, #tpu.memory_space<vmem>>) semaphore(%arg12 : memref<!tpu.dma_semaphore, #tpu.memory_space<semaphore_mem>>)
    %dma_start3A_433 = arith.constant 9088 : i32
    %dma_start3A_434 = tpu.memref_slice %arg11[%dma_start3A_433] : memref<10000xf32, #tpu.memory_space<vmem>> -> memref<128xf32, #tpu.memory_space<vmem>>
    %dma_start3A_435 = arith.constant 9088 : i32
    %dma_start3A_436 = tpu.memref_slice %arg10[%dma_start3A_435] : memref<10000xi32, #tpu.memory_space<vmem>> -> memref<128xi32, #tpu.memory_space<vmem>>
    %dma_start3A_437 = arith.constant 0 : i32
    %dma_start3A_438 = tpu.memref_slice %arg5[%dma_start3A_437] : memref<160000xf32, #tpu.memory_space<hbm>> -> memref<160000xf32, #tpu.memory_space<hbm>>
    tpu.enqueue_indirect_dma source(%dma_start3A_438 : memref<160000xf32, #tpu.memory_space<hbm>>) target(%dma_start3A_434 : memref<128xf32, #tpu.memory_space<vmem>>) offsets(%dma_start3A_436 : memref<128xi32, #tpu.memory_space<vmem>>) semaphore(%arg12 : memref<!tpu.dma_semaphore, #tpu.memory_space<semaphore_mem>>)
    %dma_start3A_439 = arith.constant 9216 : i32
    %dma_start3A_440 = tpu.memref_slice %arg11[%dma_start3A_439] : memref<10000xf32, #tpu.memory_space<vmem>> -> memref<128xf32, #tpu.memory_space<vmem>>
    %dma_start3A_441 = arith.constant 9216 : i32
    %dma_start3A_442 = tpu.memref_slice %arg10[%dma_start3A_441] : memref<10000xi32, #tpu.memory_space<vmem>> -> memref<128xi32, #tpu.memory_space<vmem>>
    %dma_start3A_443 = arith.constant 0 : i32
    %dma_start3A_444 = tpu.memref_slice %arg5[%dma_start3A_443] : memref<160000xf32, #tpu.memory_space<hbm>> -> memref<160000xf32, #tpu.memory_space<hbm>>
    tpu.enqueue_indirect_dma source(%dma_start3A_444 : memref<160000xf32, #tpu.memory_space<hbm>>) target(%dma_start3A_440 : memref<128xf32, #tpu.memory_space<vmem>>) offsets(%dma_start3A_442 : memref<128xi32, #tpu.memory_space<vmem>>) semaphore(%arg12 : memref<!tpu.dma_semaphore, #tpu.memory_space<semaphore_mem>>)
    %dma_start3A_445 = arith.constant 9344 : i32
    %dma_start3A_446 = tpu.memref_slice %arg11[%dma_start3A_445] : memref<10000xf32, #tpu.memory_space<vmem>> -> memref<128xf32, #tpu.memory_space<vmem>>
    %dma_start3A_447 = arith.constant 9344 : i32
    %dma_start3A_448 = tpu.memref_slice %arg10[%dma_start3A_447] : memref<10000xi32, #tpu.memory_space<vmem>> -> memref<128xi32, #tpu.memory_space<vmem>>
    %dma_start3A_449 = arith.constant 0 : i32
    %dma_start3A_450 = tpu.memref_slice %arg5[%dma_start3A_449] : memref<160000xf32, #tpu.memory_space<hbm>> -> memref<160000xf32, #tpu.memory_space<hbm>>
    tpu.enqueue_indirect_dma source(%dma_start3A_450 : memref<160000xf32, #tpu.memory_space<hbm>>) target(%dma_start3A_446 : memref<128xf32, #tpu.memory_space<vmem>>) offsets(%dma_start3A_448 : memref<128xi32, #tpu.memory_space<vmem>>) semaphore(%arg12 : memref<!tpu.dma_semaphore, #tpu.memory_space<semaphore_mem>>)
    %dma_start3A_451 = arith.constant 9472 : i32
    %dma_start3A_452 = tpu.memref_slice %arg11[%dma_start3A_451] : memref<10000xf32, #tpu.memory_space<vmem>> -> memref<128xf32, #tpu.memory_space<vmem>>
    %dma_start3A_453 = arith.constant 9472 : i32
    %dma_start3A_454 = tpu.memref_slice %arg10[%dma_start3A_453] : memref<10000xi32, #tpu.memory_space<vmem>> -> memref<128xi32, #tpu.memory_space<vmem>>
    %dma_start3A_455 = arith.constant 0 : i32
    %dma_start3A_456 = tpu.memref_slice %arg5[%dma_start3A_455] : memref<160000xf32, #tpu.memory_space<hbm>> -> memref<160000xf32, #tpu.memory_space<hbm>>
    tpu.enqueue_indirect_dma source(%dma_start3A_456 : memref<160000xf32, #tpu.memory_space<hbm>>) target(%dma_start3A_452 : memref<128xf32, #tpu.memory_space<vmem>>) offsets(%dma_start3A_454 : memref<128xi32, #tpu.memory_space<vmem>>) semaphore(%arg12 : memref<!tpu.dma_semaphore, #tpu.memory_space<semaphore_mem>>)
    %dma_start3A_457 = arith.constant 9600 : i32
    %dma_start3A_458 = tpu.memref_slice %arg11[%dma_start3A_457] : memref<10000xf32, #tpu.memory_space<vmem>> -> memref<128xf32, #tpu.memory_space<vmem>>
    %dma_start3A_459 = arith.constant 9600 : i32
    %dma_start3A_460 = tpu.memref_slice %arg10[%dma_start3A_459] : memref<10000xi32, #tpu.memory_space<vmem>> -> memref<128xi32, #tpu.memory_space<vmem>>
    %dma_start3A_461 = arith.constant 0 : i32
    %dma_start3A_462 = tpu.memref_slice %arg5[%dma_start3A_461] : memref<160000xf32, #tpu.memory_space<hbm>> -> memref<160000xf32, #tpu.memory_space<hbm>>
    tpu.enqueue_indirect_dma source(%dma_start3A_462 : memref<160000xf32, #tpu.memory_space<hbm>>) target(%dma_start3A_458 : memref<128xf32, #tpu.memory_space<vmem>>) offsets(%dma_start3A_460 : memref<128xi32, #tpu.memory_space<vmem>>) semaphore(%arg12 : memref<!tpu.dma_semaphore, #tpu.memory_space<semaphore_mem>>)
    %dma_start3A_463 = arith.constant 9728 : i32
    %dma_start3A_464 = tpu.memref_slice %arg11[%dma_start3A_463] : memref<10000xf32, #tpu.memory_space<vmem>> -> memref<128xf32, #tpu.memory_space<vmem>>
    %dma_start3A_465 = arith.constant 9728 : i32
    %dma_start3A_466 = tpu.memref_slice %arg10[%dma_start3A_465] : memref<10000xi32, #tpu.memory_space<vmem>> -> memref<128xi32, #tpu.memory_space<vmem>>
    %dma_start3A_467 = arith.constant 0 : i32
    %dma_start3A_468 = tpu.memref_slice %arg5[%dma_start3A_467] : memref<160000xf32, #tpu.memory_space<hbm>> -> memref<160000xf32, #tpu.memory_space<hbm>>
    tpu.enqueue_indirect_dma source(%dma_start3A_468 : memref<160000xf32, #tpu.memory_space<hbm>>) target(%dma_start3A_464 : memref<128xf32, #tpu.memory_space<vmem>>) offsets(%dma_start3A_466 : memref<128xi32, #tpu.memory_space<vmem>>) semaphore(%arg12 : memref<!tpu.dma_semaphore, #tpu.memory_space<semaphore_mem>>)
    %dma_start3A_469 = arith.constant 9856 : i32
    %dma_start3A_470 = tpu.memref_slice %arg11[%dma_start3A_469] : memref<10000xf32, #tpu.memory_space<vmem>> -> memref<128xf32, #tpu.memory_space<vmem>>
    %dma_start3A_471 = arith.constant 9856 : i32
    %dma_start3A_472 = tpu.memref_slice %arg10[%dma_start3A_471] : memref<10000xi32, #tpu.memory_space<vmem>> -> memref<128xi32, #tpu.memory_space<vmem>>
    %dma_start3A_473 = arith.constant 0 : i32
    %dma_start3A_474 = tpu.memref_slice %arg5[%dma_start3A_473] : memref<160000xf32, #tpu.memory_space<hbm>> -> memref<160000xf32, #tpu.memory_space<hbm>>
    tpu.enqueue_indirect_dma source(%dma_start3A_474 : memref<160000xf32, #tpu.memory_space<hbm>>) target(%dma_start3A_470 : memref<128xf32, #tpu.memory_space<vmem>>) offsets(%dma_start3A_472 : memref<128xi32, #tpu.memory_space<vmem>>) semaphore(%arg12 : memref<!tpu.dma_semaphore, #tpu.memory_space<semaphore_mem>>)
    %dma_start3A_475 = arith.constant 9984 : i32
    %dma_start3A_476 = tpu.memref_slice %arg11[%dma_start3A_475] : memref<10000xf32, #tpu.memory_space<vmem>> -> memref<16xf32, #tpu.memory_space<vmem>>
    %dma_start3A_477 = arith.constant 9984 : i32
    %dma_start3A_478 = tpu.memref_slice %arg10[%dma_start3A_477] : memref<10000xi32, #tpu.memory_space<vmem>> -> memref<16xi32, #tpu.memory_space<vmem>>
    %dma_start3A_479 = arith.constant 0 : i32
    %dma_start3A_480 = tpu.memref_slice %arg5[%dma_start3A_479] : memref<160000xf32, #tpu.memory_space<hbm>> -> memref<160000xf32, #tpu.memory_space<hbm>>
    tpu.enqueue_indirect_dma source(%dma_start3A_480 : memref<160000xf32, #tpu.memory_space<hbm>>) target(%dma_start3A_476 : memref<16xf32, #tpu.memory_space<vmem>>) offsets(%dma_start3A_478 : memref<16xi32, #tpu.memory_space<vmem>>) semaphore(%arg12 : memref<!tpu.dma_semaphore, #tpu.memory_space<semaphore_mem>>)
    %dma_wait3A = arith.constant 0 : i32
    %dma_wait3A_481 = tpu.memref_slice %arg11[%dma_wait3A] : memref<10000xf32, #tpu.memory_space<vmem>> -> memref<128xf32, #tpu.memory_space<vmem>>
    %dma_wait3A_482 = arith.constant 0 : i32
    %dma_wait3A_483 = tpu.memref_slice %arg10[%dma_wait3A_482] : memref<10000xi32, #tpu.memory_space<vmem>> -> memref<128xi32, #tpu.memory_space<vmem>>
    %dma_wait3A_484 = arith.constant 0 : i32
    %dma_wait3A_485 = tpu.memref_slice %arg5[%dma_wait3A_484] : memref<160000xf32, #tpu.memory_space<hbm>> -> memref<160000xf32, #tpu.memory_space<hbm>>
    tpu.wait_indirect_dma semaphore(%arg12 : memref<!tpu.dma_semaphore, #tpu.memory_space<semaphore_mem>>) src(%dma_wait3A_485 : memref<160000xf32, #tpu.memory_space<hbm>>) dst(%dma_wait3A_481 : memref<128xf32, #tpu.memory_space<vmem>>)
    %dma_wait3A_486 = arith.constant 128 : i32
    %dma_wait3A_487 = tpu.memref_slice %arg11[%dma_wait3A_486] : memref<10000xf32, #tpu.memory_space<vmem>> -> memref<128xf32, #tpu.memory_space<vmem>>
    %dma_wait3A_488 = arith.constant 128 : i32
    %dma_wait3A_489 = tpu.memref_slice %arg10[%dma_wait3A_488] : memref<10000xi32, #tpu.memory_space<vmem>> -> memref<128xi32, #tpu.memory_space<vmem>>
    %dma_wait3A_490 = arith.constant 0 : i32
    %dma_wait3A_491 = tpu.memref_slice %arg5[%dma_wait3A_490] : memref<160000xf32, #tpu.memory_space<hbm>> -> memref<160000xf32, #tpu.memory_space<hbm>>
    tpu.wait_indirect_dma semaphore(%arg12 : memref<!tpu.dma_semaphore, #tpu.memory_space<semaphore_mem>>) src(%dma_wait3A_491 : memref<160000xf32, #tpu.memory_space<hbm>>) dst(%dma_wait3A_487 : memref<128xf32, #tpu.memory_space<vmem>>)
    %dma_wait3A_492 = arith.constant 256 : i32
    %dma_wait3A_493 = tpu.memref_slice %arg11[%dma_wait3A_492] : memref<10000xf32, #tpu.memory_space<vmem>> -> memref<128xf32, #tpu.memory_space<vmem>>
    %dma_wait3A_494 = arith.constant 256 : i32
    %dma_wait3A_495 = tpu.memref_slice %arg10[%dma_wait3A_494] : memref<10000xi32, #tpu.memory_space<vmem>> -> memref<128xi32, #tpu.memory_space<vmem>>
    %dma_wait3A_496 = arith.constant 0 : i32
    %dma_wait3A_497 = tpu.memref_slice %arg5[%dma_wait3A_496] : memref<160000xf32, #tpu.memory_space<hbm>> -> memref<160000xf32, #tpu.memory_space<hbm>>
    tpu.wait_indirect_dma semaphore(%arg12 : memref<!tpu.dma_semaphore, #tpu.memory_space<semaphore_mem>>) src(%dma_wait3A_497 : memref<160000xf32, #tpu.memory_space<hbm>>) dst(%dma_wait3A_493 : memref<128xf32, #tpu.memory_space<vmem>>)
    %dma_wait3A_498 = arith.constant 384 : i32
    %dma_wait3A_499 = tpu.memref_slice %arg11[%dma_wait3A_498] : memref<10000xf32, #tpu.memory_space<vmem>> -> memref<128xf32, #tpu.memory_space<vmem>>
    %dma_wait3A_500 = arith.constant 384 : i32
    %dma_wait3A_501 = tpu.memref_slice %arg10[%dma_wait3A_500] : memref<10000xi32, #tpu.memory_space<vmem>> -> memref<128xi32, #tpu.memory_space<vmem>>
    %dma_wait3A_502 = arith.constant 0 : i32
    %dma_wait3A_503 = tpu.memref_slice %arg5[%dma_wait3A_502] : memref<160000xf32, #tpu.memory_space<hbm>> -> memref<160000xf32, #tpu.memory_space<hbm>>
    tpu.wait_indirect_dma semaphore(%arg12 : memref<!tpu.dma_semaphore, #tpu.memory_space<semaphore_mem>>) src(%dma_wait3A_503 : memref<160000xf32, #tpu.memory_space<hbm>>) dst(%dma_wait3A_499 : memref<128xf32, #tpu.memory_space<vmem>>)
    %dma_wait3A_504 = arith.constant 512 : i32
    %dma_wait3A_505 = tpu.memref_slice %arg11[%dma_wait3A_504] : memref<10000xf32, #tpu.memory_space<vmem>> -> memref<128xf32, #tpu.memory_space<vmem>>
    %dma_wait3A_506 = arith.constant 512 : i32
    %dma_wait3A_507 = tpu.memref_slice %arg10[%dma_wait3A_506] : memref<10000xi32, #tpu.memory_space<vmem>> -> memref<128xi32, #tpu.memory_space<vmem>>
    %dma_wait3A_508 = arith.constant 0 : i32
    %dma_wait3A_509 = tpu.memref_slice %arg5[%dma_wait3A_508] : memref<160000xf32, #tpu.memory_space<hbm>> -> memref<160000xf32, #tpu.memory_space<hbm>>
    tpu.wait_indirect_dma semaphore(%arg12 : memref<!tpu.dma_semaphore, #tpu.memory_space<semaphore_mem>>) src(%dma_wait3A_509 : memref<160000xf32, #tpu.memory_space<hbm>>) dst(%dma_wait3A_505 : memref<128xf32, #tpu.memory_space<vmem>>)
    %dma_wait3A_510 = arith.constant 640 : i32
    %dma_wait3A_511 = tpu.memref_slice %arg11[%dma_wait3A_510] : memref<10000xf32, #tpu.memory_space<vmem>> -> memref<128xf32, #tpu.memory_space<vmem>>
    %dma_wait3A_512 = arith.constant 640 : i32
    %dma_wait3A_513 = tpu.memref_slice %arg10[%dma_wait3A_512] : memref<10000xi32, #tpu.memory_space<vmem>> -> memref<128xi32, #tpu.memory_space<vmem>>
    %dma_wait3A_514 = arith.constant 0 : i32
    %dma_wait3A_515 = tpu.memref_slice %arg5[%dma_wait3A_514] : memref<160000xf32, #tpu.memory_space<hbm>> -> memref<160000xf32, #tpu.memory_space<hbm>>
    tpu.wait_indirect_dma semaphore(%arg12 : memref<!tpu.dma_semaphore, #tpu.memory_space<semaphore_mem>>) src(%dma_wait3A_515 : memref<160000xf32, #tpu.memory_space<hbm>>) dst(%dma_wait3A_511 : memref<128xf32, #tpu.memory_space<vmem>>)
    %dma_wait3A_516 = arith.constant 768 : i32
    %dma_wait3A_517 = tpu.memref_slice %arg11[%dma_wait3A_516] : memref<10000xf32, #tpu.memory_space<vmem>> -> memref<128xf32, #tpu.memory_space<vmem>>
    %dma_wait3A_518 = arith.constant 768 : i32
    %dma_wait3A_519 = tpu.memref_slice %arg10[%dma_wait3A_518] : memref<10000xi32, #tpu.memory_space<vmem>> -> memref<128xi32, #tpu.memory_space<vmem>>
    %dma_wait3A_520 = arith.constant 0 : i32
    %dma_wait3A_521 = tpu.memref_slice %arg5[%dma_wait3A_520] : memref<160000xf32, #tpu.memory_space<hbm>> -> memref<160000xf32, #tpu.memory_space<hbm>>
    tpu.wait_indirect_dma semaphore(%arg12 : memref<!tpu.dma_semaphore, #tpu.memory_space<semaphore_mem>>) src(%dma_wait3A_521 : memref<160000xf32, #tpu.memory_space<hbm>>) dst(%dma_wait3A_517 : memref<128xf32, #tpu.memory_space<vmem>>)
    %dma_wait3A_522 = arith.constant 896 : i32
    %dma_wait3A_523 = tpu.memref_slice %arg11[%dma_wait3A_522] : memref<10000xf32, #tpu.memory_space<vmem>> -> memref<128xf32, #tpu.memory_space<vmem>>
    %dma_wait3A_524 = arith.constant 896 : i32
    %dma_wait3A_525 = tpu.memref_slice %arg10[%dma_wait3A_524] : memref<10000xi32, #tpu.memory_space<vmem>> -> memref<128xi32, #tpu.memory_space<vmem>>
    %dma_wait3A_526 = arith.constant 0 : i32
    %dma_wait3A_527 = tpu.memref_slice %arg5[%dma_wait3A_526] : memref<160000xf32, #tpu.memory_space<hbm>> -> memref<160000xf32, #tpu.memory_space<hbm>>
    tpu.wait_indirect_dma semaphore(%arg12 : memref<!tpu.dma_semaphore, #tpu.memory_space<semaphore_mem>>) src(%dma_wait3A_527 : memref<160000xf32, #tpu.memory_space<hbm>>) dst(%dma_wait3A_523 : memref<128xf32, #tpu.memory_space<vmem>>)
    %dma_wait3A_528 = arith.constant 1024 : i32
    %dma_wait3A_529 = tpu.memref_slice %arg11[%dma_wait3A_528] : memref<10000xf32, #tpu.memory_space<vmem>> -> memref<128xf32, #tpu.memory_space<vmem>>
    %dma_wait3A_530 = arith.constant 1024 : i32
    %dma_wait3A_531 = tpu.memref_slice %arg10[%dma_wait3A_530] : memref<10000xi32, #tpu.memory_space<vmem>> -> memref<128xi32, #tpu.memory_space<vmem>>
    %dma_wait3A_532 = arith.constant 0 : i32
    %dma_wait3A_533 = tpu.memref_slice %arg5[%dma_wait3A_532] : memref<160000xf32, #tpu.memory_space<hbm>> -> memref<160000xf32, #tpu.memory_space<hbm>>
    tpu.wait_indirect_dma semaphore(%arg12 : memref<!tpu.dma_semaphore, #tpu.memory_space<semaphore_mem>>) src(%dma_wait3A_533 : memref<160000xf32, #tpu.memory_space<hbm>>) dst(%dma_wait3A_529 : memref<128xf32, #tpu.memory_space<vmem>>)
    %dma_wait3A_534 = arith.constant 1152 : i32
    %dma_wait3A_535 = tpu.memref_slice %arg11[%dma_wait3A_534] : memref<10000xf32, #tpu.memory_space<vmem>> -> memref<128xf32, #tpu.memory_space<vmem>>
    %dma_wait3A_536 = arith.constant 1152 : i32
    %dma_wait3A_537 = tpu.memref_slice %arg10[%dma_wait3A_536] : memref<10000xi32, #tpu.memory_space<vmem>> -> memref<128xi32, #tpu.memory_space<vmem>>
    %dma_wait3A_538 = arith.constant 0 : i32
    %dma_wait3A_539 = tpu.memref_slice %arg5[%dma_wait3A_538] : memref<160000xf32, #tpu.memory_space<hbm>> -> memref<160000xf32, #tpu.memory_space<hbm>>
    tpu.wait_indirect_dma semaphore(%arg12 : memref<!tpu.dma_semaphore, #tpu.memory_space<semaphore_mem>>) src(%dma_wait3A_539 : memref<160000xf32, #tpu.memory_space<hbm>>) dst(%dma_wait3A_535 : memref<128xf32, #tpu.memory_space<vmem>>)
    %dma_wait3A_540 = arith.constant 1280 : i32
    %dma_wait3A_541 = tpu.memref_slice %arg11[%dma_wait3A_540] : memref<10000xf32, #tpu.memory_space<vmem>> -> memref<128xf32, #tpu.memory_space<vmem>>
    %dma_wait3A_542 = arith.constant 1280 : i32
    %dma_wait3A_543 = tpu.memref_slice %arg10[%dma_wait3A_542] : memref<10000xi32, #tpu.memory_space<vmem>> -> memref<128xi32, #tpu.memory_space<vmem>>
    %dma_wait3A_544 = arith.constant 0 : i32
    %dma_wait3A_545 = tpu.memref_slice %arg5[%dma_wait3A_544] : memref<160000xf32, #tpu.memory_space<hbm>> -> memref<160000xf32, #tpu.memory_space<hbm>>
    tpu.wait_indirect_dma semaphore(%arg12 : memref<!tpu.dma_semaphore, #tpu.memory_space<semaphore_mem>>) src(%dma_wait3A_545 : memref<160000xf32, #tpu.memory_space<hbm>>) dst(%dma_wait3A_541 : memref<128xf32, #tpu.memory_space<vmem>>)
    %dma_wait3A_546 = arith.constant 1408 : i32
    %dma_wait3A_547 = tpu.memref_slice %arg11[%dma_wait3A_546] : memref<10000xf32, #tpu.memory_space<vmem>> -> memref<128xf32, #tpu.memory_space<vmem>>
    %dma_wait3A_548 = arith.constant 1408 : i32
    %dma_wait3A_549 = tpu.memref_slice %arg10[%dma_wait3A_548] : memref<10000xi32, #tpu.memory_space<vmem>> -> memref<128xi32, #tpu.memory_space<vmem>>
    %dma_wait3A_550 = arith.constant 0 : i32
    %dma_wait3A_551 = tpu.memref_slice %arg5[%dma_wait3A_550] : memref<160000xf32, #tpu.memory_space<hbm>> -> memref<160000xf32, #tpu.memory_space<hbm>>
    tpu.wait_indirect_dma semaphore(%arg12 : memref<!tpu.dma_semaphore, #tpu.memory_space<semaphore_mem>>) src(%dma_wait3A_551 : memref<160000xf32, #tpu.memory_space<hbm>>) dst(%dma_wait3A_547 : memref<128xf32, #tpu.memory_space<vmem>>)
    %dma_wait3A_552 = arith.constant 1536 : i32
    %dma_wait3A_553 = tpu.memref_slice %arg11[%dma_wait3A_552] : memref<10000xf32, #tpu.memory_space<vmem>> -> memref<128xf32, #tpu.memory_space<vmem>>
    %dma_wait3A_554 = arith.constant 1536 : i32
    %dma_wait3A_555 = tpu.memref_slice %arg10[%dma_wait3A_554] : memref<10000xi32, #tpu.memory_space<vmem>> -> memref<128xi32, #tpu.memory_space<vmem>>
    %dma_wait3A_556 = arith.constant 0 : i32
    %dma_wait3A_557 = tpu.memref_slice %arg5[%dma_wait3A_556] : memref<160000xf32, #tpu.memory_space<hbm>> -> memref<160000xf32, #tpu.memory_space<hbm>>
    tpu.wait_indirect_dma semaphore(%arg12 : memref<!tpu.dma_semaphore, #tpu.memory_space<semaphore_mem>>) src(%dma_wait3A_557 : memref<160000xf32, #tpu.memory_space<hbm>>) dst(%dma_wait3A_553 : memref<128xf32, #tpu.memory_space<vmem>>)
    %dma_wait3A_558 = arith.constant 1664 : i32
    %dma_wait3A_559 = tpu.memref_slice %arg11[%dma_wait3A_558] : memref<10000xf32, #tpu.memory_space<vmem>> -> memref<128xf32, #tpu.memory_space<vmem>>
    %dma_wait3A_560 = arith.constant 1664 : i32
    %dma_wait3A_561 = tpu.memref_slice %arg10[%dma_wait3A_560] : memref<10000xi32, #tpu.memory_space<vmem>> -> memref<128xi32, #tpu.memory_space<vmem>>
    %dma_wait3A_562 = arith.constant 0 : i32
    %dma_wait3A_563 = tpu.memref_slice %arg5[%dma_wait3A_562] : memref<160000xf32, #tpu.memory_space<hbm>> -> memref<160000xf32, #tpu.memory_space<hbm>>
    tpu.wait_indirect_dma semaphore(%arg12 : memref<!tpu.dma_semaphore, #tpu.memory_space<semaphore_mem>>) src(%dma_wait3A_563 : memref<160000xf32, #tpu.memory_space<hbm>>) dst(%dma_wait3A_559 : memref<128xf32, #tpu.memory_space<vmem>>)
    %dma_wait3A_564 = arith.constant 1792 : i32
    %dma_wait3A_565 = tpu.memref_slice %arg11[%dma_wait3A_564] : memref<10000xf32, #tpu.memory_space<vmem>> -> memref<128xf32, #tpu.memory_space<vmem>>
    %dma_wait3A_566 = arith.constant 1792 : i32
    %dma_wait3A_567 = tpu.memref_slice %arg10[%dma_wait3A_566] : memref<10000xi32, #tpu.memory_space<vmem>> -> memref<128xi32, #tpu.memory_space<vmem>>
    %dma_wait3A_568 = arith.constant 0 : i32
    %dma_wait3A_569 = tpu.memref_slice %arg5[%dma_wait3A_568] : memref<160000xf32, #tpu.memory_space<hbm>> -> memref<160000xf32, #tpu.memory_space<hbm>>
    tpu.wait_indirect_dma semaphore(%arg12 : memref<!tpu.dma_semaphore, #tpu.memory_space<semaphore_mem>>) src(%dma_wait3A_569 : memref<160000xf32, #tpu.memory_space<hbm>>) dst(%dma_wait3A_565 : memref<128xf32, #tpu.memory_space<vmem>>)
    %dma_wait3A_570 = arith.constant 1920 : i32
    %dma_wait3A_571 = tpu.memref_slice %arg11[%dma_wait3A_570] : memref<10000xf32, #tpu.memory_space<vmem>> -> memref<128xf32, #tpu.memory_space<vmem>>
    %dma_wait3A_572 = arith.constant 1920 : i32
    %dma_wait3A_573 = tpu.memref_slice %arg10[%dma_wait3A_572] : memref<10000xi32, #tpu.memory_space<vmem>> -> memref<128xi32, #tpu.memory_space<vmem>>
    %dma_wait3A_574 = arith.constant 0 : i32
    %dma_wait3A_575 = tpu.memref_slice %arg5[%dma_wait3A_574] : memref<160000xf32, #tpu.memory_space<hbm>> -> memref<160000xf32, #tpu.memory_space<hbm>>
    tpu.wait_indirect_dma semaphore(%arg12 : memref<!tpu.dma_semaphore, #tpu.memory_space<semaphore_mem>>) src(%dma_wait3A_575 : memref<160000xf32, #tpu.memory_space<hbm>>) dst(%dma_wait3A_571 : memref<128xf32, #tpu.memory_space<vmem>>)
    %dma_wait3A_576 = arith.constant 2048 : i32
    %dma_wait3A_577 = tpu.memref_slice %arg11[%dma_wait3A_576] : memref<10000xf32, #tpu.memory_space<vmem>> -> memref<128xf32, #tpu.memory_space<vmem>>
    %dma_wait3A_578 = arith.constant 2048 : i32
    %dma_wait3A_579 = tpu.memref_slice %arg10[%dma_wait3A_578] : memref<10000xi32, #tpu.memory_space<vmem>> -> memref<128xi32, #tpu.memory_space<vmem>>
    %dma_wait3A_580 = arith.constant 0 : i32
    %dma_wait3A_581 = tpu.memref_slice %arg5[%dma_wait3A_580] : memref<160000xf32, #tpu.memory_space<hbm>> -> memref<160000xf32, #tpu.memory_space<hbm>>
    tpu.wait_indirect_dma semaphore(%arg12 : memref<!tpu.dma_semaphore, #tpu.memory_space<semaphore_mem>>) src(%dma_wait3A_581 : memref<160000xf32, #tpu.memory_space<hbm>>) dst(%dma_wait3A_577 : memref<128xf32, #tpu.memory_space<vmem>>)
    %dma_wait3A_582 = arith.constant 2176 : i32
    %dma_wait3A_583 = tpu.memref_slice %arg11[%dma_wait3A_582] : memref<10000xf32, #tpu.memory_space<vmem>> -> memref<128xf32, #tpu.memory_space<vmem>>
    %dma_wait3A_584 = arith.constant 2176 : i32
    %dma_wait3A_585 = tpu.memref_slice %arg10[%dma_wait3A_584] : memref<10000xi32, #tpu.memory_space<vmem>> -> memref<128xi32, #tpu.memory_space<vmem>>
    %dma_wait3A_586 = arith.constant 0 : i32
    %dma_wait3A_587 = tpu.memref_slice %arg5[%dma_wait3A_586] : memref<160000xf32, #tpu.memory_space<hbm>> -> memref<160000xf32, #tpu.memory_space<hbm>>
    tpu.wait_indirect_dma semaphore(%arg12 : memref<!tpu.dma_semaphore, #tpu.memory_space<semaphore_mem>>) src(%dma_wait3A_587 : memref<160000xf32, #tpu.memory_space<hbm>>) dst(%dma_wait3A_583 : memref<128xf32, #tpu.memory_space<vmem>>)
    %dma_wait3A_588 = arith.constant 2304 : i32
    %dma_wait3A_589 = tpu.memref_slice %arg11[%dma_wait3A_588] : memref<10000xf32, #tpu.memory_space<vmem>> -> memref<128xf32, #tpu.memory_space<vmem>>
    %dma_wait3A_590 = arith.constant 2304 : i32
    %dma_wait3A_591 = tpu.memref_slice %arg10[%dma_wait3A_590] : memref<10000xi32, #tpu.memory_space<vmem>> -> memref<128xi32, #tpu.memory_space<vmem>>
    %dma_wait3A_592 = arith.constant 0 : i32
    %dma_wait3A_593 = tpu.memref_slice %arg5[%dma_wait3A_592] : memref<160000xf32, #tpu.memory_space<hbm>> -> memref<160000xf32, #tpu.memory_space<hbm>>
    tpu.wait_indirect_dma semaphore(%arg12 : memref<!tpu.dma_semaphore, #tpu.memory_space<semaphore_mem>>) src(%dma_wait3A_593 : memref<160000xf32, #tpu.memory_space<hbm>>) dst(%dma_wait3A_589 : memref<128xf32, #tpu.memory_space<vmem>>)
    %dma_wait3A_594 = arith.constant 2432 : i32
    %dma_wait3A_595 = tpu.memref_slice %arg11[%dma_wait3A_594] : memref<10000xf32, #tpu.memory_space<vmem>> -> memref<128xf32, #tpu.memory_space<vmem>>
    %dma_wait3A_596 = arith.constant 2432 : i32
    %dma_wait3A_597 = tpu.memref_slice %arg10[%dma_wait3A_596] : memref<10000xi32, #tpu.memory_space<vmem>> -> memref<128xi32, #tpu.memory_space<vmem>>
    %dma_wait3A_598 = arith.constant 0 : i32
    %dma_wait3A_599 = tpu.memref_slice %arg5[%dma_wait3A_598] : memref<160000xf32, #tpu.memory_space<hbm>> -> memref<160000xf32, #tpu.memory_space<hbm>>
    tpu.wait_indirect_dma semaphore(%arg12 : memref<!tpu.dma_semaphore, #tpu.memory_space<semaphore_mem>>) src(%dma_wait3A_599 : memref<160000xf32, #tpu.memory_space<hbm>>) dst(%dma_wait3A_595 : memref<128xf32, #tpu.memory_space<vmem>>)
    %dma_wait3A_600 = arith.constant 2560 : i32
    %dma_wait3A_601 = tpu.memref_slice %arg11[%dma_wait3A_600] : memref<10000xf32, #tpu.memory_space<vmem>> -> memref<128xf32, #tpu.memory_space<vmem>>
    %dma_wait3A_602 = arith.constant 2560 : i32
    %dma_wait3A_603 = tpu.memref_slice %arg10[%dma_wait3A_602] : memref<10000xi32, #tpu.memory_space<vmem>> -> memref<128xi32, #tpu.memory_space<vmem>>
    %dma_wait3A_604 = arith.constant 0 : i32
    %dma_wait3A_605 = tpu.memref_slice %arg5[%dma_wait3A_604] : memref<160000xf32, #tpu.memory_space<hbm>> -> memref<160000xf32, #tpu.memory_space<hbm>>
    tpu.wait_indirect_dma semaphore(%arg12 : memref<!tpu.dma_semaphore, #tpu.memory_space<semaphore_mem>>) src(%dma_wait3A_605 : memref<160000xf32, #tpu.memory_space<hbm>>) dst(%dma_wait3A_601 : memref<128xf32, #tpu.memory_space<vmem>>)
    %dma_wait3A_606 = arith.constant 2688 : i32
    %dma_wait3A_607 = tpu.memref_slice %arg11[%dma_wait3A_606] : memref<10000xf32, #tpu.memory_space<vmem>> -> memref<128xf32, #tpu.memory_space<vmem>>
    %dma_wait3A_608 = arith.constant 2688 : i32
    %dma_wait3A_609 = tpu.memref_slice %arg10[%dma_wait3A_608] : memref<10000xi32, #tpu.memory_space<vmem>> -> memref<128xi32, #tpu.memory_space<vmem>>
    %dma_wait3A_610 = arith.constant 0 : i32
    %dma_wait3A_611 = tpu.memref_slice %arg5[%dma_wait3A_610] : memref<160000xf32, #tpu.memory_space<hbm>> -> memref<160000xf32, #tpu.memory_space<hbm>>
    tpu.wait_indirect_dma semaphore(%arg12 : memref<!tpu.dma_semaphore, #tpu.memory_space<semaphore_mem>>) src(%dma_wait3A_611 : memref<160000xf32, #tpu.memory_space<hbm>>) dst(%dma_wait3A_607 : memref<128xf32, #tpu.memory_space<vmem>>)
    %dma_wait3A_612 = arith.constant 2816 : i32
    %dma_wait3A_613 = tpu.memref_slice %arg11[%dma_wait3A_612] : memref<10000xf32, #tpu.memory_space<vmem>> -> memref<128xf32, #tpu.memory_space<vmem>>
    %dma_wait3A_614 = arith.constant 2816 : i32
    %dma_wait3A_615 = tpu.memref_slice %arg10[%dma_wait3A_614] : memref<10000xi32, #tpu.memory_space<vmem>> -> memref<128xi32, #tpu.memory_space<vmem>>
    %dma_wait3A_616 = arith.constant 0 : i32
    %dma_wait3A_617 = tpu.memref_slice %arg5[%dma_wait3A_616] : memref<160000xf32, #tpu.memory_space<hbm>> -> memref<160000xf32, #tpu.memory_space<hbm>>
    tpu.wait_indirect_dma semaphore(%arg12 : memref<!tpu.dma_semaphore, #tpu.memory_space<semaphore_mem>>) src(%dma_wait3A_617 : memref<160000xf32, #tpu.memory_space<hbm>>) dst(%dma_wait3A_613 : memref<128xf32, #tpu.memory_space<vmem>>)
    %dma_wait3A_618 = arith.constant 2944 : i32
    %dma_wait3A_619 = tpu.memref_slice %arg11[%dma_wait3A_618] : memref<10000xf32, #tpu.memory_space<vmem>> -> memref<128xf32, #tpu.memory_space<vmem>>
    %dma_wait3A_620 = arith.constant 2944 : i32
    %dma_wait3A_621 = tpu.memref_slice %arg10[%dma_wait3A_620] : memref<10000xi32, #tpu.memory_space<vmem>> -> memref<128xi32, #tpu.memory_space<vmem>>
    %dma_wait3A_622 = arith.constant 0 : i32
    %dma_wait3A_623 = tpu.memref_slice %arg5[%dma_wait3A_622] : memref<160000xf32, #tpu.memory_space<hbm>> -> memref<160000xf32, #tpu.memory_space<hbm>>
    tpu.wait_indirect_dma semaphore(%arg12 : memref<!tpu.dma_semaphore, #tpu.memory_space<semaphore_mem>>) src(%dma_wait3A_623 : memref<160000xf32, #tpu.memory_space<hbm>>) dst(%dma_wait3A_619 : memref<128xf32, #tpu.memory_space<vmem>>)
    %dma_wait3A_624 = arith.constant 3072 : i32
    %dma_wait3A_625 = tpu.memref_slice %arg11[%dma_wait3A_624] : memref<10000xf32, #tpu.memory_space<vmem>> -> memref<128xf32, #tpu.memory_space<vmem>>
    %dma_wait3A_626 = arith.constant 3072 : i32
    %dma_wait3A_627 = tpu.memref_slice %arg10[%dma_wait3A_626] : memref<10000xi32, #tpu.memory_space<vmem>> -> memref<128xi32, #tpu.memory_space<vmem>>
    %dma_wait3A_628 = arith.constant 0 : i32
    %dma_wait3A_629 = tpu.memref_slice %arg5[%dma_wait3A_628] : memref<160000xf32, #tpu.memory_space<hbm>> -> memref<160000xf32, #tpu.memory_space<hbm>>
    tpu.wait_indirect_dma semaphore(%arg12 : memref<!tpu.dma_semaphore, #tpu.memory_space<semaphore_mem>>) src(%dma_wait3A_629 : memref<160000xf32, #tpu.memory_space<hbm>>) dst(%dma_wait3A_625 : memref<128xf32, #tpu.memory_space<vmem>>)
    %dma_wait3A_630 = arith.constant 3200 : i32
    %dma_wait3A_631 = tpu.memref_slice %arg11[%dma_wait3A_630] : memref<10000xf32, #tpu.memory_space<vmem>> -> memref<128xf32, #tpu.memory_space<vmem>>
    %dma_wait3A_632 = arith.constant 3200 : i32
    %dma_wait3A_633 = tpu.memref_slice %arg10[%dma_wait3A_632] : memref<10000xi32, #tpu.memory_space<vmem>> -> memref<128xi32, #tpu.memory_space<vmem>>
    %dma_wait3A_634 = arith.constant 0 : i32
    %dma_wait3A_635 = tpu.memref_slice %arg5[%dma_wait3A_634] : memref<160000xf32, #tpu.memory_space<hbm>> -> memref<160000xf32, #tpu.memory_space<hbm>>
    tpu.wait_indirect_dma semaphore(%arg12 : memref<!tpu.dma_semaphore, #tpu.memory_space<semaphore_mem>>) src(%dma_wait3A_635 : memref<160000xf32, #tpu.memory_space<hbm>>) dst(%dma_wait3A_631 : memref<128xf32, #tpu.memory_space<vmem>>)
    %dma_wait3A_636 = arith.constant 3328 : i32
    %dma_wait3A_637 = tpu.memref_slice %arg11[%dma_wait3A_636] : memref<10000xf32, #tpu.memory_space<vmem>> -> memref<128xf32, #tpu.memory_space<vmem>>
    %dma_wait3A_638 = arith.constant 3328 : i32
    %dma_wait3A_639 = tpu.memref_slice %arg10[%dma_wait3A_638] : memref<10000xi32, #tpu.memory_space<vmem>> -> memref<128xi32, #tpu.memory_space<vmem>>
    %dma_wait3A_640 = arith.constant 0 : i32
    %dma_wait3A_641 = tpu.memref_slice %arg5[%dma_wait3A_640] : memref<160000xf32, #tpu.memory_space<hbm>> -> memref<160000xf32, #tpu.memory_space<hbm>>
    tpu.wait_indirect_dma semaphore(%arg12 : memref<!tpu.dma_semaphore, #tpu.memory_space<semaphore_mem>>) src(%dma_wait3A_641 : memref<160000xf32, #tpu.memory_space<hbm>>) dst(%dma_wait3A_637 : memref<128xf32, #tpu.memory_space<vmem>>)
    %dma_wait3A_642 = arith.constant 3456 : i32
    %dma_wait3A_643 = tpu.memref_slice %arg11[%dma_wait3A_642] : memref<10000xf32, #tpu.memory_space<vmem>> -> memref<128xf32, #tpu.memory_space<vmem>>
    %dma_wait3A_644 = arith.constant 3456 : i32
    %dma_wait3A_645 = tpu.memref_slice %arg10[%dma_wait3A_644] : memref<10000xi32, #tpu.memory_space<vmem>> -> memref<128xi32, #tpu.memory_space<vmem>>
    %dma_wait3A_646 = arith.constant 0 : i32
    %dma_wait3A_647 = tpu.memref_slice %arg5[%dma_wait3A_646] : memref<160000xf32, #tpu.memory_space<hbm>> -> memref<160000xf32, #tpu.memory_space<hbm>>
    tpu.wait_indirect_dma semaphore(%arg12 : memref<!tpu.dma_semaphore, #tpu.memory_space<semaphore_mem>>) src(%dma_wait3A_647 : memref<160000xf32, #tpu.memory_space<hbm>>) dst(%dma_wait3A_643 : memref<128xf32, #tpu.memory_space<vmem>>)
    %dma_wait3A_648 = arith.constant 3584 : i32
    %dma_wait3A_649 = tpu.memref_slice %arg11[%dma_wait3A_648] : memref<10000xf32, #tpu.memory_space<vmem>> -> memref<128xf32, #tpu.memory_space<vmem>>
    %dma_wait3A_650 = arith.constant 3584 : i32
    %dma_wait3A_651 = tpu.memref_slice %arg10[%dma_wait3A_650] : memref<10000xi32, #tpu.memory_space<vmem>> -> memref<128xi32, #tpu.memory_space<vmem>>
    %dma_wait3A_652 = arith.constant 0 : i32
    %dma_wait3A_653 = tpu.memref_slice %arg5[%dma_wait3A_652] : memref<160000xf32, #tpu.memory_space<hbm>> -> memref<160000xf32, #tpu.memory_space<hbm>>
    tpu.wait_indirect_dma semaphore(%arg12 : memref<!tpu.dma_semaphore, #tpu.memory_space<semaphore_mem>>) src(%dma_wait3A_653 : memref<160000xf32, #tpu.memory_space<hbm>>) dst(%dma_wait3A_649 : memref<128xf32, #tpu.memory_space<vmem>>)
    %dma_wait3A_654 = arith.constant 3712 : i32
    %dma_wait3A_655 = tpu.memref_slice %arg11[%dma_wait3A_654] : memref<10000xf32, #tpu.memory_space<vmem>> -> memref<128xf32, #tpu.memory_space<vmem>>
    %dma_wait3A_656 = arith.constant 3712 : i32
    %dma_wait3A_657 = tpu.memref_slice %arg10[%dma_wait3A_656] : memref<10000xi32, #tpu.memory_space<vmem>> -> memref<128xi32, #tpu.memory_space<vmem>>
    %dma_wait3A_658 = arith.constant 0 : i32
    %dma_wait3A_659 = tpu.memref_slice %arg5[%dma_wait3A_658] : memref<160000xf32, #tpu.memory_space<hbm>> -> memref<160000xf32, #tpu.memory_space<hbm>>
    tpu.wait_indirect_dma semaphore(%arg12 : memref<!tpu.dma_semaphore, #tpu.memory_space<semaphore_mem>>) src(%dma_wait3A_659 : memref<160000xf32, #tpu.memory_space<hbm>>) dst(%dma_wait3A_655 : memref<128xf32, #tpu.memory_space<vmem>>)
    %dma_wait3A_660 = arith.constant 3840 : i32
    %dma_wait3A_661 = tpu.memref_slice %arg11[%dma_wait3A_660] : memref<10000xf32, #tpu.memory_space<vmem>> -> memref<128xf32, #tpu.memory_space<vmem>>
    %dma_wait3A_662 = arith.constant 3840 : i32
    %dma_wait3A_663 = tpu.memref_slice %arg10[%dma_wait3A_662] : memref<10000xi32, #tpu.memory_space<vmem>> -> memref<128xi32, #tpu.memory_space<vmem>>
    %dma_wait3A_664 = arith.constant 0 : i32
    %dma_wait3A_665 = tpu.memref_slice %arg5[%dma_wait3A_664] : memref<160000xf32, #tpu.memory_space<hbm>> -> memref<160000xf32, #tpu.memory_space<hbm>>
    tpu.wait_indirect_dma semaphore(%arg12 : memref<!tpu.dma_semaphore, #tpu.memory_space<semaphore_mem>>) src(%dma_wait3A_665 : memref<160000xf32, #tpu.memory_space<hbm>>) dst(%dma_wait3A_661 : memref<128xf32, #tpu.memory_space<vmem>>)
    %dma_wait3A_666 = arith.constant 3968 : i32
    %dma_wait3A_667 = tpu.memref_slice %arg11[%dma_wait3A_666] : memref<10000xf32, #tpu.memory_space<vmem>> -> memref<128xf32, #tpu.memory_space<vmem>>
    %dma_wait3A_668 = arith.constant 3968 : i32
    %dma_wait3A_669 = tpu.memref_slice %arg10[%dma_wait3A_668] : memref<10000xi32, #tpu.memory_space<vmem>> -> memref<128xi32, #tpu.memory_space<vmem>>
    %dma_wait3A_670 = arith.constant 0 : i32
    %dma_wait3A_671 = tpu.memref_slice %arg5[%dma_wait3A_670] : memref<160000xf32, #tpu.memory_space<hbm>> -> memref<160000xf32, #tpu.memory_space<hbm>>
    tpu.wait_indirect_dma semaphore(%arg12 : memref<!tpu.dma_semaphore, #tpu.memory_space<semaphore_mem>>) src(%dma_wait3A_671 : memref<160000xf32, #tpu.memory_space<hbm>>) dst(%dma_wait3A_667 : memref<128xf32, #tpu.memory_space<vmem>>)
    %dma_wait3A_672 = arith.constant 4096 : i32
    %dma_wait3A_673 = tpu.memref_slice %arg11[%dma_wait3A_672] : memref<10000xf32, #tpu.memory_space<vmem>> -> memref<128xf32, #tpu.memory_space<vmem>>
    %dma_wait3A_674 = arith.constant 4096 : i32
    %dma_wait3A_675 = tpu.memref_slice %arg10[%dma_wait3A_674] : memref<10000xi32, #tpu.memory_space<vmem>> -> memref<128xi32, #tpu.memory_space<vmem>>
    %dma_wait3A_676 = arith.constant 0 : i32
    %dma_wait3A_677 = tpu.memref_slice %arg5[%dma_wait3A_676] : memref<160000xf32, #tpu.memory_space<hbm>> -> memref<160000xf32, #tpu.memory_space<hbm>>
    tpu.wait_indirect_dma semaphore(%arg12 : memref<!tpu.dma_semaphore, #tpu.memory_space<semaphore_mem>>) src(%dma_wait3A_677 : memref<160000xf32, #tpu.memory_space<hbm>>) dst(%dma_wait3A_673 : memref<128xf32, #tpu.memory_space<vmem>>)
    %dma_wait3A_678 = arith.constant 4224 : i32
    %dma_wait3A_679 = tpu.memref_slice %arg11[%dma_wait3A_678] : memref<10000xf32, #tpu.memory_space<vmem>> -> memref<128xf32, #tpu.memory_space<vmem>>
    %dma_wait3A_680 = arith.constant 4224 : i32
    %dma_wait3A_681 = tpu.memref_slice %arg10[%dma_wait3A_680] : memref<10000xi32, #tpu.memory_space<vmem>> -> memref<128xi32, #tpu.memory_space<vmem>>
    %dma_wait3A_682 = arith.constant 0 : i32
    %dma_wait3A_683 = tpu.memref_slice %arg5[%dma_wait3A_682] : memref<160000xf32, #tpu.memory_space<hbm>> -> memref<160000xf32, #tpu.memory_space<hbm>>
    tpu.wait_indirect_dma semaphore(%arg12 : memref<!tpu.dma_semaphore, #tpu.memory_space<semaphore_mem>>) src(%dma_wait3A_683 : memref<160000xf32, #tpu.memory_space<hbm>>) dst(%dma_wait3A_679 : memref<128xf32, #tpu.memory_space<vmem>>)
    %dma_wait3A_684 = arith.constant 4352 : i32
    %dma_wait3A_685 = tpu.memref_slice %arg11[%dma_wait3A_684] : memref<10000xf32, #tpu.memory_space<vmem>> -> memref<128xf32, #tpu.memory_space<vmem>>
    %dma_wait3A_686 = arith.constant 4352 : i32
    %dma_wait3A_687 = tpu.memref_slice %arg10[%dma_wait3A_686] : memref<10000xi32, #tpu.memory_space<vmem>> -> memref<128xi32, #tpu.memory_space<vmem>>
    %dma_wait3A_688 = arith.constant 0 : i32
    %dma_wait3A_689 = tpu.memref_slice %arg5[%dma_wait3A_688] : memref<160000xf32, #tpu.memory_space<hbm>> -> memref<160000xf32, #tpu.memory_space<hbm>>
    tpu.wait_indirect_dma semaphore(%arg12 : memref<!tpu.dma_semaphore, #tpu.memory_space<semaphore_mem>>) src(%dma_wait3A_689 : memref<160000xf32, #tpu.memory_space<hbm>>) dst(%dma_wait3A_685 : memref<128xf32, #tpu.memory_space<vmem>>)
    %dma_wait3A_690 = arith.constant 4480 : i32
    %dma_wait3A_691 = tpu.memref_slice %arg11[%dma_wait3A_690] : memref<10000xf32, #tpu.memory_space<vmem>> -> memref<128xf32, #tpu.memory_space<vmem>>
    %dma_wait3A_692 = arith.constant 4480 : i32
    %dma_wait3A_693 = tpu.memref_slice %arg10[%dma_wait3A_692] : memref<10000xi32, #tpu.memory_space<vmem>> -> memref<128xi32, #tpu.memory_space<vmem>>
    %dma_wait3A_694 = arith.constant 0 : i32
    %dma_wait3A_695 = tpu.memref_slice %arg5[%dma_wait3A_694] : memref<160000xf32, #tpu.memory_space<hbm>> -> memref<160000xf32, #tpu.memory_space<hbm>>
    tpu.wait_indirect_dma semaphore(%arg12 : memref<!tpu.dma_semaphore, #tpu.memory_space<semaphore_mem>>) src(%dma_wait3A_695 : memref<160000xf32, #tpu.memory_space<hbm>>) dst(%dma_wait3A_691 : memref<128xf32, #tpu.memory_space<vmem>>)
    %dma_wait3A_696 = arith.constant 4608 : i32
    %dma_wait3A_697 = tpu.memref_slice %arg11[%dma_wait3A_696] : memref<10000xf32, #tpu.memory_space<vmem>> -> memref<128xf32, #tpu.memory_space<vmem>>
    %dma_wait3A_698 = arith.constant 4608 : i32
    %dma_wait3A_699 = tpu.memref_slice %arg10[%dma_wait3A_698] : memref<10000xi32, #tpu.memory_space<vmem>> -> memref<128xi32, #tpu.memory_space<vmem>>
    %dma_wait3A_700 = arith.constant 0 : i32
    %dma_wait3A_701 = tpu.memref_slice %arg5[%dma_wait3A_700] : memref<160000xf32, #tpu.memory_space<hbm>> -> memref<160000xf32, #tpu.memory_space<hbm>>
    tpu.wait_indirect_dma semaphore(%arg12 : memref<!tpu.dma_semaphore, #tpu.memory_space<semaphore_mem>>) src(%dma_wait3A_701 : memref<160000xf32, #tpu.memory_space<hbm>>) dst(%dma_wait3A_697 : memref<128xf32, #tpu.memory_space<vmem>>)
    %dma_wait3A_702 = arith.constant 4736 : i32
    %dma_wait3A_703 = tpu.memref_slice %arg11[%dma_wait3A_702] : memref<10000xf32, #tpu.memory_space<vmem>> -> memref<128xf32, #tpu.memory_space<vmem>>
    %dma_wait3A_704 = arith.constant 4736 : i32
    %dma_wait3A_705 = tpu.memref_slice %arg10[%dma_wait3A_704] : memref<10000xi32, #tpu.memory_space<vmem>> -> memref<128xi32, #tpu.memory_space<vmem>>
    %dma_wait3A_706 = arith.constant 0 : i32
    %dma_wait3A_707 = tpu.memref_slice %arg5[%dma_wait3A_706] : memref<160000xf32, #tpu.memory_space<hbm>> -> memref<160000xf32, #tpu.memory_space<hbm>>
    tpu.wait_indirect_dma semaphore(%arg12 : memref<!tpu.dma_semaphore, #tpu.memory_space<semaphore_mem>>) src(%dma_wait3A_707 : memref<160000xf32, #tpu.memory_space<hbm>>) dst(%dma_wait3A_703 : memref<128xf32, #tpu.memory_space<vmem>>)
    %dma_wait3A_708 = arith.constant 4864 : i32
    %dma_wait3A_709 = tpu.memref_slice %arg11[%dma_wait3A_708] : memref<10000xf32, #tpu.memory_space<vmem>> -> memref<128xf32, #tpu.memory_space<vmem>>
    %dma_wait3A_710 = arith.constant 4864 : i32
    %dma_wait3A_711 = tpu.memref_slice %arg10[%dma_wait3A_710] : memref<10000xi32, #tpu.memory_space<vmem>> -> memref<128xi32, #tpu.memory_space<vmem>>
    %dma_wait3A_712 = arith.constant 0 : i32
    %dma_wait3A_713 = tpu.memref_slice %arg5[%dma_wait3A_712] : memref<160000xf32, #tpu.memory_space<hbm>> -> memref<160000xf32, #tpu.memory_space<hbm>>
    tpu.wait_indirect_dma semaphore(%arg12 : memref<!tpu.dma_semaphore, #tpu.memory_space<semaphore_mem>>) src(%dma_wait3A_713 : memref<160000xf32, #tpu.memory_space<hbm>>) dst(%dma_wait3A_709 : memref<128xf32, #tpu.memory_space<vmem>>)
    %dma_wait3A_714 = arith.constant 4992 : i32
    %dma_wait3A_715 = tpu.memref_slice %arg11[%dma_wait3A_714] : memref<10000xf32, #tpu.memory_space<vmem>> -> memref<128xf32, #tpu.memory_space<vmem>>
    %dma_wait3A_716 = arith.constant 4992 : i32
    %dma_wait3A_717 = tpu.memref_slice %arg10[%dma_wait3A_716] : memref<10000xi32, #tpu.memory_space<vmem>> -> memref<128xi32, #tpu.memory_space<vmem>>
    %dma_wait3A_718 = arith.constant 0 : i32
    %dma_wait3A_719 = tpu.memref_slice %arg5[%dma_wait3A_718] : memref<160000xf32, #tpu.memory_space<hbm>> -> memref<160000xf32, #tpu.memory_space<hbm>>
    tpu.wait_indirect_dma semaphore(%arg12 : memref<!tpu.dma_semaphore, #tpu.memory_space<semaphore_mem>>) src(%dma_wait3A_719 : memref<160000xf32, #tpu.memory_space<hbm>>) dst(%dma_wait3A_715 : memref<128xf32, #tpu.memory_space<vmem>>)
    %dma_wait3A_720 = arith.constant 5120 : i32
    %dma_wait3A_721 = tpu.memref_slice %arg11[%dma_wait3A_720] : memref<10000xf32, #tpu.memory_space<vmem>> -> memref<128xf32, #tpu.memory_space<vmem>>
    %dma_wait3A_722 = arith.constant 5120 : i32
    %dma_wait3A_723 = tpu.memref_slice %arg10[%dma_wait3A_722] : memref<10000xi32, #tpu.memory_space<vmem>> -> memref<128xi32, #tpu.memory_space<vmem>>
    %dma_wait3A_724 = arith.constant 0 : i32
    %dma_wait3A_725 = tpu.memref_slice %arg5[%dma_wait3A_724] : memref<160000xf32, #tpu.memory_space<hbm>> -> memref<160000xf32, #tpu.memory_space<hbm>>
    tpu.wait_indirect_dma semaphore(%arg12 : memref<!tpu.dma_semaphore, #tpu.memory_space<semaphore_mem>>) src(%dma_wait3A_725 : memref<160000xf32, #tpu.memory_space<hbm>>) dst(%dma_wait3A_721 : memref<128xf32, #tpu.memory_space<vmem>>)
    %dma_wait3A_726 = arith.constant 5248 : i32
    %dma_wait3A_727 = tpu.memref_slice %arg11[%dma_wait3A_726] : memref<10000xf32, #tpu.memory_space<vmem>> -> memref<128xf32, #tpu.memory_space<vmem>>
    %dma_wait3A_728 = arith.constant 5248 : i32
    %dma_wait3A_729 = tpu.memref_slice %arg10[%dma_wait3A_728] : memref<10000xi32, #tpu.memory_space<vmem>> -> memref<128xi32, #tpu.memory_space<vmem>>
    %dma_wait3A_730 = arith.constant 0 : i32
    %dma_wait3A_731 = tpu.memref_slice %arg5[%dma_wait3A_730] : memref<160000xf32, #tpu.memory_space<hbm>> -> memref<160000xf32, #tpu.memory_space<hbm>>
    tpu.wait_indirect_dma semaphore(%arg12 : memref<!tpu.dma_semaphore, #tpu.memory_space<semaphore_mem>>) src(%dma_wait3A_731 : memref<160000xf32, #tpu.memory_space<hbm>>) dst(%dma_wait3A_727 : memref<128xf32, #tpu.memory_space<vmem>>)
    %dma_wait3A_732 = arith.constant 5376 : i32
    %dma_wait3A_733 = tpu.memref_slice %arg11[%dma_wait3A_732] : memref<10000xf32, #tpu.memory_space<vmem>> -> memref<128xf32, #tpu.memory_space<vmem>>
    %dma_wait3A_734 = arith.constant 5376 : i32
    %dma_wait3A_735 = tpu.memref_slice %arg10[%dma_wait3A_734] : memref<10000xi32, #tpu.memory_space<vmem>> -> memref<128xi32, #tpu.memory_space<vmem>>
    %dma_wait3A_736 = arith.constant 0 : i32
    %dma_wait3A_737 = tpu.memref_slice %arg5[%dma_wait3A_736] : memref<160000xf32, #tpu.memory_space<hbm>> -> memref<160000xf32, #tpu.memory_space<hbm>>
    tpu.wait_indirect_dma semaphore(%arg12 : memref<!tpu.dma_semaphore, #tpu.memory_space<semaphore_mem>>) src(%dma_wait3A_737 : memref<160000xf32, #tpu.memory_space<hbm>>) dst(%dma_wait3A_733 : memref<128xf32, #tpu.memory_space<vmem>>)
    %dma_wait3A_738 = arith.constant 5504 : i32
    %dma_wait3A_739 = tpu.memref_slice %arg11[%dma_wait3A_738] : memref<10000xf32, #tpu.memory_space<vmem>> -> memref<128xf32, #tpu.memory_space<vmem>>
    %dma_wait3A_740 = arith.constant 5504 : i32
    %dma_wait3A_741 = tpu.memref_slice %arg10[%dma_wait3A_740] : memref<10000xi32, #tpu.memory_space<vmem>> -> memref<128xi32, #tpu.memory_space<vmem>>
    %dma_wait3A_742 = arith.constant 0 : i32
    %dma_wait3A_743 = tpu.memref_slice %arg5[%dma_wait3A_742] : memref<160000xf32, #tpu.memory_space<hbm>> -> memref<160000xf32, #tpu.memory_space<hbm>>
    tpu.wait_indirect_dma semaphore(%arg12 : memref<!tpu.dma_semaphore, #tpu.memory_space<semaphore_mem>>) src(%dma_wait3A_743 : memref<160000xf32, #tpu.memory_space<hbm>>) dst(%dma_wait3A_739 : memref<128xf32, #tpu.memory_space<vmem>>)
    %dma_wait3A_744 = arith.constant 5632 : i32
    %dma_wait3A_745 = tpu.memref_slice %arg11[%dma_wait3A_744] : memref<10000xf32, #tpu.memory_space<vmem>> -> memref<128xf32, #tpu.memory_space<vmem>>
    %dma_wait3A_746 = arith.constant 5632 : i32
    %dma_wait3A_747 = tpu.memref_slice %arg10[%dma_wait3A_746] : memref<10000xi32, #tpu.memory_space<vmem>> -> memref<128xi32, #tpu.memory_space<vmem>>
    %dma_wait3A_748 = arith.constant 0 : i32
    %dma_wait3A_749 = tpu.memref_slice %arg5[%dma_wait3A_748] : memref<160000xf32, #tpu.memory_space<hbm>> -> memref<160000xf32, #tpu.memory_space<hbm>>
    tpu.wait_indirect_dma semaphore(%arg12 : memref<!tpu.dma_semaphore, #tpu.memory_space<semaphore_mem>>) src(%dma_wait3A_749 : memref<160000xf32, #tpu.memory_space<hbm>>) dst(%dma_wait3A_745 : memref<128xf32, #tpu.memory_space<vmem>>)
    %dma_wait3A_750 = arith.constant 5760 : i32
    %dma_wait3A_751 = tpu.memref_slice %arg11[%dma_wait3A_750] : memref<10000xf32, #tpu.memory_space<vmem>> -> memref<128xf32, #tpu.memory_space<vmem>>
    %dma_wait3A_752 = arith.constant 5760 : i32
    %dma_wait3A_753 = tpu.memref_slice %arg10[%dma_wait3A_752] : memref<10000xi32, #tpu.memory_space<vmem>> -> memref<128xi32, #tpu.memory_space<vmem>>
    %dma_wait3A_754 = arith.constant 0 : i32
    %dma_wait3A_755 = tpu.memref_slice %arg5[%dma_wait3A_754] : memref<160000xf32, #tpu.memory_space<hbm>> -> memref<160000xf32, #tpu.memory_space<hbm>>
    tpu.wait_indirect_dma semaphore(%arg12 : memref<!tpu.dma_semaphore, #tpu.memory_space<semaphore_mem>>) src(%dma_wait3A_755 : memref<160000xf32, #tpu.memory_space<hbm>>) dst(%dma_wait3A_751 : memref<128xf32, #tpu.memory_space<vmem>>)
    %dma_wait3A_756 = arith.constant 5888 : i32
    %dma_wait3A_757 = tpu.memref_slice %arg11[%dma_wait3A_756] : memref<10000xf32, #tpu.memory_space<vmem>> -> memref<128xf32, #tpu.memory_space<vmem>>
    %dma_wait3A_758 = arith.constant 5888 : i32
    %dma_wait3A_759 = tpu.memref_slice %arg10[%dma_wait3A_758] : memref<10000xi32, #tpu.memory_space<vmem>> -> memref<128xi32, #tpu.memory_space<vmem>>
    %dma_wait3A_760 = arith.constant 0 : i32
    %dma_wait3A_761 = tpu.memref_slice %arg5[%dma_wait3A_760] : memref<160000xf32, #tpu.memory_space<hbm>> -> memref<160000xf32, #tpu.memory_space<hbm>>
    tpu.wait_indirect_dma semaphore(%arg12 : memref<!tpu.dma_semaphore, #tpu.memory_space<semaphore_mem>>) src(%dma_wait3A_761 : memref<160000xf32, #tpu.memory_space<hbm>>) dst(%dma_wait3A_757 : memref<128xf32, #tpu.memory_space<vmem>>)
    %dma_wait3A_762 = arith.constant 6016 : i32
    %dma_wait3A_763 = tpu.memref_slice %arg11[%dma_wait3A_762] : memref<10000xf32, #tpu.memory_space<vmem>> -> memref<128xf32, #tpu.memory_space<vmem>>
    %dma_wait3A_764 = arith.constant 6016 : i32
    %dma_wait3A_765 = tpu.memref_slice %arg10[%dma_wait3A_764] : memref<10000xi32, #tpu.memory_space<vmem>> -> memref<128xi32, #tpu.memory_space<vmem>>
    %dma_wait3A_766 = arith.constant 0 : i32
    %dma_wait3A_767 = tpu.memref_slice %arg5[%dma_wait3A_766] : memref<160000xf32, #tpu.memory_space<hbm>> -> memref<160000xf32, #tpu.memory_space<hbm>>
    tpu.wait_indirect_dma semaphore(%arg12 : memref<!tpu.dma_semaphore, #tpu.memory_space<semaphore_mem>>) src(%dma_wait3A_767 : memref<160000xf32, #tpu.memory_space<hbm>>) dst(%dma_wait3A_763 : memref<128xf32, #tpu.memory_space<vmem>>)
    %dma_wait3A_768 = arith.constant 6144 : i32
    %dma_wait3A_769 = tpu.memref_slice %arg11[%dma_wait3A_768] : memref<10000xf32, #tpu.memory_space<vmem>> -> memref<128xf32, #tpu.memory_space<vmem>>
    %dma_wait3A_770 = arith.constant 6144 : i32
    %dma_wait3A_771 = tpu.memref_slice %arg10[%dma_wait3A_770] : memref<10000xi32, #tpu.memory_space<vmem>> -> memref<128xi32, #tpu.memory_space<vmem>>
    %dma_wait3A_772 = arith.constant 0 : i32
    %dma_wait3A_773 = tpu.memref_slice %arg5[%dma_wait3A_772] : memref<160000xf32, #tpu.memory_space<hbm>> -> memref<160000xf32, #tpu.memory_space<hbm>>
    tpu.wait_indirect_dma semaphore(%arg12 : memref<!tpu.dma_semaphore, #tpu.memory_space<semaphore_mem>>) src(%dma_wait3A_773 : memref<160000xf32, #tpu.memory_space<hbm>>) dst(%dma_wait3A_769 : memref<128xf32, #tpu.memory_space<vmem>>)
    %dma_wait3A_774 = arith.constant 6272 : i32
    %dma_wait3A_775 = tpu.memref_slice %arg11[%dma_wait3A_774] : memref<10000xf32, #tpu.memory_space<vmem>> -> memref<128xf32, #tpu.memory_space<vmem>>
    %dma_wait3A_776 = arith.constant 6272 : i32
    %dma_wait3A_777 = tpu.memref_slice %arg10[%dma_wait3A_776] : memref<10000xi32, #tpu.memory_space<vmem>> -> memref<128xi32, #tpu.memory_space<vmem>>
    %dma_wait3A_778 = arith.constant 0 : i32
    %dma_wait3A_779 = tpu.memref_slice %arg5[%dma_wait3A_778] : memref<160000xf32, #tpu.memory_space<hbm>> -> memref<160000xf32, #tpu.memory_space<hbm>>
    tpu.wait_indirect_dma semaphore(%arg12 : memref<!tpu.dma_semaphore, #tpu.memory_space<semaphore_mem>>) src(%dma_wait3A_779 : memref<160000xf32, #tpu.memory_space<hbm>>) dst(%dma_wait3A_775 : memref<128xf32, #tpu.memory_space<vmem>>)
    %dma_wait3A_780 = arith.constant 6400 : i32
    %dma_wait3A_781 = tpu.memref_slice %arg11[%dma_wait3A_780] : memref<10000xf32, #tpu.memory_space<vmem>> -> memref<128xf32, #tpu.memory_space<vmem>>
    %dma_wait3A_782 = arith.constant 6400 : i32
    %dma_wait3A_783 = tpu.memref_slice %arg10[%dma_wait3A_782] : memref<10000xi32, #tpu.memory_space<vmem>> -> memref<128xi32, #tpu.memory_space<vmem>>
    %dma_wait3A_784 = arith.constant 0 : i32
    %dma_wait3A_785 = tpu.memref_slice %arg5[%dma_wait3A_784] : memref<160000xf32, #tpu.memory_space<hbm>> -> memref<160000xf32, #tpu.memory_space<hbm>>
    tpu.wait_indirect_dma semaphore(%arg12 : memref<!tpu.dma_semaphore, #tpu.memory_space<semaphore_mem>>) src(%dma_wait3A_785 : memref<160000xf32, #tpu.memory_space<hbm>>) dst(%dma_wait3A_781 : memref<128xf32, #tpu.memory_space<vmem>>)
    %dma_wait3A_786 = arith.constant 6528 : i32
    %dma_wait3A_787 = tpu.memref_slice %arg11[%dma_wait3A_786] : memref<10000xf32, #tpu.memory_space<vmem>> -> memref<128xf32, #tpu.memory_space<vmem>>
    %dma_wait3A_788 = arith.constant 6528 : i32
    %dma_wait3A_789 = tpu.memref_slice %arg10[%dma_wait3A_788] : memref<10000xi32, #tpu.memory_space<vmem>> -> memref<128xi32, #tpu.memory_space<vmem>>
    %dma_wait3A_790 = arith.constant 0 : i32
    %dma_wait3A_791 = tpu.memref_slice %arg5[%dma_wait3A_790] : memref<160000xf32, #tpu.memory_space<hbm>> -> memref<160000xf32, #tpu.memory_space<hbm>>
    tpu.wait_indirect_dma semaphore(%arg12 : memref<!tpu.dma_semaphore, #tpu.memory_space<semaphore_mem>>) src(%dma_wait3A_791 : memref<160000xf32, #tpu.memory_space<hbm>>) dst(%dma_wait3A_787 : memref<128xf32, #tpu.memory_space<vmem>>)
    %dma_wait3A_792 = arith.constant 6656 : i32
    %dma_wait3A_793 = tpu.memref_slice %arg11[%dma_wait3A_792] : memref<10000xf32, #tpu.memory_space<vmem>> -> memref<128xf32, #tpu.memory_space<vmem>>
    %dma_wait3A_794 = arith.constant 6656 : i32
    %dma_wait3A_795 = tpu.memref_slice %arg10[%dma_wait3A_794] : memref<10000xi32, #tpu.memory_space<vmem>> -> memref<128xi32, #tpu.memory_space<vmem>>
    %dma_wait3A_796 = arith.constant 0 : i32
    %dma_wait3A_797 = tpu.memref_slice %arg5[%dma_wait3A_796] : memref<160000xf32, #tpu.memory_space<hbm>> -> memref<160000xf32, #tpu.memory_space<hbm>>
    tpu.wait_indirect_dma semaphore(%arg12 : memref<!tpu.dma_semaphore, #tpu.memory_space<semaphore_mem>>) src(%dma_wait3A_797 : memref<160000xf32, #tpu.memory_space<hbm>>) dst(%dma_wait3A_793 : memref<128xf32, #tpu.memory_space<vmem>>)
    %dma_wait3A_798 = arith.constant 6784 : i32
    %dma_wait3A_799 = tpu.memref_slice %arg11[%dma_wait3A_798] : memref<10000xf32, #tpu.memory_space<vmem>> -> memref<128xf32, #tpu.memory_space<vmem>>
    %dma_wait3A_800 = arith.constant 6784 : i32
    %dma_wait3A_801 = tpu.memref_slice %arg10[%dma_wait3A_800] : memref<10000xi32, #tpu.memory_space<vmem>> -> memref<128xi32, #tpu.memory_space<vmem>>
    %dma_wait3A_802 = arith.constant 0 : i32
    %dma_wait3A_803 = tpu.memref_slice %arg5[%dma_wait3A_802] : memref<160000xf32, #tpu.memory_space<hbm>> -> memref<160000xf32, #tpu.memory_space<hbm>>
    tpu.wait_indirect_dma semaphore(%arg12 : memref<!tpu.dma_semaphore, #tpu.memory_space<semaphore_mem>>) src(%dma_wait3A_803 : memref<160000xf32, #tpu.memory_space<hbm>>) dst(%dma_wait3A_799 : memref<128xf32, #tpu.memory_space<vmem>>)
    %dma_wait3A_804 = arith.constant 6912 : i32
    %dma_wait3A_805 = tpu.memref_slice %arg11[%dma_wait3A_804] : memref<10000xf32, #tpu.memory_space<vmem>> -> memref<128xf32, #tpu.memory_space<vmem>>
    %dma_wait3A_806 = arith.constant 6912 : i32
    %dma_wait3A_807 = tpu.memref_slice %arg10[%dma_wait3A_806] : memref<10000xi32, #tpu.memory_space<vmem>> -> memref<128xi32, #tpu.memory_space<vmem>>
    %dma_wait3A_808 = arith.constant 0 : i32
    %dma_wait3A_809 = tpu.memref_slice %arg5[%dma_wait3A_808] : memref<160000xf32, #tpu.memory_space<hbm>> -> memref<160000xf32, #tpu.memory_space<hbm>>
    tpu.wait_indirect_dma semaphore(%arg12 : memref<!tpu.dma_semaphore, #tpu.memory_space<semaphore_mem>>) src(%dma_wait3A_809 : memref<160000xf32, #tpu.memory_space<hbm>>) dst(%dma_wait3A_805 : memref<128xf32, #tpu.memory_space<vmem>>)
    %dma_wait3A_810 = arith.constant 7040 : i32
    %dma_wait3A_811 = tpu.memref_slice %arg11[%dma_wait3A_810] : memref<10000xf32, #tpu.memory_space<vmem>> -> memref<128xf32, #tpu.memory_space<vmem>>
    %dma_wait3A_812 = arith.constant 7040 : i32
    %dma_wait3A_813 = tpu.memref_slice %arg10[%dma_wait3A_812] : memref<10000xi32, #tpu.memory_space<vmem>> -> memref<128xi32, #tpu.memory_space<vmem>>
    %dma_wait3A_814 = arith.constant 0 : i32
    %dma_wait3A_815 = tpu.memref_slice %arg5[%dma_wait3A_814] : memref<160000xf32, #tpu.memory_space<hbm>> -> memref<160000xf32, #tpu.memory_space<hbm>>
    tpu.wait_indirect_dma semaphore(%arg12 : memref<!tpu.dma_semaphore, #tpu.memory_space<semaphore_mem>>) src(%dma_wait3A_815 : memref<160000xf32, #tpu.memory_space<hbm>>) dst(%dma_wait3A_811 : memref<128xf32, #tpu.memory_space<vmem>>)
    %dma_wait3A_816 = arith.constant 7168 : i32
    %dma_wait3A_817 = tpu.memref_slice %arg11[%dma_wait3A_816] : memref<10000xf32, #tpu.memory_space<vmem>> -> memref<128xf32, #tpu.memory_space<vmem>>
    %dma_wait3A_818 = arith.constant 7168 : i32
    %dma_wait3A_819 = tpu.memref_slice %arg10[%dma_wait3A_818] : memref<10000xi32, #tpu.memory_space<vmem>> -> memref<128xi32, #tpu.memory_space<vmem>>
    %dma_wait3A_820 = arith.constant 0 : i32
    %dma_wait3A_821 = tpu.memref_slice %arg5[%dma_wait3A_820] : memref<160000xf32, #tpu.memory_space<hbm>> -> memref<160000xf32, #tpu.memory_space<hbm>>
    tpu.wait_indirect_dma semaphore(%arg12 : memref<!tpu.dma_semaphore, #tpu.memory_space<semaphore_mem>>) src(%dma_wait3A_821 : memref<160000xf32, #tpu.memory_space<hbm>>) dst(%dma_wait3A_817 : memref<128xf32, #tpu.memory_space<vmem>>)
    %dma_wait3A_822 = arith.constant 7296 : i32
    %dma_wait3A_823 = tpu.memref_slice %arg11[%dma_wait3A_822] : memref<10000xf32, #tpu.memory_space<vmem>> -> memref<128xf32, #tpu.memory_space<vmem>>
    %dma_wait3A_824 = arith.constant 7296 : i32
    %dma_wait3A_825 = tpu.memref_slice %arg10[%dma_wait3A_824] : memref<10000xi32, #tpu.memory_space<vmem>> -> memref<128xi32, #tpu.memory_space<vmem>>
    %dma_wait3A_826 = arith.constant 0 : i32
    %dma_wait3A_827 = tpu.memref_slice %arg5[%dma_wait3A_826] : memref<160000xf32, #tpu.memory_space<hbm>> -> memref<160000xf32, #tpu.memory_space<hbm>>
    tpu.wait_indirect_dma semaphore(%arg12 : memref<!tpu.dma_semaphore, #tpu.memory_space<semaphore_mem>>) src(%dma_wait3A_827 : memref<160000xf32, #tpu.memory_space<hbm>>) dst(%dma_wait3A_823 : memref<128xf32, #tpu.memory_space<vmem>>)
    %dma_wait3A_828 = arith.constant 7424 : i32
    %dma_wait3A_829 = tpu.memref_slice %arg11[%dma_wait3A_828] : memref<10000xf32, #tpu.memory_space<vmem>> -> memref<128xf32, #tpu.memory_space<vmem>>
    %dma_wait3A_830 = arith.constant 7424 : i32
    %dma_wait3A_831 = tpu.memref_slice %arg10[%dma_wait3A_830] : memref<10000xi32, #tpu.memory_space<vmem>> -> memref<128xi32, #tpu.memory_space<vmem>>
    %dma_wait3A_832 = arith.constant 0 : i32
    %dma_wait3A_833 = tpu.memref_slice %arg5[%dma_wait3A_832] : memref<160000xf32, #tpu.memory_space<hbm>> -> memref<160000xf32, #tpu.memory_space<hbm>>
    tpu.wait_indirect_dma semaphore(%arg12 : memref<!tpu.dma_semaphore, #tpu.memory_space<semaphore_mem>>) src(%dma_wait3A_833 : memref<160000xf32, #tpu.memory_space<hbm>>) dst(%dma_wait3A_829 : memref<128xf32, #tpu.memory_space<vmem>>)
    %dma_wait3A_834 = arith.constant 7552 : i32
    %dma_wait3A_835 = tpu.memref_slice %arg11[%dma_wait3A_834] : memref<10000xf32, #tpu.memory_space<vmem>> -> memref<128xf32, #tpu.memory_space<vmem>>
    %dma_wait3A_836 = arith.constant 7552 : i32
    %dma_wait3A_837 = tpu.memref_slice %arg10[%dma_wait3A_836] : memref<10000xi32, #tpu.memory_space<vmem>> -> memref<128xi32, #tpu.memory_space<vmem>>
    %dma_wait3A_838 = arith.constant 0 : i32
    %dma_wait3A_839 = tpu.memref_slice %arg5[%dma_wait3A_838] : memref<160000xf32, #tpu.memory_space<hbm>> -> memref<160000xf32, #tpu.memory_space<hbm>>
    tpu.wait_indirect_dma semaphore(%arg12 : memref<!tpu.dma_semaphore, #tpu.memory_space<semaphore_mem>>) src(%dma_wait3A_839 : memref<160000xf32, #tpu.memory_space<hbm>>) dst(%dma_wait3A_835 : memref<128xf32, #tpu.memory_space<vmem>>)
    %dma_wait3A_840 = arith.constant 7680 : i32
    %dma_wait3A_841 = tpu.memref_slice %arg11[%dma_wait3A_840] : memref<10000xf32, #tpu.memory_space<vmem>> -> memref<128xf32, #tpu.memory_space<vmem>>
    %dma_wait3A_842 = arith.constant 7680 : i32
    %dma_wait3A_843 = tpu.memref_slice %arg10[%dma_wait3A_842] : memref<10000xi32, #tpu.memory_space<vmem>> -> memref<128xi32, #tpu.memory_space<vmem>>
    %dma_wait3A_844 = arith.constant 0 : i32
    %dma_wait3A_845 = tpu.memref_slice %arg5[%dma_wait3A_844] : memref<160000xf32, #tpu.memory_space<hbm>> -> memref<160000xf32, #tpu.memory_space<hbm>>
    tpu.wait_indirect_dma semaphore(%arg12 : memref<!tpu.dma_semaphore, #tpu.memory_space<semaphore_mem>>) src(%dma_wait3A_845 : memref<160000xf32, #tpu.memory_space<hbm>>) dst(%dma_wait3A_841 : memref<128xf32, #tpu.memory_space<vmem>>)
    %dma_wait3A_846 = arith.constant 7808 : i32
    %dma_wait3A_847 = tpu.memref_slice %arg11[%dma_wait3A_846] : memref<10000xf32, #tpu.memory_space<vmem>> -> memref<128xf32, #tpu.memory_space<vmem>>
    %dma_wait3A_848 = arith.constant 7808 : i32
    %dma_wait3A_849 = tpu.memref_slice %arg10[%dma_wait3A_848] : memref<10000xi32, #tpu.memory_space<vmem>> -> memref<128xi32, #tpu.memory_space<vmem>>
    %dma_wait3A_850 = arith.constant 0 : i32
    %dma_wait3A_851 = tpu.memref_slice %arg5[%dma_wait3A_850] : memref<160000xf32, #tpu.memory_space<hbm>> -> memref<160000xf32, #tpu.memory_space<hbm>>
    tpu.wait_indirect_dma semaphore(%arg12 : memref<!tpu.dma_semaphore, #tpu.memory_space<semaphore_mem>>) src(%dma_wait3A_851 : memref<160000xf32, #tpu.memory_space<hbm>>) dst(%dma_wait3A_847 : memref<128xf32, #tpu.memory_space<vmem>>)
    %dma_wait3A_852 = arith.constant 7936 : i32
    %dma_wait3A_853 = tpu.memref_slice %arg11[%dma_wait3A_852] : memref<10000xf32, #tpu.memory_space<vmem>> -> memref<128xf32, #tpu.memory_space<vmem>>
    %dma_wait3A_854 = arith.constant 7936 : i32
    %dma_wait3A_855 = tpu.memref_slice %arg10[%dma_wait3A_854] : memref<10000xi32, #tpu.memory_space<vmem>> -> memref<128xi32, #tpu.memory_space<vmem>>
    %dma_wait3A_856 = arith.constant 0 : i32
    %dma_wait3A_857 = tpu.memref_slice %arg5[%dma_wait3A_856] : memref<160000xf32, #tpu.memory_space<hbm>> -> memref<160000xf32, #tpu.memory_space<hbm>>
    tpu.wait_indirect_dma semaphore(%arg12 : memref<!tpu.dma_semaphore, #tpu.memory_space<semaphore_mem>>) src(%dma_wait3A_857 : memref<160000xf32, #tpu.memory_space<hbm>>) dst(%dma_wait3A_853 : memref<128xf32, #tpu.memory_space<vmem>>)
    %dma_wait3A_858 = arith.constant 8064 : i32
    %dma_wait3A_859 = tpu.memref_slice %arg11[%dma_wait3A_858] : memref<10000xf32, #tpu.memory_space<vmem>> -> memref<128xf32, #tpu.memory_space<vmem>>
    %dma_wait3A_860 = arith.constant 8064 : i32
    %dma_wait3A_861 = tpu.memref_slice %arg10[%dma_wait3A_860] : memref<10000xi32, #tpu.memory_space<vmem>> -> memref<128xi32, #tpu.memory_space<vmem>>
    %dma_wait3A_862 = arith.constant 0 : i32
    %dma_wait3A_863 = tpu.memref_slice %arg5[%dma_wait3A_862] : memref<160000xf32, #tpu.memory_space<hbm>> -> memref<160000xf32, #tpu.memory_space<hbm>>
    tpu.wait_indirect_dma semaphore(%arg12 : memref<!tpu.dma_semaphore, #tpu.memory_space<semaphore_mem>>) src(%dma_wait3A_863 : memref<160000xf32, #tpu.memory_space<hbm>>) dst(%dma_wait3A_859 : memref<128xf32, #tpu.memory_space<vmem>>)
    %dma_wait3A_864 = arith.constant 8192 : i32
    %dma_wait3A_865 = tpu.memref_slice %arg11[%dma_wait3A_864] : memref<10000xf32, #tpu.memory_space<vmem>> -> memref<128xf32, #tpu.memory_space<vmem>>
    %dma_wait3A_866 = arith.constant 8192 : i32
    %dma_wait3A_867 = tpu.memref_slice %arg10[%dma_wait3A_866] : memref<10000xi32, #tpu.memory_space<vmem>> -> memref<128xi32, #tpu.memory_space<vmem>>
    %dma_wait3A_868 = arith.constant 0 : i32
    %dma_wait3A_869 = tpu.memref_slice %arg5[%dma_wait3A_868] : memref<160000xf32, #tpu.memory_space<hbm>> -> memref<160000xf32, #tpu.memory_space<hbm>>
    tpu.wait_indirect_dma semaphore(%arg12 : memref<!tpu.dma_semaphore, #tpu.memory_space<semaphore_mem>>) src(%dma_wait3A_869 : memref<160000xf32, #tpu.memory_space<hbm>>) dst(%dma_wait3A_865 : memref<128xf32, #tpu.memory_space<vmem>>)
    %dma_wait3A_870 = arith.constant 8320 : i32
    %dma_wait3A_871 = tpu.memref_slice %arg11[%dma_wait3A_870] : memref<10000xf32, #tpu.memory_space<vmem>> -> memref<128xf32, #tpu.memory_space<vmem>>
    %dma_wait3A_872 = arith.constant 8320 : i32
    %dma_wait3A_873 = tpu.memref_slice %arg10[%dma_wait3A_872] : memref<10000xi32, #tpu.memory_space<vmem>> -> memref<128xi32, #tpu.memory_space<vmem>>
    %dma_wait3A_874 = arith.constant 0 : i32
    %dma_wait3A_875 = tpu.memref_slice %arg5[%dma_wait3A_874] : memref<160000xf32, #tpu.memory_space<hbm>> -> memref<160000xf32, #tpu.memory_space<hbm>>
    tpu.wait_indirect_dma semaphore(%arg12 : memref<!tpu.dma_semaphore, #tpu.memory_space<semaphore_mem>>) src(%dma_wait3A_875 : memref<160000xf32, #tpu.memory_space<hbm>>) dst(%dma_wait3A_871 : memref<128xf32, #tpu.memory_space<vmem>>)
    %dma_wait3A_876 = arith.constant 8448 : i32
    %dma_wait3A_877 = tpu.memref_slice %arg11[%dma_wait3A_876] : memref<10000xf32, #tpu.memory_space<vmem>> -> memref<128xf32, #tpu.memory_space<vmem>>
    %dma_wait3A_878 = arith.constant 8448 : i32
    %dma_wait3A_879 = tpu.memref_slice %arg10[%dma_wait3A_878] : memref<10000xi32, #tpu.memory_space<vmem>> -> memref<128xi32, #tpu.memory_space<vmem>>
    %dma_wait3A_880 = arith.constant 0 : i32
    %dma_wait3A_881 = tpu.memref_slice %arg5[%dma_wait3A_880] : memref<160000xf32, #tpu.memory_space<hbm>> -> memref<160000xf32, #tpu.memory_space<hbm>>
    tpu.wait_indirect_dma semaphore(%arg12 : memref<!tpu.dma_semaphore, #tpu.memory_space<semaphore_mem>>) src(%dma_wait3A_881 : memref<160000xf32, #tpu.memory_space<hbm>>) dst(%dma_wait3A_877 : memref<128xf32, #tpu.memory_space<vmem>>)
    %dma_wait3A_882 = arith.constant 8576 : i32
    %dma_wait3A_883 = tpu.memref_slice %arg11[%dma_wait3A_882] : memref<10000xf32, #tpu.memory_space<vmem>> -> memref<128xf32, #tpu.memory_space<vmem>>
    %dma_wait3A_884 = arith.constant 8576 : i32
    %dma_wait3A_885 = tpu.memref_slice %arg10[%dma_wait3A_884] : memref<10000xi32, #tpu.memory_space<vmem>> -> memref<128xi32, #tpu.memory_space<vmem>>
    %dma_wait3A_886 = arith.constant 0 : i32
    %dma_wait3A_887 = tpu.memref_slice %arg5[%dma_wait3A_886] : memref<160000xf32, #tpu.memory_space<hbm>> -> memref<160000xf32, #tpu.memory_space<hbm>>
    tpu.wait_indirect_dma semaphore(%arg12 : memref<!tpu.dma_semaphore, #tpu.memory_space<semaphore_mem>>) src(%dma_wait3A_887 : memref<160000xf32, #tpu.memory_space<hbm>>) dst(%dma_wait3A_883 : memref<128xf32, #tpu.memory_space<vmem>>)
    %dma_wait3A_888 = arith.constant 8704 : i32
    %dma_wait3A_889 = tpu.memref_slice %arg11[%dma_wait3A_888] : memref<10000xf32, #tpu.memory_space<vmem>> -> memref<128xf32, #tpu.memory_space<vmem>>
    %dma_wait3A_890 = arith.constant 8704 : i32
    %dma_wait3A_891 = tpu.memref_slice %arg10[%dma_wait3A_890] : memref<10000xi32, #tpu.memory_space<vmem>> -> memref<128xi32, #tpu.memory_space<vmem>>
    %dma_wait3A_892 = arith.constant 0 : i32
    %dma_wait3A_893 = tpu.memref_slice %arg5[%dma_wait3A_892] : memref<160000xf32, #tpu.memory_space<hbm>> -> memref<160000xf32, #tpu.memory_space<hbm>>
    tpu.wait_indirect_dma semaphore(%arg12 : memref<!tpu.dma_semaphore, #tpu.memory_space<semaphore_mem>>) src(%dma_wait3A_893 : memref<160000xf32, #tpu.memory_space<hbm>>) dst(%dma_wait3A_889 : memref<128xf32, #tpu.memory_space<vmem>>)
    %dma_wait3A_894 = arith.constant 8832 : i32
    %dma_wait3A_895 = tpu.memref_slice %arg11[%dma_wait3A_894] : memref<10000xf32, #tpu.memory_space<vmem>> -> memref<128xf32, #tpu.memory_space<vmem>>
    %dma_wait3A_896 = arith.constant 8832 : i32
    %dma_wait3A_897 = tpu.memref_slice %arg10[%dma_wait3A_896] : memref<10000xi32, #tpu.memory_space<vmem>> -> memref<128xi32, #tpu.memory_space<vmem>>
    %dma_wait3A_898 = arith.constant 0 : i32
    %dma_wait3A_899 = tpu.memref_slice %arg5[%dma_wait3A_898] : memref<160000xf32, #tpu.memory_space<hbm>> -> memref<160000xf32, #tpu.memory_space<hbm>>
    tpu.wait_indirect_dma semaphore(%arg12 : memref<!tpu.dma_semaphore, #tpu.memory_space<semaphore_mem>>) src(%dma_wait3A_899 : memref<160000xf32, #tpu.memory_space<hbm>>) dst(%dma_wait3A_895 : memref<128xf32, #tpu.memory_space<vmem>>)
    %dma_wait3A_900 = arith.constant 8960 : i32
    %dma_wait3A_901 = tpu.memref_slice %arg11[%dma_wait3A_900] : memref<10000xf32, #tpu.memory_space<vmem>> -> memref<128xf32, #tpu.memory_space<vmem>>
    %dma_wait3A_902 = arith.constant 8960 : i32
    %dma_wait3A_903 = tpu.memref_slice %arg10[%dma_wait3A_902] : memref<10000xi32, #tpu.memory_space<vmem>> -> memref<128xi32, #tpu.memory_space<vmem>>
    %dma_wait3A_904 = arith.constant 0 : i32
    %dma_wait3A_905 = tpu.memref_slice %arg5[%dma_wait3A_904] : memref<160000xf32, #tpu.memory_space<hbm>> -> memref<160000xf32, #tpu.memory_space<hbm>>
    tpu.wait_indirect_dma semaphore(%arg12 : memref<!tpu.dma_semaphore, #tpu.memory_space<semaphore_mem>>) src(%dma_wait3A_905 : memref<160000xf32, #tpu.memory_space<hbm>>) dst(%dma_wait3A_901 : memref<128xf32, #tpu.memory_space<vmem>>)
    %dma_wait3A_906 = arith.constant 9088 : i32
    %dma_wait3A_907 = tpu.memref_slice %arg11[%dma_wait3A_906] : memref<10000xf32, #tpu.memory_space<vmem>> -> memref<128xf32, #tpu.memory_space<vmem>>
    %dma_wait3A_908 = arith.constant 9088 : i32
    %dma_wait3A_909 = tpu.memref_slice %arg10[%dma_wait3A_908] : memref<10000xi32, #tpu.memory_space<vmem>> -> memref<128xi32, #tpu.memory_space<vmem>>
    %dma_wait3A_910 = arith.constant 0 : i32
    %dma_wait3A_911 = tpu.memref_slice %arg5[%dma_wait3A_910] : memref<160000xf32, #tpu.memory_space<hbm>> -> memref<160000xf32, #tpu.memory_space<hbm>>
    tpu.wait_indirect_dma semaphore(%arg12 : memref<!tpu.dma_semaphore, #tpu.memory_space<semaphore_mem>>) src(%dma_wait3A_911 : memref<160000xf32, #tpu.memory_space<hbm>>) dst(%dma_wait3A_907 : memref<128xf32, #tpu.memory_space<vmem>>)
    %dma_wait3A_912 = arith.constant 9216 : i32
    %dma_wait3A_913 = tpu.memref_slice %arg11[%dma_wait3A_912] : memref<10000xf32, #tpu.memory_space<vmem>> -> memref<128xf32, #tpu.memory_space<vmem>>
    %dma_wait3A_914 = arith.constant 9216 : i32
    %dma_wait3A_915 = tpu.memref_slice %arg10[%dma_wait3A_914] : memref<10000xi32, #tpu.memory_space<vmem>> -> memref<128xi32, #tpu.memory_space<vmem>>
    %dma_wait3A_916 = arith.constant 0 : i32
    %dma_wait3A_917 = tpu.memref_slice %arg5[%dma_wait3A_916] : memref<160000xf32, #tpu.memory_space<hbm>> -> memref<160000xf32, #tpu.memory_space<hbm>>
    tpu.wait_indirect_dma semaphore(%arg12 : memref<!tpu.dma_semaphore, #tpu.memory_space<semaphore_mem>>) src(%dma_wait3A_917 : memref<160000xf32, #tpu.memory_space<hbm>>) dst(%dma_wait3A_913 : memref<128xf32, #tpu.memory_space<vmem>>)
    %dma_wait3A_918 = arith.constant 9344 : i32
    %dma_wait3A_919 = tpu.memref_slice %arg11[%dma_wait3A_918] : memref<10000xf32, #tpu.memory_space<vmem>> -> memref<128xf32, #tpu.memory_space<vmem>>
    %dma_wait3A_920 = arith.constant 9344 : i32
    %dma_wait3A_921 = tpu.memref_slice %arg10[%dma_wait3A_920] : memref<10000xi32, #tpu.memory_space<vmem>> -> memref<128xi32, #tpu.memory_space<vmem>>
    %dma_wait3A_922 = arith.constant 0 : i32
    %dma_wait3A_923 = tpu.memref_slice %arg5[%dma_wait3A_922] : memref<160000xf32, #tpu.memory_space<hbm>> -> memref<160000xf32, #tpu.memory_space<hbm>>
    tpu.wait_indirect_dma semaphore(%arg12 : memref<!tpu.dma_semaphore, #tpu.memory_space<semaphore_mem>>) src(%dma_wait3A_923 : memref<160000xf32, #tpu.memory_space<hbm>>) dst(%dma_wait3A_919 : memref<128xf32, #tpu.memory_space<vmem>>)
    %dma_wait3A_924 = arith.constant 9472 : i32
    %dma_wait3A_925 = tpu.memref_slice %arg11[%dma_wait3A_924] : memref<10000xf32, #tpu.memory_space<vmem>> -> memref<128xf32, #tpu.memory_space<vmem>>
    %dma_wait3A_926 = arith.constant 9472 : i32
    %dma_wait3A_927 = tpu.memref_slice %arg10[%dma_wait3A_926] : memref<10000xi32, #tpu.memory_space<vmem>> -> memref<128xi32, #tpu.memory_space<vmem>>
    %dma_wait3A_928 = arith.constant 0 : i32
    %dma_wait3A_929 = tpu.memref_slice %arg5[%dma_wait3A_928] : memref<160000xf32, #tpu.memory_space<hbm>> -> memref<160000xf32, #tpu.memory_space<hbm>>
    tpu.wait_indirect_dma semaphore(%arg12 : memref<!tpu.dma_semaphore, #tpu.memory_space<semaphore_mem>>) src(%dma_wait3A_929 : memref<160000xf32, #tpu.memory_space<hbm>>) dst(%dma_wait3A_925 : memref<128xf32, #tpu.memory_space<vmem>>)
    %dma_wait3A_930 = arith.constant 9600 : i32
    %dma_wait3A_931 = tpu.memref_slice %arg11[%dma_wait3A_930] : memref<10000xf32, #tpu.memory_space<vmem>> -> memref<128xf32, #tpu.memory_space<vmem>>
    %dma_wait3A_932 = arith.constant 9600 : i32
    %dma_wait3A_933 = tpu.memref_slice %arg10[%dma_wait3A_932] : memref<10000xi32, #tpu.memory_space<vmem>> -> memref<128xi32, #tpu.memory_space<vmem>>
    %dma_wait3A_934 = arith.constant 0 : i32
    %dma_wait3A_935 = tpu.memref_slice %arg5[%dma_wait3A_934] : memref<160000xf32, #tpu.memory_space<hbm>> -> memref<160000xf32, #tpu.memory_space<hbm>>
    tpu.wait_indirect_dma semaphore(%arg12 : memref<!tpu.dma_semaphore, #tpu.memory_space<semaphore_mem>>) src(%dma_wait3A_935 : memref<160000xf32, #tpu.memory_space<hbm>>) dst(%dma_wait3A_931 : memref<128xf32, #tpu.memory_space<vmem>>)
    %dma_wait3A_936 = arith.constant 9728 : i32
    %dma_wait3A_937 = tpu.memref_slice %arg11[%dma_wait3A_936] : memref<10000xf32, #tpu.memory_space<vmem>> -> memref<128xf32, #tpu.memory_space<vmem>>
    %dma_wait3A_938 = arith.constant 9728 : i32
    %dma_wait3A_939 = tpu.memref_slice %arg10[%dma_wait3A_938] : memref<10000xi32, #tpu.memory_space<vmem>> -> memref<128xi32, #tpu.memory_space<vmem>>
    %dma_wait3A_940 = arith.constant 0 : i32
    %dma_wait3A_941 = tpu.memref_slice %arg5[%dma_wait3A_940] : memref<160000xf32, #tpu.memory_space<hbm>> -> memref<160000xf32, #tpu.memory_space<hbm>>
    tpu.wait_indirect_dma semaphore(%arg12 : memref<!tpu.dma_semaphore, #tpu.memory_space<semaphore_mem>>) src(%dma_wait3A_941 : memref<160000xf32, #tpu.memory_space<hbm>>) dst(%dma_wait3A_937 : memref<128xf32, #tpu.memory_space<vmem>>)
    %dma_wait3A_942 = arith.constant 9856 : i32
    %dma_wait3A_943 = tpu.memref_slice %arg11[%dma_wait3A_942] : memref<10000xf32, #tpu.memory_space<vmem>> -> memref<128xf32, #tpu.memory_space<vmem>>
    %dma_wait3A_944 = arith.constant 9856 : i32
    %dma_wait3A_945 = tpu.memref_slice %arg10[%dma_wait3A_944] : memref<10000xi32, #tpu.memory_space<vmem>> -> memref<128xi32, #tpu.memory_space<vmem>>
    %dma_wait3A_946 = arith.constant 0 : i32
    %dma_wait3A_947 = tpu.memref_slice %arg5[%dma_wait3A_946] : memref<160000xf32, #tpu.memory_space<hbm>> -> memref<160000xf32, #tpu.memory_space<hbm>>
    tpu.wait_indirect_dma semaphore(%arg12 : memref<!tpu.dma_semaphore, #tpu.memory_space<semaphore_mem>>) src(%dma_wait3A_947 : memref<160000xf32, #tpu.memory_space<hbm>>) dst(%dma_wait3A_943 : memref<128xf32, #tpu.memory_space<vmem>>)
    %dma_wait3A_948 = arith.constant 9984 : i32
    %dma_wait3A_949 = tpu.memref_slice %arg11[%dma_wait3A_948] : memref<10000xf32, #tpu.memory_space<vmem>> -> memref<16xf32, #tpu.memory_space<vmem>>
    %dma_wait3A_950 = arith.constant 9984 : i32
    %dma_wait3A_951 = tpu.memref_slice %arg10[%dma_wait3A_950] : memref<10000xi32, #tpu.memory_space<vmem>> -> memref<16xi32, #tpu.memory_space<vmem>>
    %dma_wait3A_952 = arith.constant 0 : i32
    %dma_wait3A_953 = tpu.memref_slice %arg5[%dma_wait3A_952] : memref<160000xf32, #tpu.memory_space<hbm>> -> memref<160000xf32, #tpu.memory_space<hbm>>
    tpu.wait_indirect_dma semaphore(%arg12 : memref<!tpu.dma_semaphore, #tpu.memory_space<semaphore_mem>>) src(%dma_wait3A_953 : memref<160000xf32, #tpu.memory_space<hbm>>) dst(%dma_wait3A_949 : memref<16xf32, #tpu.memory_space<vmem>>)
    %scan3A_954 = arith.constant 0 : i32
    %scan3A_955 = arith.constant 0 : i32
    %scan3A_956 = arith.constant 625 : i32
    %scan3A_957 = arith.addi %scan3A_955, %scan3A_956 : i32
    %scan3A_958 = arith.constant 1 : i32
    scf.for %scan3A_960 = %scan3A_955 to %scan3A_957 step %scan3A_958  : i32 {
      %mul3A_961 = arith.constant 16 : i32
      %mul3A_962 = arith.muli %scan3A_960, %mul3A_961 : i32
      %get3A = arith.index_cast %mul3A_962 : i32 to index
      %get3A_963 = tpu.vector_load %arg9[%get3A] {strides = array<i32>} : memref<10000xf32, #tpu.memory_space<vmem>>, vector<16xf32>,
      %get3A_964 = vector.shape_cast %get3A_963 : vector<16xf32> to vector<16xf32>
      %ge3A = arith.constant 0.000000e+00 : f32
      %ge3A_965 = vector.broadcast %ge3A : f32 to vector<16xf32>
      %ge3A_966 = arith.cmpf oge, %get3A_964, %ge3A_965 : vector<16xf32>
      %get3A_967 = arith.index_cast %mul3A_962 : i32 to index
      %get3A_968 = tpu.vector_load %arg11[%get3A_967] {strides = array<i32>} : memref<10000xf32, #tpu.memory_space<vmem>>, vector<16xf32>,
      %get3A_969 = vector.shape_cast %get3A_968 : vector<16xf32> to vector<16xf32>
      %get3A_970 = arith.index_cast %mul3A_962 : i32 to index
      %get3A_971 = tpu.vector_load %arg7[%get3A_970] {strides = array<i32>} : memref<10000xf32, #tpu.memory_space<vmem>>, vector<16xf32>,
      %get3A_972 = vector.shape_cast %get3A_971 : vector<16xf32> to vector<16xf32>
      %select_n3A = arith.select %ge3A_966, %get3A_969, %get3A_972 : vector<16xi1>, vector<16xf32>
      %get3A_973 = arith.index_cast %mul3A_962 : i32 to index
      %get3A_974 = tpu.vector_load %arg8[%get3A_973] {strides = array<i32>} : memref<10000xf32, #tpu.memory_space<vmem>>, vector<16xf32>,
      %get3A_975 = vector.shape_cast %get3A_974 : vector<16xf32> to vector<16xf32>
      %gt3A = arith.constant 5.000000e-01 : f32
      %gt3A_976 = vector.broadcast %gt3A : f32 to vector<16xf32>
      %gt3A_977 = arith.cmpf ogt, %get3A_975, %gt3A_976 : vector<16xf32>
      %jit3A = arith.constant 0.000000e+00 : f32
      %broadcast_in_dim3A = vector.broadcast %jit3A : f32 to vector<16xf32>
      %select_n3A_978 = arith.select %gt3A_977, %select_n3A, %broadcast_in_dim3A : vector<16xi1>, vector<16xf32>
      %swap3A = arith.index_cast %mul3A_962 : i32 to index
      %swap3A_979 = tpu.vector_load %arg7[%swap3A] {strides = array<i32>} : memref<10000xf32, #tpu.memory_space<vmem>>, vector<16xf32>,
      %swap3A_980 = vector.shape_cast %swap3A_979 : vector<16xf32> to vector<16xf32>
      %swap3A_981 = vector.shape_cast %select_n3A_978 : vector<16xf32> to vector<16xf32>
      tpu.vector_store %arg7[%swap3A], %swap3A_981 {strides = array<i32>} : memref<10000xf32, #tpu.memory_space<vmem>>, vector<16xf32>,
    }
    %scan3A_959 = arith.constant 625 : i32
    "tpu.region"() ({
      %run_scoped3A = tpu.sem_alloc : memref<!tpu.dma_semaphore, #tpu.memory_space<semaphore_mem>>
      %dma_start3A_960 = tpu.memref_slice %arg6[%mul3A_2] : memref<320000xf32, #tpu.memory_space<hbm>> -> memref<10000xf32, #tpu.memory_space<hbm>>
      %dma_start3A_961 = tpu.memref_slice %arg6[%mul3A_2] : memref<320000xf32, #tpu.memory_space<hbm>> -> memref<10000xf32, #tpu.memory_space<hbm>>
      tpu.enqueue_dma source(%arg7 : memref<10000xf32, #tpu.memory_space<vmem>>) target(%dma_start3A_961 : memref<10000xf32, #tpu.memory_space<hbm>>) target_semaphore(%run_scoped3A : memref<!tpu.dma_semaphore, #tpu.memory_space<semaphore_mem>>)
      %dma_wait3A_962 = tpu.memref_slice %arg6[%mul3A_2] : memref<320000xf32, #tpu.memory_space<hbm>> -> memref<10000xf32, #tpu.memory_space<hbm>>
      %dma_wait3A_963 = tpu.memref_slice %arg6[%mul3A_2] : memref<320000xf32, #tpu.memory_space<hbm>> -> memref<10000xf32, #tpu.memory_space<hbm>>
      tpu.wait_dma2 semaphore(%run_scoped3A : memref<!tpu.dma_semaphore, #tpu.memory_space<semaphore_mem>>) src(%arg7 : memref<10000xf32, #tpu.memory_space<vmem>>) dst(%dma_wait3A_963 : memref<10000xf32, #tpu.memory_space<hbm>>)
      tpu.yield
    }) : () -> ()
    return
  }
}

module attributes {stable_mosaic.version = 14 : i64} {
  func.func @_enc_proj_body(%arg0: i32, %arg1: memref<4000x128xf32, #tpu.memory_space<vmem>>, %arg2: memref<128x64xf32, #tpu.memory_space<vmem>>, %arg3: memref<1x64xf32, #tpu.memory_space<vmem>>, %arg4: memref<64x64xf32, #tpu.memory_space<vmem>>, %arg5: memref<4000x64xf32, #tpu.memory_space<vmem>>) attributes {dimension_semantics = [#tpu.dimension_semantics<arbitrary>], iteration_bounds = array<i64: 80>, scalar_prefetch = 0 : i64, scratch_operands = 0 : i64, tpu.core_type = #tpu.core_type<tc>, window_params = [{transform_indices = @transform_0, window_bounds = array<i64: 4000, 128>}, {pipeline_mode = #tpu.pipeline_mode<synchronous>, transform_indices = @transform_1, window_bounds = array<i64: 128, 64>}, {pipeline_mode = #tpu.pipeline_mode<synchronous>, transform_indices = @transform_2, window_bounds = array<i64: 1, 64>}, {pipeline_mode = #tpu.pipeline_mode<synchronous>, transform_indices = @transform_3, window_bounds = array<i64: 64, 64>}, {transform_indices = @transform_4, window_bounds = array<i64: 4000, 64>}]} {
    %get3A = arith.constant 0 : index
    %get3A_0 = arith.constant 0 : index
    %get3A_1 = vector.load %arg1[%get3A, %get3A_0] : memref<4000x128xf32, #tpu.memory_space<vmem>>, vector<4000x128xf32>
    %get3A_2 = arith.constant 0 : index
    %get3A_3 = arith.constant 0 : index
    %get3A_4 = vector.load %arg2[%get3A_2, %get3A_3] : memref<128x64xf32, #tpu.memory_space<vmem>>, vector<128x64xf32>
    %dot_general3A = arith.constant dense<0.000000e+00> : vector<4000x64xf32>
    %dot_general3A_5 = tpu.matmul %get3A_1, %get3A_4, %dot_general3A {dimension_numbers = #tpu.dot_dimension_numbers<[1], [0], [0], [1], [0, 0, 1, 1], [], []>, transpose_lhs_hint = false} : vector<4000x128xf32>, vector<128x64xf32>, vector<4000x64xf32> -> vector<4000x64xf32>
    %get3A_6 = arith.constant 0 : index
    %get3A_7 = arith.constant 0 : index
    %get3A_8 = vector.load %arg3[%get3A_6, %get3A_7] : memref<1x64xf32, #tpu.memory_space<vmem>>, vector<1x64xf32>
    %add3A = vector.broadcast %get3A_8 : vector<1x64xf32> to vector<4000x64xf32>
    %add3A_9 = arith.addf %dot_general3A_5, %add3A : vector<4000x64xf32>
    %max3A = arith.constant 0.000000e+00 : f32
    %max3A_10 = vector.broadcast %max3A : f32 to vector<4000x64xf32>
    %max3A_11 = arith.maximumf %add3A_9, %max3A_10 : vector<4000x64xf32>
    %get3A_12 = arith.constant 0 : index
    %get3A_13 = arith.constant 0 : index
    %get3A_14 = vector.load %arg4[%get3A_12, %get3A_13] : memref<64x64xf32, #tpu.memory_space<vmem>>, vector<64x64xf32>
    %dot_general3A_15 = arith.constant dense<0.000000e+00> : vector<4000x64xf32>
    %dot_general3A_16 = tpu.matmul %max3A_11, %get3A_14, %dot_general3A_15 {dimension_numbers = #tpu.dot_dimension_numbers<[1], [0], [0], [1], [0, 0, 1, 1], [], []>, transpose_lhs_hint = false} : vector<4000x64xf32>, vector<64x64xf32>, vector<4000x64xf32> -> vector<4000x64xf32>
    %swap3A = arith.constant 0 : index
    %swap3A_17 = arith.constant 0 : index
    %swap3A_18 = vector.load %arg5[%swap3A, %swap3A_17] : memref<4000x64xf32, #tpu.memory_space<vmem>>, vector<4000x64xf32>
    tpu.vector_store %arg5[%swap3A, %swap3A_17], %dot_general3A_16 {strides = array<i32>} : memref<4000x64xf32, #tpu.memory_space<vmem>>, vector<4000x64xf32>,
    return
  }
  func.func @transform_0(%arg0: i32) -> (i32, i32) {
    %c0_i32 = arith.constant 0 : i32
    %c0_i32_0 = arith.constant 0 : i32
    return %arg0, %c0_i32 : i32, i32
  }
  func.func @transform_1(%arg0: i32) -> (i32, i32) {
    %c0_i32 = arith.constant 0 : i32
    %c0_i32_0 = arith.constant 0 : i32
    %c0_i32_1 = arith.constant 0 : i32
    return %c0_i32, %c0_i32_0 : i32, i32
  }
  func.func @transform_2(%arg0: i32) -> (i32, i32) {
    %c0_i32 = arith.constant 0 : i32
    %c0_i32_0 = arith.constant 0 : i32
    %c0_i32_1 = arith.constant 0 : i32
    return %c0_i32, %c0_i32_0 : i32, i32
  }
  func.func @transform_3(%arg0: i32) -> (i32, i32) {
    %c0_i32 = arith.constant 0 : i32
    %c0_i32_0 = arith.constant 0 : i32
    %c0_i32_1 = arith.constant 0 : i32
    return %c0_i32, %c0_i32_0 : i32, i32
  }
  func.func @transform_4(%arg0: i32) -> (i32, i32) {
    %c0_i32 = arith.constant 0 : i32
    %c0_i32_0 = arith.constant 0 : i32
    return %arg0, %c0_i32 : i32, i32
  }
}

module attributes {stable_mosaic.version = 14 : i64} {
  func.func @_node_init_body(%arg0: memref<10000x128xf32, #tpu.memory_space<vmem>>, %arg1: memref<128x64xf32, #tpu.memory_space<vmem>>, %arg2: memref<1x64xf32, #tpu.memory_space<vmem>>, %arg3: memref<64x64xf32, #tpu.memory_space<vmem>>, %arg4: memref<64x64xf32, #tpu.memory_space<vmem>>, %arg5: memref<1x64xf32, #tpu.memory_space<vmem>>, %arg6: memref<10000x64xf32, #tpu.memory_space<vmem>>, %arg7: memref<10000x128xf32, #tpu.memory_space<vmem>>) attributes {dimension_semantics = [], scalar_prefetch = 0 : i64, scratch_operands = 0 : i64, tpu.core_type = #tpu.core_type<tc>} {
    %get3A = arith.constant 0 : index
    %get3A_0 = arith.constant 0 : index
    %get3A_1 = vector.load %arg0[%get3A, %get3A_0] : memref<10000x128xf32, #tpu.memory_space<vmem>>, vector<10000x128xf32>
    %get3A_2 = arith.constant 0 : index
    %get3A_3 = arith.constant 0 : index
    %get3A_4 = vector.load %arg1[%get3A_2, %get3A_3] : memref<128x64xf32, #tpu.memory_space<vmem>>, vector<128x64xf32>
    %dot_general3A = arith.constant dense<0.000000e+00> : vector<10000x64xf32>
    %dot_general3A_5 = tpu.matmul %get3A_1, %get3A_4, %dot_general3A {dimension_numbers = #tpu.dot_dimension_numbers<[1], [0], [0], [1], [0, 0, 1, 1], [], []>, transpose_lhs_hint = false} : vector<10000x128xf32>, vector<128x64xf32>, vector<10000x64xf32> -> vector<10000x64xf32>
    %get3A_6 = arith.constant 0 : index
    %get3A_7 = arith.constant 0 : index
    %get3A_8 = vector.load %arg2[%get3A_6, %get3A_7] : memref<1x64xf32, #tpu.memory_space<vmem>>, vector<1x64xf32>
    %add3A = vector.broadcast %get3A_8 : vector<1x64xf32> to vector<10000x64xf32>
    %add3A_9 = arith.addf %dot_general3A_5, %add3A : vector<10000x64xf32>
    %max3A = arith.constant 0.000000e+00 : f32
    %max3A_10 = vector.broadcast %max3A : f32 to vector<10000x64xf32>
    %max3A_11 = arith.maximumf %add3A_9, %max3A_10 : vector<10000x64xf32>
    %swap3A = arith.constant 0 : index
    %swap3A_12 = arith.constant 0 : index
    %swap3A_13 = vector.load %arg6[%swap3A, %swap3A_12] : memref<10000x64xf32, #tpu.memory_space<vmem>>, vector<10000x64xf32>
    tpu.vector_store %arg6[%swap3A, %swap3A_12], %max3A_11 {strides = array<i32>} : memref<10000x64xf32, #tpu.memory_space<vmem>>, vector<10000x64xf32>,
    %get3A_14 = arith.constant 0 : index
    %get3A_15 = arith.constant 0 : index
    %get3A_16 = vector.load %arg3[%get3A_14, %get3A_15] : memref<64x64xf32, #tpu.memory_space<vmem>>, vector<64x64xf32>
    %dot_general3A_17 = arith.constant dense<0.000000e+00> : vector<10000x64xf32>
    %dot_general3A_18 = tpu.matmul %max3A_11, %get3A_16, %dot_general3A_17 {dimension_numbers = #tpu.dot_dimension_numbers<[1], [0], [0], [1], [0, 0, 1, 1], [], []>, transpose_lhs_hint = false} : vector<10000x64xf32>, vector<64x64xf32>, vector<10000x64xf32> -> vector<10000x64xf32>
    %get3A_19 = arith.constant 0 : index
    %get3A_20 = arith.constant 0 : index
    %get3A_21 = vector.load %arg5[%get3A_19, %get3A_20] : memref<1x64xf32, #tpu.memory_space<vmem>>, vector<1x64xf32>
    %add3A_22 = vector.broadcast %get3A_21 : vector<1x64xf32> to vector<10000x64xf32>
    %add3A_23 = arith.addf %dot_general3A_18, %add3A_22 : vector<10000x64xf32>
    %get3A_24 = arith.constant 0 : index
    %get3A_25 = arith.constant 0 : index
    %get3A_26 = vector.load %arg4[%get3A_24, %get3A_25] : memref<64x64xf32, #tpu.memory_space<vmem>>, vector<64x64xf32>
    %dot_general3A_27 = arith.constant dense<0.000000e+00> : vector<10000x64xf32>
    %dot_general3A_28 = tpu.matmul %max3A_11, %get3A_26, %dot_general3A_27 {dimension_numbers = #tpu.dot_dimension_numbers<[1], [0], [0], [1], [0, 0, 1, 1], [], []>, transpose_lhs_hint = false} : vector<10000x64xf32>, vector<64x64xf32>, vector<10000x64xf32> -> vector<10000x64xf32>
    %concatenate3A = tpu.concatenate %add3A_23, %dot_general3A_28 in 1 : vector<10000x64xf32>, vector<10000x64xf32> -> vector<10000x128xf32>
    %swap3A_29 = arith.constant 0 : index
    %swap3A_30 = arith.constant 0 : index
    %swap3A_31 = vector.load %arg7[%swap3A_29, %swap3A_30] : memref<10000x128xf32, #tpu.memory_space<vmem>>, vector<10000x128xf32>
    tpu.vector_store %arg7[%swap3A_29, %swap3A_30], %concatenate3A {strides = array<i32>} : memref<10000x128xf32, #tpu.memory_space<vmem>>, vector<10000x128xf32>,
    return
  }
}

module attributes {stable_mosaic.version = 14 : i64} {
  func.func @_proj_body(%arg0: i32, %arg1: memref<4000x64xf32, #tpu.memory_space<vmem>>, %arg2: memref<64x64xf32, #tpu.memory_space<vmem>>, %arg3: memref<4000x64xf32, #tpu.memory_space<vmem>>) attributes {dimension_semantics = [#tpu.dimension_semantics<arbitrary>], iteration_bounds = array<i64: 80>, scalar_prefetch = 0 : i64, scratch_operands = 0 : i64, tpu.core_type = #tpu.core_type<tc>, window_params = [{transform_indices = @transform_0, window_bounds = array<i64: 4000, 64>}, {pipeline_mode = #tpu.pipeline_mode<synchronous>, transform_indices = @transform_1, window_bounds = array<i64: 64, 64>}, {transform_indices = @transform_2, window_bounds = array<i64: 4000, 64>}]} {
    %get3A = arith.constant 0 : index
    %get3A_0 = arith.constant 0 : index
    %get3A_1 = vector.load %arg1[%get3A, %get3A_0] : memref<4000x64xf32, #tpu.memory_space<vmem>>, vector<4000x64xf32>
    %get3A_2 = arith.constant 0 : index
    %get3A_3 = arith.constant 0 : index
    %get3A_4 = vector.load %arg2[%get3A_2, %get3A_3] : memref<64x64xf32, #tpu.memory_space<vmem>>, vector<64x64xf32>
    %dot_general3A = arith.constant dense<0.000000e+00> : vector<4000x64xf32>
    %dot_general3A_5 = tpu.matmul %get3A_1, %get3A_4, %dot_general3A {dimension_numbers = #tpu.dot_dimension_numbers<[1], [0], [0], [1], [0, 0, 1, 1], [], []>, transpose_lhs_hint = false} : vector<4000x64xf32>, vector<64x64xf32>, vector<4000x64xf32> -> vector<4000x64xf32>
    %swap3A = arith.constant 0 : index
    %swap3A_6 = arith.constant 0 : index
    %swap3A_7 = vector.load %arg3[%swap3A, %swap3A_6] : memref<4000x64xf32, #tpu.memory_space<vmem>>, vector<4000x64xf32>
    tpu.vector_store %arg3[%swap3A, %swap3A_6], %dot_general3A_5 {strides = array<i32>} : memref<4000x64xf32, #tpu.memory_space<vmem>>, vector<4000x64xf32>,
    return
  }
  func.func @transform_0(%arg0: i32) -> (i32, i32) {
    %c0_i32 = arith.constant 0 : i32
    %c0_i32_0 = arith.constant 0 : i32
    return %arg0, %c0_i32 : i32, i32
  }
  func.func @transform_1(%arg0: i32) -> (i32, i32) {
    %c0_i32 = arith.constant 0 : i32
    %c0_i32_0 = arith.constant 0 : i32
    %c0_i32_1 = arith.constant 0 : i32
    return %c0_i32, %c0_i32_0 : i32, i32
  }
  func.func @transform_2(%arg0: i32) -> (i32, i32) {
    %c0_i32 = arith.constant 0 : i32
    %c0_i32_0 = arith.constant 0 : i32
    return %arg0, %c0_i32 : i32, i32
  }
}

module attributes {stable_mosaic.version = 14 : i64} {
  func.func @_node_upd_body(%arg0: memref<10000x64xf32, #tpu.memory_space<vmem>>, %arg1: memref<2x10000x128xf32, #tpu.memory_space<vmem>>, %arg2: memref<64x64xf32, #tpu.memory_space<vmem>>, %arg3: memref<64x64xf32, #tpu.memory_space<vmem>>, %arg4: memref<1x64xf32, #tpu.memory_space<vmem>>, %arg5: memref<64x64xf32, #tpu.memory_space<vmem>>, %arg6: memref<64x64xf32, #tpu.memory_space<vmem>>, %arg7: memref<1x64xf32, #tpu.memory_space<vmem>>, %arg8: memref<10000x64xf32, #tpu.memory_space<vmem>>, %arg9: memref<10000x128xf32, #tpu.memory_space<vmem>>) attributes {dimension_semantics = [], scalar_prefetch = 0 : i64, scratch_operands = 0 : i64, tpu.core_type = #tpu.core_type<tc>} {
    %get3A = arith.constant 0 : index
    %get3A_0 = arith.constant 0 : index
    %get3A_1 = arith.constant 0 : index
    %get3A_2 = vector.load %arg1[%get3A, %get3A_0, %get3A_1] : memref<2x10000x128xf32, #tpu.memory_space<vmem>>, vector<1x10000x64xf32>
    %get3A_3 = vector.shape_cast %get3A_2 : vector<1x10000x64xf32> to vector<10000x64xf32>
    %get3A_4 = arith.constant 1 : index
    %get3A_5 = arith.constant 0 : index
    %get3A_6 = arith.constant 0 : index
    %get3A_7 = vector.load %arg1[%get3A_4, %get3A_5, %get3A_6] : memref<2x10000x128xf32, #tpu.memory_space<vmem>>, vector<1x10000x64xf32>
    %get3A_8 = vector.shape_cast %get3A_7 : vector<1x10000x64xf32> to vector<10000x64xf32>
    %add3A = arith.addf %get3A_3, %get3A_8 : vector<10000x64xf32>
    %get3A_9 = arith.constant 0 : index
    %get3A_10 = arith.constant 0 : index
    %get3A_11 = vector.load %arg0[%get3A_9, %get3A_10] : memref<10000x64xf32, #tpu.memory_space<vmem>>, vector<10000x64xf32>
    %get3A_12 = arith.constant 0 : index
    %get3A_13 = arith.constant 0 : index
    %get3A_14 = vector.load %arg2[%get3A_12, %get3A_13] : memref<64x64xf32, #tpu.memory_space<vmem>>, vector<64x64xf32>
    %dot_general3A = arith.constant dense<0.000000e+00> : vector<10000x64xf32>
    %dot_general3A_15 = tpu.matmul %get3A_11, %get3A_14, %dot_general3A {dimension_numbers = #tpu.dot_dimension_numbers<[1], [0], [0], [1], [0, 0, 1, 1], [], []>, transpose_lhs_hint = false} : vector<10000x64xf32>, vector<64x64xf32>, vector<10000x64xf32> -> vector<10000x64xf32>
    %get3A_16 = arith.constant 0 : index
    %get3A_17 = arith.constant 0 : index
    %get3A_18 = vector.load %arg3[%get3A_16, %get3A_17] : memref<64x64xf32, #tpu.memory_space<vmem>>, vector<64x64xf32>
    %dot_general3A_19 = arith.constant dense<0.000000e+00> : vector<10000x64xf32>
    %dot_general3A_20 = tpu.matmul %add3A, %get3A_18, %dot_general3A_19 {dimension_numbers = #tpu.dot_dimension_numbers<[1], [0], [0], [1], [0, 0, 1, 1], [], []>, transpose_lhs_hint = false} : vector<10000x64xf32>, vector<64x64xf32>, vector<10000x64xf32> -> vector<10000x64xf32>
    %add3A_21 = arith.addf %dot_general3A_15, %dot_general3A_20 : vector<10000x64xf32>
    %get3A_22 = arith.constant 0 : index
    %get3A_23 = arith.constant 0 : index
    %get3A_24 = vector.load %arg4[%get3A_22, %get3A_23] : memref<1x64xf32, #tpu.memory_space<vmem>>, vector<1x64xf32>
    %add3A_25 = vector.broadcast %get3A_24 : vector<1x64xf32> to vector<10000x64xf32>
    %add3A_26 = arith.addf %add3A_21, %add3A_25 : vector<10000x64xf32>
    %max3A = arith.constant 0.000000e+00 : f32
    %max3A_27 = vector.broadcast %max3A : f32 to vector<10000x64xf32>
    %max3A_28 = arith.maximumf %add3A_26, %max3A_27 : vector<10000x64xf32>
    %swap3A = arith.constant 0 : index
    %swap3A_29 = arith.constant 0 : index
    %swap3A_30 = vector.load %arg8[%swap3A, %swap3A_29] : memref<10000x64xf32, #tpu.memory_space<vmem>>, vector<10000x64xf32>
    tpu.vector_store %arg8[%swap3A, %swap3A_29], %max3A_28 {strides = array<i32>} : memref<10000x64xf32, #tpu.memory_space<vmem>>, vector<10000x64xf32>,
    %get3A_31 = arith.constant 0 : index
    %get3A_32 = arith.constant 0 : index
    %get3A_33 = vector.load %arg5[%get3A_31, %get3A_32] : memref<64x64xf32, #tpu.memory_space<vmem>>, vector<64x64xf32>
    %dot_general3A_34 = arith.constant dense<0.000000e+00> : vector<10000x64xf32>
    %dot_general3A_35 = tpu.matmul %max3A_28, %get3A_33, %dot_general3A_34 {dimension_numbers = #tpu.dot_dimension_numbers<[1], [0], [0], [1], [0, 0, 1, 1], [], []>, transpose_lhs_hint = false} : vector<10000x64xf32>, vector<64x64xf32>, vector<10000x64xf32> -> vector<10000x64xf32>
    %get3A_36 = arith.constant 0 : index
    %get3A_37 = arith.constant 0 : index
    %get3A_38 = vector.load %arg7[%get3A_36, %get3A_37] : memref<1x64xf32, #tpu.memory_space<vmem>>, vector<1x64xf32>
    %add3A_39 = vector.broadcast %get3A_38 : vector<1x64xf32> to vector<10000x64xf32>
    %add3A_40 = arith.addf %dot_general3A_35, %add3A_39 : vector<10000x64xf32>
    %get3A_41 = arith.constant 0 : index
    %get3A_42 = arith.constant 0 : index
    %get3A_43 = vector.load %arg6[%get3A_41, %get3A_42] : memref<64x64xf32, #tpu.memory_space<vmem>>, vector<64x64xf32>
    %dot_general3A_44 = arith.constant dense<0.000000e+00> : vector<10000x64xf32>
    %dot_general3A_45 = tpu.matmul %max3A_28, %get3A_43, %dot_general3A_44 {dimension_numbers = #tpu.dot_dimension_numbers<[1], [0], [0], [1], [0, 0, 1, 1], [], []>, transpose_lhs_hint = false} : vector<10000x64xf32>, vector<64x64xf32>, vector<10000x64xf32> -> vector<10000x64xf32>
    %concatenate3A = tpu.concatenate %add3A_40, %dot_general3A_45 in 1 : vector<10000x64xf32>, vector<10000x64xf32> -> vector<10000x128xf32>
    %swap3A_46 = arith.constant 0 : index
    %swap3A_47 = arith.constant 0 : index
    %swap3A_48 = vector.load %arg9[%swap3A_46, %swap3A_47] : memref<10000x128xf32, #tpu.memory_space<vmem>>, vector<10000x128xf32>
    tpu.vector_store %arg9[%swap3A_46, %swap3A_47], %concatenate3A {strides = array<i32>} : memref<10000x128xf32, #tpu.memory_space<vmem>>, vector<10000x128xf32>,
    return
  }
}

module attributes {stable_mosaic.version = 14 : i64} {
  func.func @_node_upd_body(%arg0: memref<10000x64xf32, #tpu.memory_space<vmem>>, %arg1: memref<2x10000x128xf32, #tpu.memory_space<vmem>>, %arg2: memref<64x64xf32, #tpu.memory_space<vmem>>, %arg3: memref<64x64xf32, #tpu.memory_space<vmem>>, %arg4: memref<1x64xf32, #tpu.memory_space<vmem>>, %arg5: memref<64x64xf32, #tpu.memory_space<vmem>>, %arg6: memref<64x64xf32, #tpu.memory_space<vmem>>, %arg7: memref<1x64xf32, #tpu.memory_space<vmem>>, %arg8: memref<10000x64xf32, #tpu.memory_space<vmem>>, %arg9: memref<10000x128xf32, #tpu.memory_space<vmem>>) attributes {dimension_semantics = [], scalar_prefetch = 0 : i64, scratch_operands = 0 : i64, tpu.core_type = #tpu.core_type<tc>} {
    %get3A = arith.constant 0 : index
    %get3A_0 = arith.constant 0 : index
    %get3A_1 = arith.constant 0 : index
    %get3A_2 = vector.load %arg1[%get3A, %get3A_0, %get3A_1] : memref<2x10000x128xf32, #tpu.memory_space<vmem>>, vector<1x10000x64xf32>
    %get3A_3 = vector.shape_cast %get3A_2 : vector<1x10000x64xf32> to vector<10000x64xf32>
    %get3A_4 = arith.constant 1 : index
    %get3A_5 = arith.constant 0 : index
    %get3A_6 = arith.constant 0 : index
    %get3A_7 = vector.load %arg1[%get3A_4, %get3A_5, %get3A_6] : memref<2x10000x128xf32, #tpu.memory_space<vmem>>, vector<1x10000x64xf32>
    %get3A_8 = vector.shape_cast %get3A_7 : vector<1x10000x64xf32> to vector<10000x64xf32>
    %add3A = arith.addf %get3A_3, %get3A_8 : vector<10000x64xf32>
    %get3A_9 = arith.constant 0 : index
    %get3A_10 = arith.constant 0 : index
    %get3A_11 = vector.load %arg0[%get3A_9, %get3A_10] : memref<10000x64xf32, #tpu.memory_space<vmem>>, vector<10000x64xf32>
    %get3A_12 = arith.constant 0 : index
    %get3A_13 = arith.constant 0 : index
    %get3A_14 = vector.load %arg2[%get3A_12, %get3A_13] : memref<64x64xf32, #tpu.memory_space<vmem>>, vector<64x64xf32>
    %dot_general3A = arith.constant dense<0.000000e+00> : vector<10000x64xf32>
    %dot_general3A_15 = tpu.matmul %get3A_11, %get3A_14, %dot_general3A {dimension_numbers = #tpu.dot_dimension_numbers<[1], [0], [0], [1], [0, 0, 1, 1], [], []>, transpose_lhs_hint = false} : vector<10000x64xf32>, vector<64x64xf32>, vector<10000x64xf32> -> vector<10000x64xf32>
    %get3A_16 = arith.constant 0 : index
    %get3A_17 = arith.constant 0 : index
    %get3A_18 = vector.load %arg3[%get3A_16, %get3A_17] : memref<64x64xf32, #tpu.memory_space<vmem>>, vector<64x64xf32>
    %dot_general3A_19 = arith.constant dense<0.000000e+00> : vector<10000x64xf32>
    %dot_general3A_20 = tpu.matmul %add3A, %get3A_18, %dot_general3A_19 {dimension_numbers = #tpu.dot_dimension_numbers<[1], [0], [0], [1], [0, 0, 1, 1], [], []>, transpose_lhs_hint = false} : vector<10000x64xf32>, vector<64x64xf32>, vector<10000x64xf32> -> vector<10000x64xf32>
    %add3A_21 = arith.addf %dot_general3A_15, %dot_general3A_20 : vector<10000x64xf32>
    %get3A_22 = arith.constant 0 : index
    %get3A_23 = arith.constant 0 : index
    %get3A_24 = vector.load %arg4[%get3A_22, %get3A_23] : memref<1x64xf32, #tpu.memory_space<vmem>>, vector<1x64xf32>
    %add3A_25 = vector.broadcast %get3A_24 : vector<1x64xf32> to vector<10000x64xf32>
    %add3A_26 = arith.addf %add3A_21, %add3A_25 : vector<10000x64xf32>
    %max3A = arith.constant 0.000000e+00 : f32
    %max3A_27 = vector.broadcast %max3A : f32 to vector<10000x64xf32>
    %max3A_28 = arith.maximumf %add3A_26, %max3A_27 : vector<10000x64xf32>
    %swap3A = arith.constant 0 : index
    %swap3A_29 = arith.constant 0 : index
    %swap3A_30 = vector.load %arg8[%swap3A, %swap3A_29] : memref<10000x64xf32, #tpu.memory_space<vmem>>, vector<10000x64xf32>
    tpu.vector_store %arg8[%swap3A, %swap3A_29], %max3A_28 {strides = array<i32>} : memref<10000x64xf32, #tpu.memory_space<vmem>>, vector<10000x64xf32>,
    %get3A_31 = arith.constant 0 : index
    %get3A_32 = arith.constant 0 : index
    %get3A_33 = vector.load %arg5[%get3A_31, %get3A_32] : memref<64x64xf32, #tpu.memory_space<vmem>>, vector<64x64xf32>
    %dot_general3A_34 = arith.constant dense<0.000000e+00> : vector<10000x64xf32>
    %dot_general3A_35 = tpu.matmul %max3A_28, %get3A_33, %dot_general3A_34 {dimension_numbers = #tpu.dot_dimension_numbers<[1], [0], [0], [1], [0, 0, 1, 1], [], []>, transpose_lhs_hint = false} : vector<10000x64xf32>, vector<64x64xf32>, vector<10000x64xf32> -> vector<10000x64xf32>
    %get3A_36 = arith.constant 0 : index
    %get3A_37 = arith.constant 0 : index
    %get3A_38 = vector.load %arg7[%get3A_36, %get3A_37] : memref<1x64xf32, #tpu.memory_space<vmem>>, vector<1x64xf32>
    %add3A_39 = vector.broadcast %get3A_38 : vector<1x64xf32> to vector<10000x64xf32>
    %add3A_40 = arith.addf %dot_general3A_35, %add3A_39 : vector<10000x64xf32>
    %get3A_41 = arith.constant 0 : index
    %get3A_42 = arith.constant 0 : index
    %get3A_43 = vector.load %arg6[%get3A_41, %get3A_42] : memref<64x64xf32, #tpu.memory_space<vmem>>, vector<64x64xf32>
    %dot_general3A_44 = arith.constant dense<0.000000e+00> : vector<10000x64xf32>
    %dot_general3A_45 = tpu.matmul %max3A_28, %get3A_43, %dot_general3A_44 {dimension_numbers = #tpu.dot_dimension_numbers<[1], [0], [0], [1], [0, 0, 1, 1], [], []>, transpose_lhs_hint = false} : vector<10000x64xf32>, vector<64x64xf32>, vector<10000x64xf32> -> vector<10000x64xf32>
    %concatenate3A = tpu.concatenate %add3A_40, %dot_general3A_45 in 1 : vector<10000x64xf32>, vector<10000x64xf32> -> vector<10000x128xf32>
    %swap3A_46 = arith.constant 0 : index
    %swap3A_47 = arith.constant 0 : index
    %swap3A_48 = vector.load %arg9[%swap3A_46, %swap3A_47] : memref<10000x128xf32, #tpu.memory_space<vmem>>, vector<10000x128xf32>
    tpu.vector_store %arg9[%swap3A_46, %swap3A_47], %concatenate3A {strides = array<i32>} : memref<10000x128xf32, #tpu.memory_space<vmem>>, vector<10000x128xf32>,
    return
  }
}

</mosaic_0001>

<sc_bundles>
// kernel: kernel.13.cloned.1.call-start
scs
__scs_entry_jumppad:
0x0: {  	(pc) =	sbr.rel $0x88, $3  }
0x1: {  	(tag) =	ssettag $0x0;
	lr =	simm.s32 $0x1  }
0x2: {  	[smem:$0x3F95] =	sst lr;
	_ =	strace $0xD0000000  }
0x3: {  	_ = 	snop  }
0x4: {  	_ = 	snop  }
0x5: {  	_ = 	snop  }
0x6: {  	_ = 	snop  }
0x7: {  	_ = 	snop  }
__scs_overlays_trampoline_lowered:
0x8: {  	[smem:$0x3FA4] =	sst s0  }
0x9: {  	[smem:$0x3FA5] =	sst s1  }
0xa: {  	[smem:$0x3FA6] =	sst s2  }
0xb: {  	[smem:$0x3FA7] =	sst s3  }
0xc: {  	[smem:$0x3FA8] =	sst s4  }
0xd: {  	[smem:$0x3FA9] =	sst s5  }
0xe: {  	[smem:$0x3FAA] =	sst s6  }
0xf: {  	[smem:$0x3FAB] =	sst s7  }
0x10: {  	[smem:$0x3FAC] =	sst s8  }
0x11: {  	[smem:$0x3FAD] =	sst s9;
	s0 =	simm.s32 @!p0 $0x0  }
0x12: {  	s1 =	sld [smem:$0x3F93];
	s0 =	simm.s32 @p0 $0x1  }
0x13: {  	[smem:$0x3FAE] =	sst s0;
	s0 =	simm.s32 @!p1 $0x0  }
0x14: {  	s2 =	sld [smem:$0x3F92];
	s0 =	simm.s32 @p1 $0x1  }
0x15: {  	[smem:$0x3FAF] =	sst s0;
	s0 =	simm.s32 @!p2 $0x0  }
0x16: {  	s3 =	sld [smem:$0x3FDB];
	s0 =	simm.s32 @p2 $0x1  }
0x17: {  	s4 =	simm.s32 $0x1BF5;
	[smem:$0x3FB1] =	sst s0  }
0x18: {  	s0 =	sld [smem:$0x3F94];
	_ =	swait.ge [sflag:s4], $0x0  }
0x19: {  	s7 =	sld [smem:$0x3F95]  }
0x1a: {  	s8 =	sadd.s32 $0xFFFFE003, lr  }
0x1b: {  	s9 =	sadd.s32 $0xFFFFFEF7, lr;
	s5 =	simm.s32 $0xFFFFFFFF;
	p2 =	slt.u32 s8, $0xFFFFF086  }
0x1c: {  	p1 =	slt.u32 s9, $0xF7A;
	s5 =	simm.s32 @!p2 $0x0  }
0x1d: {  	s5 =	simm.s32 @p1 $0x1;
	p0 =	seq.s32 s7, s2  }
0x1e: {  	s7 =	smul.u32 @!p0 $0xF7A, s2;
	p2 =	seq.s32 @!p0 s5, $0x0  }
0x1f: {  	s9 =	smul.u32 $0xF7A, s1;
	s8 =	simm.s32 @!p0 $0x1BF5;
	p2 =	por !p2, p0  }
0x20: {  	[sflag:s8] =	ssyncset.s32 @!p0 $0xFFFFF086;
	s6 =	sadd.s32 @!p0 s3, s7;
	s7 =	simm.s32 @!p0 $0x108  }
0x21: {  	s3 =	sadd.s32 s3, s9;
	s6 =	sadd.s32 @!p0 $0x88, s6;
	s7 =	simm.s32 @p2 $0x1082  }
0x22: {  	[simem:s7], [sflag:s8] =	dma.local @!p0 [hbm:s6], $0xF7A  }
0x23: {  	s9 =	sor.u32 $0xD0000000, s2;
	s6 =	simm.s32 $0x108;
	_ =	swait.ge @!p0 [sflag:s8], $0x0  }
0x24: {  	s3 =	sadd.s32 $0x88, s3;
	s6 =	simm.s32 @!p1 $0x1082;
	[sflag:s4] =	ssyncset.s32 $0xFFFFF086  }
0x25: {  	[simem:s6], [sflag:s4] =	dma.local [hbm:s3], $0xF7A  }
0x26: {  	[smem:$0x3F95] =	sst s1;
	(tag) =	ssettag s2;
	_ =	strace s9  }
0x27: {  	s1 =	sld [smem:$0x3FA5]  }
0x28: {  	s2 =	sld [smem:$0x3FA6]  }
0x29: {  	s4 =	sld [smem:$0x3FA8]  }
0x2a: {  	p0 =	seq.s32 s5, $0x0;
	s5 =	sld [smem:$0x3FA9]  }
0x2b: {  	s6 =	sld [smem:$0x3FAA]  }
0x2c: {  	s7 =	sld [smem:$0x3FAB]  }
0x2d: {  	s3 =	simm.s32 $0x108;
	s8 =	sld [smem:$0x3FAC]  }
0x2e: {  	s3 =	simm.s32 @!p0 $0x1082;
	s9 =	sld [smem:$0x3FAD]  }
0x2f: {  	lr =	sadd.s32 s0, s3;
	s0 =	sld [smem:$0x3FA4]  }
0x30: {  	s3 =	sld [smem:$0x3FA7]  }
0x31: {  	[smem:$0x3FB0] =	sst s10  }
0x32: {  	s10 =	sld [smem:$0x3FAE];
	_ =	sdelay $0x3  }
0x33: {  	p0 =	seq.s32 s10, $0x1;
	s10 =	sld [smem:$0x3FB0];
	_ =	sdelay $0x3  }
0x34: {  	[smem:$0x3FB0] =	sst s10  }
0x35: {  	s10 =	sld [smem:$0x3FAF];
	_ =	sdelay $0x3  }
0x36: {  	p1 =	seq.s32 s10, $0x1;
	s10 =	sld [smem:$0x3FB0];
	_ =	sdelay $0x3  }
0x37: {  	[smem:$0x3FB0] =	sst s10  }
0x38: {  	s10 =	sld [smem:$0x3FB1]  }
0x39: {  	_ = 	snop;
	(pc) =	sbr.ind lr, $3  }
0x3a: {  	_ = 	snop  }
0x3b: {  	_ = 	snop  }
0x3c: {  	p2 =	seq.s32 s10, $0x1;
	s10 =	sld [smem:$0x3FB0]  }
0x3d: {  	_ =	shalt  }
0x3e: {  	_ =	shalt  }
0x3f: {  	_ =	shalt  }
0x40: {  	_ =	shalt  }
0x41: {  	_ =	shalt  }
0x42: {  	_ =	shalt  }
0x43: {  	_ =	shalt  }
0x44: {  	_ =	shalt  }
0x45: {  	_ =	shalt  }
0x46: {  	_ =	shalt  }
0x47: {  	_ =	shalt  }
0x48: {  	_ =	shalt  }
0x49: {  	_ =	shalt  }
0x4a: {  	_ =	shalt  }
0x4b: {  	_ =	shalt  }
0x4c: {  	_ =	shalt  }
0x4d: {  	_ =	shalt  }
0x4e: {  	_ =	shalt  }
0x4f: {  	_ =	shalt  }
0x50: {  	_ =	shalt  }
0x51: {  	_ =	shalt  }
0x52: {  	_ =	shalt  }
0x53: {  	_ =	shalt  }
0x54: {  	_ =	shalt  }
0x55: {  	_ =	shalt  }
0x56: {  	_ =	shalt  }
0x57: {  	_ =	shalt  }
0x58: {  	_ =	shalt  }
0x59: {  	_ =	shalt  }
0x5a: {  	_ =	shalt  }
0x5b: {  	_ =	shalt  }
0x5c: {  	_ =	shalt  }
0x5d: {  	_ =	shalt  }
0x5e: {  	_ =	shalt  }
0x5f: {  	_ =	shalt  }
0x60: {  	_ =	shalt  }
0x61: {  	_ =	shalt  }
0x62: {  	_ =	shalt  }
0x63: {  	_ =	shalt  }
0x64: {  	_ =	shalt  }
0x65: {  	_ =	shalt  }
0x66: {  	_ =	shalt  }
0x67: {  	_ =	shalt  }
0x68: {  	_ =	shalt  }
0x69: {  	_ =	shalt  }
0x6a: {  	_ =	shalt  }
0x6b: {  	_ =	shalt  }
0x6c: {  	_ =	shalt  }
0x6d: {  	_ =	shalt  }
0x6e: {  	_ =	shalt  }
0x6f: {  	_ =	shalt  }
0x70: {  	_ =	shalt  }
0x71: {  	_ =	shalt  }
0x72: {  	_ =	shalt  }
0x73: {  	_ =	shalt  }
0x74: {  	_ =	shalt  }
0x75: {  	_ =	shalt  }
0x76: {  	_ =	shalt  }
0x77: {  	_ =	shalt  }
0x78: {  	_ =	shalt  }
0x79: {  	_ =	shalt  }
0x7a: {  	_ =	shalt  }
0x7b: {  	_ =	shalt  }
0x7c: {  	_ =	shalt  }
0x7d: {  	_ =	shalt  }
0x7e: {  	_ =	shalt  }
0x7f: {  	_ =	shalt  }
0x80: {  	_ =	shalt  }
0x81: {  	_ =	shalt  }
0x82: {  	_ =	shalt  }
0x83: {  	_ =	shalt  }
0x84: {  	_ =	shalt  }
0x85: {  	_ =	shalt  }
0x86: {  	_ =	shalt  }
0x87: {  	_ =	shalt  }
.Lfunc_end0:
.L_simem_size_0:
called_computation.1_lowered:
.L_overlay_start_0:
0x88: {  	s2 =	sld [smem:$0x3FD9]  }
0x89: {  	s3 =	sld [smem:$0x3FFE];
	_ =	sdelay $0x1  }
0x8a: {  	s1 =	srdreg.scid  }
0x8b: {  	s0 =	sand.u32 $0x1, s1  }
0x8c: {  	s17 =	sshll.u32 s0, $0xA;
	s2 =	sadd.s32 s3, s2  }
0x8d: {  	s2 =	sadd.s32 s2, s17  }
0x8e: {  	[smem:$0x3FBC] =	sst s2  }
0x8f: {  	_ = 	snop  }
0x90: {  	s2 =	sld [smem:$0x3FD0];
	(tm) =	ssettm $0x1  }
0x91: {  	s18 =	sld [smem:$0x3FFB];
	_ =	sdelay $0x3  }
0x92: {  	_ =	strace s18  }
0x93: {  	s3 =	sld [smem:$0x3FFC];
	_ =	sdelay $0x3  }
0x94: {  	_ =	strace s3  }
0x95: {  	s3 =	sld [smem:$0x3FFD];
	_ =	sdelay $0x3  }
0x96: {  	_ =	strace s3  }
0x97: {  	_ =	strace $0x8FFFFFFF  }
0x98: {  	s19 =	sld [smem:$0x3FDB];
	_ =	sdelay $0x1  }
0x99: {  	s4 =	simm.s32 $_scs_section_size  }
0x9a: {  	s5 =	simm.s32 $_size__tile_overlayer_lowered;
	s6 =	simm.s32 $_tile_overlayer_lowered  }
0x9b: {  	s22 =	simm.s32 $0x1BFF;
	s21 =	sshll.u32 s6, $0x1;
	s3 =	sadd.s32 s4, s19  }
0x9c: {  	s7 =	simm.s32 $0x0;
	s20 =	sshll.u32 s5, $0x1;
	s5 =	sadd.s32 s21, s3  }
0x9d: {  	[timem:s7], [sflag:s22] =	dma.local [hbm:s5], s20  }
0x9e: {  	_ =	swait.ge [sflag:s22], s20  }
0x9f: {  	s4 =	ssub.s32 $0x0, s20;
	[sflag:s22] =	ssyncset.done $0x0  }
0xa0: {  	[sflag:s22] =	ssyncadd.s32 s4;
	_ =	sdelay $0x1  }
0xa1: {  	s23 =	simm.s32 $0x1B8B  }
0xa2: {  	_ =	swait.ge [sflag:s23], $0x1  }
0xa3: {  	[sflag:s23] =	ssyncset.done $0x0  }
0xa4: {  	s25 =	simm.s32 $0x1B8E;
	s24 =	sld [smem:$0x3FFE];
	[sflag:s23] =	ssyncadd.s32 $0xFFFFFFFF  }
0xa5: {  	s26 =	simm.s32 $execute0_lowered;
	[smem:$0x3FD2] =	sst s25  }
0xa6: {  	s5 =	sshll.u32 s26, $0x1;
	_ =	strace $0x80000046;
	[dreg:$0x1] =	wrdreg $0xFFFFFFFF  }
0xa7: {  	s28 =	simm.s32 $_size_execute0_lowered;
	s3 =	sadd.s32 s3, s5;
	[dreg:$0x0] =	wrdreg $0x0  }
0xa8: {  	s5 =	sshll.u32 s28, $0x1;
	[dreg:$0x2] =	wrdreg s3  }
0xa9: {  	[dreg:$0x3] =	wrdreg s5  }
0xaa: {  	[dreg:$0x4] =	wrdreg $0xC0  }
0xab: {  	_ =	task [dreg:s7], $0x5FFFF  }
0xac: {  	[dreg:$0x1] =	wrdreg $0xFFFFFFFF  }
0xad: {  	[dreg:$0x0] =	wrdreg $0x60  }
0xae: {  	[dreg:$0x2] =	wrdreg s24  }
0xaf: {  	[dreg:$0x3] =	wrdreg s2  }
0xb0: {  	[dreg:$0x4] =	wrdreg $0x79000  }
0xb1: {  	[dreg:$0x5] =	wrdreg $0x9  }
0xb2: {  	_ =	task.clear_ibuf [dreg:s7], $0x6FFFF;
	_ =	strace $0x90000046  }
0xb3: {  	s29 =	simm.s32 $0x9;
	_ =	strace $0x80000048  }
0xb4: {  	_ =	swait.ge [sflag:s29], $0x1  }
0xb5: {  	[sflag:s29] =	ssyncadd.s32 $0xFFFFFFFF  }
0xb6: {  	_ =	strace $0x90000048  }
0xb7: {  	_ =	sfence  }
0xb8: {  	s30 =	sld [smem:$0x0];
	_ =	sdelay $0x2  }
0xb9: {  	s31 =	sshll.u32 s1, $0xD;
	s1 =	sshrl.u32 s1, $0x2  }
0xba: {  	s3 =	sand.u32 $0x4000, s31;
	s1 =	sadd.s32 s1, s30  }
0xbb: {  	s0 =	sor.u32 s3, s0;
	s1 =	sshll.u32 s1, $0x11  }
0xbc: {  	s0 =	sor.u32 s1, s0  }
0xbd: {  	s0 =	sadd.s32 $0x8F2B, s0  }
0xbe: {  	[sflag:s0] =	ssyncadd.remote.s32 $0x1  }
0xbf: {  	_ =	sfence.sel $0xFFFF  }
0xc0: {  	[dreg:$0x0] =	wrdreg $0xFFFFFFFF;
	(pc) =	sbr.abs _section_cstart, $3  }
0xc1: {  	[dreg:$0x1] =	wrdreg $0xFFFFFFFF  }
0xc2: {  	_ =	task.clear_ibuf [dreg:s7], $0x2FFFF;
	_ =	strace $0x9FFFFFFF  }
0xc3: {  	(tm) =	ssettm $0x7FFFFFFF  }
tec
execute0_lowered:
.L_overlay_start_1:
0x0: {  	(tag) =	ssettag $0x1  }
0x1: {  	s0 =	rddreg [dreg:$0x0]  }
0x2: {  	s1 =	rddreg [dreg:$0x1]  }
0x3: {  	s2 =	rddreg [dreg:$0x2];
	s3 =	simm.s32 $0x0  }
0x4: {  	s5 =	srdreg.scid;
	s13 =	stileid.u32;
	s22 =	simm.s32 $0x100  }
0x5: {  	s23 =	simm.s32 $0x1;
	s24 =	simm.s32 $0x80;
	s28 =	simm.s32 $0x2900  }
0x6: {  	s29 =	simm.s32 $0x0;
	s30 =	simm.s32 $0x0;
	[smem:$0x7FF] =	sst s3  }
0x7: {  	s4 =	sadd.s32 $0x4F1200, s0;
	s6 =	sadd.s32 $0xF200, s0;
	s7 =	sadd.s32 $0x5400, s0  }
0x8: {  	s8 =	sadd.s32 $0x53F600, s0;
	s5 =	sand.u32 $0x1, s5;
	s10 =	smul.u32 $0x4E000, s13  }
0x9: {  	s9 =	sshll.u32 s13, $0x1;
	s0 =	sadd.s32 $0xA21600, s0;
	s31 =	smul.u32 $0x13800, s13  }
0xa: {  	s18 =	sadd.s32 $0x138000, s2;
	p0 =	sne.s32 s13, $0xF;
	_ =	strace $0x80000047  }
0xb: {  	s11 =	ssub.s32 $0x2, s5;
	s9 =	sor.u32 s5, s9;
	s5 =	smul.u32 $0x138800, s5  }
0xc: {  	s12 =	sshrl.u32 s11, $0x1;
	s9 =	smul.u32 $0x2710, s9;
	s10 =	sshrl.u32 s10, $0x2  }
0xd: {  	s11 =	ssub.s32 s11, s12;
	s10 =	sadd.s32 s10, s2;
	s12 =	sadd.s32 s31, s5  }
0xe: {  	s5 =	sshrl.u32 s5, $0x3;
	s25 =	sadd.s32 $0x2800, s10;
	s26 =	sadd.s32 $0x5000, s10  }
0xf: {  	s14 =	sadd.s32 $0x7800, s10;
	s15 =	sadd.s32 $0xC800, s10;
	s16 =	sadd.s32 $0xF000, s10  }
0x10: {  	s17 =	sadd.s32 $0x11800, s10;
	s12 =	sshrl.u32 s12, $0x3;
	[dreg:$0x4] =	wrdreg s25  }
0x11: {  	s5 =	sadd.s32 s0, s5;
	s21 =	smax.u32 s11, $0x1;
	[dreg:$0x5] =	wrdreg s26  }
0x12: {  	[dreg:$0x6] =	wrdreg s14;
	s14 =	sadd.s32 $0xA000, s10;
	s19 =	sadd.s32 s0, s12  }
0x13: {  	v0 =	vimm.f32 $0.0e+00;
	s20 =	sadd.s32 $0x27000, s5;
	s25 =	simm.s32 $0x5100;
	s26 =	simm.s32 $0x50  }
.LBB2_1:
0x14: {  	s0 =	simm.s32 $0x0;
	s5 =	simm.s32 $0x200  }
.LBB2_2:
0x15: {  	p1 =	sne.s32 s5, $0x9E00;
	[tilespmem:s0+$0x170] =	vst v0  }
0x16: {  	[tilespmem:s0+$0x100] =	vst v0  }
0x17: {  	[tilespmem:s0+$0x110] =	vst v0  }
.Ltmp0:
0x18: {  	[tilespmem:s0+$0x120] =	vst v0;
	(pc) =	sbr.rel @p1 .LBB2_2-.Ltmp0, $4  }
0x19: {  	[tilespmem:s0+$0x130] =	vst v0  }
0x1a: {  	[tilespmem:s0+$0x140] =	vst v0  }
0x1b: {  	[tilespmem:s0+$0x150] =	vst v0  }
0x1c: {  	[tilespmem:s0+$0x160] =	vst v0;
	s0 =	sshra.s32 s5, $0x2;
	s5 =	sadd.s32 $0x200, s5  }
0x1d: {  	[tilespmem:s0+$0x170] =	vst v0  }
0x1e: {  	[tilespmem:s0+$0x100] =	vst v0  }
0x1f: {  	[tilespmem:s0+$0x110] =	vst v0  }
0x20: {  	[tilespmem:s0+$0x120] =	vst v0  }
0x21: {  	[tilespmem:s0+$0x130] =	vst v0  }
0x22: {  	[tilespmem:s0+$0x140] =	vst v0  }
0x23: {  	[tilespmem:s0+$0x150] =	vst v0  }
0x24: {  	[tilespmem:s0+$0x160] =	vst v0  }
0x25: {  	[spmem:s10] =	stream.linear.scatter [tilespmem:s22], [sflag:$0x1], $0x2800, $0x38;
	[tilespmem:$0x1B180] =	vst v63  }
0x26: {  	_ =	swait.ge [sflag:s23], $0x2800  }
0x27: {  	[sflag:s23] =	ssyncset.done $0x0  }
0x28: {  	s11 =	rddreg [dreg:$0x4];
	[sflag:s23] =	ssyncadd.s32 $0xFFFFD800  }
0x29: {  	[spmem:s11] =	stream.linear.scatter [tilespmem:s22], [sflag:$0x1], $0x2800, $0x38;
	[tilespmem:$0x1B180] =	vst v63  }
0x2a: {  	_ =	swait.ge [sflag:s23], $0x2800  }
0x2b: {  	[sflag:s23] =	ssyncset.done $0x0  }
0x2c: {  	s12 =	rddreg [dreg:$0x5];
	[sflag:s23] =	ssyncadd.s32 $0xFFFFD800  }
0x2d: {  	[spmem:s12] =	stream.linear.scatter [tilespmem:s22], [sflag:$0x1], $0x2800, $0x38;
	[tilespmem:$0x1B180] =	vst v63  }
0x2e: {  	_ =	swait.ge [sflag:s23], $0x2800  }
0x2f: {  	[sflag:s23] =	ssyncset.done $0x0  }
0x30: {  	s13 =	rddreg [dreg:$0x6];
	[sflag:s23] =	ssyncadd.s32 $0xFFFFD800  }
0x31: {  	[spmem:s13] =	stream.linear.scatter [tilespmem:s22], [sflag:$0x1], $0x2800, $0x38;
	[tilespmem:$0x1B180] =	vst v63  }
0x32: {  	_ =	swait.ge [sflag:s23], $0x2800  }
0x33: {  	[sflag:s23] =	ssyncset.done $0x0  }
0x34: {  	[sflag:s23] =	ssyncadd.s32 $0xFFFFD800  }
0x35: {  	[spmem:s14] =	stream.linear.scatter [tilespmem:s22], [sflag:$0x1], $0x2800, $0x38;
	[tilespmem:$0x1B180] =	vst v63  }
0x36: {  	_ =	swait.ge [sflag:s23], $0x2800  }
0x37: {  	[sflag:s23] =	ssyncset.done $0x0  }
0x38: {  	[sflag:s23] =	ssyncadd.s32 $0xFFFFD800  }
0x39: {  	[spmem:s15] =	stream.linear.scatter [tilespmem:s22], [sflag:$0x1], $0x2800, $0x38;
	[tilespmem:$0x1B180] =	vst v63  }
0x3a: {  	_ =	swait.ge [sflag:s23], $0x2800  }
0x3b: {  	[sflag:s23] =	ssyncset.done $0x0  }
0x3c: {  	[sflag:s23] =	ssyncadd.s32 $0xFFFFD800  }
0x3d: {  	[spmem:s16] =	stream.linear.scatter [tilespmem:s22], [sflag:$0x1], $0x2800, $0x38;
	[tilespmem:$0x1B180] =	vst v63  }
0x3e: {  	_ =	swait.ge [sflag:s23], $0x2800  }
0x3f: {  	[sflag:s23] =	ssyncset.done $0x0  }
0x40: {  	[sflag:s23] =	ssyncadd.s32 $0xFFFFD800  }
0x41: {  	[spmem:s17] =	stream.linear.scatter [tilespmem:s22], [sflag:$0x1], $0x2000, $0x38;
	[tilespmem:$0x1B180] =	vst v63  }
0x42: {  	_ =	swait.ge [sflag:s23], $0x2000  }
0x43: {  	[sflag:s23] =	ssyncset.done $0x0  }
0x44: {  	s0 =	simm.s32 @!p0 $0x100;
	[sflag:s23] =	ssyncadd.s32 $0xFFFFE000  }
0x45: {  	[spmem:s18] =	stream.linear.scatter @!p0 [tilespmem:s0], [sflag:$0x1], $0x800, $0x38;
	[tilespmem:$0x1B180] =	vst v63  }
0x46: {  	s0 =	simm.s32 @!p0 $0x1  }
0x47: {  	_ =	swait.ge @!p0 [sflag:s0], $0x800  }
0x48: {  	[sflag:s0] =	ssyncset.done @!p0 $0x0  }
0x49: {  	[sflag:s0] =	ssyncadd.s32 @!p0 $0xFFFFF800  }
0x4a: {  	s31 =	simm.s32 $0x0;
	[bflag:$0x0] =	sbarrier.arrive $0xFFFF  }
.LBB2_4:
0x4b: {  	s0 =	smul.u32 $0x50, s31;
	_ =	sdelay $0x1  }
0x4c: {  	s0 =	sadd.s32 s9, s0  }
0x4d: {  	s5 =	sshrl.u32 s0, $0x3  }
0x4e: {  	s11 =	sadd.s32 s7, s5  }
0x4f: {  	[tilespmem:s30], [sflag:$0x1] =	stream.linear.gather [hbm4b:s11+s30], $0x50, $0x38;
	[tilespmem:$0x1B180] =	vst v63  }
0x50: {  	_ =	swait.ge [sflag:s23], $0x50  }
0x51: {  	[sflag:s23] =	ssyncset.done $0x0  }
0x52: {  	s5 =	sadd.s32 s1, s5;
	[sflag:s23] =	ssyncadd.s32 $0xFFFFFFB0  }
0x53: {  	[tilespmem:s24], [sflag:$0x1] =	stream.linear.gather [hbm4b:s5+s30], $0x50, $0x38;
	[tilespmem:$0x1B180] =	vst v63  }
0x54: {  	_ =	swait.ge [sflag:s23], $0x50  }
0x55: {  	s0 =	sshll.u32 s0, $0x4;
	[sflag:s23] =	ssyncset.done $0x0  }
0x56: {  	s13 =	sadd.s32 s6, s0;
	[sflag:s23] =	ssyncadd.s32 $0xFFFFFFB0  }
0x57: {  	[tilespmem:s25], [sflag:$0x1] =	stream.linear.gather [hbm4b:s13+s30], $0x2800, $0x38;
	[tilespmem:$0x1B180] =	vst v63  }
0x58: {  	_ =	swait.ge [sflag:s23], $0x2800  }
0x59: {  	[sflag:s23] =	ssyncset.done $0x0  }
0x5a: {  	[sflag:s23] =	ssyncadd.s32 $0xFFFFD800  }
0x5b: {  	[tilespmem:s22], [sflag:$0x1] =	stream.indirect.gather [hbm4b:s4+s26], $0x80, s30, s26, $0xb8;
	[tilespmem:$0x1B180] =	vst v63  }
0x5c: {  	_ =	swait.ge [sflag:s23], $0x2800  }
0x5d: {  	[sflag:s23] =	ssyncset.done $0x0  }
0x5e: {  	[sflag:s23] =	ssyncadd.s32 $0xFFFFD800  }
0x5f: {  	[tilespmem:s28], [sflag:$0x1] =	stream.indirect.gather [hbm4b:s4+s26], $0x80, s24, s26, $0xb8;
	[tilespmem:$0x1B180] =	vst v63  }
0x60: {  	_ =	swait.ge [sflag:s23], $0x2800  }
0x61: {  	[sflag:s23] =	ssyncset.done $0x0  }
0x62: {  	s11 =	simm.s32 $0x0;
	[sflag:s23] =	ssyncadd.s32 $0xFFFFD800  }
0x63: {  	v1 =	vld [tilespmem:s11+$0x2940]  }
0x64: {  	v3 =	vld [tilespmem:s11+$0x100]  }
0x65: {  	v2 =	vld [tilespmem:s11+$0x2950]  }
0x66: {  	v4 =	vld [tilespmem:s11+$0x5100]  }
0x67: {  	v5 =	vld [tilespmem:s11+$0x2970]  }
0x68: {  	v6 =	vld [tilespmem:s11+$0x5130]  }
0x69: {  	v7 =	vld [tilespmem:s11+$0x130];
	v3 =	vadd.f32 v1, v3  }
0x6a: {  	v9 =	vld [tilespmem:s11+$0x2960]  }
0x6b: {  	v10 =	vld [tilespmem:s11+$0x120];
	v3 =	vadd.f32 v4, v3  }
0x6c: {  	s5 =	simm.s32 $0x80;
	v8 =	vld [tilespmem:s11+$0x110]  }
0x6d: {  	v1 =	vld [tilespmem:s5+$0x2940];
	v3 =	vmax.f32 v3, $0.0e+00  }
0x6e: {  	v11 =	vadd.f32 v5, v7;
	v4 =	vld [tilespmem:s11+$0x5120];
	[tilespmem:s11+$0x5100] =	vst v3  }
0x6f: {  	v5 =	vld [tilespmem:s11+$0x5110];
	[tilespmem:s11+$0x100] =	vst v3  }
0x70: {  	v11 =	vadd.f32 v6, v11;
	v7 =	vld [tilespmem:s5+$0x100]  }
0x71: {  	v9 =	vadd.f32 v9, v10;
	v3 =	vld [tilespmem:s5+$0x2950]  }
0x72: {  	s12 =	simm.s32 $0x400;
	v10 =	vmax.f32 v11, $0.0e+00;
	v6 =	vld [tilespmem:s5+$0x5100]  }
.LBB2_5:
0x73: {  	s13 =	sshra.s32 s12, $0x2;
	p1 =	sne.s32 s12, $0x9E00;
	s12 =	sadd.s32 $0x200, s12;
	v11 =	vld [tilespmem:s5+$0x2970];
	v8 =	vadd.f32 v2, v8;
	v4 =	vadd.f32 v4, v9;
	[tilespmem:s11+$0x5130] =	vst v10  }
0x74: {  	v9 =	vld [tilespmem:s5+$0x5130];
	[tilespmem:s11+$0x130] =	vst v10  }
0x75: {  	v7 =	vadd.f32 v1, v7;
	v10 =	vld [tilespmem:s5+$0x130];
	v5 =	vadd.f32 v5, v8;
	v4 =	vmax.f32 v4, $0.0e+00  }
0x76: {  	v12 =	vld [tilespmem:s5+$0x2960];
	[tilespmem:s11+$0x5120] =	vst v4;
	v2 =	vmov v3  }
0x77: {  	v1 =	vld [tilespmem:s13+$0x2940];
	v3 =	vadd.f32 v6, v7;
	v5 =	vmax.f32 v5, $0.0e+00;
	[tilespmem:s11+$0x120] =	vst v4  }
0x78: {  	v6 =	vld [tilespmem:s5+$0x120];
	[tilespmem:s11+$0x5110] =	vst v5  }
0x79: {  	v3 =	vmax.f32 v3, $0.0e+00;
	v4 =	vld [tilespmem:s5+$0x5120];
	[tilespmem:s11+$0x110] =	vst v5;
	s11 =	smov.u32 s5;
	s5 =	smov.u32 s13  }
.Ltmp1:
0x7a: {  	[tilespmem:s11+$0x5100] =	vst v3;
	v8 =	vld [tilespmem:s11+$0x110];
	v10 =	vadd.f32 v11, v10;
	(pc) =	sbr.rel @p1 .LBB2_5-.Ltmp1, $4  }
0x7b: {  	[tilespmem:s11+$0x100] =	vst v3;
	v5 =	vld [tilespmem:s11+$0x5110]  }
0x7c: {  	v7 =	vld [tilespmem:s5+$0x100];
	v10 =	vadd.f32 v9, v10  }
0x7d: {  	v3 =	vld [tilespmem:s5+$0x2950];
	v9 =	vadd.f32 v12, v6  }
0x7e: {  	v6 =	vld [tilespmem:s5+$0x5100];
	v10 =	vmax.f32 v10, $0.0e+00  }
0x7f: {  	v11 =	vld [tilespmem:s5+$0x2970];
	[tilespmem:s11+$0x5130] =	vst v10;
	v4 =	vadd.f32 v4, v9;
	v2 =	vadd.f32 v2, v8  }
0x80: {  	v12 =	vld [tilespmem:s5+$0x5130];
	[tilespmem:s11+$0x130] =	vst v10  }
0x81: {  	v60 =	vld [tilespmem:s5+$0x130];
	v4 =	vmax.f32 v4, $0.0e+00;
	v2 =	vadd.f32 v5, v2  }
0x82: {  	v61 =	vld [tilespmem:s5+$0x2960];
	v1 =	vadd.f32 v1, v7;
	[tilespmem:s11+$0x5120] =	vst v4  }
0x83: {  	[tilespmem:s11+$0x120] =	vst v4;
	v2 =	vmax.f32 v2, $0.0e+00  }
0x84: {  	v4 =	vld [tilespmem:s5+$0x120];
	v1 =	vadd.f32 v6, v1;
	[tilespmem:s11+$0x5110] =	vst v2  }
0x85: {  	v62 =	vld [tilespmem:s5+$0x5120];
	[tilespmem:s11+$0x110] =	vst v2  }
0x86: {  	v1 =	vmax.f32 v1, $0.0e+00;
	v2 =	vld [tilespmem:s5+$0x110]  }
0x87: {  	[tilespmem:s5+$0x5100] =	vst v1;
	v63 =	vadd.f32 v11, v60  }
0x88: {  	[tilespmem:s5+$0x100] =	vst v1;
	v1 =	vld [tilespmem:s5+$0x5110]  }
0x89: {  	v6 =	vadd.f32 v12, v63;
	v4 =	vadd.f32 v61, v4;
	_ =	sdelay $0x1  }
0x8a: {  	v6 =	vmax.f32 v6, $0.0e+00;
	v2 =	vadd.f32 v3, v2;
	v3 =	vadd.f32 v62, v4  }
0x8b: {  	[tilespmem:s5+$0x5130] =	vst v6  }
0x8c: {  	[tilespmem:s5+$0x130] =	vst v6;
	v1 =	vadd.f32 v1, v2;
	v2 =	vmax.f32 v3, $0.0e+00  }
0x8d: {  	[tilespmem:s5+$0x5120] =	vst v2  }
0x8e: {  	[tilespmem:s5+$0x120] =	vst v2;
	v1 =	vmax.f32 v1, $0.0e+00  }
0x8f: {  	[tilespmem:s5+$0x5110] =	vst v1  }
0x90: {  	s0 =	sadd.s32 s8, s0;
	[tilespmem:s5+$0x110] =	vst v1  }
0x91: {  	[hbm4b:s0+s3] =	stream.linear.scatter [tilespmem:s25], [sflag:$0x1], $0x2800, $0x38;
	[tilespmem:$0x1B180] =	vst v63  }
0x92: {  	s31 =	sadd.s32 $0x1, s31;
	_ =	swait.ge [sflag:s23], $0x2800  }
0x93: {  	p1 =	sne.s32 s31, $0x7D;
	[sflag:s23] =	ssyncset.done $0x0  }
.Ltmp2:
0x94: {  	[sflag:s23] =	ssyncadd.s32 $0xFFFFD800;
	(pc) =	sbr.rel @p1 .LBB2_4-.Ltmp2, $4  }
0x95: {  	[spmem:s2] =	stream.indirect.scatter.add.f32 [tilespmem:s22], [sflag:$0x1], $0x80, s24, s26, $0xb8;
	[tilespmem:$0x1B180] =	vst v63  }
0x96: {  	_ =	swait.ge [sflag:s23], $0x2800  }
0x97: {  	[sflag:s23] =	ssyncset.done $0x0  }
0x98: {  	[sflag:s23] =	ssyncadd.s32 $0xFFFFD800  }
0x99: {  	s0 =	stileid.u32  }
0x9a: {  	s0 =	sshll.u32 s0, $0x6  }
0x9b: {  	[bflag:$0x0] =	sbarrier.arrive $0xFFFF;
	s5 =	sshrl.u32 s10, $0x3;
	s0 =	sor.u32 $0x1C01, s0  }
0x9c: {  	[hbm:s19], [sflag:s0] =	dma.local [spmem:s5], $0x2700  }
0x9d: {  	_ =	swait.ge [sflag:s23], $0x2700  }
0x9e: {  	s29 =	sadd.s32 $0x1, s29;
	[sflag:s23] =	ssyncset.done $0x0  }
0x9f: {  	p1 =	sne.s32 s29, s21;
	s5 =	sshrl.u32 @!p0 s18, $0x3;
	[sflag:s23] =	ssyncadd.s32 $0xFFFFD900  }
0xa0: {  	[hbm:s20], [sflag:s0] =	dma.local @!p0 [spmem:s5], $0x100  }
.Ltmp3:
0xa1: {  	_ = 	snop;
	(pc) =	sbr.rel @p1 .LBB2_1-.Ltmp3, $4  }
0xa2: {  	s0 =	simm.s32 @!p0 $0x1  }
0xa3: {  	_ =	swait.ge @!p0 [sflag:s0], $0x100  }
0xa4: {  	[sflag:s0] =	ssyncset.done @!p0 $0x0  }
0xa5: {  	[sflag:s0] =	ssyncadd.s32 @!p0 $0xFFFFFF00  }
0xa6: {  	_ =	sfence.sel $0x180000  }
0xa7: {  	[bflag:$0x0] =	sbarrier.arrive $0xFFFF  }
0xa8: {  	_ =	strace $0x90000047  }
0xa9: {  	s0 =	stileid.u32;
	[bflag:$0x2] =	sbarrier.arrive $0xFFFF  }
0xaa: {  	p0 =	sne.s32 s0, $0x0;
	s0 =	rddreg [dreg:$0x3]  }
0xab: {  	s0 =	sadd.s32 @!p0 $0x100000, s0  }
0xac: {  	[sflag:s0] =	ssyncadd.tile.s32 @!p0 $0x1;
	_ =	shalt  }
.Lfunc_end2:
_tile_overlayer_lowered:
.L_overlay_start_2:
0xad: {  	(tag) =	ssettag $0x2  }
0xae: {  	s0 =	rddreg [dreg:$0x0];
	s2 =	stileid.u32  }
0xaf: {  	s1 =	rddreg [dreg:$0x1];
	p0 =	sne.s32 s2, $0x0  }
0xb0: {  	s3 =	rddreg [dreg:$0x2];
	[bflag:$0x3] =	sbarrier.arrive $0xFFFF;
	s2 =	simm.s32 @!p0 $0x1C01  }
0xb1: {  	[timem:s3], [sflag:s2] =	dma.local @!p0 [hbm:s0], s1  }
0xb2: {  	s0 =	simm.s32 @!p0 $0x1  }
0xb3: {  	_ =	swait.ge @!p0 [sflag:s0], s1  }
0xb4: {  	s1 =	ssub.s32 @!p0 $0x0, s1;
	[sflag:s0] =	ssyncset.done @!p0 $0x0  }
0xb5: {  	[sflag:s0] =	ssyncadd.s32 @!p0 s1  }
0xb6: {  	[bflag:$0x3] =	sbarrier.arrive $0xFFFF  }
0xb7: {  	_ =	shalt  }

// kernel: kernel.16.cloned.1.call-start
scs
__scs_entry_jumppad:
0x0: {  	(pc) =	sbr.rel $0x88, $3  }
0x1: {  	(tag) =	ssettag $0x0;
	lr =	simm.s32 $0x1  }
0x2: {  	[smem:$0x3F95] =	sst lr;
	_ =	strace $0xD0000000  }
0x3: {  	_ = 	snop  }
0x4: {  	_ = 	snop  }
0x5: {  	_ = 	snop  }
0x6: {  	_ = 	snop  }
0x7: {  	_ = 	snop  }
__scs_overlays_trampoline_lowered:
0x8: {  	[smem:$0x3FA4] =	sst s0  }
0x9: {  	[smem:$0x3FA5] =	sst s1  }
0xa: {  	[smem:$0x3FA6] =	sst s2  }
0xb: {  	[smem:$0x3FA7] =	sst s3  }
0xc: {  	[smem:$0x3FA8] =	sst s4  }
0xd: {  	[smem:$0x3FA9] =	sst s5  }
0xe: {  	[smem:$0x3FAA] =	sst s6  }
0xf: {  	[smem:$0x3FAB] =	sst s7  }
0x10: {  	[smem:$0x3FAC] =	sst s8  }
0x11: {  	[smem:$0x3FAD] =	sst s9;
	s0 =	simm.s32 @!p0 $0x0  }
0x12: {  	s1 =	sld [smem:$0x3F93];
	s0 =	simm.s32 @p0 $0x1  }
0x13: {  	[smem:$0x3FAE] =	sst s0;
	s0 =	simm.s32 @!p1 $0x0  }
0x14: {  	s2 =	sld [smem:$0x3F92];
	s0 =	simm.s32 @p1 $0x1  }
0x15: {  	[smem:$0x3FAF] =	sst s0;
	s0 =	simm.s32 @!p2 $0x0  }
0x16: {  	s3 =	sld [smem:$0x3FDB];
	s0 =	simm.s32 @p2 $0x1  }
0x17: {  	s4 =	simm.s32 $0x1BF5;
	[smem:$0x3FB1] =	sst s0  }
0x18: {  	s0 =	sld [smem:$0x3F94];
	_ =	swait.ge [sflag:s4], $0x0  }
0x19: {  	s7 =	sld [smem:$0x3F95]  }
0x1a: {  	s8 =	sadd.s32 $0xFFFFE003, lr  }
0x1b: {  	s9 =	sadd.s32 $0xFFFFFEF7, lr;
	s5 =	simm.s32 $0xFFFFFFFF;
	p2 =	slt.u32 s8, $0xFFFFF086  }
0x1c: {  	p1 =	slt.u32 s9, $0xF7A;
	s5 =	simm.s32 @!p2 $0x0  }
0x1d: {  	s5 =	simm.s32 @p1 $0x1;
	p0 =	seq.s32 s7, s2  }
0x1e: {  	s7 =	smul.u32 @!p0 $0xF7A, s2;
	p2 =	seq.s32 @!p0 s5, $0x0  }
0x1f: {  	s9 =	smul.u32 $0xF7A, s1;
	s8 =	simm.s32 @!p0 $0x1BF5;
	p2 =	por !p2, p0  }
0x20: {  	[sflag:s8] =	ssyncset.s32 @!p0 $0xFFFFF086;
	s6 =	sadd.s32 @!p0 s3, s7;
	s7 =	simm.s32 @!p0 $0x108  }
0x21: {  	s3 =	sadd.s32 s3, s9;
	s6 =	sadd.s32 @!p0 $0x88, s6;
	s7 =	simm.s32 @p2 $0x1082  }
0x22: {  	[simem:s7], [sflag:s8] =	dma.local @!p0 [hbm:s6], $0xF7A  }
0x23: {  	s9 =	sor.u32 $0xD0000000, s2;
	s6 =	simm.s32 $0x108;
	_ =	swait.ge @!p0 [sflag:s8], $0x0  }
0x24: {  	s3 =	sadd.s32 $0x88, s3;
	s6 =	simm.s32 @!p1 $0x1082;
	[sflag:s4] =	ssyncset.s32 $0xFFFFF086  }
0x25: {  	[simem:s6], [sflag:s4] =	dma.local [hbm:s3], $0xF7A  }
0x26: {  	[smem:$0x3F95] =	sst s1;
	(tag) =	ssettag s2;
	_ =	strace s9  }
0x27: {  	s1 =	sld [smem:$0x3FA5]  }
0x28: {  	s2 =	sld [smem:$0x3FA6]  }
0x29: {  	s4 =	sld [smem:$0x3FA8]  }
0x2a: {  	p0 =	seq.s32 s5, $0x0;
	s5 =	sld [smem:$0x3FA9]  }
0x2b: {  	s6 =	sld [smem:$0x3FAA]  }
0x2c: {  	s7 =	sld [smem:$0x3FAB]  }
0x2d: {  	s3 =	simm.s32 $0x108;
	s8 =	sld [smem:$0x3FAC]  }
0x2e: {  	s3 =	simm.s32 @!p0 $0x1082;
	s9 =	sld [smem:$0x3FAD]  }
0x2f: {  	lr =	sadd.s32 s0, s3;
	s0 =	sld [smem:$0x3FA4]  }
0x30: {  	s3 =	sld [smem:$0x3FA7]  }
0x31: {  	[smem:$0x3FB0] =	sst s10  }
0x32: {  	s10 =	sld [smem:$0x3FAE];
	_ =	sdelay $0x3  }
0x33: {  	p0 =	seq.s32 s10, $0x1;
	s10 =	sld [smem:$0x3FB0];
	_ =	sdelay $0x3  }
0x34: {  	[smem:$0x3FB0] =	sst s10  }
0x35: {  	s10 =	sld [smem:$0x3FAF];
	_ =	sdelay $0x3  }
0x36: {  	p1 =	seq.s32 s10, $0x1;
	s10 =	sld [smem:$0x3FB0];
	_ =	sdelay $0x3  }
0x37: {  	[smem:$0x3FB0] =	sst s10  }
0x38: {  	s10 =	sld [smem:$0x3FB1]  }
0x39: {  	_ = 	snop;
	(pc) =	sbr.ind lr, $3  }
0x3a: {  	_ = 	snop  }
0x3b: {  	_ = 	snop  }
0x3c: {  	p2 =	seq.s32 s10, $0x1;
	s10 =	sld [smem:$0x3FB0]  }
0x3d: {  	_ =	shalt  }
0x3e: {  	_ =	shalt  }
0x3f: {  	_ =	shalt  }
0x40: {  	_ =	shalt  }
0x41: {  	_ =	shalt  }
0x42: {  	_ =	shalt  }
0x43: {  	_ =	shalt  }
0x44: {  	_ =	shalt  }
0x45: {  	_ =	shalt  }
0x46: {  	_ =	shalt  }
0x47: {  	_ =	shalt  }
0x48: {  	_ =	shalt  }
0x49: {  	_ =	shalt  }
0x4a: {  	_ =	shalt  }
0x4b: {  	_ =	shalt  }
0x4c: {  	_ =	shalt  }
0x4d: {  	_ =	shalt  }
0x4e: {  	_ =	shalt  }
0x4f: {  	_ =	shalt  }
0x50: {  	_ =	shalt  }
0x51: {  	_ =	shalt  }
0x52: {  	_ =	shalt  }
0x53: {  	_ =	shalt  }
0x54: {  	_ =	shalt  }
0x55: {  	_ =	shalt  }
0x56: {  	_ =	shalt  }
0x57: {  	_ =	shalt  }
0x58: {  	_ =	shalt  }
0x59: {  	_ =	shalt  }
0x5a: {  	_ =	shalt  }
0x5b: {  	_ =	shalt  }
0x5c: {  	_ =	shalt  }
0x5d: {  	_ =	shalt  }
0x5e: {  	_ =	shalt  }
0x5f: {  	_ =	shalt  }
0x60: {  	_ =	shalt  }
0x61: {  	_ =	shalt  }
0x62: {  	_ =	shalt  }
0x63: {  	_ =	shalt  }
0x64: {  	_ =	shalt  }
0x65: {  	_ =	shalt  }
0x66: {  	_ =	shalt  }
0x67: {  	_ =	shalt  }
0x68: {  	_ =	shalt  }
0x69: {  	_ =	shalt  }
0x6a: {  	_ =	shalt  }
0x6b: {  	_ =	shalt  }
0x6c: {  	_ =	shalt  }
0x6d: {  	_ =	shalt  }
0x6e: {  	_ =	shalt  }
0x6f: {  	_ =	shalt  }
0x70: {  	_ =	shalt  }
0x71: {  	_ =	shalt  }
0x72: {  	_ =	shalt  }
0x73: {  	_ =	shalt  }
0x74: {  	_ =	shalt  }
0x75: {  	_ =	shalt  }
0x76: {  	_ =	shalt  }
0x77: {  	_ =	shalt  }
0x78: {  	_ =	shalt  }
0x79: {  	_ =	shalt  }
0x7a: {  	_ =	shalt  }
0x7b: {  	_ =	shalt  }
0x7c: {  	_ =	shalt  }
0x7d: {  	_ =	shalt  }
0x7e: {  	_ =	shalt  }
0x7f: {  	_ =	shalt  }
0x80: {  	_ =	shalt  }
0x81: {  	_ =	shalt  }
0x82: {  	_ =	shalt  }
0x83: {  	_ =	shalt  }
0x84: {  	_ =	shalt  }
0x85: {  	_ =	shalt  }
0x86: {  	_ =	shalt  }
0x87: {  	_ =	shalt  }
.Lfunc_end0:
.L_simem_size_0:
called_computation.2_lowered:
.L_overlay_start_0:
0x88: {  	s2 =	sld [smem:$0x3FD9]  }
0x89: {  	s3 =	sld [smem:$0x3FFE];
	_ =	sdelay $0x1  }
0x8a: {  	s1 =	srdreg.scid  }
0x8b: {  	s0 =	sand.u32 $0x1, s1  }
0x8c: {  	s17 =	sshll.u32 s0, $0xA;
	s2 =	sadd.s32 s3, s2  }
0x8d: {  	s2 =	sadd.s32 s2, s17  }
0x8e: {  	[smem:$0x3FBC] =	sst s2  }
0x8f: {  	_ = 	snop  }
0x90: {  	s2 =	sld [smem:$0x3FD0];
	(tm) =	ssettm $0x1  }
0x91: {  	s18 =	sld [smem:$0x3FFB];
	_ =	sdelay $0x3  }
0x92: {  	_ =	strace s18  }
0x93: {  	s3 =	sld [smem:$0x3FFC];
	_ =	sdelay $0x3  }
0x94: {  	_ =	strace s3  }
0x95: {  	s3 =	sld [smem:$0x3FFD];
	_ =	sdelay $0x3  }
0x96: {  	_ =	strace s3  }
0x97: {  	_ =	strace $0x8FFFFFFF  }
0x98: {  	s19 =	sld [smem:$0x3FDB];
	_ =	sdelay $0x1  }
0x99: {  	s4 =	simm.s32 $_scs_section_size  }
0x9a: {  	s5 =	simm.s32 $_size__tile_overlayer_lowered;
	s6 =	simm.s32 $_tile_overlayer_lowered  }
0x9b: {  	s22 =	simm.s32 $0x1BFF;
	s21 =	sshll.u32 s6, $0x1;
	s3 =	sadd.s32 s4, s19  }
0x9c: {  	s7 =	simm.s32 $0x0;
	s20 =	sshll.u32 s5, $0x1;
	s5 =	sadd.s32 s21, s3  }
0x9d: {  	[timem:s7], [sflag:s22] =	dma.local [hbm:s5], s20  }
0x9e: {  	_ =	swait.ge [sflag:s22], s20  }
0x9f: {  	s4 =	ssub.s32 $0x0, s20;
	[sflag:s22] =	ssyncset.done $0x0  }
0xa0: {  	[sflag:s22] =	ssyncadd.s32 s4;
	_ =	sdelay $0x1  }
0xa1: {  	s23 =	simm.s32 $0x1B8B  }
0xa2: {  	_ =	swait.ge [sflag:s23], $0x1  }
0xa3: {  	[sflag:s23] =	ssyncset.done $0x0  }
0xa4: {  	s25 =	simm.s32 $0x1B8E;
	s24 =	sld [smem:$0x3FFE];
	[sflag:s23] =	ssyncadd.s32 $0xFFFFFFFF  }
0xa5: {  	s26 =	simm.s32 $execute0_lowered;
	[smem:$0x3FD2] =	sst s25  }
0xa6: {  	s5 =	sshll.u32 s26, $0x1;
	_ =	strace $0x80000049;
	[dreg:$0x1] =	wrdreg $0xFFFFFFFF  }
0xa7: {  	s28 =	simm.s32 $_size_execute0_lowered;
	s3 =	sadd.s32 s3, s5;
	[dreg:$0x0] =	wrdreg $0x0  }
0xa8: {  	s5 =	sshll.u32 s28, $0x1;
	[dreg:$0x2] =	wrdreg s3  }
0xa9: {  	[dreg:$0x3] =	wrdreg s5  }
0xaa: {  	[dreg:$0x4] =	wrdreg $0xC0  }
0xab: {  	_ =	task [dreg:s7], $0x5FFFF  }
0xac: {  	[dreg:$0x1] =	wrdreg $0xFFFFFFFF  }
0xad: {  	[dreg:$0x0] =	wrdreg $0x60  }
0xae: {  	[dreg:$0x2] =	wrdreg s24  }
0xaf: {  	[dreg:$0x3] =	wrdreg s2  }
0xb0: {  	[dreg:$0x4] =	wrdreg $0x79000  }
0xb1: {  	[dreg:$0x5] =	wrdreg $0x9  }
0xb2: {  	_ =	task.clear_ibuf [dreg:s7], $0x6FFFF;
	_ =	strace $0x90000049  }
0xb3: {  	s29 =	simm.s32 $0x9;
	_ =	strace $0x8000004B  }
0xb4: {  	_ =	swait.ge [sflag:s29], $0x1  }
0xb5: {  	[sflag:s29] =	ssyncadd.s32 $0xFFFFFFFF  }
0xb6: {  	_ =	strace $0x9000004B  }
0xb7: {  	_ =	sfence  }
0xb8: {  	s30 =	sld [smem:$0x0];
	_ =	sdelay $0x2  }
0xb9: {  	s31 =	sshll.u32 s1, $0xD;
	s1 =	sshrl.u32 s1, $0x2  }
0xba: {  	s3 =	sand.u32 $0x4000, s31;
	s1 =	sadd.s32 s1, s30  }
0xbb: {  	s0 =	sor.u32 s3, s0;
	s1 =	sshll.u32 s1, $0x11  }
0xbc: {  	s0 =	sor.u32 s1, s0  }
0xbd: {  	s0 =	sadd.s32 $0x8F2B, s0  }
0xbe: {  	[sflag:s0] =	ssyncadd.remote.s32 $0x1  }
0xbf: {  	_ =	sfence.sel $0xFFFF  }
0xc0: {  	[dreg:$0x0] =	wrdreg $0xFFFFFFFF;
	(pc) =	sbr.abs _section_cstart, $3  }
0xc1: {  	[dreg:$0x1] =	wrdreg $0xFFFFFFFF  }
0xc2: {  	_ =	task.clear_ibuf [dreg:s7], $0x2FFFF;
	_ =	strace $0x9FFFFFFF  }
0xc3: {  	(tm) =	ssettm $0x7FFFFFFF  }
tec
execute0_lowered:
.L_overlay_start_1:
0x0: {  	(tag) =	ssettag $0x1  }
0x1: {  	s0 =	rddreg [dreg:$0x0]  }
0x2: {  	s1 =	rddreg [dreg:$0x1]  }
0x3: {  	s2 =	rddreg [dreg:$0x2];
	s3 =	simm.s32 $0x0  }
0x4: {  	s5 =	srdreg.scid;
	s13 =	stileid.u32;
	s22 =	simm.s32 $0x100  }
0x5: {  	s23 =	simm.s32 $0x1;
	s24 =	simm.s32 $0x80;
	s28 =	simm.s32 $0x2900  }
0x6: {  	s29 =	simm.s32 $0x0;
	s30 =	simm.s32 $0x0;
	[smem:$0x7FF] =	sst s3  }
0x7: {  	s4 =	sadd.s32 $0x4F1200, s0;
	s6 =	sadd.s32 $0xF200, s0;
	s7 =	sadd.s32 $0x5400, s0  }
0x8: {  	s8 =	sadd.s32 $0x53F600, s0;
	s5 =	sand.u32 $0x1, s5;
	s10 =	smul.u32 $0x4E000, s13  }
0x9: {  	s9 =	sshll.u32 s13, $0x1;
	s0 =	sadd.s32 $0xA21600, s0;
	s31 =	smul.u32 $0x13800, s13  }
0xa: {  	s18 =	sadd.s32 $0x138000, s2;
	p0 =	sne.s32 s13, $0xF;
	_ =	strace $0x8000004A  }
0xb: {  	s11 =	ssub.s32 $0x2, s5;
	s9 =	sor.u32 s5, s9;
	s5 =	smul.u32 $0x138800, s5  }
0xc: {  	s12 =	sshrl.u32 s11, $0x1;
	s9 =	smul.u32 $0x2710, s9;
	s10 =	sshrl.u32 s10, $0x2  }
0xd: {  	s11 =	ssub.s32 s11, s12;
	s10 =	sadd.s32 s10, s2;
	s12 =	sadd.s32 s31, s5  }
0xe: {  	s5 =	sshrl.u32 s5, $0x3;
	s25 =	sadd.s32 $0x2800, s10;
	s26 =	sadd.s32 $0x5000, s10  }
0xf: {  	s14 =	sadd.s32 $0x7800, s10;
	s15 =	sadd.s32 $0xC800, s10;
	s16 =	sadd.s32 $0xF000, s10  }
0x10: {  	s17 =	sadd.s32 $0x11800, s10;
	s12 =	sshrl.u32 s12, $0x3;
	[dreg:$0x4] =	wrdreg s25  }
0x11: {  	s5 =	sadd.s32 s0, s5;
	s21 =	smax.u32 s11, $0x1;
	[dreg:$0x5] =	wrdreg s26  }
0x12: {  	[dreg:$0x6] =	wrdreg s14;
	s14 =	sadd.s32 $0xA000, s10;
	s19 =	sadd.s32 s0, s12  }
0x13: {  	v0 =	vimm.f32 $0.0e+00;
	s20 =	sadd.s32 $0x27000, s5;
	s25 =	simm.s32 $0x5100;
	s26 =	simm.s32 $0x50  }
.LBB2_1:
0x14: {  	s0 =	simm.s32 $0x0;
	s5 =	simm.s32 $0x200  }
.LBB2_2:
0x15: {  	p1 =	sne.s32 s5, $0x9E00;
	[tilespmem:s0+$0x170] =	vst v0  }
0x16: {  	[tilespmem:s0+$0x100] =	vst v0  }
0x17: {  	[tilespmem:s0+$0x110] =	vst v0  }
.Ltmp0:
0x18: {  	[tilespmem:s0+$0x120] =	vst v0;
	(pc) =	sbr.rel @p1 .LBB2_2-.Ltmp0, $4  }
0x19: {  	[tilespmem:s0+$0x130] =	vst v0  }
0x1a: {  	[tilespmem:s0+$0x140] =	vst v0  }
0x1b: {  	[tilespmem:s0+$0x150] =	vst v0  }
0x1c: {  	[tilespmem:s0+$0x160] =	vst v0;
	s0 =	sshra.s32 s5, $0x2;
	s5 =	sadd.s32 $0x200, s5  }
0x1d: {  	[tilespmem:s0+$0x170] =	vst v0  }
0x1e: {  	[tilespmem:s0+$0x100] =	vst v0  }
0x1f: {  	[tilespmem:s0+$0x110] =	vst v0  }
0x20: {  	[tilespmem:s0+$0x120] =	vst v0  }
0x21: {  	[tilespmem:s0+$0x130] =	vst v0  }
0x22: {  	[tilespmem:s0+$0x140] =	vst v0  }
0x23: {  	[tilespmem:s0+$0x150] =	vst v0  }
0x24: {  	[tilespmem:s0+$0x160] =	vst v0  }
0x25: {  	[spmem:s10] =	stream.linear.scatter [tilespmem:s22], [sflag:$0x1], $0x2800, $0x38;
	[tilespmem:$0x1B180] =	vst v63  }
0x26: {  	_ =	swait.ge [sflag:s23], $0x2800  }
0x27: {  	[sflag:s23] =	ssyncset.done $0x0  }
0x28: {  	s11 =	rddreg [dreg:$0x4];
	[sflag:s23] =	ssyncadd.s32 $0xFFFFD800  }
0x29: {  	[spmem:s11] =	stream.linear.scatter [tilespmem:s22], [sflag:$0x1], $0x2800, $0x38;
	[tilespmem:$0x1B180] =	vst v63  }
0x2a: {  	_ =	swait.ge [sflag:s23], $0x2800  }
0x2b: {  	[sflag:s23] =	ssyncset.done $0x0  }
0x2c: {  	s12 =	rddreg [dreg:$0x5];
	[sflag:s23] =	ssyncadd.s32 $0xFFFFD800  }
0x2d: {  	[spmem:s12] =	stream.linear.scatter [tilespmem:s22], [sflag:$0x1], $0x2800, $0x38;
	[tilespmem:$0x1B180] =	vst v63  }
0x2e: {  	_ =	swait.ge [sflag:s23], $0x2800  }
0x2f: {  	[sflag:s23] =	ssyncset.done $0x0  }
0x30: {  	s13 =	rddreg [dreg:$0x6];
	[sflag:s23] =	ssyncadd.s32 $0xFFFFD800  }
0x31: {  	[spmem:s13] =	stream.linear.scatter [tilespmem:s22], [sflag:$0x1], $0x2800, $0x38;
	[tilespmem:$0x1B180] =	vst v63  }
0x32: {  	_ =	swait.ge [sflag:s23], $0x2800  }
0x33: {  	[sflag:s23] =	ssyncset.done $0x0  }
0x34: {  	[sflag:s23] =	ssyncadd.s32 $0xFFFFD800  }
0x35: {  	[spmem:s14] =	stream.linear.scatter [tilespmem:s22], [sflag:$0x1], $0x2800, $0x38;
	[tilespmem:$0x1B180] =	vst v63  }
0x36: {  	_ =	swait.ge [sflag:s23], $0x2800  }
0x37: {  	[sflag:s23] =	ssyncset.done $0x0  }
0x38: {  	[sflag:s23] =	ssyncadd.s32 $0xFFFFD800  }
0x39: {  	[spmem:s15] =	stream.linear.scatter [tilespmem:s22], [sflag:$0x1], $0x2800, $0x38;
	[tilespmem:$0x1B180] =	vst v63  }
0x3a: {  	_ =	swait.ge [sflag:s23], $0x2800  }
0x3b: {  	[sflag:s23] =	ssyncset.done $0x0  }
0x3c: {  	[sflag:s23] =	ssyncadd.s32 $0xFFFFD800  }
0x3d: {  	[spmem:s16] =	stream.linear.scatter [tilespmem:s22], [sflag:$0x1], $0x2800, $0x38;
	[tilespmem:$0x1B180] =	vst v63  }
0x3e: {  	_ =	swait.ge [sflag:s23], $0x2800  }
0x3f: {  	[sflag:s23] =	ssyncset.done $0x0  }
0x40: {  	[sflag:s23] =	ssyncadd.s32 $0xFFFFD800  }
0x41: {  	[spmem:s17] =	stream.linear.scatter [tilespmem:s22], [sflag:$0x1], $0x2000, $0x38;
	[tilespmem:$0x1B180] =	vst v63  }
0x42: {  	_ =	swait.ge [sflag:s23], $0x2000  }
0x43: {  	[sflag:s23] =	ssyncset.done $0x0  }
0x44: {  	s0 =	simm.s32 @!p0 $0x100;
	[sflag:s23] =	ssyncadd.s32 $0xFFFFE000  }
0x45: {  	[spmem:s18] =	stream.linear.scatter @!p0 [tilespmem:s0], [sflag:$0x1], $0x800, $0x38;
	[tilespmem:$0x1B180] =	vst v63  }
0x46: {  	s0 =	simm.s32 @!p0 $0x1  }
0x47: {  	_ =	swait.ge @!p0 [sflag:s0], $0x800  }
0x48: {  	[sflag:s0] =	ssyncset.done @!p0 $0x0  }
0x49: {  	[sflag:s0] =	ssyncadd.s32 @!p0 $0xFFFFF800  }
0x4a: {  	s31 =	simm.s32 $0x0;
	[bflag:$0x0] =	sbarrier.arrive $0xFFFF  }
.LBB2_4:
0x4b: {  	s0 =	smul.u32 $0x50, s31;
	_ =	sdelay $0x1  }
0x4c: {  	s0 =	sadd.s32 s9, s0  }
0x4d: {  	s5 =	sshrl.u32 s0, $0x3  }
0x4e: {  	s11 =	sadd.s32 s7, s5  }
0x4f: {  	[tilespmem:s30], [sflag:$0x1] =	stream.linear.gather [hbm4b:s11+s30], $0x50, $0x38;
	[tilespmem:$0x1B180] =	vst v63  }
0x50: {  	_ =	swait.ge [sflag:s23], $0x50  }
0x51: {  	[sflag:s23] =	ssyncset.done $0x0  }
0x52: {  	s5 =	sadd.s32 s1, s5;
	[sflag:s23] =	ssyncadd.s32 $0xFFFFFFB0  }
0x53: {  	[tilespmem:s24], [sflag:$0x1] =	stream.linear.gather [hbm4b:s5+s30], $0x50, $0x38;
	[tilespmem:$0x1B180] =	vst v63  }
0x54: {  	_ =	swait.ge [sflag:s23], $0x50  }
0x55: {  	s0 =	sshll.u32 s0, $0x4;
	[sflag:s23] =	ssyncset.done $0x0  }
0x56: {  	s13 =	sadd.s32 s6, s0;
	[sflag:s23] =	ssyncadd.s32 $0xFFFFFFB0  }
0x57: {  	[tilespmem:s25], [sflag:$0x1] =	stream.linear.gather [hbm4b:s13+s30], $0x2800, $0x38;
	[tilespmem:$0x1B180] =	vst v63  }
0x58: {  	_ =	swait.ge [sflag:s23], $0x2800  }
0x59: {  	[sflag:s23] =	ssyncset.done $0x0  }
0x5a: {  	[sflag:s23] =	ssyncadd.s32 $0xFFFFD800  }
0x5b: {  	[tilespmem:s22], [sflag:$0x1] =	stream.indirect.gather [hbm4b:s4+s26], $0x80, s30, s26, $0xb8;
	[tilespmem:$0x1B180] =	vst v63  }
0x5c: {  	_ =	swait.ge [sflag:s23], $0x2800  }
0x5d: {  	[sflag:s23] =	ssyncset.done $0x0  }
0x5e: {  	[sflag:s23] =	ssyncadd.s32 $0xFFFFD800  }
0x5f: {  	[tilespmem:s28], [sflag:$0x1] =	stream.indirect.gather [hbm4b:s4+s26], $0x80, s24, s26, $0xb8;
	[tilespmem:$0x1B180] =	vst v63  }
0x60: {  	_ =	swait.ge [sflag:s23], $0x2800  }
0x61: {  	[sflag:s23] =	ssyncset.done $0x0  }
0x62: {  	s11 =	simm.s32 $0x0;
	[sflag:s23] =	ssyncadd.s32 $0xFFFFD800  }
0x63: {  	v1 =	vld [tilespmem:s11+$0x2940]  }
0x64: {  	v3 =	vld [tilespmem:s11+$0x100]  }
0x65: {  	v2 =	vld [tilespmem:s11+$0x2950]  }
0x66: {  	v4 =	vld [tilespmem:s11+$0x5100]  }
0x67: {  	v5 =	vld [tilespmem:s11+$0x2970]  }
0x68: {  	v6 =	vld [tilespmem:s11+$0x5130]  }
0x69: {  	v7 =	vld [tilespmem:s11+$0x130];
	v3 =	vadd.f32 v1, v3  }
0x6a: {  	v9 =	vld [tilespmem:s11+$0x2960]  }
0x6b: {  	v10 =	vld [tilespmem:s11+$0x120];
	v3 =	vadd.f32 v4, v3  }
0x6c: {  	s5 =	simm.s32 $0x80;
	v8 =	vld [tilespmem:s11+$0x110]  }
0x6d: {  	v1 =	vld [tilespmem:s5+$0x2940];
	v3 =	vmax.f32 v3, $0.0e+00  }
0x6e: {  	v11 =	vadd.f32 v5, v7;
	v4 =	vld [tilespmem:s11+$0x5120];
	[tilespmem:s11+$0x5100] =	vst v3  }
0x6f: {  	v5 =	vld [tilespmem:s11+$0x5110];
	[tilespmem:s11+$0x100] =	vst v3  }
0x70: {  	v11 =	vadd.f32 v6, v11;
	v7 =	vld [tilespmem:s5+$0x100]  }
0x71: {  	v9 =	vadd.f32 v9, v10;
	v3 =	vld [tilespmem:s5+$0x2950]  }
0x72: {  	s12 =	simm.s32 $0x400;
	v10 =	vmax.f32 v11, $0.0e+00;
	v6 =	vld [tilespmem:s5+$0x5100]  }
.LBB2_5:
0x73: {  	s13 =	sshra.s32 s12, $0x2;
	p1 =	sne.s32 s12, $0x9E00;
	s12 =	sadd.s32 $0x200, s12;
	v11 =	vld [tilespmem:s5+$0x2970];
	v8 =	vadd.f32 v2, v8;
	v4 =	vadd.f32 v4, v9;
	[tilespmem:s11+$0x5130] =	vst v10  }
0x74: {  	v9 =	vld [tilespmem:s5+$0x5130];
	[tilespmem:s11+$0x130] =	vst v10  }
0x75: {  	v7 =	vadd.f32 v1, v7;
	v10 =	vld [tilespmem:s5+$0x130];
	v5 =	vadd.f32 v5, v8;
	v4 =	vmax.f32 v4, $0.0e+00  }
0x76: {  	v12 =	vld [tilespmem:s5+$0x2960];
	[tilespmem:s11+$0x5120] =	vst v4;
	v2 =	vmov v3  }
0x77: {  	v1 =	vld [tilespmem:s13+$0x2940];
	v3 =	vadd.f32 v6, v7;
	v5 =	vmax.f32 v5, $0.0e+00;
	[tilespmem:s11+$0x120] =	vst v4  }
0x78: {  	v6 =	vld [tilespmem:s5+$0x120];
	[tilespmem:s11+$0x5110] =	vst v5  }
0x79: {  	v3 =	vmax.f32 v3, $0.0e+00;
	v4 =	vld [tilespmem:s5+$0x5120];
	[tilespmem:s11+$0x110] =	vst v5;
	s11 =	smov.u32 s5;
	s5 =	smov.u32 s13  }
.Ltmp1:
0x7a: {  	[tilespmem:s11+$0x5100] =	vst v3;
	v8 =	vld [tilespmem:s11+$0x110];
	v10 =	vadd.f32 v11, v10;
	(pc) =	sbr.rel @p1 .LBB2_5-.Ltmp1, $4  }
0x7b: {  	[tilespmem:s11+$0x100] =	vst v3;
	v5 =	vld [tilespmem:s11+$0x5110]  }
0x7c: {  	v7 =	vld [tilespmem:s5+$0x100];
	v10 =	vadd.f32 v9, v10  }
0x7d: {  	v3 =	vld [tilespmem:s5+$0x2950];
	v9 =	vadd.f32 v12, v6  }
0x7e: {  	v6 =	vld [tilespmem:s5+$0x5100];
	v10 =	vmax.f32 v10, $0.0e+00  }
0x7f: {  	v11 =	vld [tilespmem:s5+$0x2970];
	[tilespmem:s11+$0x5130] =	vst v10;
	v4 =	vadd.f32 v4, v9;
	v2 =	vadd.f32 v2, v8  }
0x80: {  	v12 =	vld [tilespmem:s5+$0x5130];
	[tilespmem:s11+$0x130] =	vst v10  }
0x81: {  	v60 =	vld [tilespmem:s5+$0x130];
	v4 =	vmax.f32 v4, $0.0e+00;
	v2 =	vadd.f32 v5, v2  }
0x82: {  	v61 =	vld [tilespmem:s5+$0x2960];
	v1 =	vadd.f32 v1, v7;
	[tilespmem:s11+$0x5120] =	vst v4  }
0x83: {  	[tilespmem:s11+$0x120] =	vst v4;
	v2 =	vmax.f32 v2, $0.0e+00  }
0x84: {  	v4 =	vld [tilespmem:s5+$0x120];
	v1 =	vadd.f32 v6, v1;
	[tilespmem:s11+$0x5110] =	vst v2  }
0x85: {  	v62 =	vld [tilespmem:s5+$0x5120];
	[tilespmem:s11+$0x110] =	vst v2  }
0x86: {  	v1 =	vmax.f32 v1, $0.0e+00;
	v2 =	vld [tilespmem:s5+$0x110]  }
0x87: {  	[tilespmem:s5+$0x5100] =	vst v1;
	v63 =	vadd.f32 v11, v60  }
0x88: {  	[tilespmem:s5+$0x100] =	vst v1;
	v1 =	vld [tilespmem:s5+$0x5110]  }
0x89: {  	v6 =	vadd.f32 v12, v63;
	v4 =	vadd.f32 v61, v4;
	_ =	sdelay $0x1  }
0x8a: {  	v6 =	vmax.f32 v6, $0.0e+00;
	v2 =	vadd.f32 v3, v2;
	v3 =	vadd.f32 v62, v4  }
0x8b: {  	[tilespmem:s5+$0x5130] =	vst v6  }
0x8c: {  	[tilespmem:s5+$0x130] =	vst v6;
	v1 =	vadd.f32 v1, v2;
	v2 =	vmax.f32 v3, $0.0e+00  }
0x8d: {  	[tilespmem:s5+$0x5120] =	vst v2  }
0x8e: {  	[tilespmem:s5+$0x120] =	vst v2;
	v1 =	vmax.f32 v1, $0.0e+00  }
0x8f: {  	[tilespmem:s5+$0x5110] =	vst v1  }
0x90: {  	s0 =	sadd.s32 s8, s0;
	[tilespmem:s5+$0x110] =	vst v1  }
0x91: {  	[hbm4b:s0+s3] =	stream.linear.scatter [tilespmem:s25], [sflag:$0x1], $0x2800, $0x38;
	[tilespmem:$0x1B180] =	vst v63  }
0x92: {  	s31 =	sadd.s32 $0x1, s31;
	_ =	swait.ge [sflag:s23], $0x2800  }
0x93: {  	p1 =	sne.s32 s31, $0x7D;
	[sflag:s23] =	ssyncset.done $0x0  }
.Ltmp2:
0x94: {  	[sflag:s23] =	ssyncadd.s32 $0xFFFFD800;
	(pc) =	sbr.rel @p1 .LBB2_4-.Ltmp2, $4  }
0x95: {  	[spmem:s2] =	stream.indirect.scatter.add.f32 [tilespmem:s22], [sflag:$0x1], $0x80, s24, s26, $0xb8;
	[tilespmem:$0x1B180] =	vst v63  }
0x96: {  	_ =	swait.ge [sflag:s23], $0x2800  }
0x97: {  	[sflag:s23] =	ssyncset.done $0x0  }
0x98: {  	[sflag:s23] =	ssyncadd.s32 $0xFFFFD800  }
0x99: {  	s0 =	stileid.u32  }
0x9a: {  	s0 =	sshll.u32 s0, $0x6  }
0x9b: {  	[bflag:$0x0] =	sbarrier.arrive $0xFFFF;
	s5 =	sshrl.u32 s10, $0x3;
	s0 =	sor.u32 $0x1C01, s0  }
0x9c: {  	[hbm:s19], [sflag:s0] =	dma.local [spmem:s5], $0x2700  }
0x9d: {  	_ =	swait.ge [sflag:s23], $0x2700  }
0x9e: {  	s29 =	sadd.s32 $0x1, s29;
	[sflag:s23] =	ssyncset.done $0x0  }
0x9f: {  	p1 =	sne.s32 s29, s21;
	s5 =	sshrl.u32 @!p0 s18, $0x3;
	[sflag:s23] =	ssyncadd.s32 $0xFFFFD900  }
0xa0: {  	[hbm:s20], [sflag:s0] =	dma.local @!p0 [spmem:s5], $0x100  }
.Ltmp3:
0xa1: {  	_ = 	snop;
	(pc) =	sbr.rel @p1 .LBB2_1-.Ltmp3, $4  }
0xa2: {  	s0 =	simm.s32 @!p0 $0x1  }
0xa3: {  	_ =	swait.ge @!p0 [sflag:s0], $0x100  }
0xa4: {  	[sflag:s0] =	ssyncset.done @!p0 $0x0  }
0xa5: {  	[sflag:s0] =	ssyncadd.s32 @!p0 $0xFFFFFF00  }
0xa6: {  	_ =	sfence.sel $0x180000  }
0xa7: {  	[bflag:$0x0] =	sbarrier.arrive $0xFFFF  }
0xa8: {  	_ =	strace $0x9000004A  }
0xa9: {  	s0 =	stileid.u32;
	[bflag:$0x2] =	sbarrier.arrive $0xFFFF  }
0xaa: {  	p0 =	sne.s32 s0, $0x0;
	s0 =	rddreg [dreg:$0x3]  }
0xab: {  	s0 =	sadd.s32 @!p0 $0x100000, s0  }
0xac: {  	[sflag:s0] =	ssyncadd.tile.s32 @!p0 $0x1;
	_ =	shalt  }
.Lfunc_end2:
_tile_overlayer_lowered:
.L_overlay_start_2:
0xad: {  	(tag) =	ssettag $0x2  }
0xae: {  	s0 =	rddreg [dreg:$0x0];
	s2 =	stileid.u32  }
0xaf: {  	s1 =	rddreg [dreg:$0x1];
	p0 =	sne.s32 s2, $0x0  }
0xb0: {  	s3 =	rddreg [dreg:$0x2];
	[bflag:$0x3] =	sbarrier.arrive $0xFFFF;
	s2 =	simm.s32 @!p0 $0x1C01  }
0xb1: {  	[timem:s3], [sflag:s2] =	dma.local @!p0 [hbm:s0], s1  }
0xb2: {  	s0 =	simm.s32 @!p0 $0x1  }
0xb3: {  	_ =	swait.ge @!p0 [sflag:s0], s1  }
0xb4: {  	s1 =	ssub.s32 @!p0 $0x0, s1;
	[sflag:s0] =	ssyncset.done @!p0 $0x0  }
0xb5: {  	[sflag:s0] =	ssyncadd.s32 @!p0 s1  }
0xb6: {  	[bflag:$0x3] =	sbarrier.arrive $0xFFFF  }
0xb7: {  	_ =	shalt  }

// kernel: kernel.19.cloned.1.call-start
scs
__scs_entry_jumppad:
0x0: {  	(pc) =	sbr.rel $0x88, $3  }
0x1: {  	(tag) =	ssettag $0x0;
	lr =	simm.s32 $0x1  }
0x2: {  	[smem:$0x3F95] =	sst lr;
	_ =	strace $0xD0000000  }
0x3: {  	_ = 	snop  }
0x4: {  	_ = 	snop  }
0x5: {  	_ = 	snop  }
0x6: {  	_ = 	snop  }
0x7: {  	_ = 	snop  }
__scs_overlays_trampoline_lowered:
0x8: {  	[smem:$0x3FA4] =	sst s0  }
0x9: {  	[smem:$0x3FA5] =	sst s1  }
0xa: {  	[smem:$0x3FA6] =	sst s2  }
0xb: {  	[smem:$0x3FA7] =	sst s3  }
0xc: {  	[smem:$0x3FA8] =	sst s4  }
0xd: {  	[smem:$0x3FA9] =	sst s5  }
0xe: {  	[smem:$0x3FAA] =	sst s6  }
0xf: {  	[smem:$0x3FAB] =	sst s7  }
0x10: {  	[smem:$0x3FAC] =	sst s8  }
0x11: {  	[smem:$0x3FAD] =	sst s9;
	s0 =	simm.s32 @!p0 $0x0  }
0x12: {  	s1 =	sld [smem:$0x3F93];
	s0 =	simm.s32 @p0 $0x1  }
0x13: {  	[smem:$0x3FAE] =	sst s0;
	s0 =	simm.s32 @!p1 $0x0  }
0x14: {  	s2 =	sld [smem:$0x3F92];
	s0 =	simm.s32 @p1 $0x1  }
0x15: {  	[smem:$0x3FAF] =	sst s0;
	s0 =	simm.s32 @!p2 $0x0  }
0x16: {  	s3 =	sld [smem:$0x3FDB];
	s0 =	simm.s32 @p2 $0x1  }
0x17: {  	s4 =	simm.s32 $0x1BF5;
	[smem:$0x3FB1] =	sst s0  }
0x18: {  	s0 =	sld [smem:$0x3F94];
	_ =	swait.ge [sflag:s4], $0x0  }
0x19: {  	s7 =	sld [smem:$0x3F95]  }
0x1a: {  	s8 =	sadd.s32 $0xFFFFE003, lr  }
0x1b: {  	s9 =	sadd.s32 $0xFFFFFEF7, lr;
	s5 =	simm.s32 $0xFFFFFFFF;
	p2 =	slt.u32 s8, $0xFFFFF086  }
0x1c: {  	p1 =	slt.u32 s9, $0xF7A;
	s5 =	simm.s32 @!p2 $0x0  }
0x1d: {  	s5 =	simm.s32 @p1 $0x1;
	p0 =	seq.s32 s7, s2  }
0x1e: {  	s7 =	smul.u32 @!p0 $0xF7A, s2;
	p2 =	seq.s32 @!p0 s5, $0x0  }
0x1f: {  	s9 =	smul.u32 $0xF7A, s1;
	s8 =	simm.s32 @!p0 $0x1BF5;
	p2 =	por !p2, p0  }
0x20: {  	[sflag:s8] =	ssyncset.s32 @!p0 $0xFFFFF086;
	s6 =	sadd.s32 @!p0 s3, s7;
	s7 =	simm.s32 @!p0 $0x108  }
0x21: {  	s3 =	sadd.s32 s3, s9;
	s6 =	sadd.s32 @!p0 $0x88, s6;
	s7 =	simm.s32 @p2 $0x1082  }
0x22: {  	[simem:s7], [sflag:s8] =	dma.local @!p0 [hbm:s6], $0xF7A  }
0x23: {  	s9 =	sor.u32 $0xD0000000, s2;
	s6 =	simm.s32 $0x108;
	_ =	swait.ge @!p0 [sflag:s8], $0x0  }
0x24: {  	s3 =	sadd.s32 $0x88, s3;
	s6 =	simm.s32 @!p1 $0x1082;
	[sflag:s4] =	ssyncset.s32 $0xFFFFF086  }
0x25: {  	[simem:s6], [sflag:s4] =	dma.local [hbm:s3], $0xF7A  }
0x26: {  	[smem:$0x3F95] =	sst s1;
	(tag) =	ssettag s2;
	_ =	strace s9  }
0x27: {  	s1 =	sld [smem:$0x3FA5]  }
0x28: {  	s2 =	sld [smem:$0x3FA6]  }
0x29: {  	s4 =	sld [smem:$0x3FA8]  }
0x2a: {  	p0 =	seq.s32 s5, $0x0;
	s5 =	sld [smem:$0x3FA9]  }
0x2b: {  	s6 =	sld [smem:$0x3FAA]  }
0x2c: {  	s7 =	sld [smem:$0x3FAB]  }
0x2d: {  	s3 =	simm.s32 $0x108;
	s8 =	sld [smem:$0x3FAC]  }
0x2e: {  	s3 =	simm.s32 @!p0 $0x1082;
	s9 =	sld [smem:$0x3FAD]  }
0x2f: {  	lr =	sadd.s32 s0, s3;
	s0 =	sld [smem:$0x3FA4]  }
0x30: {  	s3 =	sld [smem:$0x3FA7]  }
0x31: {  	[smem:$0x3FB0] =	sst s10  }
0x32: {  	s10 =	sld [smem:$0x3FAE];
	_ =	sdelay $0x3  }
0x33: {  	p0 =	seq.s32 s10, $0x1;
	s10 =	sld [smem:$0x3FB0];
	_ =	sdelay $0x3  }
0x34: {  	[smem:$0x3FB0] =	sst s10  }
0x35: {  	s10 =	sld [smem:$0x3FAF];
	_ =	sdelay $0x3  }
0x36: {  	p1 =	seq.s32 s10, $0x1;
	s10 =	sld [smem:$0x3FB0];
	_ =	sdelay $0x3  }
0x37: {  	[smem:$0x3FB0] =	sst s10  }
0x38: {  	s10 =	sld [smem:$0x3FB1]  }
0x39: {  	_ = 	snop;
	(pc) =	sbr.ind lr, $3  }
0x3a: {  	_ = 	snop  }
0x3b: {  	_ = 	snop  }
0x3c: {  	p2 =	seq.s32 s10, $0x1;
	s10 =	sld [smem:$0x3FB0]  }
0x3d: {  	_ =	shalt  }
0x3e: {  	_ =	shalt  }
0x3f: {  	_ =	shalt  }
0x40: {  	_ =	shalt  }
0x41: {  	_ =	shalt  }
0x42: {  	_ =	shalt  }
0x43: {  	_ =	shalt  }
0x44: {  	_ =	shalt  }
0x45: {  	_ =	shalt  }
0x46: {  	_ =	shalt  }
0x47: {  	_ =	shalt  }
0x48: {  	_ =	shalt  }
0x49: {  	_ =	shalt  }
0x4a: {  	_ =	shalt  }
0x4b: {  	_ =	shalt  }
0x4c: {  	_ =	shalt  }
0x4d: {  	_ =	shalt  }
0x4e: {  	_ =	shalt  }
0x4f: {  	_ =	shalt  }
0x50: {  	_ =	shalt  }
0x51: {  	_ =	shalt  }
0x52: {  	_ =	shalt  }
0x53: {  	_ =	shalt  }
0x54: {  	_ =	shalt  }
0x55: {  	_ =	shalt  }
0x56: {  	_ =	shalt  }
0x57: {  	_ =	shalt  }
0x58: {  	_ =	shalt  }
0x59: {  	_ =	shalt  }
0x5a: {  	_ =	shalt  }
0x5b: {  	_ =	shalt  }
0x5c: {  	_ =	shalt  }
0x5d: {  	_ =	shalt  }
0x5e: {  	_ =	shalt  }
0x5f: {  	_ =	shalt  }
0x60: {  	_ =	shalt  }
0x61: {  	_ =	shalt  }
0x62: {  	_ =	shalt  }
0x63: {  	_ =	shalt  }
0x64: {  	_ =	shalt  }
0x65: {  	_ =	shalt  }
0x66: {  	_ =	shalt  }
0x67: {  	_ =	shalt  }
0x68: {  	_ =	shalt  }
0x69: {  	_ =	shalt  }
0x6a: {  	_ =	shalt  }
0x6b: {  	_ =	shalt  }
0x6c: {  	_ =	shalt  }
0x6d: {  	_ =	shalt  }
0x6e: {  	_ =	shalt  }
0x6f: {  	_ =	shalt  }
0x70: {  	_ =	shalt  }
0x71: {  	_ =	shalt  }
0x72: {  	_ =	shalt  }
0x73: {  	_ =	shalt  }
0x74: {  	_ =	shalt  }
0x75: {  	_ =	shalt  }
0x76: {  	_ =	shalt  }
0x77: {  	_ =	shalt  }
0x78: {  	_ =	shalt  }
0x79: {  	_ =	shalt  }
0x7a: {  	_ =	shalt  }
0x7b: {  	_ =	shalt  }
0x7c: {  	_ =	shalt  }
0x7d: {  	_ =	shalt  }
0x7e: {  	_ =	shalt  }
0x7f: {  	_ =	shalt  }
0x80: {  	_ =	shalt  }
0x81: {  	_ =	shalt  }
0x82: {  	_ =	shalt  }
0x83: {  	_ =	shalt  }
0x84: {  	_ =	shalt  }
0x85: {  	_ =	shalt  }
0x86: {  	_ =	shalt  }
0x87: {  	_ =	shalt  }
.Lfunc_end0:
.L_simem_size_0:
called_computation.3_lowered:
.L_overlay_start_0:
0x88: {  	s2 =	sld [smem:$0x3FD9]  }
0x89: {  	s3 =	sld [smem:$0x3FFE];
	_ =	sdelay $0x1  }
0x8a: {  	s1 =	srdreg.scid  }
0x8b: {  	s0 =	sand.u32 $0x1, s1  }
0x8c: {  	s17 =	sshll.u32 s0, $0xA;
	s2 =	sadd.s32 s3, s2  }
0x8d: {  	s2 =	sadd.s32 s2, s17  }
0x8e: {  	[smem:$0x3FBC] =	sst s2  }
0x8f: {  	_ = 	snop  }
0x90: {  	s2 =	sld [smem:$0x3FD0];
	(tm) =	ssettm $0x1  }
0x91: {  	s18 =	sld [smem:$0x3FFB];
	_ =	sdelay $0x3  }
0x92: {  	_ =	strace s18  }
0x93: {  	s3 =	sld [smem:$0x3FFC];
	_ =	sdelay $0x3  }
0x94: {  	_ =	strace s3  }
0x95: {  	s3 =	sld [smem:$0x3FFD];
	_ =	sdelay $0x3  }
0x96: {  	_ =	strace s3  }
0x97: {  	_ =	strace $0x8FFFFFFF  }
0x98: {  	s19 =	sld [smem:$0x3FDB];
	_ =	sdelay $0x1  }
0x99: {  	s4 =	simm.s32 $_scs_section_size  }
0x9a: {  	s5 =	simm.s32 $_size__tile_overlayer_lowered;
	s6 =	simm.s32 $_tile_overlayer_lowered  }
0x9b: {  	s22 =	simm.s32 $0x1BFF;
	s21 =	sshll.u32 s6, $0x1;
	s3 =	sadd.s32 s4, s19  }
0x9c: {  	s7 =	simm.s32 $0x0;
	s20 =	sshll.u32 s5, $0x1;
	s5 =	sadd.s32 s21, s3  }
0x9d: {  	[timem:s7], [sflag:s22] =	dma.local [hbm:s5], s20  }
0x9e: {  	_ =	swait.ge [sflag:s22], s20  }
0x9f: {  	s4 =	ssub.s32 $0x0, s20;
	[sflag:s22] =	ssyncset.done $0x0  }
0xa0: {  	[sflag:s22] =	ssyncadd.s32 s4;
	_ =	sdelay $0x1  }
0xa1: {  	s23 =	simm.s32 $0x1B8B  }
0xa2: {  	_ =	swait.ge [sflag:s23], $0x1  }
0xa3: {  	[sflag:s23] =	ssyncset.done $0x0  }
0xa4: {  	s25 =	simm.s32 $0x1B8E;
	s24 =	sld [smem:$0x3FFE];
	[sflag:s23] =	ssyncadd.s32 $0xFFFFFFFF  }
0xa5: {  	s26 =	simm.s32 $execute0_lowered;
	[smem:$0x3FD2] =	sst s25  }
0xa6: {  	s5 =	sshll.u32 s26, $0x1;
	_ =	strace $0x8000004C;
	[dreg:$0x1] =	wrdreg $0xFFFFFFFF  }
0xa7: {  	s28 =	simm.s32 $_size_execute0_lowered;
	s3 =	sadd.s32 s3, s5;
	[dreg:$0x0] =	wrdreg $0x0  }
0xa8: {  	s5 =	sshll.u32 s28, $0x1;
	[dreg:$0x2] =	wrdreg s3  }
0xa9: {  	[dreg:$0x3] =	wrdreg s5  }
0xaa: {  	[dreg:$0x4] =	wrdreg $0xC0  }
0xab: {  	_ =	task [dreg:s7], $0x5FFFF  }
0xac: {  	[dreg:$0x1] =	wrdreg $0xFFFFFFFF  }
0xad: {  	[dreg:$0x0] =	wrdreg $0x60  }
0xae: {  	[dreg:$0x2] =	wrdreg s24  }
0xaf: {  	[dreg:$0x3] =	wrdreg s2  }
0xb0: {  	[dreg:$0x4] =	wrdreg $0x9  }
0xb1: {  	_ =	task.clear_ibuf [dreg:s7], $0x5FFFF;
	_ =	strace $0x9000004C  }
0xb2: {  	s29 =	simm.s32 $0x9;
	_ =	strace $0x8000004E  }
0xb3: {  	_ =	swait.ge [sflag:s29], $0x1  }
0xb4: {  	[sflag:s29] =	ssyncadd.s32 $0xFFFFFFFF  }
0xb5: {  	_ =	strace $0x9000004E  }
0xb6: {  	_ =	sfence  }
0xb7: {  	s30 =	sld [smem:$0x0];
	_ =	sdelay $0x2  }
0xb8: {  	s31 =	sshll.u32 s1, $0xD;
	s1 =	sshrl.u32 s1, $0x2  }
0xb9: {  	s3 =	sand.u32 $0x4000, s31;
	s1 =	sadd.s32 s1, s30  }
0xba: {  	s0 =	sor.u32 s3, s0;
	s1 =	sshll.u32 s1, $0x11  }
0xbb: {  	s0 =	sor.u32 s1, s0  }
0xbc: {  	s0 =	sadd.s32 $0x8F2B, s0  }
0xbd: {  	[sflag:s0] =	ssyncadd.remote.s32 $0x1  }
0xbe: {  	_ =	sfence.sel $0xFFFF  }
0xbf: {  	[dreg:$0x0] =	wrdreg $0xFFFFFFFF;
	(pc) =	sbr.abs _section_cstart, $3  }
0xc0: {  	[dreg:$0x1] =	wrdreg $0xFFFFFFFF  }
0xc1: {  	_ =	task.clear_ibuf [dreg:s7], $0x2FFFF;
	_ =	strace $0x9FFFFFFF  }
0xc2: {  	(tm) =	ssettm $0x7FFFFFFF  }
0xc3: {  	_ =	shalt  }
tec
execute0_lowered:
.L_overlay_start_1:
0x0: {  	(tag) =	ssettag $0x1  }
0x1: {  	s7 =	rddreg [dreg:$0x0]  }
0x2: {  	s1 =	rddreg [dreg:$0x1]  }
0x3: {  	s0 =	rddreg [dreg:$0x2]  }
0x4: {  	s2 =	simm.s32 $0x0;
	s3 =	srdreg.scid;
	s12 =	simm.s32 $0x5100  }
0x5: {  	s13 =	simm.s32 $0x50;
	s14 =	simm.s32 $0x100;
	s15 =	simm.s32 $0x2900  }
0x6: {  	s16 =	simm.s32 $0x0;
	[smem:$0x7FF] =	sst s2;
	s4 =	sadd.s32 $0x4F1200, s7  }
0x7: {  	s8 =	sand.u32 $0x1, s3;
	s5 =	sadd.s32 $0xF200, s7;
	s3 =	stileid.u32  }
0x8: {  	s6 =	sadd.s32 $0x5400, s7;
	s7 =	sadd.s32 $0x518400, s7;
	s9 =	ssub.s32 $0x2, s8  }
0x9: {  	_ =	strace $0x8000004D;
	s11 =	sshll.u32 s3, $0x1;
	s10 =	sshrl.u32 s9, $0x1  }
0xa: {  	s8 =	sor.u32 s8, s11;
	s11 =	simm.s32 $0x80;
	s9 =	ssub.s32 s9, s10  }
0xb: {  	s8 =	smul.u32 $0x2710, s8;
	s10 =	simm.s32 $0x1;
	s9 =	smax.u32 s9, $0x1  }
.LBB2_1:
0xc: {  	s17 =	simm.s32 $0x0  }
.LBB2_2:
0xd: {  	s18 =	smul.u32 $0x50, s17;
	_ =	sdelay $0x1  }
0xe: {  	s18 =	sadd.s32 s8, s18  }
0xf: {  	s19 =	sshrl.u32 s18, $0x3  }
0x10: {  	s21 =	simm.s32 $0x0;
	s20 =	sadd.s32 s6, s19  }
0x11: {  	[tilespmem:s21], [sflag:$0x1] =	stream.linear.gather [hbm4b:s20+s21], $0x50, $0x38;
	[tilespmem:$0x7900] =	vst v63  }
0x12: {  	_ =	swait.ge [sflag:s10], $0x50  }
0x13: {  	[sflag:s10] =	ssyncset.done $0x0  }
0x14: {  	s19 =	sadd.s32 s1, s19;
	[sflag:s10] =	ssyncadd.s32 $0xFFFFFFB0  }
0x15: {  	[tilespmem:s11], [sflag:$0x1] =	stream.linear.gather [hbm4b:s19+s21], $0x50, $0x38;
	[tilespmem:$0x7900] =	vst v63  }
0x16: {  	_ =	swait.ge [sflag:s10], $0x50  }
0x17: {  	s18 =	sshll.u32 s18, $0x4;
	[sflag:s10] =	ssyncset.done $0x0  }
0x18: {  	s31 =	sadd.s32 s5, s18;
	[sflag:s10] =	ssyncadd.s32 $0xFFFFFFB0  }
0x19: {  	[tilespmem:s12], [sflag:$0x1] =	stream.linear.gather [hbm4b:s31+s21], $0x2800, $0x38;
	[tilespmem:$0x7900] =	vst v63  }
0x1a: {  	_ =	swait.ge [sflag:s10], $0x2800  }
0x1b: {  	[sflag:s10] =	ssyncset.done $0x0  }
0x1c: {  	[sflag:s10] =	ssyncadd.s32 $0xFFFFD800  }
0x1d: {  	[tilespmem:s14], [sflag:$0x1] =	stream.indirect.gather [hbm4b:s4+s13], $0x80, s21, s13, $0xb8;
	[tilespmem:$0x7900] =	vst v63  }
0x1e: {  	_ =	swait.ge [sflag:s10], $0x2800  }
0x1f: {  	[sflag:s10] =	ssyncset.done $0x0  }
0x20: {  	[sflag:s10] =	ssyncadd.s32 $0xFFFFD800  }
0x21: {  	[tilespmem:s15], [sflag:$0x1] =	stream.indirect.gather [hbm4b:s4+s13], $0x80, s11, s13, $0xb8;
	[tilespmem:$0x7900] =	vst v63  }
0x22: {  	_ =	swait.ge [sflag:s10], $0x2800  }
0x23: {  	[sflag:s10] =	ssyncset.done $0x0  }
0x24: {  	s19 =	simm.s32 $0x0;
	[sflag:s10] =	ssyncadd.s32 $0xFFFFD800  }
0x25: {  	v0 =	vld [tilespmem:s19+$0x100]  }
0x26: {  	v2 =	vld [tilespmem:s19+$0x2940]  }
0x27: {  	v1 =	vld [tilespmem:s19+$0x110]  }
0x28: {  	v4 =	vld [tilespmem:s19+$0x2950]  }
0x29: {  	v3 =	vld [tilespmem:s19+$0x120]  }
0x2a: {  	v6 =	vld [tilespmem:s19+$0x2960]  }
0x2b: {  	v5 =	vld [tilespmem:s19+$0x130]  }
0x2c: {  	v7 =	vld [tilespmem:s19+$0x2970]  }
0x2d: {  	s20 =	simm.s32 $0x200;
	v8 =	vld [tilespmem:s19+$0x5100]  }
.LBB2_3:
0x2e: {  	p0 =	sne.s32 s20, $0x9E00;
	v9 =	vld [tilespmem:s19+$0x5110]  }
0x2f: {  	v10 =	vld [tilespmem:s19+$0x5120]  }
0x30: {  	s21 =	sshra.s32 s20, $0x2;
	v11 =	vadd.f32 v2, v0;
	v12 =	vld [tilespmem:s19+$0x5130]  }
0x31: {  	v4 =	vadd.f32 v4, v1;
	v0 =	vld [tilespmem:s21+$0x100]  }
0x32: {  	v3 =	vadd.f32 v6, v3;
	v2 =	vld [tilespmem:s21+$0x2940];
	v8 =	vadd.f32 v8, v11  }
0x33: {  	v5 =	vadd.f32 v7, v5;
	v1 =	vld [tilespmem:s21+$0x110];
	v6 =	vadd.f32 v9, v4  }
0x34: {  	v4 =	vld [tilespmem:s21+$0x2950];
	v7 =	vmax.f32 v8, $0.0e+00;
	v8 =	vadd.f32 v10, v3  }
.Ltmp0:
0x35: {  	v3 =	vld [tilespmem:s21+$0x120];
	[tilespmem:s19+$0x5100] =	vst v7;
	v7 =	vmax.f32 v6, $0.0e+00;
	v9 =	vadd.f32 v12, v5;
	(pc) =	sbr.rel @p0 .LBB2_3-.Ltmp0, $4  }
0x36: {  	v6 =	vld [tilespmem:s21+$0x2960];
	[tilespmem:s19+$0x5110] =	vst v7;
	v7 =	vmax.f32 v8, $0.0e+00  }
0x37: {  	v5 =	vld [tilespmem:s21+$0x130];
	[tilespmem:s19+$0x5120] =	vst v7;
	v8 =	vmax.f32 v9, $0.0e+00  }
0x38: {  	v7 =	vld [tilespmem:s21+$0x2970];
	[tilespmem:s19+$0x5130] =	vst v8;
	s19 =	smov.u32 s21  }
0x39: {  	s20 =	sadd.s32 $0x200, s20;
	v8 =	vld [tilespmem:s19+$0x5100]  }
0x3a: {  	v9 =	vld [tilespmem:s19+$0x5110]  }
0x3b: {  	v10 =	vld [tilespmem:s19+$0x5120]  }
0x3c: {  	v0 =	vadd.f32 v2, v0;
	v58 =	vld [tilespmem:s19+$0x5130]  }
0x3d: {  	v1 =	vadd.f32 v4, v1  }
0x3e: {  	v3 =	vadd.f32 v6, v3;
	v0 =	vadd.f32 v8, v0  }
0x3f: {  	v59 =	vadd.f32 v7, v5;
	v1 =	vadd.f32 v9, v1  }
0x40: {  	v3 =	vadd.f32 v10, v3;
	v0 =	vmax.f32 v0, $0.0e+00  }
0x41: {  	v61 =	vadd.f32 v58, v59;
	[tilespmem:s19+$0x5100] =	vst v0;
	v60 =	vmax.f32 v1, $0.0e+00  }
0x42: {  	s17 =	sadd.s32 $0x1, s17;
	v62 =	vmax.f32 v3, $0.0e+00;
	[tilespmem:s19+$0x5110] =	vst v60  }
0x43: {  	p0 =	sne.s32 s17, $0x7D;
	v63 =	vmax.f32 v61, $0.0e+00;
	[tilespmem:s19+$0x5120] =	vst v62  }
.Ltmp1:
0x44: {  	s18 =	sadd.s32 s7, s18;
	[tilespmem:s19+$0x5130] =	vst v63;
	(pc) =	sbr.rel @p0 .LBB2_2-.Ltmp1, $4  }
0x45: {  	[hbm4b:s18+s2] =	stream.linear.scatter [tilespmem:s12], [sflag:$0x1], $0x2800, $0x38;
	[tilespmem:$0x7900] =	vst v63  }
0x46: {  	_ =	swait.ge [sflag:s10], $0x2800  }
0x47: {  	[sflag:s10] =	ssyncset.done $0x0  }
0x48: {  	[sflag:s10] =	ssyncadd.s32 $0xFFFFD800  }
0x49: {  	s16 =	sadd.s32 $0x1, s16  }
0x4a: {  	p0 =	sne.s32 s16, s9  }
.Ltmp2:
0x4b: {  	_ = 	snop;
	(pc) =	sbr.rel @p0 .LBB2_1-.Ltmp2, $1  }
0x4c: {  	_ =	sdelay $0x3  }
0x4d: {  	_ =	sfence.sel $0x180000  }
0x4e: {  	[bflag:$0x0] =	sbarrier.arrive $0xFFFF  }
0x4f: {  	p0 =	sne.s32 s3, $0x0;
	_ =	strace $0x9000004D  }
0x50: {  	s0 =	sadd.s32 @!p0 $0x100000, s0;
	[bflag:$0x2] =	sbarrier.arrive $0xFFFF  }
0x51: {  	[sflag:s0] =	ssyncadd.tile.s32 @!p0 $0x1;
	_ =	shalt  }
.Lfunc_end2:
_tile_overlayer_lowered:
.L_overlay_start_2:
0x52: {  	(tag) =	ssettag $0x2  }
0x53: {  	s0 =	rddreg [dreg:$0x0];
	s2 =	stileid.u32  }
0x54: {  	s1 =	rddreg [dreg:$0x1];
	p0 =	sne.s32 s2, $0x0  }
0x55: {  	s3 =	rddreg [dreg:$0x2];
	[bflag:$0x3] =	sbarrier.arrive $0xFFFF;
	s2 =	simm.s32 @!p0 $0x1C01  }
0x56: {  	[timem:s3], [sflag:s2] =	dma.local @!p0 [hbm:s0], s1  }
0x57: {  	s0 =	simm.s32 @!p0 $0x1  }
0x58: {  	_ =	swait.ge @!p0 [sflag:s0], s1  }
0x59: {  	s1 =	ssub.s32 @!p0 $0x0, s1;
	[sflag:s0] =	ssyncset.done @!p0 $0x0  }
0x5a: {  	[sflag:s0] =	ssyncadd.s32 @!p0 s1  }
0x5b: {  	[bflag:$0x3] =	sbarrier.arrive $0xFFFF  }
0x5c: {  	_ =	shalt  }

// kernel: kernel.22.cloned.1.call-start
scs
__scs_entry_jumppad:
0x0: {  	(pc) =	sbr.rel $0x88, $3  }
0x1: {  	(tag) =	ssettag $0x0;
	lr =	simm.s32 $0x1  }
0x2: {  	[smem:$0x3F95] =	sst lr;
	_ =	strace $0xD0000000  }
0x3: {  	_ = 	snop  }
0x4: {  	_ = 	snop  }
0x5: {  	_ = 	snop  }
0x6: {  	_ = 	snop  }
0x7: {  	_ = 	snop  }
__scs_overlays_trampoline_lowered:
0x8: {  	[smem:$0x3FA4] =	sst s0  }
0x9: {  	[smem:$0x3FA5] =	sst s1  }
0xa: {  	[smem:$0x3FA6] =	sst s2  }
0xb: {  	[smem:$0x3FA7] =	sst s3  }
0xc: {  	[smem:$0x3FA8] =	sst s4  }
0xd: {  	[smem:$0x3FA9] =	sst s5  }
0xe: {  	[smem:$0x3FAA] =	sst s6  }
0xf: {  	[smem:$0x3FAB] =	sst s7  }
0x10: {  	[smem:$0x3FAC] =	sst s8  }
0x11: {  	[smem:$0x3FAD] =	sst s9;
	s0 =	simm.s32 @!p0 $0x0  }
0x12: {  	s1 =	sld [smem:$0x3F93];
	s0 =	simm.s32 @p0 $0x1  }
0x13: {  	[smem:$0x3FAE] =	sst s0;
	s0 =	simm.s32 @!p1 $0x0  }
0x14: {  	s2 =	sld [smem:$0x3F92];
	s0 =	simm.s32 @p1 $0x1  }
0x15: {  	[smem:$0x3FAF] =	sst s0;
	s0 =	simm.s32 @!p2 $0x0  }
0x16: {  	s3 =	sld [smem:$0x3FDB];
	s0 =	simm.s32 @p2 $0x1  }
0x17: {  	s4 =	simm.s32 $0x1BF5;
	[smem:$0x3FB1] =	sst s0  }
0x18: {  	s0 =	sld [smem:$0x3F94];
	_ =	swait.ge [sflag:s4], $0x0  }
0x19: {  	s7 =	sld [smem:$0x3F95]  }
0x1a: {  	s8 =	sadd.s32 $0xFFFFE003, lr  }
0x1b: {  	s9 =	sadd.s32 $0xFFFFFEF7, lr;
	s5 =	simm.s32 $0xFFFFFFFF;
	p2 =	slt.u32 s8, $0xFFFFF086  }
0x1c: {  	p1 =	slt.u32 s9, $0xF7A;
	s5 =	simm.s32 @!p2 $0x0  }
0x1d: {  	s5 =	simm.s32 @p1 $0x1;
	p0 =	seq.s32 s7, s2  }
0x1e: {  	s7 =	smul.u32 @!p0 $0xF7A, s2;
	p2 =	seq.s32 @!p0 s5, $0x0  }
0x1f: {  	s9 =	smul.u32 $0xF7A, s1;
	s8 =	simm.s32 @!p0 $0x1BF5;
	p2 =	por !p2, p0  }
0x20: {  	[sflag:s8] =	ssyncset.s32 @!p0 $0xFFFFF086;
	s6 =	sadd.s32 @!p0 s3, s7;
	s7 =	simm.s32 @!p0 $0x108  }
0x21: {  	s3 =	sadd.s32 s3, s9;
	s6 =	sadd.s32 @!p0 $0x88, s6;
	s7 =	simm.s32 @p2 $0x1082  }
0x22: {  	[simem:s7], [sflag:s8] =	dma.local @!p0 [hbm:s6], $0xF7A  }
0x23: {  	s9 =	sor.u32 $0xD0000000, s2;
	s6 =	simm.s32 $0x108;
	_ =	swait.ge @!p0 [sflag:s8], $0x0  }
0x24: {  	s3 =	sadd.s32 $0x88, s3;
	s6 =	simm.s32 @!p1 $0x1082;
	[sflag:s4] =	ssyncset.s32 $0xFFFFF086  }
0x25: {  	[simem:s6], [sflag:s4] =	dma.local [hbm:s3], $0xF7A  }
0x26: {  	[smem:$0x3F95] =	sst s1;
	(tag) =	ssettag s2;
	_ =	strace s9  }
0x27: {  	s1 =	sld [smem:$0x3FA5]  }
0x28: {  	s2 =	sld [smem:$0x3FA6]  }
0x29: {  	s4 =	sld [smem:$0x3FA8]  }
0x2a: {  	p0 =	seq.s32 s5, $0x0;
	s5 =	sld [smem:$0x3FA9]  }
0x2b: {  	s6 =	sld [smem:$0x3FAA]  }
0x2c: {  	s7 =	sld [smem:$0x3FAB]  }
0x2d: {  	s3 =	simm.s32 $0x108;
	s8 =	sld [smem:$0x3FAC]  }
0x2e: {  	s3 =	simm.s32 @!p0 $0x1082;
	s9 =	sld [smem:$0x3FAD]  }
0x2f: {  	lr =	sadd.s32 s0, s3;
	s0 =	sld [smem:$0x3FA4]  }
0x30: {  	s3 =	sld [smem:$0x3FA7]  }
0x31: {  	[smem:$0x3FB0] =	sst s10  }
0x32: {  	s10 =	sld [smem:$0x3FAE];
	_ =	sdelay $0x3  }
0x33: {  	p0 =	seq.s32 s10, $0x1;
	s10 =	sld [smem:$0x3FB0];
	_ =	sdelay $0x3  }
0x34: {  	[smem:$0x3FB0] =	sst s10  }
0x35: {  	s10 =	sld [smem:$0x3FAF];
	_ =	sdelay $0x3  }
0x36: {  	p1 =	seq.s32 s10, $0x1;
	s10 =	sld [smem:$0x3FB0];
	_ =	sdelay $0x3  }
0x37: {  	[smem:$0x3FB0] =	sst s10  }
0x38: {  	s10 =	sld [smem:$0x3FB1]  }
0x39: {  	_ = 	snop;
	(pc) =	sbr.ind lr, $3  }
0x3a: {  	_ = 	snop  }
0x3b: {  	_ = 	snop  }
0x3c: {  	p2 =	seq.s32 s10, $0x1;
	s10 =	sld [smem:$0x3FB0]  }
0x3d: {  	_ =	shalt  }
0x3e: {  	_ =	shalt  }
0x3f: {  	_ =	shalt  }
0x40: {  	_ =	shalt  }
0x41: {  	_ =	shalt  }
0x42: {  	_ =	shalt  }
0x43: {  	_ =	shalt  }
0x44: {  	_ =	shalt  }
0x45: {  	_ =	shalt  }
0x46: {  	_ =	shalt  }
0x47: {  	_ =	shalt  }
0x48: {  	_ =	shalt  }
0x49: {  	_ =	shalt  }
0x4a: {  	_ =	shalt  }
0x4b: {  	_ =	shalt  }
0x4c: {  	_ =	shalt  }
0x4d: {  	_ =	shalt  }
0x4e: {  	_ =	shalt  }
0x4f: {  	_ =	shalt  }
0x50: {  	_ =	shalt  }
0x51: {  	_ =	shalt  }
0x52: {  	_ =	shalt  }
0x53: {  	_ =	shalt  }
0x54: {  	_ =	shalt  }
0x55: {  	_ =	shalt  }
0x56: {  	_ =	shalt  }
0x57: {  	_ =	shalt  }
0x58: {  	_ =	shalt  }
0x59: {  	_ =	shalt  }
0x5a: {  	_ =	shalt  }
0x5b: {  	_ =	shalt  }
0x5c: {  	_ =	shalt  }
0x5d: {  	_ =	shalt  }
0x5e: {  	_ =	shalt  }
0x5f: {  	_ =	shalt  }
0x60: {  	_ =	shalt  }
0x61: {  	_ =	shalt  }
0x62: {  	_ =	shalt  }
0x63: {  	_ =	shalt  }
0x64: {  	_ =	shalt  }
0x65: {  	_ =	shalt  }
0x66: {  	_ =	shalt  }
0x67: {  	_ =	shalt  }
0x68: {  	_ =	shalt  }
0x69: {  	_ =	shalt  }
0x6a: {  	_ =	shalt  }
0x6b: {  	_ =	shalt  }
0x6c: {  	_ =	shalt  }
0x6d: {  	_ =	shalt  }
0x6e: {  	_ =	shalt  }
0x6f: {  	_ =	shalt  }
0x70: {  	_ =	shalt  }
0x71: {  	_ =	shalt  }
0x72: {  	_ =	shalt  }
0x73: {  	_ =	shalt  }
0x74: {  	_ =	shalt  }
0x75: {  	_ =	shalt  }
0x76: {  	_ =	shalt  }
0x77: {  	_ =	shalt  }
0x78: {  	_ =	shalt  }
0x79: {  	_ =	shalt  }
0x7a: {  	_ =	shalt  }
0x7b: {  	_ =	shalt  }
0x7c: {  	_ =	shalt  }
0x7d: {  	_ =	shalt  }
0x7e: {  	_ =	shalt  }
0x7f: {  	_ =	shalt  }
0x80: {  	_ =	shalt  }
0x81: {  	_ =	shalt  }
0x82: {  	_ =	shalt  }
0x83: {  	_ =	shalt  }
0x84: {  	_ =	shalt  }
0x85: {  	_ =	shalt  }
0x86: {  	_ =	shalt  }
0x87: {  	_ =	shalt  }
.Lfunc_end0:
.L_simem_size_0:
called_computation.4_lowered:
.L_overlay_start_0:
0x88: {  	s2 =	sld [smem:$0x3FD9]  }
0x89: {  	s3 =	sld [smem:$0x3FFE];
	_ =	sdelay $0x1  }
0x8a: {  	s1 =	srdreg.scid  }
0x8b: {  	s0 =	sand.u32 $0x1, s1  }
0x8c: {  	s17 =	sshll.u32 s0, $0xA;
	s2 =	sadd.s32 s3, s2  }
0x8d: {  	s2 =	sadd.s32 s2, s17  }
0x8e: {  	[smem:$0x3FBC] =	sst s2  }
0x8f: {  	_ = 	snop  }
0x90: {  	(tm) =	ssettm $0x1  }
0x91: {  	s18 =	sld [smem:$0x3FFB];
	_ =	sdelay $0x3  }
0x92: {  	_ =	strace s18  }
0x93: {  	s2 =	sld [smem:$0x3FFC];
	_ =	sdelay $0x3  }
0x94: {  	_ =	strace s2  }
0x95: {  	s2 =	sld [smem:$0x3FFD];
	_ =	sdelay $0x3  }
0x96: {  	_ =	strace s2  }
0x97: {  	_ =	strace $0x8FFFFFFF  }
0x98: {  	s19 =	sld [smem:$0x3FDB];
	_ =	sdelay $0x1  }
0x99: {  	s20 =	simm.s32 $_scs_section_size  }
0x9a: {  	s4 =	simm.s32 $_size__tile_overlayer_lowered;
	s5 =	simm.s32 $_tile_overlayer_lowered  }
0x9b: {  	s6 =	simm.s32 $0x1BFF;
	s21 =	sshll.u32 s5, $0x1;
	s3 =	sadd.s32 s20, s19  }
0x9c: {  	s22 =	simm.s32 $0x0;
	s4 =	sshll.u32 s4, $0x1;
	s5 =	sadd.s32 s21, s3  }
0x9d: {  	[timem:s22], [sflag:s6] =	dma.local [hbm:s5], s4  }
0x9e: {  	_ =	swait.ge [sflag:s6], s4  }
0x9f: {  	s4 =	ssub.s32 $0x0, s4;
	[sflag:s6] =	ssyncset.done $0x0  }
0xa0: {  	[sflag:s6] =	ssyncadd.s32 s4;
	_ =	sdelay $0x1  }
0xa1: {  	s23 =	simm.s32 $0x1B8B  }
0xa2: {  	_ =	swait.ge [sflag:s23], $0x1  }
0xa3: {  	[sflag:s23] =	ssyncset.done $0x0  }
0xa4: {  	[sflag:s23] =	ssyncadd.s32 $0xFFFFFFFF  }
0xa5: {  	s4 =	sld [smem:$0x0]  }
0xa6: {  	s5 =	sand.u32 $0xFFFFFFFE, s1  }
0xa7: {  	p0 =	sne.s32 s1, s5  }
0xa8: {  	s5 =	sshll.u32 @p0 s5, $0xE  }
0xa9: {  	s5 =	sadd.s32 @p0 $0x11B8D, s5;
	s6 =	sshll.u32 @p0 s4, $0x11  }
0xaa: {  	s5 =	sor.u32 @p0 s6, s5  }
0xab: {  	[sflag:s5] =	ssyncadd.remote.s32 @p0 $0x1;
	_ =	sdelay $0x1  }
0xac: {  	s5 =	simm.s32 @p0 $0x1B8D  }
0xad: {  	_ =	swait.eq @p0 [sflag:s5], $0x1  }
0xae: {  	[sflag:s5] =	ssyncadd.s32 @p0 $0xFFFFFFFF  }
0xaf: {  	s6 =	sshll.u32 @!p0 s1, $0xE  }
0xb0: {  	s6 =	sor.u32 @!p0 $0x4000, s6;
	s5 =	simm.s32 @!p0 $0x1B8D  }
0xb1: {  	s4 =	sshll.u32 @!p0 s4, $0x11;
	s6 =	sadd.s32 @!p0 $0x11B8D, s6;
	_ =	swait.eq @!p0 [sflag:s5], $0x1  }
0xb2: {  	s4 =	sor.u32 @!p0 s4, s6;
	[sflag:s5] =	ssyncadd.s32 @!p0 $0xFFFFFFFF  }
0xb3: {  	s25 =	simm.s32 $0x1B8E;
	s24 =	sld [smem:$0x3FFE];
	[sflag:s4] =	ssyncadd.remote.s32 @!p0 $0x1  }
0xb4: {  	s26 =	simm.s32 $execute0_lowered;
	[smem:$0x3FD2] =	sst s25  }
0xb5: {  	s5 =	sshll.u32 s26, $0x1;
	_ =	strace $0x80000052;
	[dreg:$0x1] =	wrdreg $0xFFFFFFFF  }
0xb6: {  	s28 =	simm.s32 $_size_execute0_lowered;
	s3 =	sadd.s32 s3, s5;
	[dreg:$0x0] =	wrdreg $0x0  }
0xb7: {  	s5 =	sshll.u32 s28, $0x1;
	[dreg:$0x2] =	wrdreg s3  }
0xb8: {  	[dreg:$0x3] =	wrdreg s5  }
0xb9: {  	[dreg:$0x4] =	wrdreg $0xC0  }
0xba: {  	_ =	task [dreg:s22], $0x5FFFF  }
0xbb: {  	[dreg:$0x1] =	wrdreg $0xFFFFFFFF  }
0xbc: {  	[dreg:$0x0] =	wrdreg $0x60  }
0xbd: {  	[dreg:$0x2] =	wrdreg s24  }
0xbe: {  	[dreg:$0x3] =	wrdreg $0xA  }
0xbf: {  	_ =	task.clear_ibuf [dreg:s22], $0x4FFFF;
	_ =	strace $0x90000052  }
0xc0: {  	s29 =	simm.s32 $0xA;
	_ =	strace $0x80000054  }
0xc1: {  	_ =	swait.ge [sflag:s29], $0x1  }
0xc2: {  	[sflag:s29] =	ssyncadd.s32 $0xFFFFFFFF  }
0xc3: {  	_ =	strace $0x90000054  }
0xc4: {  	_ =	sfence  }
0xc5: {  	s30 =	sld [smem:$0x0];
	_ =	sdelay $0x2  }
0xc6: {  	s31 =	sshll.u32 s1, $0xD;
	s1 =	sshrl.u32 s1, $0x2  }
0xc7: {  	s4 =	sand.u32 $0x4000, s31;
	s1 =	sadd.s32 s1, s30  }
0xc8: {  	s0 =	sor.u32 s4, s0;
	s1 =	sshll.u32 s1, $0x11  }
0xc9: {  	s0 =	sor.u32 s1, s0  }
0xca: {  	s0 =	sadd.s32 $0x8F2B, s0  }
0xcb: {  	[sflag:s0] =	ssyncadd.remote.s32 $0x1  }
0xcc: {  	_ =	sfence.sel $0xFFFF  }
0xcd: {  	[dreg:$0x0] =	wrdreg $0xFFFFFFFF;
	(pc) =	sbr.abs _section_cstart, $3  }
0xce: {  	[dreg:$0x1] =	wrdreg $0xFFFFFFFF  }
0xcf: {  	_ =	task.clear_ibuf [dreg:s22], $0x2FFFF;
	_ =	strace $0x9FFFFFFF  }
0xd0: {  	(tm) =	ssettm $0x7FFFFFFF  }
0xd1: {  	_ =	shalt  }
tec
execute0_lowered:
.L_overlay_start_1:
0x0: {  	(tag) =	ssettag $0x1  }
0x1: {  	s4 =	rddreg [dreg:$0x0]  }
0x2: {  	s0 =	rddreg [dreg:$0x1]  }
0x3: {  	s3 =	srdreg.scid;
	s1 =	stileid.u32;
	s2 =	simm.s32 $0x0  }
0x4: {  	s13 =	simm.s32 $0x100;
	s14 =	simm.s32 $0x180;
	s15 =	simm.s32 $0x1  }
0x5: {  	s16 =	simm.s32 $0x8;
	s17 =	simm.s32 $0x0;
	s5 =	sand.u32 $0x1, s3  }
0x6: {  	s30 =	sshll.u32 s1, $0x1;
	s10 =	sadd.s32 $0x9FF400, s4;
	s7 =	smul.u32 $0x2710, s1  }
0x7: {  	s3 =	sor.u32 s5, s30;
	s8 =	ssub.s32 $0x2, s5;
	s5 =	smul.u32 $0x1388, s5  }
0x8: {  	[smem:$0x7FF] =	sst s2;
	s9 =	sadd.s32 $0x9FA400, s4;
	s6 =	smul.u32 $0x1388, s3  }
0x9: {  	s11 =	sadd.s32 $0x22E00, s4;
	_ =	strace $0x80000053;
	s3 =	sadd.s32 $0xF200, s4  }
0xa: {  	s31 =	sshrl.u32 s8, $0x1;
	s7 =	sadd.s32 s5, s7;
	s6 =	sshrl.u32 s6, $0x3  }
0xb: {  	s8 =	ssub.s32 s8, s31;
	s12 =	sshrl.u32 s7, $0x3;
	s6 =	sadd.s32 $0x270, s6  }
0xc: {  	s7 =	smax.u32 s8, $0x1;
	s8 =	sadd.s32 s12, s11;
	s4 =	sadd.s32 s10, s6  }
0xd: {  	s5 =	sadd.s32 s9, s6;
	s6 =	sadd.s32 s11, s6;
	s9 =	sadd.s32 s12, s9  }
0xe: {  	s10 =	sadd.s32 s12, s10;
	s11 =	simm.s32 $0x2;
	s12 =	simm.s32 $0x80  }
.LBB2_1:
0xf: {  	s18 =	sadd.s32 $0x0, s10  }
0x10: {  	[tilespmem:s2], [sflag:$0x2] =	stream.linear.gather [hbm4b:s18+s2], $0x80, $0x38;
	[tilespmem:$0x200] =	vst v63  }
0x11: {  	_ =	swait.ge [sflag:s11], $0x80  }
0x12: {  	[sflag:s11] =	ssyncset.done $0x0  }
0x13: {  	s31 =	sadd.s32 $0x0, s9;
	[sflag:s11] =	ssyncadd.s32 $0xFFFFFF80  }
0x14: {  	[tilespmem:s12], [sflag:$0x2] =	stream.linear.gather [hbm4b:s31+s2], $0x80, $0x38;
	[tilespmem:$0x200] =	vst v63  }
0x15: {  	_ =	swait.ge [sflag:s11], $0x80  }
0x16: {  	[sflag:s11] =	ssyncset.done $0x0  }
0x17: {  	[sflag:s11] =	ssyncadd.s32 $0xFFFFFF80  }
0x18: {  	[tilespmem:s13], [sflag:$0x1] =	stream.indirect.gather [hbm4b:s3+s12], $0x1, s2, s12, $0xb8;
	[tilespmem:$0x200] =	vst v63  }
0x19: {  	_ = 	snop  }
0x1a: {  	[tilespmem:s14], [sflag:$0x1] =	stream.indirect.gather [hbm4b:s3+s12], $0x1, s12, s12, $0xb8;
	[tilespmem:$0x200] =	vst v63  }
0x1b: {  	_ =	swait.ge [sflag:s15], $0x80  }
0x1c: {  	[sflag:s15] =	ssyncset.done $0x0  }
0x1d: {  	[sflag:s15] =	ssyncadd.s32 $0xFFFFFF80  }
0x1e: {  	_ =	swait.ge [sflag:s15], $0x80  }
0x1f: {  	[sflag:s15] =	ssyncset.done $0x0  }
0x20: {  	[sflag:s15] =	ssyncadd.s32 $0xFFFFFF80  }
0x21: {  	v0 =	vld [tilespmem:$0x1F0]  }
0x22: {  	v1 =	vld [tilespmem:$0x1B0]  }
0x23: {  	v2 =	vld [tilespmem:$0x1A0]  }
0x24: {  	v3 =	vld [tilespmem:$0x1E0]  }
0x25: {  	v4 =	vld [tilespmem:$0x170]  }
0x26: {  	v5 =	vld [tilespmem:$0x1C0]  }
0x27: {  	v6 =	vld [tilespmem:$0x130]  }
0x28: {  	v7 =	vld [tilespmem:$0x1D0]  }
0x29: {  	v8 =	vld [tilespmem:$0x150]  }
0x2a: {  	v60 =	vld [tilespmem:$0x160]  }
0x2b: {  	v9 =	vld [tilespmem:$0x100]  }
0x2c: {  	v10 =	vld [tilespmem:$0x120]  }
0x2d: {  	v11 =	vld [tilespmem:$0x180];
	v0 =	vadd.f32 v0, v4  }
0x2e: {  	v59 =	vld [tilespmem:$0x140];
	v1 =	vadd.f32 v1, v6  }
0x2f: {  	v61 =	vld [tilespmem:$0x190];
	v3 =	vadd.f32 v3, v60;
	v0 =	vmul.f32 $5.000000000e-01, v0  }
0x30: {  	v62 =	vld [tilespmem:$0x110];
	v7 =	vadd.f32 v7, v8;
	v1 =	vmul.f32 $5.000000000e-01, v1  }
0x31: {  	v2 =	vadd.f32 v2, v10;
	v3 =	vmul.f32 $5.000000000e-01, v3;
	[tilespmem:$0x170] =	vst v0  }
0x32: {  	v63 =	vadd.f32 v11, v9;
	v0 =	vmul.f32 $5.000000000e-01, v7;
	[tilespmem:$0x130] =	vst v1  }
0x33: {  	v1 =	vmul.f32 $5.000000000e-01, v2;
	v2 =	vadd.f32 v5, v59;
	[tilespmem:$0x160] =	vst v3  }
0x34: {  	[tilespmem:$0x150] =	vst v0;
	v0 =	vmul.f32 $5.000000000e-01, v63  }
0x35: {  	[tilespmem:$0x120] =	vst v1;
	v1 =	vmul.f32 $5.000000000e-01, v2;
	v2 =	vadd.f32 v61, v62  }
0x36: {  	s20 =	sadd.s32 $0x0, s8;
	[tilespmem:$0x100] =	vst v0  }
0x37: {  	s19 =	simm.s32 $0x10;
	s21 =	simm.s32 $0x20;
	s18 =	sadd.s32 $0x10, s8;
	[tilespmem:$0x140] =	vst v1;
	v0 =	vmul.f32 $5.000000000e-01, v2  }
.LBB2_2:
0x38: {  	s22 =	sadd.s32 s21, s8  }
0x39: {  	p0 =	sne.s32 s21, $0x260;
	[tilespmem:$0x110] =	vst v0;
	s23 =	smov.u32 s21;
	s21 =	sadd.s32 $0x10, s21  }
0x3a: {  	[hbm4b:s20+s2] =	stream.linear.scatter [tilespmem:s13], [sflag:$0x2], $0x80, $0x38;
	[tilespmem:$0x200] =	vst v63  }
0x3b: {  	s20 =	smov.u32 s18;
	s18 =	smov.u32 s22;
	_ =	swait.ge [sflag:s11], $0x80  }
0x3c: {  	[sflag:s11] =	ssyncset.done $0x0  }
0x3d: {  	s22 =	sadd.s32 s19, s10;
	[sflag:s11] =	ssyncadd.s32 $0xFFFFFF80  }
0x3e: {  	[tilespmem:s2], [sflag:$0x2] =	stream.linear.gather [hbm4b:s22+s2], $0x80, $0x38;
	[tilespmem:$0x200] =	vst v63  }
0x3f: {  	_ =	swait.ge [sflag:s11], $0x80  }
0x40: {  	[sflag:s11] =	ssyncset.done $0x0  }
0x41: {  	s22 =	sadd.s32 s19, s9;
	s19 =	smov.u32 s23;
	[sflag:s11] =	ssyncadd.s32 $0xFFFFFF80  }
0x42: {  	[tilespmem:s12], [sflag:$0x2] =	stream.linear.gather [hbm4b:s22+s2], $0x80, $0x38;
	[tilespmem:$0x200] =	vst v63  }
0x43: {  	_ =	swait.ge [sflag:s11], $0x80  }
0x44: {  	[sflag:s11] =	ssyncset.done $0x0  }
0x45: {  	[sflag:s11] =	ssyncadd.s32 $0xFFFFFF80  }
0x46: {  	[tilespmem:s13], [sflag:$0x1] =	stream.indirect.gather [hbm4b:s3+s12], $0x1, s2, s12, $0xb8;
	[tilespmem:$0x200] =	vst v63  }
0x47: {  	_ = 	snop  }
0x48: {  	[tilespmem:s14], [sflag:$0x1] =	stream.indirect.gather [hbm4b:s3+s12], $0x1, s12, s12, $0xb8;
	[tilespmem:$0x200] =	vst v63  }
0x49: {  	_ =	swait.ge [sflag:s15], $0x80  }
0x4a: {  	[sflag:s15] =	ssyncset.done $0x0  }
0x4b: {  	[sflag:s15] =	ssyncadd.s32 $0xFFFFFF80  }
0x4c: {  	_ =	swait.ge [sflag:s15], $0x80  }
0x4d: {  	[sflag:s15] =	ssyncset.done $0x0  }
0x4e: {  	[sflag:s15] =	ssyncadd.s32 $0xFFFFFF80  }
0x4f: {  	v0 =	vld [tilespmem:$0x1F0]  }
0x50: {  	v1 =	vld [tilespmem:$0x1B0]  }
0x51: {  	v2 =	vld [tilespmem:$0x1A0]  }
0x52: {  	v3 =	vld [tilespmem:$0x1E0]  }
0x53: {  	v4 =	vld [tilespmem:$0x170]  }
0x54: {  	v5 =	vld [tilespmem:$0x1C0]  }
0x55: {  	v6 =	vld [tilespmem:$0x130]  }
0x56: {  	v7 =	vld [tilespmem:$0x190]  }
0x57: {  	v8 =	vld [tilespmem:$0x1D0]  }
0x58: {  	v9 =	vld [tilespmem:$0x150];
	v0 =	vadd.f32 v0, v4  }
0x59: {  	v4 =	vld [tilespmem:$0x100]  }
0x5a: {  	v10 =	vld [tilespmem:$0x120];
	v1 =	vadd.f32 v1, v6;
	v0 =	vmul.f32 $5.000000000e-01, v0  }
0x5b: {  	v6 =	vld [tilespmem:$0x180]  }
0x5c: {  	v1 =	vmul.f32 $5.000000000e-01, v1;
	v11 =	vld [tilespmem:$0x140];
	[tilespmem:$0x170] =	vst v0  }
0x5d: {  	v0 =	vadd.f32 v8, v9;
	v8 =	vld [tilespmem:$0x160]  }
0x5e: {  	v9 =	vld [tilespmem:$0x110];
	[tilespmem:$0x130] =	vst v1  }
0x5f: {  	v1 =	vadd.f32 v2, v10;
	v0 =	vmul.f32 $5.000000000e-01, v0  }
0x60: {  	v2 =	vadd.f32 v6, v4  }
0x61: {  	v1 =	vmul.f32 $5.000000000e-01, v1;
	v4 =	vadd.f32 v5, v11;
	[tilespmem:$0x150] =	vst v0  }
.Ltmp0:
0x62: {  	v0 =	vmul.f32 $5.000000000e-01, v2;
	v2 =	vadd.f32 v3, v8;
	(pc) =	sbr.rel @p0 .LBB2_2-.Ltmp0, $4  }
0x63: {  	v3 =	vadd.f32 v7, v9;
	[tilespmem:$0x120] =	vst v1;
	v1 =	vmul.f32 $5.000000000e-01, v4  }
0x64: {  	[tilespmem:$0x100] =	vst v0;
	v2 =	vmul.f32 $5.000000000e-01, v2  }
0x65: {  	v0 =	vmul.f32 $5.000000000e-01, v3;
	[tilespmem:$0x140] =	vst v1  }
0x66: {  	[tilespmem:$0x160] =	vst v2  }
0x67: {  	[tilespmem:$0x110] =	vst v0  }
0x68: {  	[hbm4b:s20+s2] =	stream.linear.scatter [tilespmem:s13], [sflag:$0x2], $0x80, $0x38;
	[tilespmem:$0x200] =	vst v63  }
0x69: {  	_ =	swait.ge [sflag:s11], $0x80  }
0x6a: {  	[sflag:s11] =	ssyncset.done $0x0  }
0x6b: {  	s30 =	sadd.s32 s19, s10;
	[sflag:s11] =	ssyncadd.s32 $0xFFFFFF80  }
0x6c: {  	[tilespmem:s2], [sflag:$0x2] =	stream.linear.gather [hbm4b:s30+s2], $0x80, $0x38;
	[tilespmem:$0x200] =	vst v63  }
0x6d: {  	_ =	swait.ge [sflag:s11], $0x80  }
0x6e: {  	[sflag:s11] =	ssyncset.done $0x0  }
0x6f: {  	s31 =	sadd.s32 s19, s9;
	[sflag:s11] =	ssyncadd.s32 $0xFFFFFF80  }
0x70: {  	[tilespmem:s12], [sflag:$0x2] =	stream.linear.gather [hbm4b:s31+s2], $0x80, $0x38;
	[tilespmem:$0x200] =	vst v63  }
0x71: {  	_ =	swait.ge [sflag:s11], $0x80  }
0x72: {  	[sflag:s11] =	ssyncset.done $0x0  }
0x73: {  	[sflag:s11] =	ssyncadd.s32 $0xFFFFFF80  }
0x74: {  	[tilespmem:s13], [sflag:$0x1] =	stream.indirect.gather [hbm4b:s3+s12], $0x1, s2, s12, $0xb8;
	[tilespmem:$0x200] =	vst v63  }
0x75: {  	_ = 	snop  }
0x76: {  	[tilespmem:s14], [sflag:$0x1] =	stream.indirect.gather [hbm4b:s3+s12], $0x1, s12, s12, $0xb8;
	[tilespmem:$0x200] =	vst v63  }
0x77: {  	_ =	swait.ge [sflag:s15], $0x80  }
0x78: {  	[sflag:s15] =	ssyncset.done $0x0  }
0x79: {  	[sflag:s15] =	ssyncadd.s32 $0xFFFFFF80  }
0x7a: {  	_ =	swait.ge [sflag:s15], $0x80  }
0x7b: {  	[sflag:s15] =	ssyncset.done $0x0  }
0x7c: {  	[sflag:s15] =	ssyncadd.s32 $0xFFFFFF80  }
0x7d: {  	v49 =	vld [tilespmem:$0x1F0]  }
0x7e: {  	v1 =	vld [tilespmem:$0x1B0]  }
0x7f: {  	v2 =	vld [tilespmem:$0x1A0]  }
0x80: {  	v3 =	vld [tilespmem:$0x1E0]  }
0x81: {  	v4 =	vld [tilespmem:$0x170]  }
0x82: {  	v5 =	vld [tilespmem:$0x1C0]  }
0x83: {  	v6 =	vld [tilespmem:$0x130]  }
0x84: {  	v7 =	vld [tilespmem:$0x190]  }
0x85: {  	v8 =	vld [tilespmem:$0x1D0]  }
0x86: {  	v9 =	vld [tilespmem:$0x150]  }
0x87: {  	v10 =	vld [tilespmem:$0x100]  }
0x88: {  	v11 =	vld [tilespmem:$0x120]  }
0x89: {  	v12 =	vld [tilespmem:$0x180]  }
0x8a: {  	v50 =	vld [tilespmem:$0x140];
	v0 =	vadd.f32 v49, v4  }
0x8b: {  	v51 =	vld [tilespmem:$0x160];
	v1 =	vadd.f32 v1, v6  }
0x8c: {  	v52 =	vld [tilespmem:$0x110];
	v8 =	vadd.f32 v8, v9;
	v0 =	vmul.f32 $5.000000000e-01, v0  }
0x8d: {  	v2 =	vadd.f32 v2, v11;
	v1 =	vmul.f32 $5.000000000e-01, v1  }
0x8e: {  	v54 =	vadd.f32 v12, v10;
	v53 =	vmul.f32 $5.000000000e-01, v8;
	[tilespmem:$0x170] =	vst v0  }
0x8f: {  	v56 =	vadd.f32 v5, v50;
	v55 =	vmul.f32 $5.000000000e-01, v2;
	[tilespmem:$0x130] =	vst v1  }
0x90: {  	v3 =	vadd.f32 v3, v51;
	v57 =	vmul.f32 $5.000000000e-01, v54;
	[tilespmem:$0x150] =	vst v53  }
0x91: {  	v58 =	vadd.f32 v7, v52;
	v59 =	vmul.f32 $5.000000000e-01, v56;
	[tilespmem:$0x120] =	vst v55  }
0x92: {  	v60 =	vmul.f32 $5.000000000e-01, v3;
	[tilespmem:$0x100] =	vst v57  }
0x93: {  	v61 =	vmul.f32 $5.000000000e-01, v58;
	[tilespmem:$0x140] =	vst v59  }
0x94: {  	[tilespmem:$0x160] =	vst v60  }
0x95: {  	[tilespmem:$0x110] =	vst v61  }
0x96: {  	[hbm4b:s18+s2] =	stream.linear.scatter [tilespmem:s13], [sflag:$0x2], $0x80, $0x38;
	[tilespmem:$0x200] =	vst v63  }
0x97: {  	_ =	swait.ge [sflag:s11], $0x80  }
0x98: {  	[sflag:s11] =	ssyncset.done $0x0  }
0x99: {  	[sflag:s11] =	ssyncadd.s32 $0xFFFFFF80  }
0x9a: {  	[tilespmem:s2], [sflag:$0x2] =	stream.linear.gather [hbm4b:s4+s2], $0x8, $0x38;
	[tilespmem:$0x200] =	vst v63  }
0x9b: {  	_ =	swait.ge [sflag:s11], $0x8  }
0x9c: {  	[sflag:s11] =	ssyncset.done $0x0  }
0x9d: {  	[sflag:s11] =	ssyncadd.s32 $0xFFFFFFF8  }
0x9e: {  	[tilespmem:s12], [sflag:$0x2] =	stream.linear.gather [hbm4b:s5+s2], $0x8, $0x38;
	[tilespmem:$0x200] =	vst v63  }
0x9f: {  	_ =	swait.ge [sflag:s11], $0x8  }
0xa0: {  	[sflag:s11] =	ssyncset.done $0x0  }
0xa1: {  	[sflag:s11] =	ssyncadd.s32 $0xFFFFFFF8  }
0xa2: {  	[tilespmem:s13], [sflag:$0x2] =	stream.indirect.gather [hbm4b:s3+s16], $0x1, s2, s16, $0xb8;
	[tilespmem:$0x200] =	vst v63  }
0xa3: {  	_ =	swait.ge [sflag:s11], $0x8  }
0xa4: {  	[sflag:s11] =	ssyncset.done $0x0  }
0xa5: {  	[sflag:s11] =	ssyncadd.s32 $0xFFFFFFF8  }
0xa6: {  	[tilespmem:s14], [sflag:$0x2] =	stream.indirect.gather [hbm4b:s3+s16], $0x1, s12, s16, $0xb8;
	[tilespmem:$0x200] =	vst v63  }
0xa7: {  	_ =	swait.ge [sflag:s11], $0x8  }
0xa8: {  	[sflag:s11] =	ssyncset.done $0x0  }
0xa9: {  	[sflag:s11] =	ssyncadd.s32 $0xFFFFFFF8  }
0xaa: {  	v62 =	vld [tilespmem:$0x100]  }
0xab: {  	v63 =	vld [tilespmem:$0x180];
	_ =	sdelay $0x4  }
0xac: {  	v0 =	vadd.f32 v63, v62;
	_ =	sdelay $0x1  }
0xad: {  	s17 =	sadd.s32 $0x1, s17;
	v0 =	vmul.f32 $5.000000000e-01, v0  }
0xae: {  	p0 =	sne.s32 s17, s7  }
.Ltmp1:
0xaf: {  	[tilespmem:$0x100] =	vst v0;
	(pc) =	sbr.rel @p0 .LBB2_1-.Ltmp1, $4  }
0xb0: {  	[hbm4b:s6+s2] =	stream.linear.scatter [tilespmem:s13], [sflag:$0x2], $0x8, $0x38;
	[tilespmem:$0x200] =	vst v63  }
0xb1: {  	_ =	swait.ge [sflag:s11], $0x8  }
0xb2: {  	[sflag:s11] =	ssyncset.done $0x0  }
0xb3: {  	[sflag:s11] =	ssyncadd.s32 $0xFFFFFFF8  }
0xb4: {  	_ =	sfence.sel $0x180000  }
0xb5: {  	[bflag:$0x0] =	sbarrier.arrive $0xFFFF  }
0xb6: {  	p0 =	sne.s32 s1, $0x0;
	_ =	strace $0x90000053  }
0xb7: {  	s0 =	sadd.s32 @!p0 $0x100000, s0;
	[bflag:$0x2] =	sbarrier.arrive $0xFFFF  }
0xb8: {  	[sflag:s0] =	ssyncadd.tile.s32 @!p0 $0x1;
	_ =	shalt  }
.Lfunc_end2:
_tile_overlayer_lowered:
.L_overlay_start_2:
0xb9: {  	(tag) =	ssettag $0x2  }
0xba: {  	s0 =	rddreg [dreg:$0x0];
	s2 =	stileid.u32  }
0xbb: {  	s1 =	rddreg [dreg:$0x1];
	p0 =	sne.s32 s2, $0x0  }
0xbc: {  	s3 =	rddreg [dreg:$0x2];
	[bflag:$0x3] =	sbarrier.arrive $0xFFFF;
	s2 =	simm.s32 @!p0 $0x1C02  }
0xbd: {  	[timem:s3], [sflag:s2] =	dma.local @!p0 [hbm:s0], s1  }
0xbe: {  	s0 =	simm.s32 @!p0 $0x2  }
0xbf: {  	_ =	swait.ge @!p0 [sflag:s0], s1  }
0xc0: {  	s1 =	ssub.s32 @!p0 $0x0, s1;
	[sflag:s0] =	ssyncset.done @!p0 $0x0  }
0xc1: {  	[sflag:s0] =	ssyncadd.s32 @!p0 s1  }
0xc2: {  	[bflag:$0x3] =	sbarrier.arrive $0xFFFF  }
0xc3: {  	_ =	shalt  }

// kernel: kernel.25.cloned.1.call-start
scs
__scs_entry_jumppad:
0x0: {  	(pc) =	sbr.rel $0x88, $3  }
0x1: {  	(tag) =	ssettag $0x0;
	lr =	simm.s32 $0x1  }
0x2: {  	[smem:$0x3F95] =	sst lr;
	_ =	strace $0xD0000000  }
0x3: {  	_ = 	snop  }
0x4: {  	_ = 	snop  }
0x5: {  	_ = 	snop  }
0x6: {  	_ = 	snop  }
0x7: {  	_ = 	snop  }
__scs_overlays_trampoline_lowered:
0x8: {  	[smem:$0x3FA4] =	sst s0  }
0x9: {  	[smem:$0x3FA5] =	sst s1  }
0xa: {  	[smem:$0x3FA6] =	sst s2  }
0xb: {  	[smem:$0x3FA7] =	sst s3  }
0xc: {  	[smem:$0x3FA8] =	sst s4  }
0xd: {  	[smem:$0x3FA9] =	sst s5  }
0xe: {  	[smem:$0x3FAA] =	sst s6  }
0xf: {  	[smem:$0x3FAB] =	sst s7  }
0x10: {  	[smem:$0x3FAC] =	sst s8  }
0x11: {  	[smem:$0x3FAD] =	sst s9;
	s0 =	simm.s32 @!p0 $0x0  }
0x12: {  	s1 =	sld [smem:$0x3F93];
	s0 =	simm.s32 @p0 $0x1  }
0x13: {  	[smem:$0x3FAE] =	sst s0;
	s0 =	simm.s32 @!p1 $0x0  }
0x14: {  	s2 =	sld [smem:$0x3F92];
	s0 =	simm.s32 @p1 $0x1  }
0x15: {  	[smem:$0x3FAF] =	sst s0;
	s0 =	simm.s32 @!p2 $0x0  }
0x16: {  	s3 =	sld [smem:$0x3FDB];
	s0 =	simm.s32 @p2 $0x1  }
0x17: {  	s4 =	simm.s32 $0x1BF5;
	[smem:$0x3FB1] =	sst s0  }
0x18: {  	s0 =	sld [smem:$0x3F94];
	_ =	swait.ge [sflag:s4], $0x0  }
0x19: {  	s7 =	sld [smem:$0x3F95]  }
0x1a: {  	s8 =	sadd.s32 $0xFFFFE003, lr  }
0x1b: {  	s9 =	sadd.s32 $0xFFFFFEF7, lr;
	s5 =	simm.s32 $0xFFFFFFFF;
	p2 =	slt.u32 s8, $0xFFFFF086  }
0x1c: {  	p1 =	slt.u32 s9, $0xF7A;
	s5 =	simm.s32 @!p2 $0x0  }
0x1d: {  	s5 =	simm.s32 @p1 $0x1;
	p0 =	seq.s32 s7, s2  }
0x1e: {  	s7 =	smul.u32 @!p0 $0xF7A, s2;
	p2 =	seq.s32 @!p0 s5, $0x0  }
0x1f: {  	s9 =	smul.u32 $0xF7A, s1;
	s8 =	simm.s32 @!p0 $0x1BF5;
	p2 =	por !p2, p0  }
0x20: {  	[sflag:s8] =	ssyncset.s32 @!p0 $0xFFFFF086;
	s6 =	sadd.s32 @!p0 s3, s7;
	s7 =	simm.s32 @!p0 $0x108  }
0x21: {  	s3 =	sadd.s32 s3, s9;
	s6 =	sadd.s32 @!p0 $0x88, s6;
	s7 =	simm.s32 @p2 $0x1082  }
0x22: {  	[simem:s7], [sflag:s8] =	dma.local @!p0 [hbm:s6], $0xF7A  }
0x23: {  	s9 =	sor.u32 $0xD0000000, s2;
	s6 =	simm.s32 $0x108;
	_ =	swait.ge @!p0 [sflag:s8], $0x0  }
0x24: {  	s3 =	sadd.s32 $0x88, s3;
	s6 =	simm.s32 @!p1 $0x1082;
	[sflag:s4] =	ssyncset.s32 $0xFFFFF086  }
0x25: {  	[simem:s6], [sflag:s4] =	dma.local [hbm:s3], $0xF7A  }
0x26: {  	[smem:$0x3F95] =	sst s1;
	(tag) =	ssettag s2;
	_ =	strace s9  }
0x27: {  	s1 =	sld [smem:$0x3FA5]  }
0x28: {  	s2 =	sld [smem:$0x3FA6]  }
0x29: {  	s4 =	sld [smem:$0x3FA8]  }
0x2a: {  	p0 =	seq.s32 s5, $0x0;
	s5 =	sld [smem:$0x3FA9]  }
0x2b: {  	s6 =	sld [smem:$0x3FAA]  }
0x2c: {  	s7 =	sld [smem:$0x3FAB]  }
0x2d: {  	s3 =	simm.s32 $0x108;
	s8 =	sld [smem:$0x3FAC]  }
0x2e: {  	s3 =	simm.s32 @!p0 $0x1082;
	s9 =	sld [smem:$0x3FAD]  }
0x2f: {  	lr =	sadd.s32 s0, s3;
	s0 =	sld [smem:$0x3FA4]  }
0x30: {  	s3 =	sld [smem:$0x3FA7]  }
0x31: {  	[smem:$0x3FB0] =	sst s10  }
0x32: {  	s10 =	sld [smem:$0x3FAE];
	_ =	sdelay $0x3  }
0x33: {  	p0 =	seq.s32 s10, $0x1;
	s10 =	sld [smem:$0x3FB0];
	_ =	sdelay $0x3  }
0x34: {  	[smem:$0x3FB0] =	sst s10  }
0x35: {  	s10 =	sld [smem:$0x3FAF];
	_ =	sdelay $0x3  }
0x36: {  	p1 =	seq.s32 s10, $0x1;
	s10 =	sld [smem:$0x3FB0];
	_ =	sdelay $0x3  }
0x37: {  	[smem:$0x3FB0] =	sst s10  }
0x38: {  	s10 =	sld [smem:$0x3FB1]  }
0x39: {  	_ = 	snop;
	(pc) =	sbr.ind lr, $3  }
0x3a: {  	_ = 	snop  }
0x3b: {  	_ = 	snop  }
0x3c: {  	p2 =	seq.s32 s10, $0x1;
	s10 =	sld [smem:$0x3FB0]  }
0x3d: {  	_ =	shalt  }
0x3e: {  	_ =	shalt  }
0x3f: {  	_ =	shalt  }
0x40: {  	_ =	shalt  }
0x41: {  	_ =	shalt  }
0x42: {  	_ =	shalt  }
0x43: {  	_ =	shalt  }
0x44: {  	_ =	shalt  }
0x45: {  	_ =	shalt  }
0x46: {  	_ =	shalt  }
0x47: {  	_ =	shalt  }
0x48: {  	_ =	shalt  }
0x49: {  	_ =	shalt  }
0x4a: {  	_ =	shalt  }
0x4b: {  	_ =	shalt  }
0x4c: {  	_ =	shalt  }
0x4d: {  	_ =	shalt  }
0x4e: {  	_ =	shalt  }
0x4f: {  	_ =	shalt  }
0x50: {  	_ =	shalt  }
0x51: {  	_ =	shalt  }
0x52: {  	_ =	shalt  }
0x53: {  	_ =	shalt  }
0x54: {  	_ =	shalt  }
0x55: {  	_ =	shalt  }
0x56: {  	_ =	shalt  }
0x57: {  	_ =	shalt  }
0x58: {  	_ =	shalt  }
0x59: {  	_ =	shalt  }
0x5a: {  	_ =	shalt  }
0x5b: {  	_ =	shalt  }
0x5c: {  	_ =	shalt  }
0x5d: {  	_ =	shalt  }
0x5e: {  	_ =	shalt  }
0x5f: {  	_ =	shalt  }
0x60: {  	_ =	shalt  }
0x61: {  	_ =	shalt  }
0x62: {  	_ =	shalt  }
0x63: {  	_ =	shalt  }
0x64: {  	_ =	shalt  }
0x65: {  	_ =	shalt  }
0x66: {  	_ =	shalt  }
0x67: {  	_ =	shalt  }
0x68: {  	_ =	shalt  }
0x69: {  	_ =	shalt  }
0x6a: {  	_ =	shalt  }
0x6b: {  	_ =	shalt  }
0x6c: {  	_ =	shalt  }
0x6d: {  	_ =	shalt  }
0x6e: {  	_ =	shalt  }
0x6f: {  	_ =	shalt  }
0x70: {  	_ =	shalt  }
0x71: {  	_ =	shalt  }
0x72: {  	_ =	shalt  }
0x73: {  	_ =	shalt  }
0x74: {  	_ =	shalt  }
0x75: {  	_ =	shalt  }
0x76: {  	_ =	shalt  }
0x77: {  	_ =	shalt  }
0x78: {  	_ =	shalt  }
0x79: {  	_ =	shalt  }
0x7a: {  	_ =	shalt  }
0x7b: {  	_ =	shalt  }
0x7c: {  	_ =	shalt  }
0x7d: {  	_ =	shalt  }
0x7e: {  	_ =	shalt  }
0x7f: {  	_ =	shalt  }
0x80: {  	_ =	shalt  }
0x81: {  	_ =	shalt  }
0x82: {  	_ =	shalt  }
0x83: {  	_ =	shalt  }
0x84: {  	_ =	shalt  }
0x85: {  	_ =	shalt  }
0x86: {  	_ =	shalt  }
0x87: {  	_ =	shalt  }
.Lfunc_end0:
.L_simem_size_0:
called_computation.5_lowered:
.L_overlay_start_0:
0x88: {  	s2 =	sld [smem:$0x3FD9]  }
0x89: {  	s3 =	sld [smem:$0x3FFE];
	_ =	sdelay $0x1  }
0x8a: {  	s1 =	srdreg.scid  }
0x8b: {  	s0 =	sand.u32 $0x1, s1  }
0x8c: {  	s17 =	sshll.u32 s0, $0xA;
	s2 =	sadd.s32 s3, s2  }
0x8d: {  	s2 =	sadd.s32 s2, s17  }
0x8e: {  	[smem:$0x3FBC] =	sst s2  }
0x8f: {  	_ = 	snop  }
0x90: {  	s2 =	sld [smem:$0x3FD0];
	(tm) =	ssettm $0x1  }
0x91: {  	s18 =	sld [smem:$0x3FFB];
	_ =	sdelay $0x3  }
0x92: {  	_ =	strace s18  }
0x93: {  	s3 =	sld [smem:$0x3FFC];
	_ =	sdelay $0x3  }
0x94: {  	_ =	strace s3  }
0x95: {  	s3 =	sld [smem:$0x3FFD];
	_ =	sdelay $0x3  }
0x96: {  	_ =	strace s3  }
0x97: {  	_ =	strace $0x8FFFFFFF  }
0x98: {  	s19 =	sld [smem:$0x3FDB];
	_ =	sdelay $0x1  }
0x99: {  	s4 =	simm.s32 $_scs_section_size  }
0x9a: {  	s5 =	simm.s32 $_size__tile_overlayer_lowered;
	s6 =	simm.s32 $_tile_overlayer_lowered  }
0x9b: {  	s22 =	simm.s32 $0x1BFF;
	s21 =	sshll.u32 s6, $0x1;
	s3 =	sadd.s32 s4, s19  }
0x9c: {  	s7 =	simm.s32 $0x0;
	s20 =	sshll.u32 s5, $0x1;
	s5 =	sadd.s32 s21, s3  }
0x9d: {  	[timem:s7], [sflag:s22] =	dma.local [hbm:s5], s20  }
0x9e: {  	_ =	swait.ge [sflag:s22], s20  }
0x9f: {  	s4 =	ssub.s32 $0x0, s20;
	[sflag:s22] =	ssyncset.done $0x0  }
0xa0: {  	[sflag:s22] =	ssyncadd.s32 s4;
	_ =	sdelay $0x1  }
0xa1: {  	s23 =	simm.s32 $0x1B8B  }
0xa2: {  	_ =	swait.ge [sflag:s23], $0x1  }
0xa3: {  	[sflag:s23] =	ssyncset.done $0x0  }
0xa4: {  	s25 =	simm.s32 $0x1B8E;
	s24 =	sld [smem:$0x3FFE];
	[sflag:s23] =	ssyncadd.s32 $0xFFFFFFFF  }
0xa5: {  	s26 =	simm.s32 $execute0_lowered;
	[smem:$0x3FD2] =	sst s25  }
0xa6: {  	s5 =	sshll.u32 s26, $0x1;
	_ =	strace $0x80000055;
	[dreg:$0x1] =	wrdreg $0xFFFFFFFF  }
0xa7: {  	s28 =	simm.s32 $_size_execute0_lowered;
	s3 =	sadd.s32 s3, s5;
	[dreg:$0x0] =	wrdreg $0x0  }
0xa8: {  	s5 =	sshll.u32 s28, $0x1;
	[dreg:$0x2] =	wrdreg s3  }
0xa9: {  	[dreg:$0x3] =	wrdreg s5  }
0xaa: {  	[dreg:$0x4] =	wrdreg $0xC0  }
0xab: {  	_ =	task [dreg:s7], $0x5FFFF  }
0xac: {  	[dreg:$0x1] =	wrdreg $0xFFFFFFFF  }
0xad: {  	[dreg:$0x0] =	wrdreg $0x60  }
0xae: {  	[dreg:$0x2] =	wrdreg s24  }
0xaf: {  	[dreg:$0x3] =	wrdreg s2  }
0xb0: {  	[dreg:$0x4] =	wrdreg $0x9  }
0xb1: {  	_ =	task.clear_ibuf [dreg:s7], $0x5FFFF;
	_ =	strace $0x90000055  }
0xb2: {  	s29 =	simm.s32 $0x9;
	_ =	strace $0x80000057  }
0xb3: {  	_ =	swait.ge [sflag:s29], $0x1  }
0xb4: {  	[sflag:s29] =	ssyncadd.s32 $0xFFFFFFFF  }
0xb5: {  	_ =	strace $0x90000057  }
0xb6: {  	_ =	sfence  }
0xb7: {  	s30 =	sld [smem:$0x0];
	_ =	sdelay $0x2  }
0xb8: {  	s31 =	sshll.u32 s1, $0xD;
	s1 =	sshrl.u32 s1, $0x2  }
0xb9: {  	s3 =	sand.u32 $0x4000, s31;
	s1 =	sadd.s32 s1, s30  }
0xba: {  	s0 =	sor.u32 s3, s0;
	s1 =	sshll.u32 s1, $0x11  }
0xbb: {  	s0 =	sor.u32 s1, s0  }
0xbc: {  	s0 =	sadd.s32 $0x8F2B, s0  }
0xbd: {  	[sflag:s0] =	ssyncadd.remote.s32 $0x1  }
0xbe: {  	_ =	sfence.sel $0xFFFF  }
0xbf: {  	[dreg:$0x0] =	wrdreg $0xFFFFFFFF;
	(pc) =	sbr.abs _section_cstart, $3  }
0xc0: {  	[dreg:$0x1] =	wrdreg $0xFFFFFFFF  }
0xc1: {  	_ =	task.clear_ibuf [dreg:s7], $0x2FFFF;
	_ =	strace $0x9FFFFFFF  }
0xc2: {  	(tm) =	ssettm $0x7FFFFFFF  }
0xc3: {  	_ =	shalt  }
tec
execute0_lowered:
.L_overlay_start_1:
0x0: {  	(tag) =	ssettag $0x1  }
0x1: {  	s0 =	rddreg [dreg:$0x0];
	s1 =	srdreg.scid  }
0x2: {  	s2 =	stileid.u32;
	s7 =	rddreg [dreg:$0x1];
	s9 =	simm.s32 $0x2  }
0x3: {  	s12 =	simm.s32 $0x80;
	s24 =	simm.s32 $0xC180;
	s25 =	simm.s32 $0x9A80  }
0x4: {  	s28 =	simm.s32 $0x9B00;
	s29 =	simm.s32 $0xC280;
	s30 =	simm.s32 $0x9B80  }
0x5: {  	s31 =	simm.s32 $0xC300;
	s10 =	simm.s32 $0x9C80;
	s11 =	simm.s32 $0xC400  }
0x6: {  	s13 =	simm.s32 $0x9D00;
	s14 =	simm.s32 $0xC480;
	s15 =	simm.s32 $0x10  }
0x7: {  	s16 =	simm.s32 $0x9D80;
	s1 =	sand.u32 $0x1, s1;
	s3 =	sshll.u32 s2, $0x1  }
0x8: {  	s17 =	simm.s32 $0xC500;
	s2 =	simm.s32 $0x0;
	s3 =	sor.u32 s1, s3  }
0x9: {  	s18 =	simm.s32 $0x1;
	[smem:$0x7FF] =	sst s2;
	s8 =	smul.u32 $0x4E2, s3  }
0xa: {  	s19 =	simm.s32 $0x0;
	s1 =	ssub.s32 $0x2, s1;
	_ =	strace $0x80000056  }
0xb: {  	s3 =	sadd.s32 $0x22E00, s0;
	s26 =	sshrl.u32 s1, $0x1;
	s6 =	sadd.s32 s8, s0  }
0xc: {  	s0 =	ssub.s32 s1, s26;
	s7 =	sadd.s32 s7, s8;
	s26 =	simm.s32 $0xC200  }
0xd: {  	s1 =	simm.s32 $0x9C00;
	s4 =	sadd.s32 $0xF200, s6;
	s5 =	sadd.s32 $0x4C00, s6  }
0xe: {  	s6 =	sadd.s32 $0x19000, s6;
	s8 =	smax.u32 s0, $0x1;
	s0 =	simm.s32 $0xC380  }
.LBB2_1:
0xf: {  	[tilespmem:s2], [sflag:$0x2] =	stream.linear.gather [hbm4b:s4+s2], $0x2710, $0x38;
	[tilespmem:$0xC580] =	vst v63  }
0x10: {  	_ =	swait.ge [sflag:s9], $0x2710  }
0x11: {  	[sflag:s9] =	ssyncset.done $0x0  }
0x12: {  	s20 =	simm.s32 $0x2780;
	[sflag:s9] =	ssyncadd.s32 $0xFFFFD8F0  }
0x13: {  	[tilespmem:s20], [sflag:$0x2] =	stream.linear.gather [hbm4b:s5+s2], $0x2710, $0x38;
	[tilespmem:$0xC580] =	vst v63  }
0x14: {  	_ =	swait.ge [sflag:s9], $0x2710  }
0x15: {  	[sflag:s9] =	ssyncset.done $0x0  }
0x16: {  	s23 =	simm.s32 $0x4F00;
	[sflag:s9] =	ssyncadd.s32 $0xFFFFD8F0  }
0x17: {  	[tilespmem:s23], [sflag:$0x2] =	stream.linear.gather [hbm4b:s6+s2], $0x2710, $0x38;
	[tilespmem:$0xC580] =	vst v63  }
0x18: {  	_ =	swait.ge [sflag:s9], $0x2710  }
0x19: {  	[sflag:s9] =	ssyncset.done $0x0  }
0x1a: {  	s20 =	simm.s32 $0x0;
	[sflag:s9] =	ssyncadd.s32 $0xFFFFD8F0  }
0x1b: {  	v0 =	vld [tilespmem:s20+$0x4F00];
	_ =	sdelay $0x4  }
0x1c: {  	v0 =	vtrunc.f32 v0  }
0x1d: {  	v0 =	vcvt.f32.s32 v0;
	_ =	sdelay $0x1  }
0x1e: {  	s21 =	simm.s32 $0x10;
	vm0 =	vgt.s32 v0, $0x270FF;
	v1 =	vadd.s32 $0xFFFD8F00, v0  }
0x1f: {  	vm15 =	vlt.s32 v0, $0x0;
	v1 =	vsel vm0, v1, v0;
	v0 =	vld [tilespmem:s21+$0x4F00];
	_ =	sdelay $0x3  }
0x20: {  	s22 =	simm.s32 $0x80;
	v1 =	vsel vm15, $0x0, v1  }
.LBB2_2:
0x21: {  	s23 =	sshra.s32 s22, $0x2;
	p0 =	sne.s32 s22, $0x9C00;
	s22 =	sadd.s32 $0x40, s22;
	v2 =	vtrunc.f32 v0;
	[tilespmem:s20+$0x7680] =	vst v1  }
.Ltmp0:
0x22: {  	s20 =	smov.u32 s21;
	v0 =	vld [tilespmem:s23+$0x4F00];
	v1 =	vcvt.f32.s32 v2;
	s21 =	smov.u32 s23;
	(pc) =	sbr.rel @p0 .LBB2_2-.Ltmp0, $4  }
0x23: {  	_ = 	snop  }
0x24: {  	vm0 =	vgt.s32 v1, $0x270FF;
	v2 =	vadd.s32 $0xFFFD8F00, v1  }
0x25: {  	v2 =	vsel vm0, v2, v1;
	vm0 =	vlt.s32 v1, $0x0  }
0x26: {  	v1 =	vsel vm0, $0x0, v2  }
0x27: {  	v0 =	vtrunc.f32 v0  }
0x28: {  	v0 =	vcvt.f32.s32 v0;
	_ =	sdelay $0x1  }
0x29: {  	vm0 =	vgt.s32 v0, $0x270FF;
	v2 =	vadd.s32 $0xFFFD8F00, v0  }
0x2a: {  	vm13 =	vlt.s32 v0, $0x0;
	v2 =	vsel vm0, v2, v0  }
0x2b: {  	[tilespmem:s20+$0x7680] =	vst v1;
	v0 =	vsel vm13, $0x0, v2  }
0x2c: {  	s22 =	simm.s32 $0x7680;
	s23 =	simm.s32 $0x9E00;
	[tilespmem:s21+$0x7680] =	vst v0  }
0x2d: {  	[tilespmem:s23], [sflag:$0x1] =	stream.indirect.gather [hbm4b:s3+s12], $0x1, s22, s12, $0xb8;
	[tilespmem:$0xC580] =	vst v63  }
0x2e: {  	s22 =	simm.s32 $0x7700;
	s23 =	simm.s32 $0x9E80  }
0x2f: {  	[tilespmem:s23], [sflag:$0x1] =	stream.indirect.gather [hbm4b:s3+s12], $0x1, s22, s12, $0xb8;
	[tilespmem:$0xC580] =	vst v63  }
0x30: {  	s22 =	simm.s32 $0x7780;
	s23 =	simm.s32 $0x9F00  }
0x31: {  	[tilespmem:s23], [sflag:$0x1] =	stream.indirect.gather [hbm4b:s3+s12], $0x1, s22, s12, $0xb8;
	[tilespmem:$0xC580] =	vst v63  }
0x32: {  	s22 =	simm.s32 $0x7800;
	s23 =	simm.s32 $0x9F80  }
0x33: {  	[tilespmem:s23], [sflag:$0x1] =	stream.indirect.gather [hbm4b:s3+s12], $0x1, s22, s12, $0xb8;
	[tilespmem:$0xC580] =	vst v63  }
0x34: {  	s22 =	simm.s32 $0x7880;
	s23 =	simm.s32 $0xA000  }
0x35: {  	[tilespmem:s23], [sflag:$0x1] =	stream.indirect.gather [hbm4b:s3+s12], $0x1, s22, s12, $0xb8;
	[tilespmem:$0xC580] =	vst v63  }
0x36: {  	s22 =	simm.s32 $0x7900;
	s23 =	simm.s32 $0xA080  }
0x37: {  	[tilespmem:s23], [sflag:$0x1] =	stream.indirect.gather [hbm4b:s3+s12], $0x1, s22, s12, $0xb8;
	[tilespmem:$0xC580] =	vst v63  }
0x38: {  	s22 =	simm.s32 $0x7980;
	s23 =	simm.s32 $0xA100  }
0x39: {  	[tilespmem:s23], [sflag:$0x1] =	stream.indirect.gather [hbm4b:s3+s12], $0x1, s22, s12, $0xb8;
	[tilespmem:$0xC580] =	vst v63  }
0x3a: {  	s22 =	simm.s32 $0x7A00;
	s23 =	simm.s32 $0xA180  }
0x3b: {  	[tilespmem:s23], [sflag:$0x1] =	stream.indirect.gather [hbm4b:s3+s12], $0x1, s22, s12, $0xb8;
	[tilespmem:$0xC580] =	vst v63  }
0x3c: {  	s22 =	simm.s32 $0x7A80;
	s23 =	simm.s32 $0xA200  }
0x3d: {  	[tilespmem:s23], [sflag:$0x1] =	stream.indirect.gather [hbm4b:s3+s12], $0x1, s22, s12, $0xb8;
	[tilespmem:$0xC580] =	vst v63  }
0x3e: {  	s22 =	simm.s32 $0x7B00;
	s23 =	simm.s32 $0xA280  }
0x3f: {  	[tilespmem:s23], [sflag:$0x1] =	stream.indirect.gather [hbm4b:s3+s12], $0x1, s22, s12, $0xb8;
	[tilespmem:$0xC580] =	vst v63  }
0x40: {  	s22 =	simm.s32 $0x7B80;
	s23 =	simm.s32 $0xA300  }
0x41: {  	[tilespmem:s23], [sflag:$0x1] =	stream.indirect.gather [hbm4b:s3+s12], $0x1, s22, s12, $0xb8;
	[tilespmem:$0xC580] =	vst v63  }
0x42: {  	s22 =	simm.s32 $0x7C00;
	s23 =	simm.s32 $0xA380  }
0x43: {  	[tilespmem:s23], [sflag:$0x1] =	stream.indirect.gather [hbm4b:s3+s12], $0x1, s22, s12, $0xb8;
	[tilespmem:$0xC580] =	vst v63  }
0x44: {  	s22 =	simm.s32 $0x7C80;
	s23 =	simm.s32 $0xA400  }
0x45: {  	[tilespmem:s23], [sflag:$0x1] =	stream.indirect.gather [hbm4b:s3+s12], $0x1, s22, s12, $0xb8;
	[tilespmem:$0xC580] =	vst v63  }
0x46: {  	s22 =	simm.s32 $0x7D00;
	s23 =	simm.s32 $0xA480  }
0x47: {  	[tilespmem:s23], [sflag:$0x1] =	stream.indirect.gather [hbm4b:s3+s12], $0x1, s22, s12, $0xb8;
	[tilespmem:$0xC580] =	vst v63  }
0x48: {  	s22 =	simm.s32 $0x7D80;
	s23 =	simm.s32 $0xA500  }
0x49: {  	[tilespmem:s23], [sflag:$0x1] =	stream.indirect.gather [hbm4b:s3+s12], $0x1, s22, s12, $0xb8;
	[tilespmem:$0xC580] =	vst v63  }
0x4a: {  	s22 =	simm.s32 $0x7E00;
	s23 =	simm.s32 $0xA580  }
0x4b: {  	[tilespmem:s23], [sflag:$0x1] =	stream.indirect.gather [hbm4b:s3+s12], $0x1, s22, s12, $0xb8;
	[tilespmem:$0xC580] =	vst v63  }
0x4c: {  	s22 =	simm.s32 $0x7E80;
	s23 =	simm.s32 $0xA600  }
0x4d: {  	[tilespmem:s23], [sflag:$0x1] =	stream.indirect.gather [hbm4b:s3+s12], $0x1, s22, s12, $0xb8;
	[tilespmem:$0xC580] =	vst v63  }
0x4e: {  	s22 =	simm.s32 $0x7F00;
	s23 =	simm.s32 $0xA680  }
0x4f: {  	[tilespmem:s23], [sflag:$0x1] =	stream.indirect.gather [hbm4b:s3+s12], $0x1, s22, s12, $0xb8;
	[tilespmem:$0xC580] =	vst v63  }
0x50: {  	s22 =	simm.s32 $0x7F80;
	s23 =	simm.s32 $0xA700  }
0x51: {  	[tilespmem:s23], [sflag:$0x1] =	stream.indirect.gather [hbm4b:s3+s12], $0x1, s22, s12, $0xb8;
	[tilespmem:$0xC580] =	vst v63  }
0x52: {  	s22 =	simm.s32 $0x8000;
	s23 =	simm.s32 $0xA780  }
0x53: {  	[tilespmem:s23], [sflag:$0x1] =	stream.indirect.gather [hbm4b:s3+s12], $0x1, s22, s12, $0xb8;
	[tilespmem:$0xC580] =	vst v63  }
0x54: {  	s22 =	simm.s32 $0x8080;
	s23 =	simm.s32 $0xA800  }
0x55: {  	[tilespmem:s23], [sflag:$0x1] =	stream.indirect.gather [hbm4b:s3+s12], $0x1, s22, s12, $0xb8;
	[tilespmem:$0xC580] =	vst v63  }
0x56: {  	s22 =	simm.s32 $0x8100;
	s23 =	simm.s32 $0xA880  }
0x57: {  	[tilespmem:s23], [sflag:$0x1] =	stream.indirect.gather [hbm4b:s3+s12], $0x1, s22, s12, $0xb8;
	[tilespmem:$0xC580] =	vst v63  }
0x58: {  	s22 =	simm.s32 $0x8180;
	s23 =	simm.s32 $0xA900  }
0x59: {  	[tilespmem:s23], [sflag:$0x1] =	stream.indirect.gather [hbm4b:s3+s12], $0x1, s22, s12, $0xb8;
	[tilespmem:$0xC580] =	vst v63  }
0x5a: {  	s22 =	simm.s32 $0x8200;
	s23 =	simm.s32 $0xA980  }
0x5b: {  	[tilespmem:s23], [sflag:$0x1] =	stream.indirect.gather [hbm4b:s3+s12], $0x1, s22, s12, $0xb8;
	[tilespmem:$0xC580] =	vst v63  }
0x5c: {  	s22 =	simm.s32 $0x8280;
	s23 =	simm.s32 $0xAA00  }
0x5d: {  	[tilespmem:s23], [sflag:$0x1] =	stream.indirect.gather [hbm4b:s3+s12], $0x1, s22, s12, $0xb8;
	[tilespmem:$0xC580] =	vst v63  }
0x5e: {  	s22 =	simm.s32 $0x8300;
	s23 =	simm.s32 $0xAA80  }
0x5f: {  	[tilespmem:s23], [sflag:$0x1] =	stream.indirect.gather [hbm4b:s3+s12], $0x1, s22, s12, $0xb8;
	[tilespmem:$0xC580] =	vst v63  }
0x60: {  	s22 =	simm.s32 $0x8380;
	s23 =	simm.s32 $0xAB00  }
0x61: {  	[tilespmem:s23], [sflag:$0x1] =	stream.indirect.gather [hbm4b:s3+s12], $0x1, s22, s12, $0xb8;
	[tilespmem:$0xC580] =	vst v63  }
0x62: {  	s22 =	simm.s32 $0x8400;
	s23 =	simm.s32 $0xAB80  }
0x63: {  	[tilespmem:s23], [sflag:$0x1] =	stream.indirect.gather [hbm4b:s3+s12], $0x1, s22, s12, $0xb8;
	[tilespmem:$0xC580] =	vst v63  }
0x64: {  	s22 =	simm.s32 $0x8480;
	s23 =	simm.s32 $0xAC00  }
0x65: {  	[tilespmem:s23], [sflag:$0x1] =	stream.indirect.gather [hbm4b:s3+s12], $0x1, s22, s12, $0xb8;
	[tilespmem:$0xC580] =	vst v63  }
0x66: {  	s22 =	simm.s32 $0x8500;
	s23 =	simm.s32 $0xAC80  }
0x67: {  	[tilespmem:s23], [sflag:$0x1] =	stream.indirect.gather [hbm4b:s3+s12], $0x1, s22, s12, $0xb8;
	[tilespmem:$0xC580] =	vst v63  }
0x68: {  	s22 =	simm.s32 $0x8580;
	s23 =	simm.s32 $0xAD00  }
0x69: {  	[tilespmem:s23], [sflag:$0x1] =	stream.indirect.gather [hbm4b:s3+s12], $0x1, s22, s12, $0xb8;
	[tilespmem:$0xC580] =	vst v63  }
0x6a: {  	s22 =	simm.s32 $0x8600;
	s23 =	simm.s32 $0xAD80  }
0x6b: {  	[tilespmem:s23], [sflag:$0x1] =	stream.indirect.gather [hbm4b:s3+s12], $0x1, s22, s12, $0xb8;
	[tilespmem:$0xC580] =	vst v63  }
0x6c: {  	s22 =	simm.s32 $0x8680;
	s23 =	simm.s32 $0xAE00  }
0x6d: {  	[tilespmem:s23], [sflag:$0x1] =	stream.indirect.gather [hbm4b:s3+s12], $0x1, s22, s12, $0xb8;
	[tilespmem:$0xC580] =	vst v63  }
0x6e: {  	s22 =	simm.s32 $0x8700;
	s23 =	simm.s32 $0xAE80  }
0x6f: {  	[tilespmem:s23], [sflag:$0x1] =	stream.indirect.gather [hbm4b:s3+s12], $0x1, s22, s12, $0xb8;
	[tilespmem:$0xC580] =	vst v63  }
0x70: {  	s22 =	simm.s32 $0x8780;
	s23 =	simm.s32 $0xAF00  }
0x71: {  	[tilespmem:s23], [sflag:$0x1] =	stream.indirect.gather [hbm4b:s3+s12], $0x1, s22, s12, $0xb8;
	[tilespmem:$0xC580] =	vst v63  }
0x72: {  	s22 =	simm.s32 $0x8800;
	s23 =	simm.s32 $0xAF80  }
0x73: {  	[tilespmem:s23], [sflag:$0x1] =	stream.indirect.gather [hbm4b:s3+s12], $0x1, s22, s12, $0xb8;
	[tilespmem:$0xC580] =	vst v63  }
0x74: {  	s22 =	simm.s32 $0x8880;
	s23 =	simm.s32 $0xB000  }
0x75: {  	[tilespmem:s23], [sflag:$0x1] =	stream.indirect.gather [hbm4b:s3+s12], $0x1, s22, s12, $0xb8;
	[tilespmem:$0xC580] =	vst v63  }
0x76: {  	s22 =	simm.s32 $0x8900;
	s23 =	simm.s32 $0xB080  }
0x77: {  	[tilespmem:s23], [sflag:$0x1] =	stream.indirect.gather [hbm4b:s3+s12], $0x1, s22, s12, $0xb8;
	[tilespmem:$0xC580] =	vst v63  }
0x78: {  	s22 =	simm.s32 $0x8980;
	s23 =	simm.s32 $0xB100  }
0x79: {  	[tilespmem:s23], [sflag:$0x1] =	stream.indirect.gather [hbm4b:s3+s12], $0x1, s22, s12, $0xb8;
	[tilespmem:$0xC580] =	vst v63  }
0x7a: {  	s22 =	simm.s32 $0x8A00;
	s23 =	simm.s32 $0xB180  }
0x7b: {  	[tilespmem:s23], [sflag:$0x1] =	stream.indirect.gather [hbm4b:s3+s12], $0x1, s22, s12, $0xb8;
	[tilespmem:$0xC580] =	vst v63  }
0x7c: {  	s22 =	simm.s32 $0x8A80;
	s23 =	simm.s32 $0xB200  }
0x7d: {  	[tilespmem:s23], [sflag:$0x1] =	stream.indirect.gather [hbm4b:s3+s12], $0x1, s22, s12, $0xb8;
	[tilespmem:$0xC580] =	vst v63  }
0x7e: {  	s22 =	simm.s32 $0x8B00;
	s23 =	simm.s32 $0xB280  }
0x7f: {  	[tilespmem:s23], [sflag:$0x1] =	stream.indirect.gather [hbm4b:s3+s12], $0x1, s22, s12, $0xb8;
	[tilespmem:$0xC580] =	vst v63  }
0x80: {  	s22 =	simm.s32 $0x8B80;
	s23 =	simm.s32 $0xB300  }
0x81: {  	[tilespmem:s23], [sflag:$0x1] =	stream.indirect.gather [hbm4b:s3+s12], $0x1, s22, s12, $0xb8;
	[tilespmem:$0xC580] =	vst v63  }
0x82: {  	s22 =	simm.s32 $0x8C00;
	s23 =	simm.s32 $0xB380  }
0x83: {  	[tilespmem:s23], [sflag:$0x1] =	stream.indirect.gather [hbm4b:s3+s12], $0x1, s22, s12, $0xb8;
	[tilespmem:$0xC580] =	vst v63  }
0x84: {  	s22 =	simm.s32 $0x8C80;
	s23 =	simm.s32 $0xB400  }
0x85: {  	[tilespmem:s23], [sflag:$0x1] =	stream.indirect.gather [hbm4b:s3+s12], $0x1, s22, s12, $0xb8;
	[tilespmem:$0xC580] =	vst v63  }
0x86: {  	s22 =	simm.s32 $0x8D00;
	s23 =	simm.s32 $0xB480  }
0x87: {  	[tilespmem:s23], [sflag:$0x1] =	stream.indirect.gather [hbm4b:s3+s12], $0x1, s22, s12, $0xb8;
	[tilespmem:$0xC580] =	vst v63  }
0x88: {  	s22 =	simm.s32 $0x8D80;
	s23 =	simm.s32 $0xB500  }
0x89: {  	[tilespmem:s23], [sflag:$0x1] =	stream.indirect.gather [hbm4b:s3+s12], $0x1, s22, s12, $0xb8;
	[tilespmem:$0xC580] =	vst v63  }
0x8a: {  	s22 =	simm.s32 $0x8E00;
	s23 =	simm.s32 $0xB580  }
0x8b: {  	[tilespmem:s23], [sflag:$0x1] =	stream.indirect.gather [hbm4b:s3+s12], $0x1, s22, s12, $0xb8;
	[tilespmem:$0xC580] =	vst v63  }
0x8c: {  	s22 =	simm.s32 $0x8E80;
	s23 =	simm.s32 $0xB600  }
0x8d: {  	[tilespmem:s23], [sflag:$0x1] =	stream.indirect.gather [hbm4b:s3+s12], $0x1, s22, s12, $0xb8;
	[tilespmem:$0xC580] =	vst v63  }
0x8e: {  	s22 =	simm.s32 $0x8F00;
	s23 =	simm.s32 $0xB680  }
0x8f: {  	[tilespmem:s23], [sflag:$0x1] =	stream.indirect.gather [hbm4b:s3+s12], $0x1, s22, s12, $0xb8;
	[tilespmem:$0xC580] =	vst v63  }
0x90: {  	s22 =	simm.s32 $0x8F80;
	s23 =	simm.s32 $0xB700  }
0x91: {  	[tilespmem:s23], [sflag:$0x1] =	stream.indirect.gather [hbm4b:s3+s12], $0x1, s22, s12, $0xb8;
	[tilespmem:$0xC580] =	vst v63  }
0x92: {  	s22 =	simm.s32 $0x9000;
	s23 =	simm.s32 $0xB780  }
0x93: {  	[tilespmem:s23], [sflag:$0x1] =	stream.indirect.gather [hbm4b:s3+s12], $0x1, s22, s12, $0xb8;
	[tilespmem:$0xC580] =	vst v63  }
0x94: {  	s22 =	simm.s32 $0x9080;
	s23 =	simm.s32 $0xB800  }
0x95: {  	[tilespmem:s23], [sflag:$0x1] =	stream.indirect.gather [hbm4b:s3+s12], $0x1, s22, s12, $0xb8;
	[tilespmem:$0xC580] =	vst v63  }
0x96: {  	s22 =	simm.s32 $0x9100;
	s23 =	simm.s32 $0xB880  }
0x97: {  	[tilespmem:s23], [sflag:$0x1] =	stream.indirect.gather [hbm4b:s3+s12], $0x1, s22, s12, $0xb8;
	[tilespmem:$0xC580] =	vst v63  }
0x98: {  	s22 =	simm.s32 $0x9180;
	s23 =	simm.s32 $0xB900  }
0x99: {  	[tilespmem:s23], [sflag:$0x1] =	stream.indirect.gather [hbm4b:s3+s12], $0x1, s22, s12, $0xb8;
	[tilespmem:$0xC580] =	vst v63  }
0x9a: {  	s22 =	simm.s32 $0x9200;
	s23 =	simm.s32 $0xB980  }
0x9b: {  	[tilespmem:s23], [sflag:$0x1] =	stream.indirect.gather [hbm4b:s3+s12], $0x1, s22, s12, $0xb8;
	[tilespmem:$0xC580] =	vst v63  }
0x9c: {  	s22 =	simm.s32 $0x9280;
	s23 =	simm.s32 $0xBA00  }
0x9d: {  	[tilespmem:s23], [sflag:$0x1] =	stream.indirect.gather [hbm4b:s3+s12], $0x1, s22, s12, $0xb8;
	[tilespmem:$0xC580] =	vst v63  }
0x9e: {  	s22 =	simm.s32 $0x9300;
	s23 =	simm.s32 $0xBA80  }
0x9f: {  	[tilespmem:s23], [sflag:$0x1] =	stream.indirect.gather [hbm4b:s3+s12], $0x1, s22, s12, $0xb8;
	[tilespmem:$0xC580] =	vst v63  }
0xa0: {  	s22 =	simm.s32 $0x9380;
	s23 =	simm.s32 $0xBB00  }
0xa1: {  	[tilespmem:s23], [sflag:$0x1] =	stream.indirect.gather [hbm4b:s3+s12], $0x1, s22, s12, $0xb8;
	[tilespmem:$0xC580] =	vst v63  }
0xa2: {  	s22 =	simm.s32 $0x9400;
	s23 =	simm.s32 $0xBB80  }
0xa3: {  	[tilespmem:s23], [sflag:$0x1] =	stream.indirect.gather [hbm4b:s3+s12], $0x1, s22, s12, $0xb8;
	[tilespmem:$0xC580] =	vst v63  }
0xa4: {  	s22 =	simm.s32 $0x9480;
	s23 =	simm.s32 $0xBC00  }
0xa5: {  	[tilespmem:s23], [sflag:$0x1] =	stream.indirect.gather [hbm4b:s3+s12], $0x1, s22, s12, $0xb8;
	[tilespmem:$0xC580] =	vst v63  }
0xa6: {  	s22 =	simm.s32 $0x9500;
	s23 =	simm.s32 $0xBC80  }
0xa7: {  	[tilespmem:s23], [sflag:$0x1] =	stream.indirect.gather [hbm4b:s3+s12], $0x1, s22, s12, $0xb8;
	[tilespmem:$0xC580] =	vst v63  }
0xa8: {  	s22 =	simm.s32 $0x9580;
	s23 =	simm.s32 $0xBD00  }
0xa9: {  	[tilespmem:s23], [sflag:$0x1] =	stream.indirect.gather [hbm4b:s3+s12], $0x1, s22, s12, $0xb8;
	[tilespmem:$0xC580] =	vst v63  }
0xaa: {  	s22 =	simm.s32 $0x9600;
	s23 =	simm.s32 $0xBD80  }
0xab: {  	[tilespmem:s23], [sflag:$0x1] =	stream.indirect.gather [hbm4b:s3+s12], $0x1, s22, s12, $0xb8;
	[tilespmem:$0xC580] =	vst v63  }
0xac: {  	s22 =	simm.s32 $0x9680;
	s23 =	simm.s32 $0xBE00  }
0xad: {  	[tilespmem:s23], [sflag:$0x1] =	stream.indirect.gather [hbm4b:s3+s12], $0x1, s22, s12, $0xb8;
	[tilespmem:$0xC580] =	vst v63  }
0xae: {  	s22 =	simm.s32 $0x9700;
	s23 =	simm.s32 $0xBE80  }
0xaf: {  	[tilespmem:s23], [sflag:$0x1] =	stream.indirect.gather [hbm4b:s3+s12], $0x1, s22, s12, $0xb8;
	[tilespmem:$0xC580] =	vst v63  }
0xb0: {  	s22 =	simm.s32 $0x9780;
	s23 =	simm.s32 $0xBF00  }
0xb1: {  	[tilespmem:s23], [sflag:$0x1] =	stream.indirect.gather [hbm4b:s3+s12], $0x1, s22, s12, $0xb8;
	[tilespmem:$0xC580] =	vst v63  }
0xb2: {  	s22 =	simm.s32 $0x9800;
	s23 =	simm.s32 $0xBF80  }
0xb3: {  	[tilespmem:s23], [sflag:$0x1] =	stream.indirect.gather [hbm4b:s3+s12], $0x1, s22, s12, $0xb8;
	[tilespmem:$0xC580] =	vst v63  }
0xb4: {  	s22 =	simm.s32 $0x9880;
	s23 =	simm.s32 $0xC000  }
0xb5: {  	[tilespmem:s23], [sflag:$0x1] =	stream.indirect.gather [hbm4b:s3+s12], $0x1, s22, s12, $0xb8;
	[tilespmem:$0xC580] =	vst v63  }
0xb6: {  	s22 =	simm.s32 $0x9900;
	s23 =	simm.s32 $0xC080  }
0xb7: {  	[tilespmem:s23], [sflag:$0x1] =	stream.indirect.gather [hbm4b:s3+s12], $0x1, s22, s12, $0xb8;
	[tilespmem:$0xC580] =	vst v63  }
0xb8: {  	s21 =	simm.s32 $0x9980;
	s22 =	simm.s32 $0xC100  }
0xb9: {  	[tilespmem:s22], [sflag:$0x1] =	stream.indirect.gather [hbm4b:s3+s12], $0x1, s21, s12, $0xb8;
	[tilespmem:$0xC580] =	vst v63  }
0xba: {  	s23 =	simm.s32 $0x9A00  }
0xbb: {  	[tilespmem:s24], [sflag:$0x1] =	stream.indirect.gather [hbm4b:s3+s12], $0x1, s23, s12, $0xb8;
	[tilespmem:$0xC580] =	vst v63  }
0xbc: {  	_ = 	snop  }
0xbd: {  	[tilespmem:s26], [sflag:$0x1] =	stream.indirect.gather [hbm4b:s3+s12], $0x1, s25, s12, $0xb8;
	[tilespmem:$0xC580] =	vst v63  }
0xbe: {  	_ = 	snop  }
0xbf: {  	[tilespmem:s29], [sflag:$0x1] =	stream.indirect.gather [hbm4b:s3+s12], $0x1, s28, s12, $0xb8;
	[tilespmem:$0xC580] =	vst v63  }
0xc0: {  	_ = 	snop  }
0xc1: {  	[tilespmem:s31], [sflag:$0x1] =	stream.indirect.gather [hbm4b:s3+s12], $0x1, s30, s12, $0xb8;
	[tilespmem:$0xC580] =	vst v63  }
0xc2: {  	_ = 	snop  }
0xc3: {  	[tilespmem:s0], [sflag:$0x1] =	stream.indirect.gather [hbm4b:s3+s12], $0x1, s1, s12, $0xb8;
	[tilespmem:$0xC580] =	vst v63  }
0xc4: {  	_ = 	snop  }
0xc5: {  	[tilespmem:s11], [sflag:$0x1] =	stream.indirect.gather [hbm4b:s3+s12], $0x1, s10, s12, $0xb8;
	[tilespmem:$0xC580] =	vst v63  }
0xc6: {  	_ = 	snop  }
0xc7: {  	[tilespmem:s14], [sflag:$0x1] =	stream.indirect.gather [hbm4b:s3+s12], $0x1, s13, s12, $0xb8;
	[tilespmem:$0xC580] =	vst v63  }
0xc8: {  	_ = 	snop  }
0xc9: {  	[tilespmem:s17], [sflag:$0x1] =	stream.indirect.gather [hbm4b:s3+s15], $0x1, s16, s15, $0xb8;
	[tilespmem:$0xC580] =	vst v63  }
0xca: {  	_ =	swait.ge [sflag:s18], $0x80  }
0xcb: {  	[sflag:s18] =	ssyncset.done $0x0  }
0xcc: {  	[sflag:s18] =	ssyncadd.s32 $0xFFFFFF80  }
0xcd: {  	_ =	swait.ge [sflag:s18], $0x80  }
0xce: {  	[sflag:s18] =	ssyncset.done $0x0  }
0xcf: {  	[sflag:s18] =	ssyncadd.s32 $0xFFFFFF80  }
0xd0: {  	_ =	swait.ge [sflag:s18], $0x80  }
0xd1: {  	[sflag:s18] =	ssyncset.done $0x0  }
0xd2: {  	[sflag:s18] =	ssyncadd.s32 $0xFFFFFF80  }
0xd3: {  	_ =	swait.ge [sflag:s18], $0x80  }
0xd4: {  	[sflag:s18] =	ssyncset.done $0x0  }
0xd5: {  	[sflag:s18] =	ssyncadd.s32 $0xFFFFFF80  }
0xd6: {  	_ =	swait.ge [sflag:s18], $0x80  }
0xd7: {  	[sflag:s18] =	ssyncset.done $0x0  }
0xd8: {  	[sflag:s18] =	ssyncadd.s32 $0xFFFFFF80  }
0xd9: {  	_ =	swait.ge [sflag:s18], $0x80  }
0xda: {  	[sflag:s18] =	ssyncset.done $0x0  }
0xdb: {  	[sflag:s18] =	ssyncadd.s32 $0xFFFFFF80  }
0xdc: {  	_ =	swait.ge [sflag:s18], $0x80  }
0xdd: {  	[sflag:s18] =	ssyncset.done $0x0  }
0xde: {  	[sflag:s18] =	ssyncadd.s32 $0xFFFFFF80  }
0xdf: {  	_ =	swait.ge [sflag:s18], $0x80  }
0xe0: {  	[sflag:s18] =	ssyncset.done $0x0  }
0xe1: {  	[sflag:s18] =	ssyncadd.s32 $0xFFFFFF80  }
0xe2: {  	_ =	swait.ge [sflag:s18], $0x80  }
0xe3: {  	[sflag:s18] =	ssyncset.done $0x0  }
0xe4: {  	[sflag:s18] =	ssyncadd.s32 $0xFFFFFF80  }
0xe5: {  	_ =	swait.ge [sflag:s18], $0x80  }
0xe6: {  	[sflag:s18] =	ssyncset.done $0x0  }
0xe7: {  	[sflag:s18] =	ssyncadd.s32 $0xFFFFFF80  }
0xe8: {  	_ =	swait.ge [sflag:s18], $0x80  }
0xe9: {  	[sflag:s18] =	ssyncset.done $0x0  }
0xea: {  	[sflag:s18] =	ssyncadd.s32 $0xFFFFFF80  }
0xeb: {  	_ =	swait.ge [sflag:s18], $0x80  }
0xec: {  	[sflag:s18] =	ssyncset.done $0x0  }
0xed: {  	[sflag:s18] =	ssyncadd.s32 $0xFFFFFF80  }
0xee: {  	_ =	swait.ge [sflag:s18], $0x80  }
0xef: {  	[sflag:s18] =	ssyncset.done $0x0  }
0xf0: {  	[sflag:s18] =	ssyncadd.s32 $0xFFFFFF80  }
0xf1: {  	_ =	swait.ge [sflag:s18], $0x80  }
0xf2: {  	[sflag:s18] =	ssyncset.done $0x0  }
0xf3: {  	[sflag:s18] =	ssyncadd.s32 $0xFFFFFF80  }
0xf4: {  	_ =	swait.ge [sflag:s18], $0x80  }
0xf5: {  	[sflag:s18] =	ssyncset.done $0x0  }
0xf6: {  	[sflag:s18] =	ssyncadd.s32 $0xFFFFFF80  }
0xf7: {  	_ =	swait.ge [sflag:s18], $0x80  }
0xf8: {  	[sflag:s18] =	ssyncset.done $0x0  }
0xf9: {  	[sflag:s18] =	ssyncadd.s32 $0xFFFFFF80  }
0xfa: {  	_ =	swait.ge [sflag:s18], $0x80  }
0xfb: {  	[sflag:s18] =	ssyncset.done $0x0  }
0xfc: {  	[sflag:s18] =	ssyncadd.s32 $0xFFFFFF80  }
0xfd: {  	_ =	swait.ge [sflag:s18], $0x80  }
0xfe: {  	[sflag:s18] =	ssyncset.done $0x0  }
0xff: {  	[sflag:s18] =	ssyncadd.s32 $0xFFFFFF80  }
0x100: {  	_ =	swait.ge [sflag:s18], $0x80  }
0x101: {  	[sflag:s18] =	ssyncset.done $0x0  }
0x102: {  	[sflag:s18] =	ssyncadd.s32 $0xFFFFFF80  }
0x103: {  	_ =	swait.ge [sflag:s18], $0x80  }
0x104: {  	[sflag:s18] =	ssyncset.done $0x0  }
0x105: {  	[sflag:s18] =	ssyncadd.s32 $0xFFFFFF80  }
0x106: {  	_ =	swait.ge [sflag:s18], $0x80  }
0x107: {  	[sflag:s18] =	ssyncset.done $0x0  }
0x108: {  	[sflag:s18] =	ssyncadd.s32 $0xFFFFFF80  }
0x109: {  	_ =	swait.ge [sflag:s18], $0x80  }
0x10a: {  	[sflag:s18] =	ssyncset.done $0x0  }
0x10b: {  	[sflag:s18] =	ssyncadd.s32 $0xFFFFFF80  }
0x10c: {  	_ =	swait.ge [sflag:s18], $0x80  }
0x10d: {  	[sflag:s18] =	ssyncset.done $0x0  }
0x10e: {  	[sflag:s18] =	ssyncadd.s32 $0xFFFFFF80  }
0x10f: {  	_ =	swait.ge [sflag:s18], $0x80  }
0x110: {  	[sflag:s18] =	ssyncset.done $0x0  }
0x111: {  	[sflag:s18] =	ssyncadd.s32 $0xFFFFFF80  }
0x112: {  	_ =	swait.ge [sflag:s18], $0x80  }
0x113: {  	[sflag:s18] =	ssyncset.done $0x0  }
0x114: {  	[sflag:s18] =	ssyncadd.s32 $0xFFFFFF80  }
0x115: {  	_ =	swait.ge [sflag:s18], $0x80  }
0x116: {  	[sflag:s18] =	ssyncset.done $0x0  }
0x117: {  	[sflag:s18] =	ssyncadd.s32 $0xFFFFFF80  }
0x118: {  	_ =	swait.ge [sflag:s18], $0x80  }
0x119: {  	[sflag:s18] =	ssyncset.done $0x0  }
0x11a: {  	[sflag:s18] =	ssyncadd.s32 $0xFFFFFF80  }
0x11b: {  	_ =	swait.ge [sflag:s18], $0x80  }
0x11c: {  	[sflag:s18] =	ssyncset.done $0x0  }
0x11d: {  	[sflag:s18] =	ssyncadd.s32 $0xFFFFFF80  }
0x11e: {  	_ =	swait.ge [sflag:s18], $0x80  }
0x11f: {  	[sflag:s18] =	ssyncset.done $0x0  }
0x120: {  	[sflag:s18] =	ssyncadd.s32 $0xFFFFFF80  }
0x121: {  	_ =	swait.ge [sflag:s18], $0x80  }
0x122: {  	[sflag:s18] =	ssyncset.done $0x0  }
0x123: {  	[sflag:s18] =	ssyncadd.s32 $0xFFFFFF80  }
0x124: {  	_ =	swait.ge [sflag:s18], $0x80  }
0x125: {  	[sflag:s18] =	ssyncset.done $0x0  }
0x126: {  	[sflag:s18] =	ssyncadd.s32 $0xFFFFFF80  }
0x127: {  	_ =	swait.ge [sflag:s18], $0x80  }
0x128: {  	[sflag:s18] =	ssyncset.done $0x0  }
0x129: {  	[sflag:s18] =	ssyncadd.s32 $0xFFFFFF80  }
0x12a: {  	_ =	swait.ge [sflag:s18], $0x80  }
0x12b: {  	[sflag:s18] =	ssyncset.done $0x0  }
0x12c: {  	[sflag:s18] =	ssyncadd.s32 $0xFFFFFF80  }
0x12d: {  	_ =	swait.ge [sflag:s18], $0x80  }
0x12e: {  	[sflag:s18] =	ssyncset.done $0x0  }
0x12f: {  	[sflag:s18] =	ssyncadd.s32 $0xFFFFFF80  }
0x130: {  	_ =	swait.ge [sflag:s18], $0x80  }
0x131: {  	[sflag:s18] =	ssyncset.done $0x0  }
0x132: {  	[sflag:s18] =	ssyncadd.s32 $0xFFFFFF80  }
0x133: {  	_ =	swait.ge [sflag:s18], $0x80  }
0x134: {  	[sflag:s18] =	ssyncset.done $0x0  }
0x135: {  	[sflag:s18] =	ssyncadd.s32 $0xFFFFFF80  }
0x136: {  	_ =	swait.ge [sflag:s18], $0x80  }
0x137: {  	[sflag:s18] =	ssyncset.done $0x0  }
0x138: {  	[sflag:s18] =	ssyncadd.s32 $0xFFFFFF80  }
0x139: {  	_ =	swait.ge [sflag:s18], $0x80  }
0x13a: {  	[sflag:s18] =	ssyncset.done $0x0  }
0x13b: {  	[sflag:s18] =	ssyncadd.s32 $0xFFFFFF80  }
0x13c: {  	_ =	swait.ge [sflag:s18], $0x80  }
0x13d: {  	[sflag:s18] =	ssyncset.done $0x0  }
0x13e: {  	[sflag:s18] =	ssyncadd.s32 $0xFFFFFF80  }
0x13f: {  	_ =	swait.ge [sflag:s18], $0x80  }
0x140: {  	[sflag:s18] =	ssyncset.done $0x0  }
0x141: {  	[sflag:s18] =	ssyncadd.s32 $0xFFFFFF80  }
0x142: {  	_ =	swait.ge [sflag:s18], $0x80  }
0x143: {  	[sflag:s18] =	ssyncset.done $0x0  }
0x144: {  	[sflag:s18] =	ssyncadd.s32 $0xFFFFFF80  }
0x145: {  	_ =	swait.ge [sflag:s18], $0x80  }
0x146: {  	[sflag:s18] =	ssyncset.done $0x0  }
0x147: {  	[sflag:s18] =	ssyncadd.s32 $0xFFFFFF80  }
0x148: {  	_ =	swait.ge [sflag:s18], $0x80  }
0x149: {  	[sflag:s18] =	ssyncset.done $0x0  }
0x14a: {  	[sflag:s18] =	ssyncadd.s32 $0xFFFFFF80  }
0x14b: {  	_ =	swait.ge [sflag:s18], $0x80  }
0x14c: {  	[sflag:s18] =	ssyncset.done $0x0  }
0x14d: {  	[sflag:s18] =	ssyncadd.s32 $0xFFFFFF80  }
0x14e: {  	_ =	swait.ge [sflag:s18], $0x80  }
0x14f: {  	[sflag:s18] =	ssyncset.done $0x0  }
0x150: {  	[sflag:s18] =	ssyncadd.s32 $0xFFFFFF80  }
0x151: {  	_ =	swait.ge [sflag:s18], $0x80  }
0x152: {  	[sflag:s18] =	ssyncset.done $0x0  }
0x153: {  	[sflag:s18] =	ssyncadd.s32 $0xFFFFFF80  }
0x154: {  	_ =	swait.ge [sflag:s18], $0x80  }
0x155: {  	[sflag:s18] =	ssyncset.done $0x0  }
0x156: {  	[sflag:s18] =	ssyncadd.s32 $0xFFFFFF80  }
0x157: {  	_ =	swait.ge [sflag:s18], $0x80  }
0x158: {  	[sflag:s18] =	ssyncset.done $0x0  }
0x159: {  	[sflag:s18] =	ssyncadd.s32 $0xFFFFFF80  }
0x15a: {  	_ =	swait.ge [sflag:s18], $0x80  }
0x15b: {  	[sflag:s18] =	ssyncset.done $0x0  }
0x15c: {  	[sflag:s18] =	ssyncadd.s32 $0xFFFFFF80  }
0x15d: {  	_ =	swait.ge [sflag:s18], $0x80  }
0x15e: {  	[sflag:s18] =	ssyncset.done $0x0  }
0x15f: {  	[sflag:s18] =	ssyncadd.s32 $0xFFFFFF80  }
0x160: {  	_ =	swait.ge [sflag:s18], $0x80  }
0x161: {  	[sflag:s18] =	ssyncset.done $0x0  }
0x162: {  	[sflag:s18] =	ssyncadd.s32 $0xFFFFFF80  }
0x163: {  	_ =	swait.ge [sflag:s18], $0x80  }
0x164: {  	[sflag:s18] =	ssyncset.done $0x0  }
0x165: {  	[sflag:s18] =	ssyncadd.s32 $0xFFFFFF80  }
0x166: {  	_ =	swait.ge [sflag:s18], $0x80  }
0x167: {  	[sflag:s18] =	ssyncset.done $0x0  }
0x168: {  	[sflag:s18] =	ssyncadd.s32 $0xFFFFFF80  }
0x169: {  	_ =	swait.ge [sflag:s18], $0x80  }
0x16a: {  	[sflag:s18] =	ssyncset.done $0x0  }
0x16b: {  	[sflag:s18] =	ssyncadd.s32 $0xFFFFFF80  }
0x16c: {  	_ =	swait.ge [sflag:s18], $0x80  }
0x16d: {  	[sflag:s18] =	ssyncset.done $0x0  }
0x16e: {  	[sflag:s18] =	ssyncadd.s32 $0xFFFFFF80  }
0x16f: {  	_ =	swait.ge [sflag:s18], $0x80  }
0x170: {  	[sflag:s18] =	ssyncset.done $0x0  }
0x171: {  	[sflag:s18] =	ssyncadd.s32 $0xFFFFFF80  }
0x172: {  	_ =	swait.ge [sflag:s18], $0x80  }
0x173: {  	[sflag:s18] =	ssyncset.done $0x0  }
0x174: {  	[sflag:s18] =	ssyncadd.s32 $0xFFFFFF80  }
0x175: {  	_ =	swait.ge [sflag:s18], $0x80  }
0x176: {  	[sflag:s18] =	ssyncset.done $0x0  }
0x177: {  	[sflag:s18] =	ssyncadd.s32 $0xFFFFFF80  }
0x178: {  	_ =	swait.ge [sflag:s18], $0x80  }
0x179: {  	[sflag:s18] =	ssyncset.done $0x0  }
0x17a: {  	[sflag:s18] =	ssyncadd.s32 $0xFFFFFF80  }
0x17b: {  	_ =	swait.ge [sflag:s18], $0x80  }
0x17c: {  	[sflag:s18] =	ssyncset.done $0x0  }
0x17d: {  	[sflag:s18] =	ssyncadd.s32 $0xFFFFFF80  }
0x17e: {  	_ =	swait.ge [sflag:s18], $0x80  }
0x17f: {  	[sflag:s18] =	ssyncset.done $0x0  }
0x180: {  	[sflag:s18] =	ssyncadd.s32 $0xFFFFFF80  }
0x181: {  	_ =	swait.ge [sflag:s18], $0x80  }
0x182: {  	[sflag:s18] =	ssyncset.done $0x0  }
0x183: {  	[sflag:s18] =	ssyncadd.s32 $0xFFFFFF80  }
0x184: {  	_ =	swait.ge [sflag:s18], $0x80  }
0x185: {  	[sflag:s18] =	ssyncset.done $0x0  }
0x186: {  	[sflag:s18] =	ssyncadd.s32 $0xFFFFFF80  }
0x187: {  	_ =	swait.ge [sflag:s18], $0x80  }
0x188: {  	[sflag:s18] =	ssyncset.done $0x0  }
0x189: {  	[sflag:s18] =	ssyncadd.s32 $0xFFFFFF80  }
0x18a: {  	_ =	swait.ge [sflag:s18], $0x80  }
0x18b: {  	[sflag:s18] =	ssyncset.done $0x0  }
0x18c: {  	[sflag:s18] =	ssyncadd.s32 $0xFFFFFF80  }
0x18d: {  	_ =	swait.ge [sflag:s18], $0x80  }
0x18e: {  	[sflag:s18] =	ssyncset.done $0x0  }
0x18f: {  	[sflag:s18] =	ssyncadd.s32 $0xFFFFFF80  }
0x190: {  	_ =	swait.ge [sflag:s18], $0x80  }
0x191: {  	[sflag:s18] =	ssyncset.done $0x0  }
0x192: {  	[sflag:s18] =	ssyncadd.s32 $0xFFFFFF80  }
0x193: {  	_ =	swait.ge [sflag:s18], $0x80  }
0x194: {  	[sflag:s18] =	ssyncset.done $0x0  }
0x195: {  	[sflag:s18] =	ssyncadd.s32 $0xFFFFFF80  }
0x196: {  	_ =	swait.ge [sflag:s18], $0x80  }
0x197: {  	[sflag:s18] =	ssyncset.done $0x0  }
0x198: {  	[sflag:s18] =	ssyncadd.s32 $0xFFFFFF80  }
0x199: {  	_ =	swait.ge [sflag:s18], $0x80  }
0x19a: {  	[sflag:s18] =	ssyncset.done $0x0  }
0x19b: {  	[sflag:s18] =	ssyncadd.s32 $0xFFFFFF80  }
0x19c: {  	_ =	swait.ge [sflag:s18], $0x80  }
0x19d: {  	[sflag:s18] =	ssyncset.done $0x0  }
0x19e: {  	[sflag:s18] =	ssyncadd.s32 $0xFFFFFF80  }
0x19f: {  	_ =	swait.ge [sflag:s18], $0x80  }
0x1a0: {  	[sflag:s18] =	ssyncset.done $0x0  }
0x1a1: {  	[sflag:s18] =	ssyncadd.s32 $0xFFFFFF80  }
0x1a2: {  	_ =	swait.ge [sflag:s18], $0x80  }
0x1a3: {  	[sflag:s18] =	ssyncset.done $0x0  }
0x1a4: {  	[sflag:s18] =	ssyncadd.s32 $0xFFFFFF80  }
0x1a5: {  	_ =	swait.ge [sflag:s18], $0x80  }
0x1a6: {  	[sflag:s18] =	ssyncset.done $0x0  }
0x1a7: {  	[sflag:s18] =	ssyncadd.s32 $0xFFFFFF80  }
0x1a8: {  	_ =	swait.ge [sflag:s18], $0x80  }
0x1a9: {  	[sflag:s18] =	ssyncset.done $0x0  }
0x1aa: {  	[sflag:s18] =	ssyncadd.s32 $0xFFFFFF80  }
0x1ab: {  	_ =	swait.ge [sflag:s18], $0x80  }
0x1ac: {  	[sflag:s18] =	ssyncset.done $0x0  }
0x1ad: {  	[sflag:s18] =	ssyncadd.s32 $0xFFFFFF80  }
0x1ae: {  	_ =	swait.ge [sflag:s18], $0x80  }
0x1af: {  	[sflag:s18] =	ssyncset.done $0x0  }
0x1b0: {  	[sflag:s18] =	ssyncadd.s32 $0xFFFFFF80  }
0x1b1: {  	_ =	swait.ge [sflag:s18], $0x80  }
0x1b2: {  	[sflag:s18] =	ssyncset.done $0x0  }
0x1b3: {  	[sflag:s18] =	ssyncadd.s32 $0xFFFFFF80  }
0x1b4: {  	_ =	swait.ge [sflag:s18], $0x10  }
0x1b5: {  	[sflag:s18] =	ssyncset.done $0x0  }
0x1b6: {  	s20 =	simm.s32 $0x0;
	[sflag:s18] =	ssyncadd.s32 $0xFFFFFFF0  }
0x1b7: {  	v1 =	vld [tilespmem:s20+$0x9E00]  }
0x1b8: {  	v2 =	vld [tilespmem:s20+$0x2780]  }
0x1b9: {  	v0 =	vld [tilespmem:s20+$0x4F00]  }
0x1ba: {  	v3 =	vld [tilespmem:s20+$0x0];
	_ =	sdelay $0x3  }
0x1bb: {  	s21 =	simm.s32 $0x10;
	vm14 =	vge.f32 v0, $0.0e+00  }
0x1bc: {  	v0 =	vld [tilespmem:s21+$0x9E00];
	vm15 =	vgt.f32 v2, $5.000000000e-01;
	v3 =	vsel vm14, v1, v3  }
0x1bd: {  	s22 =	simm.s32 $0x80;
	v1 =	vld [tilespmem:s21+$0x2780];
	v2 =	vnsel vm15, $0x0, v3  }
.LBB2_4:
0x1be: {  	p0 =	sne.s32 s22, $0x9C00;
	v3 =	vld [tilespmem:s21+$0x4F00];
	[tilespmem:s20+$0x0] =	vst v2;
	s20 =	smov.u32 s21  }
0x1bf: {  	v2 =	vld [tilespmem:s20+$0x0];
	_ =	sdelay $0x1  }
.Ltmp1:
0x1c0: {  	(pc) =	sbr.rel @p0 .LBB2_4-.Ltmp1, $4  }
0x1c1: {  	_ = 	snop  }
0x1c2: {  	s21 =	sshra.s32 s22, $0x2;
	vm0 =	vge.f32 v3, $0.0e+00  }
0x1c3: {  	v2 =	vsel vm0, v0, v2;
	v0 =	vld [tilespmem:s21+$0x9E00];
	vm0 =	vgt.f32 v1, $5.000000000e-01  }
0x1c4: {  	s22 =	sadd.s32 $0x40, s22;
	v1 =	vld [tilespmem:s21+$0x2780];
	v2 =	vnsel vm0, $0x0, v2  }
0x1c5: {  	v3 =	vld [tilespmem:s21+$0x4F00];
	[tilespmem:s20+$0x0] =	vst v2  }
0x1c6: {  	v2 =	vld [tilespmem:s21+$0x0];
	_ =	sdelay $0x3  }
0x1c7: {  	vm0 =	vge.f32 v3, $0.0e+00  }
0x1c8: {  	s19 =	sadd.s32 $0x1, s19;
	vm15 =	vgt.f32 v1, $5.000000000e-01;
	v0 =	vsel vm0, v0, v2  }
0x1c9: {  	p0 =	sne.s32 s19, s8;
	v0 =	vnsel vm15, $0x0, v0  }
.Ltmp2:
0x1ca: {  	[tilespmem:s21+$0x0] =	vst v0;
	(pc) =	sbr.rel @p0 .LBB2_1-.Ltmp2, $4  }
0x1cb: {  	[hbm4b:s7+s2] =	stream.linear.scatter [tilespmem:s2], [sflag:$0x2], $0x2710, $0x38;
	[tilespmem:$0xC580] =	vst v63  }
0x1cc: {  	_ =	swait.ge [sflag:s9], $0x2710  }
0x1cd: {  	[sflag:s9] =	ssyncset.done $0x0  }
0x1ce: {  	[sflag:s9] =	ssyncadd.s32 $0xFFFFD8F0  }
0x1cf: {  	_ =	sfence.sel $0x180000  }
0x1d0: {  	[bflag:$0x0] =	sbarrier.arrive $0xFFFF  }
0x1d1: {  	_ =	strace $0x90000056  }
0x1d2: {  	s0 =	stileid.u32;
	[bflag:$0x2] =	sbarrier.arrive $0xFFFF  }
0x1d3: {  	p0 =	sne.s32 s0, $0x0;
	s0 =	rddreg [dreg:$0x2]  }
0x1d4: {  	s0 =	sadd.s32 @!p0 $0x100000, s0  }
0x1d5: {  	[sflag:s0] =	ssyncadd.tile.s32 @!p0 $0x1;
	_ =	shalt  }
.Lfunc_end2:
_tile_overlayer_lowered:
.L_overlay_start_2:
0x1d6: {  	(tag) =	ssettag $0x2  }
0x1d7: {  	s0 =	rddreg [dreg:$0x0];
	s2 =	stileid.u32  }
0x1d8: {  	s1 =	rddreg [dreg:$0x1];
	p0 =	sne.s32 s2, $0x0  }
0x1d9: {  	s3 =	rddreg [dreg:$0x2];
	[bflag:$0x3] =	sbarrier.arrive $0xFFFF;
	s2 =	simm.s32 @!p0 $0x1C02  }
0x1da: {  	[timem:s3], [sflag:s2] =	dma.local @!p0 [hbm:s0], s1  }
0x1db: {  	s0 =	simm.s32 @!p0 $0x2  }
0x1dc: {  	_ =	swait.ge @!p0 [sflag:s0], s1  }
0x1dd: {  	s1 =	ssub.s32 @!p0 $0x0, s1;
	[sflag:s0] =	ssyncset.done @!p0 $0x0  }
0x1de: {  	[sflag:s0] =	ssyncadd.s32 @!p0 s1  }
0x1df: {  	[bflag:$0x3] =	sbarrier.arrive $0xFFFF  }
0x1e0: {  	_ =	shalt  }

// kernel: scatter_offload_async_start
scs
__scs_entry_jumppad:
0x0: {  	(pc) =	sbr.rel $0x88, $3  }
0x1: {  	(tag) =	ssettag $0x0;
	lr =	simm.s32 $0x1  }
0x2: {  	[smem:$0x3F95] =	sst lr;
	_ =	strace $0xD0000000  }
0x3: {  	_ = 	snop  }
0x4: {  	_ = 	snop  }
0x5: {  	_ = 	snop  }
0x6: {  	_ = 	snop  }
0x7: {  	_ = 	snop  }
__scs_overlays_trampoline_lowered:
0x8: {  	[smem:$0x3FA4] =	sst s0  }
0x9: {  	[smem:$0x3FA5] =	sst s1  }
0xa: {  	[smem:$0x3FA6] =	sst s2  }
0xb: {  	[smem:$0x3FA7] =	sst s3  }
0xc: {  	[smem:$0x3FA8] =	sst s4  }
0xd: {  	[smem:$0x3FA9] =	sst s5  }
0xe: {  	[smem:$0x3FAA] =	sst s6  }
0xf: {  	[smem:$0x3FAB] =	sst s7  }
0x10: {  	[smem:$0x3FAC] =	sst s8  }
0x11: {  	[smem:$0x3FAD] =	sst s9;
	s0 =	simm.s32 @!p0 $0x0  }
0x12: {  	s1 =	sld [smem:$0x3F93];
	s0 =	simm.s32 @p0 $0x1  }
0x13: {  	[smem:$0x3FAE] =	sst s0;
	s0 =	simm.s32 @!p1 $0x0  }
0x14: {  	s2 =	sld [smem:$0x3F92];
	s0 =	simm.s32 @p1 $0x1  }
0x15: {  	[smem:$0x3FAF] =	sst s0;
	s0 =	simm.s32 @!p2 $0x0  }
0x16: {  	s3 =	sld [smem:$0x3FDB];
	s0 =	simm.s32 @p2 $0x1  }
0x17: {  	s4 =	simm.s32 $0x1BF5;
	[smem:$0x3FB1] =	sst s0  }
0x18: {  	s0 =	sld [smem:$0x3F94];
	_ =	swait.ge [sflag:s4], $0x0  }
0x19: {  	s7 =	sld [smem:$0x3F95]  }
0x1a: {  	s8 =	sadd.s32 $0xFFFFE003, lr  }
0x1b: {  	s9 =	sadd.s32 $0xFFFFFEF7, lr;
	s5 =	simm.s32 $0xFFFFFFFF;
	p2 =	slt.u32 s8, $0xFFFFF086  }
0x1c: {  	p1 =	slt.u32 s9, $0xF7A;
	s5 =	simm.s32 @!p2 $0x0  }
0x1d: {  	s5 =	simm.s32 @p1 $0x1;
	p0 =	seq.s32 s7, s2  }
0x1e: {  	s7 =	smul.u32 @!p0 $0xF7A, s2;
	p2 =	seq.s32 @!p0 s5, $0x0  }
0x1f: {  	s9 =	smul.u32 $0xF7A, s1;
	s8 =	simm.s32 @!p0 $0x1BF5;
	p2 =	por !p2, p0  }
0x20: {  	[sflag:s8] =	ssyncset.s32 @!p0 $0xFFFFF086;
	s6 =	sadd.s32 @!p0 s3, s7;
	s7 =	simm.s32 @!p0 $0x108  }
0x21: {  	s3 =	sadd.s32 s3, s9;
	s6 =	sadd.s32 @!p0 $0x88, s6;
	s7 =	simm.s32 @p2 $0x1082  }
0x22: {  	[simem:s7], [sflag:s8] =	dma.local @!p0 [hbm:s6], $0xF7A  }
0x23: {  	s9 =	sor.u32 $0xD0000000, s2;
	s6 =	simm.s32 $0x108;
	_ =	swait.ge @!p0 [sflag:s8], $0x0  }
0x24: {  	s3 =	sadd.s32 $0x88, s3;
	s6 =	simm.s32 @!p1 $0x1082;
	[sflag:s4] =	ssyncset.s32 $0xFFFFF086  }
0x25: {  	[simem:s6], [sflag:s4] =	dma.local [hbm:s3], $0xF7A  }
0x26: {  	[smem:$0x3F95] =	sst s1;
	(tag) =	ssettag s2;
	_ =	strace s9  }
0x27: {  	s1 =	sld [smem:$0x3FA5]  }
0x28: {  	s2 =	sld [smem:$0x3FA6]  }
0x29: {  	s4 =	sld [smem:$0x3FA8]  }
0x2a: {  	p0 =	seq.s32 s5, $0x0;
	s5 =	sld [smem:$0x3FA9]  }
0x2b: {  	s6 =	sld [smem:$0x3FAA]  }
0x2c: {  	s7 =	sld [smem:$0x3FAB]  }
0x2d: {  	s3 =	simm.s32 $0x108;
	s8 =	sld [smem:$0x3FAC]  }
0x2e: {  	s3 =	simm.s32 @!p0 $0x1082;
	s9 =	sld [smem:$0x3FAD]  }
0x2f: {  	lr =	sadd.s32 s0, s3;
	s0 =	sld [smem:$0x3FA4]  }
0x30: {  	s3 =	sld [smem:$0x3FA7]  }
0x31: {  	[smem:$0x3FB0] =	sst s10  }
0x32: {  	s10 =	sld [smem:$0x3FAE];
	_ =	sdelay $0x3  }
0x33: {  	p0 =	seq.s32 s10, $0x1;
	s10 =	sld [smem:$0x3FB0];
	_ =	sdelay $0x3  }
0x34: {  	[smem:$0x3FB0] =	sst s10  }
0x35: {  	s10 =	sld [smem:$0x3FAF];
	_ =	sdelay $0x3  }
0x36: {  	p1 =	seq.s32 s10, $0x1;
	s10 =	sld [smem:$0x3FB0];
	_ =	sdelay $0x3  }
0x37: {  	[smem:$0x3FB0] =	sst s10  }
0x38: {  	s10 =	sld [smem:$0x3FB1]  }
0x39: {  	_ = 	snop;
	(pc) =	sbr.ind lr, $3  }
0x3a: {  	_ = 	snop  }
0x3b: {  	_ = 	snop  }
0x3c: {  	p2 =	seq.s32 s10, $0x1;
	s10 =	sld [smem:$0x3FB0]  }
0x3d: {  	_ =	shalt  }
0x3e: {  	_ =	shalt  }
0x3f: {  	_ =	shalt  }
0x40: {  	_ =	shalt  }
0x41: {  	_ =	shalt  }
0x42: {  	_ =	shalt  }
0x43: {  	_ =	shalt  }
0x44: {  	_ =	shalt  }
0x45: {  	_ =	shalt  }
0x46: {  	_ =	shalt  }
0x47: {  	_ =	shalt  }
0x48: {  	_ =	shalt  }
0x49: {  	_ =	shalt  }
0x4a: {  	_ =	shalt  }
0x4b: {  	_ =	shalt  }
0x4c: {  	_ =	shalt  }
0x4d: {  	_ =	shalt  }
0x4e: {  	_ =	shalt  }
0x4f: {  	_ =	shalt  }
0x50: {  	_ =	shalt  }
0x51: {  	_ =	shalt  }
0x52: {  	_ =	shalt  }
0x53: {  	_ =	shalt  }
0x54: {  	_ =	shalt  }
0x55: {  	_ =	shalt  }
0x56: {  	_ =	shalt  }
0x57: {  	_ =	shalt  }
0x58: {  	_ =	shalt  }
0x59: {  	_ =	shalt  }
0x5a: {  	_ =	shalt  }
0x5b: {  	_ =	shalt  }
0x5c: {  	_ =	shalt  }
0x5d: {  	_ =	shalt  }
0x5e: {  	_ =	shalt  }
0x5f: {  	_ =	shalt  }
0x60: {  	_ =	shalt  }
0x61: {  	_ =	shalt  }
0x62: {  	_ =	shalt  }
0x63: {  	_ =	shalt  }
0x64: {  	_ =	shalt  }
0x65: {  	_ =	shalt  }
0x66: {  	_ =	shalt  }
0x67: {  	_ =	shalt  }
0x68: {  	_ =	shalt  }
0x69: {  	_ =	shalt  }
0x6a: {  	_ =	shalt  }
0x6b: {  	_ =	shalt  }
0x6c: {  	_ =	shalt  }
0x6d: {  	_ =	shalt  }
0x6e: {  	_ =	shalt  }
0x6f: {  	_ =	shalt  }
0x70: {  	_ =	shalt  }
0x71: {  	_ =	shalt  }
0x72: {  	_ =	shalt  }
0x73: {  	_ =	shalt  }
0x74: {  	_ =	shalt  }
0x75: {  	_ =	shalt  }
0x76: {  	_ =	shalt  }
0x77: {  	_ =	shalt  }
0x78: {  	_ =	shalt  }
0x79: {  	_ =	shalt  }
0x7a: {  	_ =	shalt  }
0x7b: {  	_ =	shalt  }
0x7c: {  	_ =	shalt  }
0x7d: {  	_ =	shalt  }
0x7e: {  	_ =	shalt  }
0x7f: {  	_ =	shalt  }
0x80: {  	_ =	shalt  }
0x81: {  	_ =	shalt  }
0x82: {  	_ =	shalt  }
0x83: {  	_ =	shalt  }
0x84: {  	_ =	shalt  }
0x85: {  	_ =	shalt  }
0x86: {  	_ =	shalt  }
0x87: {  	_ =	shalt  }
.Lfunc_end0:
.L_simem_size_0:
called_computation_lowered:
.L_overlay_start_0:
0x88: {  	s0 =	sld [smem:$0x3FD9]  }
0x89: {  	s1 =	sld [smem:$0x3FFE];
	_ =	sdelay $0x3  }
0x8a: {  	s0 =	sadd.s32 s1, s0  }
0x8b: {  	[smem:$0x3FBC] =	sst s0  }
0x8c: {  	_ = 	snop  }
0x8d: {  	(tm) =	ssettm $0x1  }
0x8e: {  	s15 =	sld [smem:$0x3FFB];
	_ =	sdelay $0x3  }
0x8f: {  	_ =	strace s15  }
0x90: {  	s0 =	sld [smem:$0x3FFC];
	_ =	sdelay $0x3  }
0x91: {  	_ =	strace s0  }
0x92: {  	s0 =	sld [smem:$0x3FFD];
	_ =	sdelay $0x3  }
0x93: {  	_ =	strace s0  }
0x94: {  	_ =	strace $0x8FFFFFFF  }
0x95: {  	s16 =	sld [smem:$0x3FDB];
	_ =	sdelay $0x1  }
0x96: {  	s17 =	simm.s32 $_scs_section_size  }
0x97: {  	s2 =	simm.s32 $_size__tile_overlayer_lowered;
	s3 =	simm.s32 $_tile_overlayer_lowered  }
0x98: {  	s20 =	simm.s32 $0x1BFF;
	s19 =	sshll.u32 s3, $0x1;
	s0 =	sadd.s32 s17, s16  }
0x99: {  	s4 =	simm.s32 $0x0;
	s18 =	sshll.u32 s2, $0x1;
	s2 =	sadd.s32 s19, s0  }
0x9a: {  	[timem:s4], [sflag:s20] =	dma.local [hbm:s2], s18  }
0x9b: {  	_ =	swait.ge [sflag:s20], s18  }
0x9c: {  	s1 =	ssub.s32 $0x0, s18;
	[sflag:s20] =	ssyncset.done $0x0  }
0x9d: {  	[sflag:s20] =	ssyncadd.s32 s1;
	_ =	sdelay $0x1  }
0x9e: {  	s21 =	simm.s32 $0x1B8B  }
0x9f: {  	_ =	swait.ge [sflag:s21], $0x1  }
0xa0: {  	[sflag:s21] =	ssyncset.done $0x0  }
0xa1: {  	s23 =	simm.s32 $0x1B8E;
	s22 =	sld [smem:$0x3FFE];
	[sflag:s21] =	ssyncadd.s32 $0xFFFFFFFF  }
0xa2: {  	s24 =	simm.s32 $execute0_lowered;
	[smem:$0x3FD2] =	sst s23  }
0xa3: {  	s2 =	sshll.u32 s24, $0x1;
	_ =	strace $0x8000004F;
	[dreg:$0x1] =	wrdreg $0xFFFFFFFF  }
0xa4: {  	s25 =	simm.s32 $_size_execute0_lowered;
	s0 =	sadd.s32 s0, s2;
	[dreg:$0x0] =	wrdreg $0x0  }
0xa5: {  	s2 =	sshll.u32 s25, $0x1;
	[dreg:$0x2] =	wrdreg s0  }
0xa6: {  	[dreg:$0x3] =	wrdreg s2  }
0xa7: {  	[dreg:$0x4] =	wrdreg $0xC0  }
0xa8: {  	_ =	task [dreg:s4], $0x5FFFF  }
0xa9: {  	[dreg:$0x1] =	wrdreg $0xFFFFFFFF  }
0xaa: {  	[dreg:$0x0] =	wrdreg $0x60  }
0xab: {  	[dreg:$0x2] =	wrdreg s22  }
0xac: {  	[dreg:$0x3] =	wrdreg $0x9  }
0xad: {  	_ =	task.clear_ibuf [dreg:s4], $0x4FFFF;
	_ =	strace $0x9000004F  }
0xae: {  	s26 =	simm.s32 $0x9;
	_ =	strace $0x80000051  }
0xaf: {  	_ =	swait.ge [sflag:s26], $0x1  }
0xb0: {  	[sflag:s26] =	ssyncadd.s32 $0xFFFFFFFF  }
0xb1: {  	_ =	strace $0x90000051  }
0xb2: {  	_ =	sfence  }
0xb3: {  	s28 =	sld [smem:$0x0];
	_ =	sdelay $0x1  }
0xb4: {  	s29 =	srdreg.scid  }
0xb5: {  	s30 =	sshll.u32 s29, $0xD;
	s31 =	sshrl.u32 s29, $0x2  }
0xb6: {  	s1 =	sand.u32 $0x1, s29;
	s2 =	sand.u32 $0x4000, s30;
	s0 =	sadd.s32 s31, s28  }
0xb7: {  	s1 =	sor.u32 s2, s1;
	s0 =	sshll.u32 s0, $0x11  }
0xb8: {  	s0 =	sor.u32 s0, s1  }
0xb9: {  	s0 =	sadd.s32 $0x8F2B, s0  }
0xba: {  	[sflag:s0] =	ssyncadd.remote.s32 $0x1  }
0xbb: {  	_ =	sfence.sel $0xFFFF  }
0xbc: {  	[dreg:$0x0] =	wrdreg $0xFFFFFFFF;
	(pc) =	sbr.abs _section_cstart, $3  }
0xbd: {  	[dreg:$0x1] =	wrdreg $0xFFFFFFFF  }
0xbe: {  	_ =	task.clear_ibuf [dreg:s4], $0x2FFFF;
	_ =	strace $0x9FFFFFFF  }
0xbf: {  	(tm) =	ssettm $0x7FFFFFFF  }
tec
execute0_lowered:
.L_overlay_start_1:
0x0: {  	(tag) =	ssettag $0x1  }
0x1: {  	s0 =	rddreg [dreg:$0x0];
	_ =	strace $0x80000050;
	s15 =	stileid.u32  }
0x2: {  	s2 =	simm.s32 $0x1;
	s1 =	smin.u32 s15, $0x8;
	s3 =	sshll.u32 s15, $0x1  }
0x3: {  	[sflag:s2] =	ssyncpa.u1 $0x0;
	s1 =	sadd.s32 s1, s3  }
0x4: {  	v1 =	vimm.s32 $0xFFFFFFFF;
	p0 =	slt.u32 s15, $0x8;
	s4 =	smul.u32 $0x1F40, s1;
	s1 =	simm.s32 $0x5DC0  }
0x5: {  	[tilespmem:$0x10] =	vst v1;
	s1 =	simm.s32 @!p0 $0x3E80  }
0x6: {  	v0 =	vimm.f32 $-Inf;
	[tilespmem:$0x20] =	vst v1;
	s1 =	sadd.s32 s1, s4  }
0x7: {  	[tilespmem:$0x30] =	vst v0;
	s5 =	smin.u32 s1, $0x4E200  }
0x8: {  	s7 =	simm.s32 $0x2;
	[tilespmem:$0x40] =	vst v0;
	s9 =	ssub.s32 s5, s4  }
0x9: {  	s8 =	simm.s32 $0x8;
	s30 =	simm.s32 $0x9;
	[tilespmem:$0x50] =	vst v0;
	p0 =	sgt.s32 s9, $0x0  }
0xa: {  	s16 =	simm.s32 $0x0;
	s17 =	simm.s32 $0xF0;
	[tilespmem:$0x60] =	vst v1;
	s9 =	simm.s32 @!p0 $0x0  }
0xb: {  	s18 =	simm.s32 $0xFFFFFFFF;
	s19 =	simm.s32 $0xFFFFC280;
	[tilespmem:$0x70] =	vst v1;
	s29 =	smulhi.u32 $0x10624DD3, s9  }
0xc: {  	s20 =	simm.s32 $0xFFFFFFFE;
	s21 =	simm.s32 $0xF;
	s25 =	simm.s32 $0x0;
	[tilespmem:$0x80] =	vst v1  }
0xd: {  	s24 =	simm.s32 $0x0;
	s6 =	sadd.s32 $0xA04400, s0;
	v1 =	vimm.s32 $0x0;
	[tilespmem:$0xB0] =	vst v0;
	s10 =	sshrl.u32 s29, $0x9  }
0xe: {  	s15 =	sshllo.u32 s15, $0x1;
	s13 =	sor.u32 $0x80, s3;
	[tilespmem:$0x90] =	vst v1;
	s11 =	smul.u32 $0x1F40, s10  }
0xf: {  	s14 =	sor.u32 $0x81, s3;
	[tilespmem:$0xA0] =	vst v1;
	[sflag:s7] =	ssyncpa.u1 $0x0;
	s7 =	simm.s32 $0x7  }
.Ltmp0:
0x10: {  	[sflag:s7] =	ssyncpa.u1 $0x0;
	p0 =	sne.s32 s9, s11;
	(pc) =	sbr.rel .LBB2_1-.Ltmp0, $4  }
0x11: {  	[sflag:s8] =	ssyncpa.u1 $0x0;
	s23 =	smov.u32 s4;
	s2 =	simm.s32 @!p0 $0x0  }
0x12: {  	s1 =	sadd.s32 $0x19000, s0;
	s0 =	sadd.s32 $0xA0E200, s0;
	s10 =	sadd.s32 s2, s10  }
0x13: {  	vm0 =	vmmov $0xffff;
	v2 =	vlaneseq.u32;
	vm1 =	vmxor vm1, vm1;
	[sflag:s30] =	ssyncpa.u1 $0x0;
	[dreg:$0x2] =	wrdreg s0;
	s31 =	sadd.s32 $0x1, s10  }
0x14: {  	vm2 =	vmmov $0x1;
	v3 =	vimm.f32 $0.0e+00;
	vm3 =	vcmask $0x3F3C;
	p0 =	por $0x0, $0x0;
	s12 =	sadd.s32 $0x2, s10;
	[dreg:$0x3] =	wrdreg s31  }
.LBB2_9:
0x15: {  	p1 =	slt.u32 s24, $0x3  }
0x16: {  	s0 =	simm.s32 @!p1 $0x2  }
0x17: {  	_ =	swait.ge @!p1 [sflag:s0], $0x1F40  }
0x18: {  	[sflag:s0] =	ssyncset.done @!p1 $0x0  }
0x19: {  	[sflag:s0] =	ssyncadd.s32 @!p1 $0xFFFFE0C0;
	s0 =	simm.s32 @!p1 $0x9  }
0x1a: {  	_ =	swait.ge @!p1 [sflag:s0], $0x10  }
0x1b: {  	[sflag:s0] =	ssyncset.done @!p1 $0x0  }
0x1c: {  	[sflag:s0] =	ssyncadd.s32 @!p1 $0xFFFFFFF0;
	p1 =	sne.s32 s24, s12  }
.Ltmp1:
0x1d: {  	s2 =	sadd.s32 $0x1F40, s23;
	(pc) =	sbr.rel @!p1 .LBB2_10-.Ltmp1, $4  }
0x1e: {  	s9 =	smov.u32 s4;
	s31 =	sadd.s32 $0x1, s24;
	s17 =	sadd.s32 $0x1F40, s17  }
0x1f: {  	s18 =	sadd.s32 $0x1, s18;
	s25 =	smov.u32 s23;
	p2 =	slt.s32 s2, s5  }
0x20: {  	p0 =	por !p0, !p0;
	s19 =	sadd.s32 $0x1F40, s19;
	s9 =	smov.u32 @p2 s2  }
0x21: {  	s20 =	sadd.s32 $0x1, s20;
	s23 =	smov.u32 s9;
	s24 =	smov.u32 s31  }
.LBB2_1:
0x22: {  	p1 =	sge.u32 s24, s10  }
0x23: {  	s0 =	smulhi.u32 @!p1 $0xAAAAAAAB, s24;
	_ =	sdelay $0x1  }
0x24: {  	s0 =	sshrl.u32 @!p1 s0, $0x1  }
0x25: {  	s0 =	smul.u32 @!p1 $0x3, s0;
	_ =	sdelay $0x1  }
0x26: {  	s0 =	ssub.s32 @!p1 s24, s0  }
0x27: {  	s0 =	smul.u32 @!p1 $0x7D00, s0;
	_ =	sdelay $0x1  }
0x28: {  	s2 =	sshrl.u32 @!p1 s23, $0x3;
	s0 =	sshrl.u32 @!p1 s0, $0x2  }
0x29: {  	s9 =	sand.u32 @!p1 $0x7, s23;
	s2 =	sadd.s32 @!p1 s6, s2;
	s0 =	sadd.s32 @!p1 $0x100, s0  }
0x2a: {  	[tilespmem:s0], [sflag:$0x7] =	stream.linear.gather @!p1 [hbm4b:s2+s9], $0x1F40, $0x38;
	[tilespmem:$0x11A60] =	vst v63  }
0x2b: {  	s0 =	sadd.s32 $0xFFFFFFFF, s24  }
0x2c: {  	p1 =	sge.u32 s0, s10  }
.Ltmp2:
0x2d: {  	_ = 	snop;
	(pc) =	sbr.rel @p1 .LBB2_5-.Ltmp2, $1  }
0x2e: {  	_ =	sdelay $0x3  }
0x2f: {  	s2 =	smulhi.u32 $0xAAAAAAAB, s0;
	_ =	sdelay $0x1  }
0x30: {  	s2 =	sshrl.u32 s2, $0x1  }
0x31: {  	s2 =	smul.u32 $0x3, s2;
	_ =	sdelay $0x1  }
0x32: {  	s2 =	ssub.s32 s0, s2  }
0x33: {  	s2 =	smul.u32 $0x7D00, s2  }
0x34: {  	_ =	swait.ge [sflag:s7], $0x1F40  }
0x35: {  	[sflag:s7] =	ssyncset.done $0x0;
	s2 =	sshrl.u32 s2, $0x2  }
0x36: {  	[sflag:s7] =	ssyncadd.s32 $0xFFFFE0C0;
	(ifvalue) =	ssetifvalue $0xFFFFFFFF;
	v4 =	vld.msk [tilespmem:s2+$0x100 ss:$0x1], $0xffff;
	_ =	sdelay $0x2  }
0x37: {  	s29 =	smulhi.u32 $0xAAAAAAAB, s18;
	p1 =	sne.s32 s24, $0x1  }
0x38: {  	v5 =	vimm.s32 @!p1 $0x0  }
0x39: {  	s2 =	sshrl.u32 s29, $0x1;
	v5 =	vperm.xlane @!p1 v4, v5  }
0x3a: {  	s9 =	sshll.u32 s24, $0x4;
	s2 =	smul.u32 $0xFFFE8900, s2;
	vm4 =	vlt.u32 v4, $0x4E400  }
0x3b: {  	s9 =	sand.u32 $0x10, s9;
	v4 =	vnsel vm4, $0xFFFFFFFE, v4;
	vm4 =	vlt.u32 @!p1 v5, $0x4E400  }
0x3c: {  	s2 =	sshra.s32 s2, $0x2;
	[tilespmem:s9+$0x60] =	vst v4;
	v4 =	vnsel @!p1 vm4, $0xFFFFFFFE, v5  }
0x3d: {  	s30 =	sadd.s32 s2, s17;
	[tilespmem:$0x80] =	vst @!p1 v4  }
0x3e: {  	v4 =	vld.msk [tilespmem:s30+$0x0 ss:$0x1], $0xffff;
	_ =	sdelay $0x4  }
0x3f: {  	(xrf1) =	vunique.msk.u32 $0xffff, v4;
	_ =	sdelay $0xd  }
0x40: {  	v5 =	vimm.s32 $0xFFFFFFFF;
	v6, _, _ =	vpop (xrf1)  }
0x41: {  	vm5 =	vne.s32 v4, v5;
	vm4 =	veq.s32 v6, v2  }
0x42: {  	vm6 =	vlt.u32 v4, $0x4E400;
	vm4 =	vmand vm5, vm4  }
0x43: {  	vm4 =	vmand vm6, vm4  }
0x44: {  	v5 =	vnsel vm4, $0xFFFFFFFF, v4  }
0x45: {  	s31 =	sand.u32 $0x1, s0  }
0x46: {  	s26 =	simm.s32 $0x1F40;
	p1 =	seq.s32 s31, $0x1  }
0x47: {  	s26 =	simm.s32 @!p1 $0x0  }
0x48: {  	s28 =	sadd.s32 $0x7DF0, s26;
	(ifvalue) =	ssetifvalue $0xFFFFFFFF  }
0x49: {  	v4 =	vperm.xlane v4, v1;
	[tilespmem:s28], [sflag:$0x8] =	stream.indirect_vreg.gather [hbm4b:s1+s16], $0x1, v5, vm0, $0x4038;
	v5 =	vnsel vm6, $0xFFFFFFFE, v5;
	[tilespmem:$0x11A60] =	vst v63  }
0x4a: {  	s0 =	simm.s32 $0x0;
	s2 =	sadd.s32 $0xFFFFFFF0, s30;
	[tilespmem:s30+$0x0] =	vst v5  }
.LBB2_3:
0x4b: {  	v5 =	vld.msk [tilespmem:s2+$0x0 ss:$0x1], $0xffff;
	s0 =	sadd.s32 $0x10, s0;
	v6 =	vmov v4;
	s9 =	smov.u32 s2  }
0x4c: {  	p1 =	slt.u32 s0, $0x1F30;
	_ =	sdelay $0x4  }
0x4d: {  	v4 =	vperm.xlane v5, v1;
	(xrf1) =	vunique.msk.u32 $0xffff, v5;
	_ =	sdelay $0xd  }
0x4e: {  	v7, _, _ =	vpop (xrf1)  }
0x4f: {  	vm5 =	vne.s32 v5, v6;
	vm4 =	veq.s32 v7, v2  }
0x50: {  	vm6 =	vlt.u32 v5, $0x4E400;
	vm4 =	vmand vm5, vm4  }
0x51: {  	vm4 =	vmand vm6, vm4  }
0x52: {  	v5 =	vnsel vm4, $0xFFFFFFFF, v5  }
.Ltmp3:
0x53: {  	v6 =	vnsel vm6, $0xFFFFFFFE, v5;
	(pc) =	sbr.rel @p1 .LBB2_3-.Ltmp3, $3  }
0x54: {  	_ =	sdelay $0x1  }
0x55: {  	s2 =	sadd.s32 $0xFFFFFFF0, s2;
	s28 =	sadd.s32 $0xFFFFFFF0, s28;
	(ifvalue) =	ssetifvalue $0xFFFFFFFF  }
0x56: {  	[tilespmem:s28], [sflag:$0x8] =	stream.indirect_vreg.gather [hbm4b:s1+s16], $0x1, v5, vm0, $0x4038;
	[tilespmem:s9+$0x0] =	vst v6  }
0x57: {  	s0 =	sshrl.u32 s25, $0x3;
	s2 =	rddreg [dreg:$0x2]  }
0x58: {  	s31 =	sadd.s32 $0x9D40, s26;
	s0 =	sadd.s32 s2, s0  }
0x59: {  	[tilespmem:s31], [sflag:$0x8] =	stream.linear.gather [hbm:s0], $0x1F40, $0x38;
	[tilespmem:$0x11A60] =	vst v63  }
.LBB2_5:
0x5a: {  	p1 =	slt.u32 s24, $0x2  }
0x5b: {  	p2 =	sge.u32 @!p1 s24, s12  }
0x5c: {  	p1 =	por p1, p2  }
.Ltmp4:
0x5d: {  	_ = 	snop;
	(pc) =	sbr.rel @p1 .LBB2_9-.Ltmp4, $1  }
0x5e: {  	_ =	sdelay $0x3  }
0x5f: {  	s0 =	sadd.s32 $0xFFFFFFFE, s24  }
0x60: {  	s2 =	smulhi.u32 $0xAAAAAAAB, s0;
	_ =	sdelay $0x1  }
0x61: {  	s2 =	sshrl.u32 s2, $0x1  }
0x62: {  	s2 =	smul.u32 $0x3, s2;
	_ =	sdelay $0x1  }
0x63: {  	_ =	swait.ge [sflag:s8], $0x3E80;
	s0 =	ssub.s32 s0, s2  }
0x64: {  	s9 =	rddreg [dreg:$0x3];
	s0 =	smul.u32 $0x1F40, s0  }
0x65: {  	[sflag:s8] =	ssyncset.done $0x0;
	p1 =	sne.s32 s24, s9  }
0x66: {  	[sflag:s8] =	ssyncadd.s32 $0xFFFFC180;
	s2 =	sadd.s32 @!p1 $0x203F, s0  }
0x67: {  	[spmem:s14] =	stream.linear.scatter @!p1 [tilespmem:s2], [sflag:$0x1], $0x1, $0x38;
	[tilespmem:$0x11A60] =	vst v63  }
0x68: {  	s2 =	simm.s32 @!p1 $0x1  }
0x69: {  	_ =	swait.ge @!p1 [sflag:s2], $0x1  }
0x6a: {  	s9 =	sshll.u32 s24, $0x4;
	[sflag:s2] =	ssyncset.done @!p1 $0x0  }
0x6b: {  	s25 =	sand.u32 $0x10, s9;
	[sflag:s2] =	ssyncadd.s32 @!p1 $0xFFFFFFFF  }
0x6c: {  	s2 =	sxor.u32 $0x10, s25;
	v5 =	vld [tilespmem:s25+$0x10]  }
0x6d: {  	v6 =	vld [tilespmem:s2+$0x60]  }
0x6e: {  	v4 =	vld [tilespmem:$0x80];
	_ =	sdelay $0x2  }
0x6f: {  	(v2sf) =	vpush v5, $0x0  }
0x70: {  	(v2sf) =	vpush v6, $0x0  }
0x71: {  	(v2sf) =	vpush v4, $0x0;
	_ =	sdelay $0xc  }
0x72: {  	s11 =	spop (v2sf)  }
0x73: {  	s22 =	spop (v2sf)  }
0x74: {  	s28 =	spop (v2sf)  }
0x75: {  	p2 =	seq.s32 s11, s22;
	p3 =	seq.s32 s28, s11  }
0x76: {  	p3 =	por p2, p3  }
0x77: {  	s26 =	sand.u32 $0x1, s24;
	v5 =	vpsel p3, $0xFFFFFFFF, v5  }
0x78: {  	s29 =	smul.u32 $0x1F40, s26;
	[tilespmem:s25+$0x10] =	vst.msk $0x1, v5  }
0x79: {  	v5 =	vld [tilespmem:$0x30]  }
0x7a: {  	v6 =	vld [tilespmem:s29+$0x9D40]  }
0x7b: {  	v7 =	vld [tilespmem:s25+$0x40];
	_ =	sdelay $0x2  }
0x7c: {  	vm4 =	vmmov vm1  }
0x7d: {  	vm5 =	vmmov vm2;
	s9 =	sshll.u32 s26, $0x4;
	vm4 =	vmmov @p2 vm2;
	v6 =	vmax.f32 v5, v6  }
0x7e: {  	s26 =	sor.u32 $0x11A40, s9;
	vm5 =	vmmov @p3 vm1;
	v5 =	vmax.f32 v5, v7;
	[tilespmem:s29+$0x9D40] =	vst.msk vm4, v6  }
0x7f: {  	[tilespmem:s26+$0x0] =	vst.msk vm5, v5  }
0x80: {  	v5 =	vld [tilespmem:s29+$0x7DF0];
	_ =	sdelay $0x4  }
0x81: {  	v5 =	vshift.insert v5, v3, s21  }
0x82: {  	s11 =	sor.u32 $0x40, s2  }
0x83: {  	v6 =	vimm.f32 $-Inf;
	[tilespmem:s11+$0x0] =	vst.msk $0x1, v5  }
0x84: {  	[tilespmem:s29+$0x7DFF] =	vst.msk $0x1, v6  }
0x85: {  	v5 =	vld [tilespmem:s0+$0x2030]  }
0x86: {  	s22 =	smulhi.u32 $0xAAAAAAAB, s20;
	_ =	sdelay $0x1  }
0x87: {  	s9 =	simm.s32 $0x1;
	s0 =	sshrl.u32 s22, $0x1  }
0x88: {  	s9 =	simm.s32 @!p0 $0x0;
	s0 =	smul.u32 $0xFFFE8900, s0  }
0x89: {  	s9 =	smul.u32 $0x7D00, s9;
	v5 =	vshift.insert v5, v1, s21  }
0x8a: {  	s0 =	sshra.s32 s0, $0x2  }
0x8b: {  	s9 =	sshrl.u32 s9, $0x2;
	s22 =	sadd.s32 s0, s19;
	[tilespmem:s2+$0x10] =	vst.msk $0x1, v5  }
0x8c: {  	s2 =	sadd.s32 $0x9D40, s9;
	v7 =	vld [tilespmem:s22+$0x0]  }
0x8d: {  	v8 =	vld [tilespmem:s2+$0x0];
	_ =	sdelay $0x4  }
0x8e: {  	vm4 =	vne.s32 v7, $0xFFFFFFFF;
	v6 =	vmax.f32 v8, v6  }
0x8f: {  	(xrf0) =	vmax.seg.scan.f32 vm4, v6  }
0x90: {  	s11 =	sadd.s32 $0x5EC0, s9;
	v8 =	vld [tilespmem:$0xA0]  }
0x91: {  	v9 =	vld [tilespmem:s11+$0x0];
	_ =	sdelay $0x1  }
0x92: {  	v6 =	vperm.xlane v5, v1;
	_ =	sdelay $0x1  }
0x93: {  	vm6 =	veq.s32 v7, v4;
	vm7 =	veq.s32 v7, v6;
	vm5 =	veq.s32 v8, $0x1;
	v8, _, _ =	vpop (xrf0)  }
0x94: {  	vm8 =	vgt.u32 v7, $0xFFFFFFFD;
	vm7 =	vmor vm7, vm6;
	v9 =	vmax.f32 v8, v9  }
0x95: {  	s30 =	sadd.s32 $0xDBC0, s9;
	v10 =	vld [tilespmem:$0x90];
	vm7 =	vmor vm7, vm8;
	v9 =	vsel vm6, v8, v9  }
0x96: {  	[tilespmem:s30+$0x0] =	vst v9;
	v9 =	vsel vm7, $0xFFFFFFFF, v7;
	_ =	sdelay $0x1  }
0x97: {  	vm9 =	vmand vm4, vm3  }
0x98: {  	s31 =	simm.s32 $0x0;
	s9 =	sadd.s32 $0x10, s11;
	s0 =	sadd.s32 $0x10, s2;
	v11 =	vsel vm9, $0xFF800000, v8  }
0x99: {  	s2 =	sadd.s32 $0x10, s22;
	s22 =	sadd.s32 $0x10, s30;
	vm4 =	vmor vm5, vm6;
	v7 =	vsel vm6, v8, v10;
	v8 =	vshift.insert v11, v0, s21;
	(ifvalue) =	ssetifvalue $0xFFFFFFFF  }
.LBB2_7:
0x9a: {  	[hbm4b:s1+s16] =	stream.indirect_vreg.scatter [tilespmem:s30], [sflag:$0x2], $0x1, v9, vm0, $0x4038;
	[tilespmem:$0x11A60] =	vst v63  }
0x9b: {  	s31 =	sadd.s32 $0x10, s31;
	s30 =	smov.u32 s22;
	v9 =	vld [tilespmem:s2+$0x0]  }
0x9c: {  	p2 =	slt.u32 s31, $0x1F30;
	v10 =	vld [tilespmem:s0+$0x0];
	_ =	sdelay $0x4  }
0x9d: {  	vm5 =	vne.s32 v9, $0xFFFFFFFF;
	v8 =	vmax.f32 v10, v8  }
0x9e: {  	(xrf0) =	vmax.seg.scan.f32 vm5, v8;
	_ =	sdelay $0x1  }
0x9f: {  	v8 =	vld [tilespmem:s9+$0x0]  }
0xa0: {  	vm6 =	veq.s32 v9, v4;
	vm7 =	veq.s32 v9, v6  }
0xa1: {  	vm8 =	vgt.u32 v9, $0xFFFFFFFD;
	vm4 =	vmor vm4, vm6;
	vm7 =	vmor vm7, vm6  }
0xa2: {  	vm7 =	vmor vm7, vm8  }
.Ltmp5:
0xa3: {  	vm5 =	vmand vm5, vm3;
	v9 =	vsel vm7, $0xFFFFFFFF, v9;
	v10, _, _ =	vpop (xrf0);
	(pc) =	sbr.rel @p2 .LBB2_7-.Ltmp5, $4  }
0xa4: {  	v7 =	vsel vm6, v10, v7;
	v8 =	vmax.f32 v10, v8;
	v11 =	vsel vm5, $0xFF800000, v10  }
0xa5: {  	v10 =	vsel vm6, v10, v8;
	v8 =	vshift.insert v11, v0, s21  }
0xa6: {  	s2 =	sadd.s32 $0x10, s2;
	s0 =	sadd.s32 $0x10, s0;
	[tilespmem:s22+$0x0] =	vst v10  }
0xa7: {  	s9 =	sadd.s32 $0x10, s9;
	s22 =	sadd.s32 $0x10, s22;
	(ifvalue) =	ssetifvalue $0xFFFFFFFF  }
0xa8: {  	_ =	sdelay $0x3  }
0xa9: {  	[hbm4b:s1+s16] =	stream.indirect_vreg.scatter [tilespmem:s30], [sflag:$0x2], $0x1, v9, vm0, $0x4038;
	[tilespmem:$0x11A60] =	vst v63  }
0xaa: {  	v4 =	vld [tilespmem:s29+$0xFAF0];
	_ =	sdelay $0x4  }
0xab: {  	v4 =	vshift.insert v4, v3, s21  }
0xac: {  	s0 =	simm.s32 $0x30  }
0xad: {  	[tilespmem:s0+$0x0] =	vst.msk $0x1, v4  }
0xae: {  	v4 =	vsel vm4, $0x1, v1;
	[tilespmem:$0x90] =	vst v7  }
0xaf: {  	s0 =	sadd.s32 @!p1 $0xFAFF, s29;
	[tilespmem:$0xA0] =	vst v4  }
0xb0: {  	[spmem:s15] =	stream.linear.scatter @!p1 [tilespmem:s0], [sflag:$0x1], $0x1, $0x38;
	[tilespmem:$0x11A60] =	vst v63  }
0xb1: {  	s0 =	simm.s32 @!p1 $0x1  }
0xb2: {  	v4 =	vmctz.xlane @!p1 vm4;
	_ =	swait.ge @!p1 [sflag:s0], $0x1  }
0xb3: {  	(v2sf) =	vpush @!p1 v5, $0x0  }
0xb4: {  	(v2sf) =	vpush @!p1 v4, $0x0;
	_ =	sdelay $0xd  }
0xb5: {  	s2 =	spop @!p1 (v2sf)  }
0xb6: {  	s9 =	spop @!p1 (v2sf)  }
0xb7: {  	p2 =	sne.s32 @!p1 s28, s2;
	p3 =	slt.s32 @!p1 s9, $0xF  }
0xb8: {  	[sflag:s0] =	ssyncset.done @!p1 $0x0;
	p2 =	por p2, p1;
	p3 =	por !p3, p1  }
0xb9: {  	[sflag:s0] =	ssyncadd.s32 @!p1 $0xFFFFFFFF;
	v4 =	vimm.s32 @!p2 $0xFFFFFFFF;
	s9 =	simm.s32 @p3 $0xF  }
0xba: {  	[tilespmem:$0x80] =	vst @!p2 v4;
	s2 =	sadd.s32 @!p1 $0x90, s9  }
0xbb: {  	[spmem:s3] =	stream.linear.scatter @!p1 [tilespmem:s2], [sflag:$0x1], $0x1, $0x38;
	[tilespmem:$0x11A60] =	vst v63  }
0xbc: {  	_ =	swait.ge @!p1 [sflag:s0], $0x1  }
0xbd: {  	[sflag:s0] =	ssyncset.done @!p1 $0x0  }
0xbe: {  	s2 =	simm.s32 @!p1 $0x80;
	[sflag:s0] =	ssyncadd.s32 @!p1 $0xFFFFFFFF  }
0xbf: {  	[spmem:s13] =	stream.linear.scatter @!p1 [tilespmem:s2], [sflag:$0x1], $0x1, $0x38;
	[tilespmem:$0x11A60] =	vst v63  }
0xc0: {  	_ =	swait.ge @!p1 [sflag:s0], $0x1  }
0xc1: {  	[sflag:s0] =	ssyncset.done @!p1 $0x0  }
0xc2: {  	[sflag:s0] =	ssyncadd.s32 @!p1 $0xFFFFFFFF;
	(ifvalue) =	ssetifvalue $0xFFFFFFFF;
	v4 =	vld [tilespmem:s25+$0x10];
	_ =	sdelay $0x3  }
.Ltmp6:
0xc3: {  	_ = 	snop;
	(pc) =	sbr.rel .LBB2_9-.Ltmp6, $3  }
0xc4: {  	_ =	sdelay $0x1  }
0xc5: {  	(ifvalue) =	ssetifvalue $0xFFFFFFFF  }
0xc6: {  	[hbm4b:s1+s16] =	stream.indirect_vreg.scatter [tilespmem:s26], [sflag:$0x9], $0x1, v4, vm0, $0x4038;
	[tilespmem:$0x11A60] =	vst v63  }
.LBB2_10:
0xc7: {  	_ =	sfence.sel $0x180000  }
0xc8: {  	s0 =	simm.s32 $0x7;
	[bflag:$0x0] =	sbarrier.arrive $0xFFFF  }
0xc9: {  	s26 =	simm.s32 $0x8;
	[sflag:s0] =	ssyncpa.u1 $0x1  }
0xca: {  	s28 =	simm.s32 $0x9;
	[sflag:s26] =	ssyncpa.u1 $0x1  }
0xcb: {  	[sflag:s28] =	ssyncpa.u1 $0x1  }
0xcc: {  	_ =	sfence.stream.spmem  }
0xcd: {  	s29 =	simm.s32 $0x3;
	[bflag:$0x0] =	sbarrier.arrive $0xFFFF  }
0xce: {  	s30 =	simm.s32 $0x4;
	[sflag:s29] =	ssyncpa.u1 $0x1  }
0xcf: {  	s31 =	simm.s32 $0x3C;
	s2 =	stileid.u32;
	[sflag:s30] =	ssyncpa.u1 $0x1  }
0xd0: {  	p0 =	sne.s32 s2, $0x0;
	[sflag:s31] =	ssyncpa.u1 $0x1  }
0xd1: {  	s0 =	simm.s32 @p0 $0x1;
	_ =	sfence @p0  }
0xd2: {  	[sflag:s0] =	ssyncpa.u1 @p0 $0x1;
	s0 =	simm.s32 @p0 $0x2  }
0xd3: {  	[sflag:s0] =	ssyncpa.u1 @p0 $0x1  }
0xd4: {  	_ =	strace @p0 $0x90000050  }
0xd5: {  	[bflag:$0x2] =	sbarrier.arrive @p0 $0xFFFF  }
0xd6: {  	_ =	shalt @p0  }
.LBB2_11:
0xd7: {  	_ =	sfence.stream.spmem;
	s0 =	simm.s32 $0x5  }
0xd8: {  	s2 =	simm.s32 $0x80;
	s3 =	simm.s32 $0xC0;
	[sflag:s0] =	ssyncpa.u1 $0x0  }
0xd9: {  	[tilespmem:s3], [sflag:$0x5] =	stream.linear.gather [spmem:s2], $0x20, $0x38;
	[tilespmem:$0x11A60] =	vst v63  }
0xda: {  	s30 =	simm.s32 $0xE0;
	s2 =	simm.s32 $0x0  }
0xdb: {  	[tilespmem:s30], [sflag:$0x5] =	stream.linear.gather [spmem:s2], $0x20, $0x38;
	[tilespmem:$0x11A60] =	vst v63  }
.Ltmp7:
0xdc: {  	_ = 	snop;
	(pc) =	sbr.rel .LBB2_12-.Ltmp7, $4  }
0xdd: {  	_ =	swait.ge [sflag:s0], $0x40  }
0xde: {  	[sflag:s0] =	ssyncset.done $0x0  }
0xdf: {  	s31 =	simm.s32 $0x6;
	[sflag:s0] =	ssyncadd.s32 $0xFFFFFFC0  }
0xe0: {  	s3 =	simm.s32 $0x0;
	[sflag:s31] =	ssyncpa.u1 $0x0  }
.LBB2_17:
0xe1: {  	p0 =	sgt.u32 s4, $0x4E3FF  }
0xe2: {  	s0 =	sshrl.u32 @!p0 s4, $0x3  }
0xe3: {  	s4 =	sand.u32 @!p0 $0x7, s4;
	s5 =	simm.s32 @!p0 $0xB0;
	s0 =	sadd.s32 @!p0 s1, s0  }
0xe4: {  	[tilespmem:s5], [sflag:$0x6] =	stream.linear.gather @!p0 [hbm4b:s0+s4], $0x1, $0x38;
	[tilespmem:$0x11A60] =	vst v63  }
0xe5: {  	s0 =	simm.s32 @!p0 $0x6  }
0xe6: {  	_ =	swait.ge @!p0 [sflag:s0], $0x1  }
0xe7: {  	[sflag:s0] =	ssyncset.done @!p0 $0x0  }
0xe8: {  	[sflag:s0] =	ssyncadd.s32 @!p0 $0xFFFFFFFF  }
0xe9: {  	v1 =	vld.msk @!p0 [tilespmem:$0xB0], $0x1  }
0xea: {  	v2 =	vld.msk @!p0 [tilespmem:s3+$0xE0], $0x1;
	_ =	sdelay $0x4  }
0xeb: {  	v1 =	vmax.f32 @!p0 v2, v1  }
0xec: {  	[tilespmem:s3+$0xE0] =	vst.msk @!p0 $0x1, v1  }
0xed: {  	[tilespmem:s2+$0xC0] =	vst.msk $0x1, v0  }
0xee: {  	v0 =	vld.msk [tilespmem:s3+$0xE0], $0x1;
	_ =	sdelay $0x4  }
0xef: {  	[tilespmem:s2+$0xE0] =	vst.msk $0x1, v0;
	s2 =	sadd.s32 $0x1, s2  }
.LBB2_19:
0xf0: {  	s3 =	sadd.s32 $0x1, s3  }
0xf1: {  	p0 =	sne.s32 s3, $0x20  }
.Ltmp8:
0xf2: {  	_ = 	snop;
	(pc) =	sbr.rel @!p0 .LBB2_20-.Ltmp8, $1  }
0xf3: {  	_ =	sdelay $0x3  }
.LBB2_12:
0xf4: {  	v0 =	vld.msk [tilespmem:s3+$0xC0], $0x1;
	_ =	sdelay $0x4  }
0xf5: {  	(v2sf) =	vpush v0, $0x0;
	_ =	sdelay $0xe  }
0xf6: {  	s4 =	spop (v2sf)  }
0xf7: {  	p0 =	seq.s32 s4, $0xFFFFFFFF  }
.Ltmp9:
0xf8: {  	_ = 	snop;
	(pc) =	sbr.rel @p0 .LBB2_19-.Ltmp9, $1  }
0xf9: {  	_ =	sdelay $0x3  }
0xfa: {  	p0 =	slt.s32 s2, $0x1  }
.Ltmp10:
0xfb: {  	_ = 	snop;
	(pc) =	sbr.rel @p0 .LBB2_17-.Ltmp10, $1  }
0xfc: {  	_ =	sdelay $0x3  }
0xfd: {  	s0 =	simm.s32 $0xC0;
	p0 =	por $0x0, $0x0  }
0xfe: {  	v1 =	vld.msk @!p0 [tilespmem:s0+$0x0], $0x1;
	_ =	sdelay $0x4  }
0xff: {  	(v2sf) =	vpush @!p0 v1, $0x0;
	_ =	sdelay $0xd  }
0x100: {  	p2 =	sne.s32 s2, $0x1  }
.Ltmp11:
0x101: {  	s5 =	spop @!p0 (v2sf);
	(pc) =	sbr.rel @!p2 .LBB2_16-.Ltmp11, $4  }
0x102: {  	p1 =	seq.s32 @!p0 s4, s5  }
0x103: {  	s5 =	simm.s32 $0x0;
	p1 =	por !p1, p0  }
0x104: {  	s7 =	simm.s32 $0xFFFFFFFF;
	s5 =	simm.s32 @p1 $0xFFFFFFFF  }
0x105: {  	s6 =	simm.s32 $0x1;
	s5 =	smov.u32 @p0 s7  }
.LBB2_15:
0x106: {  	s7 =	smov.u32 s5;
	p0 =	sne.s32 s5, $0xFFFFFFFF  }
0x107: {  	s0 =	sadd.s32 $0x1, s0;
	s5 =	smov.u32 s6;
	s6 =	sadd.s32 $0x1, s6  }
0x108: {  	p1 =	sne.s32 s2, s6;
	v1 =	vld.msk @!p0 [tilespmem:s0+$0x0], $0x1;
	_ =	sdelay $0x4  }
0x109: {  	(v2sf) =	vpush @!p0 v1, $0x0;
	_ =	sdelay $0xe  }
.Ltmp12:
0x10a: {  	s8 =	spop @!p0 (v2sf);
	(pc) =	sbr.rel @p1 .LBB2_15-.Ltmp12, $4  }
0x10b: {  	p2 =	seq.s32 @!p0 s4, s8  }
0x10c: {  	p2 =	por !p2, p0  }
0x10d: {  	s5 =	simm.s32 @p2 $0xFFFFFFFF  }
0x10e: {  	s5 =	smov.u32 @p0 s7  }
.LBB2_16:
0x10f: {  	p0 =	sne.s32 s5, $0xFFFFFFFF  }
.Ltmp13:
0x110: {  	_ = 	snop;
	(pc) =	sbr.rel @!p0 .LBB2_17-.Ltmp13, $1  }
0x111: {  	_ =	sdelay $0x3  }
0x112: {  	v0 =	vld.msk [tilespmem:s3+$0xE0], $0x1  }
0x113: {  	v1 =	vld.msk [tilespmem:s5+$0xE0], $0x1;
	_ =	sdelay $0x1  }
.Ltmp14:
0x114: {  	_ = 	snop;
	(pc) =	sbr.rel .LBB2_19-.Ltmp14, $3  }
0x115: {  	_ =	sdelay $0x1  }
0x116: {  	v0 =	vmax.f32 v1, v0  }
0x117: {  	[tilespmem:s5+$0xE0] =	vst.msk $0x1, v0  }
.LBB2_20:
0x118: {  	p0 =	slt.s32 s2, $0x1  }
.Ltmp15:
0x119: {  	_ = 	snop;
	(pc) =	sbr.rel @p0 .LBB2_24-.Ltmp15, $3  }
0x11a: {  	_ =	sdelay $0x1  }
0x11b: {  	s0 =	simm.s32 $0x6  }
0x11c: {  	s3 =	simm.s32 $0x0;
	[sflag:s0] =	ssyncpa.u1 $0x1  }
0x11d: {  	s0 =	simm.s32 $0xC0  }
0x11e: {  	v0 =	vld.msk [tilespmem:s0+$0x0], $0x1;
	_ =	sdelay $0x4  }
0x11f: {  	(v2sf) =	vpush v0, $0x0;
	_ =	sdelay $0xe  }
0x120: {  	s2 =	sadd.s32 $0xFFFFFFFF, s2;
	s4 =	spop (v2sf)  }
0x121: {  	p1 =	sne.s32 s2, $0x0;
	p0 =	sgt.u32 s4, $0x4E3FF  }
.Ltmp16:
0x122: {  	s5 =	sshrl.u32 @!p0 s4, $0x3;
	(pc) =	sbr.rel @!p1 .LBB2_23-.Ltmp16, $4  }
0x123: {  	s0 =	simm.s32 $0xE0;
	s4 =	sand.u32 @!p0 $0x7, s4;
	s5 =	sadd.s32 @!p0 s1, s5  }
0x124: {  	[hbm4b:s5+s4] =	stream.linear.scatter @!p0 [tilespmem:s0], [sflag:$0x5], $0x1, $0x38;
	[tilespmem:$0x11A60] =	vst v63  }
0x125: {  	s5 =	simm.s32 $0x0  }
0x126: {  	s4 =	simm.s32 $0xC1;
	s5 =	simm.s32 @!p0 $0x4  }
.LBB2_22:
0x127: {  	v0 =	vld.msk [tilespmem:s4+$0x0], $0x1;
	s2 =	sadd.s32 $0xFFFFFFFF, s2;
	s3 =	sadd.s32 s3, s5  }
0x128: {  	p0 =	sne.s32 s2, $0x0;
	_ =	sdelay $0x3  }
0x129: {  	(v2sf) =	vpush v0, $0x0;
	_ =	sdelay $0xe  }
.Ltmp17:
0x12a: {  	s6 =	spop (v2sf);
	(pc) =	sbr.rel @p0 .LBB2_22-.Ltmp17, $4  }
0x12b: {  	s5 =	simm.s32 $0x0;
	p1 =	sgt.u32 s6, $0x4E3FF  }
0x12c: {  	s0 =	sadd.s32 $0x1, s0;
	s5 =	simm.s32 @!p1 $0x4;
	s7 =	sshrl.u32 @!p1 s6, $0x3  }
0x12d: {  	s4 =	sadd.s32 $0x1, s4;
	s6 =	sand.u32 @!p1 $0x7, s6;
	s7 =	sadd.s32 @!p1 s1, s7  }
0x12e: {  	[hbm4b:s7+s6] =	stream.linear.scatter @!p1 [tilespmem:s0], [sflag:$0x5], $0x1, $0x38;
	[tilespmem:$0x11A60] =	vst v63  }
.LBB2_23:
0x12f: {  	s0 =	sadd.s32 s3, s5  }
0x130: {  	s3 =	sshrl.u32 s0, $0x2  }
.LBB2_24:
0x131: {  	s0 =	simm.s32 $0x5  }
0x132: {  	_ =	swait.ge [sflag:s0], s3  }
0x133: {  	s1 =	ssub.s32 $0x0, s3;
	[sflag:s0] =	ssyncset.done $0x0  }
0x134: {  	[sflag:s0] =	ssyncadd.s32 s1  }
0x135: {  	[sflag:s0] =	ssyncpa.u1 $0x1  }
0x136: {  	s29 =	simm.s32 $0x1;
	_ =	sfence  }
0x137: {  	s30 =	simm.s32 $0x2;
	[sflag:s29] =	ssyncpa.u1 $0x1  }
0x138: {  	[sflag:s30] =	ssyncpa.u1 $0x1  }
0x139: {  	_ =	strace $0x90000050  }
0x13a: {  	[bflag:$0x2] =	sbarrier.arrive $0xFFFF  }
0x13b: {  	s31 =	rddreg [dreg:$0x1]  }
0x13c: {  	s0 =	sadd.s32 $0x100000, s31  }
0x13d: {  	[sflag:s0] =	ssyncadd.tile.s32 $0x1;
	_ =	shalt  }
.Lfunc_end2:
_tile_overlayer_lowered:
.L_overlay_start_2:
0x13e: {  	(tag) =	ssettag $0x2  }
0x13f: {  	s0 =	rddreg [dreg:$0x0];
	s2 =	stileid.u32  }
0x140: {  	s1 =	rddreg [dreg:$0x1];
	p0 =	sne.s32 s2, $0x0  }
0x141: {  	s3 =	rddreg [dreg:$0x2];
	[bflag:$0x3] =	sbarrier.arrive $0xFFFF;
	s2 =	simm.s32 @!p0 $0x1C01  }
0x142: {  	[timem:s3], [sflag:s2] =	dma.local @!p0 [hbm:s0], s1  }
0x143: {  	s0 =	simm.s32 @!p0 $0x1  }
0x144: {  	_ =	swait.ge @!p0 [sflag:s0], s1  }
0x145: {  	s1 =	ssub.s32 @!p0 $0x0, s1;
	[sflag:s0] =	ssyncset.done @!p0 $0x0  }
0x146: {  	[sflag:s0] =	ssyncadd.s32 @!p0 s1  }
0x147: {  	[bflag:$0x3] =	sbarrier.arrive $0xFFFF  }
0x148: {  	_ =	shalt  }

</sc_bundles>
